<compile_context>
chip_gen: v7x
topology: tpu7x:2x2x1
jax: 0.10.2.dev20260603
libtpu: 0.0.44.dev20260713+nightly
codegen_flags: <defaults>
</compile_context>

<pallas_src>
import functools

import jax
import jax.numpy as jnp
import numpy as np
from jax import lax
from jax.experimental import pallas as pl
from jax.experimental.pallas import tpu as pltpu
from jax.experimental.pallas import tpu_sc as plsc

B, S, D = 4, 8192, 1024
NK = 1638
NK_PAD = 2048
FLAT = B * NK
NW = 32
KCH = (14, 14, 14, 14)
KOFF = (0, 14, 28, 42)
NCHUNK = len(KCH)
KPW = 56



def _cumsum_lanes(a):
    n = a.shape[-1]
    s = 1
    while s < n:
        z = jnp.zeros(a.shape[:-1] + (s,), a.dtype)
        a = a + jnp.concatenate([z, a[..., :n - s]], axis=-1)
        s *= 2
    return a


def _select_kernel(mask_ref, idx_ref):
    i = (S * lax.broadcasted_iota(jnp.uint32, (B, S), 0)
         + lax.broadcasted_iota(jnp.uint32, (B, S), 1))
    rots = ((13, 15, 26, 6), (17, 29, 16, 24))
    ks = (jnp.uint32(0), jnp.uint32(42), jnp.uint32(0 ^ 42 ^ 0x1BD11BDA))
    x0 = jnp.zeros((B, S), jnp.uint32) + ks[0]
    x1 = i + ks[1]

    def rounds(x0, x1, rs):
        for r in rs:
            x0 = x0 + x1
            x1 = x0 ^ ((x1 << jnp.uint32(r)) | (x1 >> jnp.uint32(32 - r)))
        return x0, x1

    x0, x1 = rounds(x0, x1, rots[0])
    x0, x1 = x0 + ks[1], x1 + ks[2] + jnp.uint32(1)
    x0, x1 = rounds(x0, x1, rots[1])
    x0, x1 = x0 + ks[2], x1 + ks[0] + jnp.uint32(2)
    x0, x1 = rounds(x0, x1, rots[0])
    x0, x1 = x0 + ks[0], x1 + ks[1] + jnp.uint32(3)
    x0, x1 = rounds(x0, x1, rots[1])
    x0, x1 = x0 + ks[1], x1 + ks[2] + jnp.uint32(4)
    x0, x1 = rounds(x0, x1, rots[0])
    x0, x1 = x0 + ks[2], x1 + ks[0] + jnp.uint32(5)
    bits = ((x0 ^ x1) >> jnp.uint32(9)).astype(jnp.int32)

    def bs_body(_, carry):
        lo, hi = carry
        mid = lo + (hi - lo) // 2
        cnt = jnp.sum((bits >= mid).astype(jnp.int32), axis=1, keepdims=True)
        ge = cnt >= NK
        return jnp.where(ge, mid, lo), jnp.where(ge, hi, mid)

    lo0 = jnp.full((B, 1), 3 << 21, jnp.int32)
    hi0 = jnp.full((B, 1), 7 << 20, jnp.int32)
    thr, _ = lax.fori_loop(0, 20, bs_body, (lo0, hi0))

    mask = bits >= thr
    mask_ref[...] = mask

    c = _cumsum_lanes(mask.astype(jnp.int32))
    c_hi = c // 128
    c_lo = c - c_hi * 128
    iota16 = lax.broadcasted_iota(jnp.int32, (16, S), 0)
    iota128 = lax.broadcasted_iota(jnp.int32, (128, S), 0)
    hists = []
    for r in range(B):
        ehi = (c_hi[r:r + 1, :] == iota16).astype(jnp.float32)
        elo = (c_lo[r:r + 1, :] == iota128).astype(jnp.float32)
        h2d = lax.dot_general(ehi, elo, (((1,), (1,)), ((), ())),
                              preferred_element_type=jnp.float32)
        hists.append(h2d.reshape(1, NK_PAD))
    counts = _cumsum_lanes(jnp.concatenate(hists, axis=0))
    ids = (jnp.minimum(counts.astype(jnp.int32), S - 1)
           + S * lax.broadcasted_iota(jnp.int32, (B, NK_PAD), 0))
    idx_ref[...] = ids


def _select():
    return pl.pallas_call(
        _select_kernel,
        out_shape=(
            jax.ShapeDtypeStruct((B, S), jnp.bool_),
            jax.ShapeDtypeStruct((B, NK_PAD), jnp.int32),
        ),
    )()


def _gather_sc(idx_t, x2d):
    mesh = plsc.VectorSubcoreMesh(core_axis_name="c", subcore_axis_name="s")

    @functools.partial(
        pl.kernel, mesh=mesh,
        out_type=jax.ShapeDtypeStruct((NK, B, D), jnp.float32),
        scratch_types=[
            pltpu.VMEM((B * NK_PAD,), jnp.int32),
            pltpu.VMEM((B * KCH[0], D), jnp.float32),
            pltpu.VMEM((B * KCH[0], D), jnp.float32),
            pltpu.SemaphoreType.DMA,
            pltpu.SemaphoreType.DMA,
            pltpu.SemaphoreType.DMA,
            pltpu.SemaphoreType.DMA,
        ],
    )
    def k(x_hbm, idx_hbm, out_hbm, ids_v, buf0, buf1, g0, g1, s0, s1):
        wid = lax.axis_index("s") * 2 + lax.axis_index("c")
        kstart = 8 * ((NK * wid) // (8 * NW))
        pltpu.sync_copy(idx_hbm, ids_v)
        bufs = (buf0, buf1)
        gsems = (g0, g1)
        ssems = (s0, s1)

        def issue_gather(c):
            return pltpu.async_copy(
                x_hbm.at[ids_v.at[pl.ds(B * (kstart + KOFF[c]), B * KCH[c])]],
                bufs[c % 2].at[pl.ds(0, B * KCH[c])], gsems[c % 2])

        def issue_stores(c):
            for i in range(KCH[c]):
                kpos = kstart + KOFF[c] + i
                if c < NCHUNK - 1:
                    pltpu.async_copy(bufs[c % 2].at[pl.ds(B * i, B)],
                                     out_hbm.at[kpos], ssems[c % 2])
                else:
                    @pl.when(kpos < NK)
                    def _(i=i, kpos=kpos, c=c):
                        pltpu.async_copy(bufs[c % 2].at[pl.ds(B * i, B)],
                                         out_hbm.at[kpos], ssems[c % 2])

        def drain_stores(c):
            for i in range(KCH[c]):
                kpos = kstart + KOFF[c] + i
                if c < NCHUNK - 1:
                    pltpu.make_async_copy(bufs[c % 2].at[pl.ds(B * i, B)],
                                          out_hbm.at[kpos],
                                          ssems[c % 2]).wait()
                else:
                    @pl.when(kpos < NK)
                    def _(i=i, kpos=kpos, c=c):
                        pltpu.make_async_copy(bufs[c % 2].at[pl.ds(B * i, B)],
                                              out_hbm.at[kpos],
                                              ssems[c % 2]).wait()

        gathers = [issue_gather(0)]
        for c in range(NCHUNK):
            gathers[c].wait()
            issue_stores(c)
            if c + 1 < NCHUNK:
                if c >= 1:
                    drain_stores(c - 1)
                gathers.append(issue_gather(c + 1))
        drain_stores(NCHUNK - 2)
        drain_stores(NCHUNK - 1)

    return k(x2d, jnp.transpose(idx_t).reshape(B * NK_PAD))


def kernel(x):
    mask, idx_t = _select()
    out_kbd = _gather_sc(idx_t, x.reshape(B * S, D))
    return jnp.swapaxes(out_kbd, 0, 1), mask

# --- scband reference (transcript-rebuilt; emitter-appended) ---
"""Pipeline reference for scband-masker-57947698758227 (READ-ONLY COPY).

The authoritative reference and input builder live on the scoring server;
editing this copy changes nothing except your own understanding.
"""

import jax, jax.numpy as jnp
import numpy as np

B, S, D = 4, 8192, 1024
MASK_RATIO = 0.8
N_KEEP = int(S * (1 - MASK_RATIO))  # 1638 tokens kept per row


def setup_inputs(seed: int = 0) -> dict:
    key = jax.random.key(seed)
    x = jax.random.normal(key, (B, S, D), dtype=jnp.float32)
    return {"x": x}


def reference(x):
    # Faithful JAX translation of Masker.mask with strategy='uniform', keep_zeros=False.
    # torch multinomial without replacement over uniform weights == choose n random
    # distinct positions per row. We realize this deterministically with a fixed key:
    # per-row uniform scores -> top-k indices -> sort ascending (boolean-mask gather in
    # torch `x[mask]` preserves index order, so we sort the kept indices).
    batch, seq_len, size = x.shape
    n = int(seq_len * (1 - MASK_RATIO))
    mkey = jax.random.key(42)
    scores = jax.random.uniform(mkey, (batch, seq_len))
    _, top_idx = jax.lax.top_k(scores, n)          # [batch, n] random distinct positions
    idx = jnp.sort(top_idx, axis=1)                # ascending, to mimic x[mask] ordering
    mask = jnp.zeros((batch, seq_len), dtype=bool)
    mask = mask.at[jnp.arange(batch)[:, None], idx].set(True)
    # masked = x[mask].reshape(batch, -1, size)  -> gather kept tokens per row
    masked = jnp.take_along_axis(x, idx[:, :, None], axis=1)  # [batch, n, size]
    return masked, mask

if __name__ == "__main__":
    import jax
    _d = setup_inputs()
    print(jax.jit(kernel)(*tuple(_d.values())))

</pallas_src>

<mosaic_0001>
#map = affine_map<(d0, d1) -> (0, 0)>
#map1 = affine_map<(d0, d1) -> (0)>
#map2 = affine_map<(d0, d1) -> (0, 0, 0)>
module attributes {stable_mosaic.version = 14 : i64} {
  func.func @k(%arg0: i32, %arg1: i32, %arg2: memref<32768x1024xf32, #tpu.memory_space<hbm>>, %arg3: memref<8192xi32, #tpu.memory_space<hbm>>, %arg4: memref<1638x4x1024xf32, #tpu.memory_space<hbm>>, %arg5: memref<8192xi32, #tpu.memory_space<vmem>>, %arg6: memref<56x1024xf32, #tpu.memory_space<vmem>>, %arg7: memref<56x1024xf32, #tpu.memory_space<vmem>>, %arg8: memref<!tpu.dma_semaphore, #tpu.memory_space<semaphore_mem>>, %arg9: memref<!tpu.dma_semaphore, #tpu.memory_space<semaphore_mem>>, %arg10: memref<!tpu.dma_semaphore, #tpu.memory_space<semaphore_mem>>, %arg11: memref<!tpu.dma_semaphore, #tpu.memory_space<semaphore_mem>>) attributes {dimension_semantics = [#tpu.dimension_semantics<core_parallel>, #tpu.dimension_semantics<subcore_parallel>], iteration_bounds = array<i64: 2, 16>, scalar_prefetch = 0 : i64, scratch_operands = 7 : i64, tpu.core_type = #tpu.core_type<sc_vector_subcore>, window_params = [{transform_indices = #map}, {transform_indices = #map1}, {transform_indices = #map2}]} {
    %mul3A = arith.constant 2 : i32
    %mul3A_0 = arith.muli %arg1, %mul3A : i32
    %add3A = arith.addi %mul3A_0, %arg0 : i32
    %mul3A_1 = arith.constant 1638 : i32
    %mul3A_2 = arith.muli %mul3A_1, %add3A : i32
    %jit3A = arith.constant 256 : i32
    %div3A = arith.divsi %mul3A_2, %jit3A : i32
    %sign3A = arith.constant 0 : i32
    %sign3A_3 = arith.cmpi sgt, %mul3A_2, %sign3A : i32
    %sign3A_4 = arith.extui %sign3A_3 : i1 to i32
    %sign3A_5 = arith.constant 0 : i32
    %sign3A_6 = arith.cmpi slt, %mul3A_2, %sign3A_5 : i32
    %sign3A_7 = arith.extui %sign3A_6 : i1 to i32
    %sign3A_8 = arith.subi %sign3A_4, %sign3A_7 : i32
    %sign3A_9 = arith.constant 0 : i32
    %sign3A_10 = arith.cmpi sgt, %jit3A, %sign3A_9 : i32
    %sign3A_11 = arith.extui %sign3A_10 : i1 to i32
    %sign3A_12 = arith.constant 0 : i32
    %sign3A_13 = arith.cmpi slt, %jit3A, %sign3A_12 : i32
    %sign3A_14 = arith.extui %sign3A_13 : i1 to i32
    %sign3A_15 = arith.subi %sign3A_11, %sign3A_14 : i32
    %ne3A = arith.cmpi ne, %sign3A_8, %sign3A_15 : i32
    %rem3A = arith.remsi %mul3A_2, %jit3A : i32
    %ne3A_16 = arith.constant 0 : i32
    %ne3A_17 = arith.cmpi ne, %rem3A, %ne3A_16 : i32
    %and3A = arith.andi %ne3A, %ne3A_17 : i1
    %sub3A = arith.constant 1 : i32
    %sub3A_18 = arith.subi %div3A, %sub3A : i32
    %select_n3A = arith.select %and3A, %sub3A_18, %div3A : i32
    %mul3A_19 = arith.constant 8 : i32
    %mul3A_20 = arith.muli %mul3A_19, %select_n3A : i32
    "tpu.region"() ({
      %run_scoped3A = tpu.sem_alloc : memref<!tpu.dma_semaphore, #tpu.memory_space<semaphore_mem>>
      tpu.enqueue_dma source(%arg3 : memref<8192xi32, #tpu.memory_space<hbm>>) target(%arg5 : memref<8192xi32, #tpu.memory_space<vmem>>) target_semaphore(%run_scoped3A : memref<!tpu.dma_semaphore, #tpu.memory_space<semaphore_mem>>)
      tpu.wait_dma2 semaphore(%run_scoped3A : memref<!tpu.dma_semaphore, #tpu.memory_space<semaphore_mem>>) src(%arg3 : memref<8192xi32, #tpu.memory_space<hbm>>) dst(%arg5 : memref<8192xi32, #tpu.memory_space<vmem>>)
      tpu.yield
    }) : () -> ()
    %add3A_21 = arith.constant 0 : i32
    %add3A_22 = arith.addi %mul3A_20, %add3A_21 : i32
    %mul3A_23 = arith.constant 4 : i32
    %mul3A_24 = arith.muli %mul3A_23, %add3A_22 : i32
    %dma_start3A = arith.constant 0 : i32
    %dma_start3A_25 = arith.constant 0 : i32
    %dma_start3A_26 = tpu.memref_slice %arg6[%dma_start3A, %dma_start3A_25] : memref<56x1024xf32, #tpu.memory_space<vmem>> -> memref<56x1024xf32, #tpu.memory_space<vmem>>
    %dma_start3A_27 = tpu.memref_slice %arg5[%mul3A_24] : memref<8192xi32, #tpu.memory_space<vmem>> -> memref<56xi32, #tpu.memory_space<vmem>>
    %dma_start3A_28 = arith.constant 0 : i32
    %dma_start3A_29 = arith.constant 0 : i32
    %dma_start3A_30 = tpu.memref_slice %arg2[%dma_start3A_28, %dma_start3A_29] : memref<32768x1024xf32, #tpu.memory_space<hbm>> -> memref<32768x1024xf32, #tpu.memory_space<hbm>>
    tpu.enqueue_indirect_dma source(%dma_start3A_30 : memref<32768x1024xf32, #tpu.memory_space<hbm>>) target(%dma_start3A_26 : memref<56x1024xf32, #tpu.memory_space<vmem>>) offsets(%dma_start3A_27 : memref<56xi32, #tpu.memory_space<vmem>>) semaphore(%arg8 : memref<!tpu.dma_semaphore, #tpu.memory_space<semaphore_mem>>)
    %dma_wait3A = arith.constant 0 : i32
    %dma_wait3A_31 = arith.constant 0 : i32
    %dma_wait3A_32 = tpu.memref_slice %arg6[%dma_wait3A, %dma_wait3A_31] : memref<56x1024xf32, #tpu.memory_space<vmem>> -> memref<56x1024xf32, #tpu.memory_space<vmem>>
    %dma_wait3A_33 = tpu.memref_slice %arg5[%mul3A_24] : memref<8192xi32, #tpu.memory_space<vmem>> -> memref<56xi32, #tpu.memory_space<vmem>>
    %dma_wait3A_34 = arith.constant 0 : i32
    %dma_wait3A_35 = arith.constant 0 : i32
    %dma_wait3A_36 = tpu.memref_slice %arg2[%dma_wait3A_34, %dma_wait3A_35] : memref<32768x1024xf32, #tpu.memory_space<hbm>> -> memref<32768x1024xf32, #tpu.memory_space<hbm>>
    tpu.wait_indirect_dma semaphore(%arg8 : memref<!tpu.dma_semaphore, #tpu.memory_space<semaphore_mem>>) src(%dma_wait3A_36 : memref<32768x1024xf32, #tpu.memory_space<hbm>>) dst(%dma_wait3A_32 : memref<56x1024xf32, #tpu.memory_space<vmem>>)
    %add3A_37 = arith.constant 0 : i32
    %add3A_38 = arith.addi %mul3A_20, %add3A_37 : i32
    %add3A_39 = arith.constant 0 : i32
    %add3A_40 = arith.addi %add3A_38, %add3A_39 : i32
    %dma_start3A_41 = arith.constant 0 : i32
    %dma_start3A_42 = arith.constant 0 : i32
    %dma_start3A_43 = tpu.memref_slice %arg6[%dma_start3A_41, %dma_start3A_42] : memref<56x1024xf32, #tpu.memory_space<vmem>> -> memref<4x1024xf32, #tpu.memory_space<vmem>>
    %dma_start3A_44 = arith.constant 0 : i32
    %dma_start3A_45 = arith.constant 0 : i32
    %dma_start3A_46 = tpu.memref_slice %arg4[%add3A_40, %dma_start3A_44, %dma_start3A_45] : memref<1638x4x1024xf32, #tpu.memory_space<hbm>> -> memref<1x4x1024xf32, #tpu.memory_space<hbm>>
    %dma_start3A_47 = tpu.memref_squeeze %dma_start3A_46 : memref<1x4x1024xf32, #tpu.memory_space<hbm>> -> memref<4x1024xf32, #tpu.memory_space<hbm>>
    %dma_start3A_48 = arith.constant 0 : i32
    %dma_start3A_49 = arith.constant 0 : i32
    %dma_start3A_50 = tpu.memref_slice %arg4[%add3A_40, %dma_start3A_48, %dma_start3A_49] : memref<1638x4x1024xf32, #tpu.memory_space<hbm>> -> memref<1x4x1024xf32, #tpu.memory_space<hbm>>
    %dma_start3A_51 = tpu.memref_squeeze %dma_start3A_50 : memref<1x4x1024xf32, #tpu.memory_space<hbm>> -> memref<4x1024xf32, #tpu.memory_space<hbm>>
    %dma_start3A_52 = arith.constant 0 : i32
    %dma_start3A_53 = arith.constant 0 : i32
    %dma_start3A_54 = tpu.memref_slice %arg6[%dma_start3A_52, %dma_start3A_53] : memref<56x1024xf32, #tpu.memory_space<vmem>> -> memref<4x1024xf32, #tpu.memory_space<vmem>>
    tpu.enqueue_dma source(%dma_start3A_54 : memref<4x1024xf32, #tpu.memory_space<vmem>>) target(%dma_start3A_51 : memref<4x1024xf32, #tpu.memory_space<hbm>>) target_semaphore(%arg10 : memref<!tpu.dma_semaphore, #tpu.memory_space<semaphore_mem>>)
    %add3A_55 = arith.constant 0 : i32
    %add3A_56 = arith.addi %mul3A_20, %add3A_55 : i32
    %add3A_57 = arith.constant 1 : i32
    %add3A_58 = arith.addi %add3A_56, %add3A_57 : i32
    %dma_start3A_59 = arith.constant 4 : i32
    %dma_start3A_60 = arith.constant 0 : i32
    %dma_start3A_61 = tpu.memref_slice %arg6[%dma_start3A_59, %dma_start3A_60] : memref<56x1024xf32, #tpu.memory_space<vmem>> -> memref<4x1024xf32, #tpu.memory_space<vmem>>
    %dma_start3A_62 = arith.constant 0 : i32
    %dma_start3A_63 = arith.constant 0 : i32
    %dma_start3A_64 = tpu.memref_slice %arg4[%add3A_58, %dma_start3A_62, %dma_start3A_63] : memref<1638x4x1024xf32, #tpu.memory_space<hbm>> -> memref<1x4x1024xf32, #tpu.memory_space<hbm>>
    %dma_start3A_65 = tpu.memref_squeeze %dma_start3A_64 : memref<1x4x1024xf32, #tpu.memory_space<hbm>> -> memref<4x1024xf32, #tpu.memory_space<hbm>>
    %dma_start3A_66 = arith.constant 0 : i32
    %dma_start3A_67 = arith.constant 0 : i32
    %dma_start3A_68 = tpu.memref_slice %arg4[%add3A_58, %dma_start3A_66, %dma_start3A_67] : memref<1638x4x1024xf32, #tpu.memory_space<hbm>> -> memref<1x4x1024xf32, #tpu.memory_space<hbm>>
    %dma_start3A_69 = tpu.memref_squeeze %dma_start3A_68 : memref<1x4x1024xf32, #tpu.memory_space<hbm>> -> memref<4x1024xf32, #tpu.memory_space<hbm>>
    %dma_start3A_70 = arith.constant 4 : i32
    %dma_start3A_71 = arith.constant 0 : i32
    %dma_start3A_72 = tpu.memref_slice %arg6[%dma_start3A_70, %dma_start3A_71] : memref<56x1024xf32, #tpu.memory_space<vmem>> -> memref<4x1024xf32, #tpu.memory_space<vmem>>
    tpu.enqueue_dma source(%dma_start3A_72 : memref<4x1024xf32, #tpu.memory_space<vmem>>) target(%dma_start3A_69 : memref<4x1024xf32, #tpu.memory_space<hbm>>) target_semaphore(%arg10 : memref<!tpu.dma_semaphore, #tpu.memory_space<semaphore_mem>>)
    %add3A_73 = arith.constant 0 : i32
    %add3A_74 = arith.addi %mul3A_20, %add3A_73 : i32
    %add3A_75 = arith.constant 2 : i32
    %add3A_76 = arith.addi %add3A_74, %add3A_75 : i32
    %dma_start3A_77 = arith.constant 8 : i32
    %dma_start3A_78 = arith.constant 0 : i32
    %dma_start3A_79 = tpu.memref_slice %arg6[%dma_start3A_77, %dma_start3A_78] : memref<56x1024xf32, #tpu.memory_space<vmem>> -> memref<4x1024xf32, #tpu.memory_space<vmem>>
    %dma_start3A_80 = arith.constant 0 : i32
    %dma_start3A_81 = arith.constant 0 : i32
    %dma_start3A_82 = tpu.memref_slice %arg4[%add3A_76, %dma_start3A_80, %dma_start3A_81] : memref<1638x4x1024xf32, #tpu.memory_space<hbm>> -> memref<1x4x1024xf32, #tpu.memory_space<hbm>>
    %dma_start3A_83 = tpu.memref_squeeze %dma_start3A_82 : memref<1x4x1024xf32, #tpu.memory_space<hbm>> -> memref<4x1024xf32, #tpu.memory_space<hbm>>
    %dma_start3A_84 = arith.constant 0 : i32
    %dma_start3A_85 = arith.constant 0 : i32
    %dma_start3A_86 = tpu.memref_slice %arg4[%add3A_76, %dma_start3A_84, %dma_start3A_85] : memref<1638x4x1024xf32, #tpu.memory_space<hbm>> -> memref<1x4x1024xf32, #tpu.memory_space<hbm>>
    %dma_start3A_87 = tpu.memref_squeeze %dma_start3A_86 : memref<1x4x1024xf32, #tpu.memory_space<hbm>> -> memref<4x1024xf32, #tpu.memory_space<hbm>>
    %dma_start3A_88 = arith.constant 8 : i32
    %dma_start3A_89 = arith.constant 0 : i32
    %dma_start3A_90 = tpu.memref_slice %arg6[%dma_start3A_88, %dma_start3A_89] : memref<56x1024xf32, #tpu.memory_space<vmem>> -> memref<4x1024xf32, #tpu.memory_space<vmem>>
    tpu.enqueue_dma source(%dma_start3A_90 : memref<4x1024xf32, #tpu.memory_space<vmem>>) target(%dma_start3A_87 : memref<4x1024xf32, #tpu.memory_space<hbm>>) target_semaphore(%arg10 : memref<!tpu.dma_semaphore, #tpu.memory_space<semaphore_mem>>)
    %add3A_91 = arith.constant 0 : i32
    %add3A_92 = arith.addi %mul3A_20, %add3A_91 : i32
    %add3A_93 = arith.constant 3 : i32
    %add3A_94 = arith.addi %add3A_92, %add3A_93 : i32
    %dma_start3A_95 = arith.constant 12 : i32
    %dma_start3A_96 = arith.constant 0 : i32
    %dma_start3A_97 = tpu.memref_slice %arg6[%dma_start3A_95, %dma_start3A_96] : memref<56x1024xf32, #tpu.memory_space<vmem>> -> memref<4x1024xf32, #tpu.memory_space<vmem>>
    %dma_start3A_98 = arith.constant 0 : i32
    %dma_start3A_99 = arith.constant 0 : i32
    %dma_start3A_100 = tpu.memref_slice %arg4[%add3A_94, %dma_start3A_98, %dma_start3A_99] : memref<1638x4x1024xf32, #tpu.memory_space<hbm>> -> memref<1x4x1024xf32, #tpu.memory_space<hbm>>
    %dma_start3A_101 = tpu.memref_squeeze %dma_start3A_100 : memref<1x4x1024xf32, #tpu.memory_space<hbm>> -> memref<4x1024xf32, #tpu.memory_space<hbm>>
    %dma_start3A_102 = arith.constant 0 : i32
    %dma_start3A_103 = arith.constant 0 : i32
    %dma_start3A_104 = tpu.memref_slice %arg4[%add3A_94, %dma_start3A_102, %dma_start3A_103] : memref<1638x4x1024xf32, #tpu.memory_space<hbm>> -> memref<1x4x1024xf32, #tpu.memory_space<hbm>>
    %dma_start3A_105 = tpu.memref_squeeze %dma_start3A_104 : memref<1x4x1024xf32, #tpu.memory_space<hbm>> -> memref<4x1024xf32, #tpu.memory_space<hbm>>
    %dma_start3A_106 = arith.constant 12 : i32
    %dma_start3A_107 = arith.constant 0 : i32
    %dma_start3A_108 = tpu.memref_slice %arg6[%dma_start3A_106, %dma_start3A_107] : memref<56x1024xf32, #tpu.memory_space<vmem>> -> memref<4x1024xf32, #tpu.memory_space<vmem>>
    tpu.enqueue_dma source(%dma_start3A_108 : memref<4x1024xf32, #tpu.memory_space<vmem>>) target(%dma_start3A_105 : memref<4x1024xf32, #tpu.memory_space<hbm>>) target_semaphore(%arg10 : memref<!tpu.dma_semaphore, #tpu.memory_space<semaphore_mem>>)
    %add3A_109 = arith.constant 0 : i32
    %add3A_110 = arith.addi %mul3A_20, %add3A_109 : i32
    %add3A_111 = arith.constant 4 : i32
    %add3A_112 = arith.addi %add3A_110, %add3A_111 : i32
    %dma_start3A_113 = arith.constant 16 : i32
    %dma_start3A_114 = arith.constant 0 : i32
    %dma_start3A_115 = tpu.memref_slice %arg6[%dma_start3A_113, %dma_start3A_114] : memref<56x1024xf32, #tpu.memory_space<vmem>> -> memref<4x1024xf32, #tpu.memory_space<vmem>>
    %dma_start3A_116 = arith.constant 0 : i32
    %dma_start3A_117 = arith.constant 0 : i32
    %dma_start3A_118 = tpu.memref_slice %arg4[%add3A_112, %dma_start3A_116, %dma_start3A_117] : memref<1638x4x1024xf32, #tpu.memory_space<hbm>> -> memref<1x4x1024xf32, #tpu.memory_space<hbm>>
    %dma_start3A_119 = tpu.memref_squeeze %dma_start3A_118 : memref<1x4x1024xf32, #tpu.memory_space<hbm>> -> memref<4x1024xf32, #tpu.memory_space<hbm>>
    %dma_start3A_120 = arith.constant 0 : i32
    %dma_start3A_121 = arith.constant 0 : i32
    %dma_start3A_122 = tpu.memref_slice %arg4[%add3A_112, %dma_start3A_120, %dma_start3A_121] : memref<1638x4x1024xf32, #tpu.memory_space<hbm>> -> memref<1x4x1024xf32, #tpu.memory_space<hbm>>
    %dma_start3A_123 = tpu.memref_squeeze %dma_start3A_122 : memref<1x4x1024xf32, #tpu.memory_space<hbm>> -> memref<4x1024xf32, #tpu.memory_space<hbm>>
    %dma_start3A_124 = arith.constant 16 : i32
    %dma_start3A_125 = arith.constant 0 : i32
    %dma_start3A_126 = tpu.memref_slice %arg6[%dma_start3A_124, %dma_start3A_125] : memref<56x1024xf32, #tpu.memory_space<vmem>> -> memref<4x1024xf32, #tpu.memory_space<vmem>>
    tpu.enqueue_dma source(%dma_start3A_126 : memref<4x1024xf32, #tpu.memory_space<vmem>>) target(%dma_start3A_123 : memref<4x1024xf32, #tpu.memory_space<hbm>>) target_semaphore(%arg10 : memref<!tpu.dma_semaphore, #tpu.memory_space<semaphore_mem>>)
    %add3A_127 = arith.constant 0 : i32
    %add3A_128 = arith.addi %mul3A_20, %add3A_127 : i32
    %add3A_129 = arith.constant 5 : i32
    %add3A_130 = arith.addi %add3A_128, %add3A_129 : i32
    %dma_start3A_131 = arith.constant 20 : i32
    %dma_start3A_132 = arith.constant 0 : i32
    %dma_start3A_133 = tpu.memref_slice %arg6[%dma_start3A_131, %dma_start3A_132] : memref<56x1024xf32, #tpu.memory_space<vmem>> -> memref<4x1024xf32, #tpu.memory_space<vmem>>
    %dma_start3A_134 = arith.constant 0 : i32
    %dma_start3A_135 = arith.constant 0 : i32
    %dma_start3A_136 = tpu.memref_slice %arg4[%add3A_130, %dma_start3A_134, %dma_start3A_135] : memref<1638x4x1024xf32, #tpu.memory_space<hbm>> -> memref<1x4x1024xf32, #tpu.memory_space<hbm>>
    %dma_start3A_137 = tpu.memref_squeeze %dma_start3A_136 : memref<1x4x1024xf32, #tpu.memory_space<hbm>> -> memref<4x1024xf32, #tpu.memory_space<hbm>>
    %dma_start3A_138 = arith.constant 0 : i32
    %dma_start3A_139 = arith.constant 0 : i32
    %dma_start3A_140 = tpu.memref_slice %arg4[%add3A_130, %dma_start3A_138, %dma_start3A_139] : memref<1638x4x1024xf32, #tpu.memory_space<hbm>> -> memref<1x4x1024xf32, #tpu.memory_space<hbm>>
    %dma_start3A_141 = tpu.memref_squeeze %dma_start3A_140 : memref<1x4x1024xf32, #tpu.memory_space<hbm>> -> memref<4x1024xf32, #tpu.memory_space<hbm>>
    %dma_start3A_142 = arith.constant 20 : i32
    %dma_start3A_143 = arith.constant 0 : i32
    %dma_start3A_144 = tpu.memref_slice %arg6[%dma_start3A_142, %dma_start3A_143] : memref<56x1024xf32, #tpu.memory_space<vmem>> -> memref<4x1024xf32, #tpu.memory_space<vmem>>
    tpu.enqueue_dma source(%dma_start3A_144 : memref<4x1024xf32, #tpu.memory_space<vmem>>) target(%dma_start3A_141 : memref<4x1024xf32, #tpu.memory_space<hbm>>) target_semaphore(%arg10 : memref<!tpu.dma_semaphore, #tpu.memory_space<semaphore_mem>>)
    %add3A_145 = arith.constant 0 : i32
    %add3A_146 = arith.addi %mul3A_20, %add3A_145 : i32
    %add3A_147 = arith.constant 6 : i32
    %add3A_148 = arith.addi %add3A_146, %add3A_147 : i32
    %dma_start3A_149 = arith.constant 24 : i32
    %dma_start3A_150 = arith.constant 0 : i32
    %dma_start3A_151 = tpu.memref_slice %arg6[%dma_start3A_149, %dma_start3A_150] : memref<56x1024xf32, #tpu.memory_space<vmem>> -> memref<4x1024xf32, #tpu.memory_space<vmem>>
    %dma_start3A_152 = arith.constant 0 : i32
    %dma_start3A_153 = arith.constant 0 : i32
    %dma_start3A_154 = tpu.memref_slice %arg4[%add3A_148, %dma_start3A_152, %dma_start3A_153] : memref<1638x4x1024xf32, #tpu.memory_space<hbm>> -> memref<1x4x1024xf32, #tpu.memory_space<hbm>>
    %dma_start3A_155 = tpu.memref_squeeze %dma_start3A_154 : memref<1x4x1024xf32, #tpu.memory_space<hbm>> -> memref<4x1024xf32, #tpu.memory_space<hbm>>
    %dma_start3A_156 = arith.constant 0 : i32
    %dma_start3A_157 = arith.constant 0 : i32
    %dma_start3A_158 = tpu.memref_slice %arg4[%add3A_148, %dma_start3A_156, %dma_start3A_157] : memref<1638x4x1024xf32, #tpu.memory_space<hbm>> -> memref<1x4x1024xf32, #tpu.memory_space<hbm>>
    %dma_start3A_159 = tpu.memref_squeeze %dma_start3A_158 : memref<1x4x1024xf32, #tpu.memory_space<hbm>> -> memref<4x1024xf32, #tpu.memory_space<hbm>>
    %dma_start3A_160 = arith.constant 24 : i32
    %dma_start3A_161 = arith.constant 0 : i32
    %dma_start3A_162 = tpu.memref_slice %arg6[%dma_start3A_160, %dma_start3A_161] : memref<56x1024xf32, #tpu.memory_space<vmem>> -> memref<4x1024xf32, #tpu.memory_space<vmem>>
    tpu.enqueue_dma source(%dma_start3A_162 : memref<4x1024xf32, #tpu.memory_space<vmem>>) target(%dma_start3A_159 : memref<4x1024xf32, #tpu.memory_space<hbm>>) target_semaphore(%arg10 : memref<!tpu.dma_semaphore, #tpu.memory_space<semaphore_mem>>)
    %add3A_163 = arith.constant 0 : i32
    %add3A_164 = arith.addi %mul3A_20, %add3A_163 : i32
    %add3A_165 = arith.constant 7 : i32
    %add3A_166 = arith.addi %add3A_164, %add3A_165 : i32
    %dma_start3A_167 = arith.constant 28 : i32
    %dma_start3A_168 = arith.constant 0 : i32
    %dma_start3A_169 = tpu.memref_slice %arg6[%dma_start3A_167, %dma_start3A_168] : memref<56x1024xf32, #tpu.memory_space<vmem>> -> memref<4x1024xf32, #tpu.memory_space<vmem>>
    %dma_start3A_170 = arith.constant 0 : i32
    %dma_start3A_171 = arith.constant 0 : i32
    %dma_start3A_172 = tpu.memref_slice %arg4[%add3A_166, %dma_start3A_170, %dma_start3A_171] : memref<1638x4x1024xf32, #tpu.memory_space<hbm>> -> memref<1x4x1024xf32, #tpu.memory_space<hbm>>
    %dma_start3A_173 = tpu.memref_squeeze %dma_start3A_172 : memref<1x4x1024xf32, #tpu.memory_space<hbm>> -> memref<4x1024xf32, #tpu.memory_space<hbm>>
    %dma_start3A_174 = arith.constant 0 : i32
    %dma_start3A_175 = arith.constant 0 : i32
    %dma_start3A_176 = tpu.memref_slice %arg4[%add3A_166, %dma_start3A_174, %dma_start3A_175] : memref<1638x4x1024xf32, #tpu.memory_space<hbm>> -> memref<1x4x1024xf32, #tpu.memory_space<hbm>>
    %dma_start3A_177 = tpu.memref_squeeze %dma_start3A_176 : memref<1x4x1024xf32, #tpu.memory_space<hbm>> -> memref<4x1024xf32, #tpu.memory_space<hbm>>
    %dma_start3A_178 = arith.constant 28 : i32
    %dma_start3A_179 = arith.constant 0 : i32
    %dma_start3A_180 = tpu.memref_slice %arg6[%dma_start3A_178, %dma_start3A_179] : memref<56x1024xf32, #tpu.memory_space<vmem>> -> memref<4x1024xf32, #tpu.memory_space<vmem>>
    tpu.enqueue_dma source(%dma_start3A_180 : memref<4x1024xf32, #tpu.memory_space<vmem>>) target(%dma_start3A_177 : memref<4x1024xf32, #tpu.memory_space<hbm>>) target_semaphore(%arg10 : memref<!tpu.dma_semaphore, #tpu.memory_space<semaphore_mem>>)
    %add3A_181 = arith.constant 0 : i32
    %add3A_182 = arith.addi %mul3A_20, %add3A_181 : i32
    %add3A_183 = arith.constant 8 : i32
    %add3A_184 = arith.addi %add3A_182, %add3A_183 : i32
    %dma_start3A_185 = arith.constant 32 : i32
    %dma_start3A_186 = arith.constant 0 : i32
    %dma_start3A_187 = tpu.memref_slice %arg6[%dma_start3A_185, %dma_start3A_186] : memref<56x1024xf32, #tpu.memory_space<vmem>> -> memref<4x1024xf32, #tpu.memory_space<vmem>>
    %dma_start3A_188 = arith.constant 0 : i32
    %dma_start3A_189 = arith.constant 0 : i32
    %dma_start3A_190 = tpu.memref_slice %arg4[%add3A_184, %dma_start3A_188, %dma_start3A_189] : memref<1638x4x1024xf32, #tpu.memory_space<hbm>> -> memref<1x4x1024xf32, #tpu.memory_space<hbm>>
    %dma_start3A_191 = tpu.memref_squeeze %dma_start3A_190 : memref<1x4x1024xf32, #tpu.memory_space<hbm>> -> memref<4x1024xf32, #tpu.memory_space<hbm>>
    %dma_start3A_192 = arith.constant 0 : i32
    %dma_start3A_193 = arith.constant 0 : i32
    %dma_start3A_194 = tpu.memref_slice %arg4[%add3A_184, %dma_start3A_192, %dma_start3A_193] : memref<1638x4x1024xf32, #tpu.memory_space<hbm>> -> memref<1x4x1024xf32, #tpu.memory_space<hbm>>
    %dma_start3A_195 = tpu.memref_squeeze %dma_start3A_194 : memref<1x4x1024xf32, #tpu.memory_space<hbm>> -> memref<4x1024xf32, #tpu.memory_space<hbm>>
    %dma_start3A_196 = arith.constant 32 : i32
    %dma_start3A_197 = arith.constant 0 : i32
    %dma_start3A_198 = tpu.memref_slice %arg6[%dma_start3A_196, %dma_start3A_197] : memref<56x1024xf32, #tpu.memory_space<vmem>> -> memref<4x1024xf32, #tpu.memory_space<vmem>>
    tpu.enqueue_dma source(%dma_start3A_198 : memref<4x1024xf32, #tpu.memory_space<vmem>>) target(%dma_start3A_195 : memref<4x1024xf32, #tpu.memory_space<hbm>>) target_semaphore(%arg10 : memref<!tpu.dma_semaphore, #tpu.memory_space<semaphore_mem>>)
    %add3A_199 = arith.constant 0 : i32
    %add3A_200 = arith.addi %mul3A_20, %add3A_199 : i32
    %add3A_201 = arith.constant 9 : i32
    %add3A_202 = arith.addi %add3A_200, %add3A_201 : i32
    %dma_start3A_203 = arith.constant 36 : i32
    %dma_start3A_204 = arith.constant 0 : i32
    %dma_start3A_205 = tpu.memref_slice %arg6[%dma_start3A_203, %dma_start3A_204] : memref<56x1024xf32, #tpu.memory_space<vmem>> -> memref<4x1024xf32, #tpu.memory_space<vmem>>
    %dma_start3A_206 = arith.constant 0 : i32
    %dma_start3A_207 = arith.constant 0 : i32
    %dma_start3A_208 = tpu.memref_slice %arg4[%add3A_202, %dma_start3A_206, %dma_start3A_207] : memref<1638x4x1024xf32, #tpu.memory_space<hbm>> -> memref<1x4x1024xf32, #tpu.memory_space<hbm>>
    %dma_start3A_209 = tpu.memref_squeeze %dma_start3A_208 : memref<1x4x1024xf32, #tpu.memory_space<hbm>> -> memref<4x1024xf32, #tpu.memory_space<hbm>>
    %dma_start3A_210 = arith.constant 0 : i32
    %dma_start3A_211 = arith.constant 0 : i32
    %dma_start3A_212 = tpu.memref_slice %arg4[%add3A_202, %dma_start3A_210, %dma_start3A_211] : memref<1638x4x1024xf32, #tpu.memory_space<hbm>> -> memref<1x4x1024xf32, #tpu.memory_space<hbm>>
    %dma_start3A_213 = tpu.memref_squeeze %dma_start3A_212 : memref<1x4x1024xf32, #tpu.memory_space<hbm>> -> memref<4x1024xf32, #tpu.memory_space<hbm>>
    %dma_start3A_214 = arith.constant 36 : i32
    %dma_start3A_215 = arith.constant 0 : i32
    %dma_start3A_216 = tpu.memref_slice %arg6[%dma_start3A_214, %dma_start3A_215] : memref<56x1024xf32, #tpu.memory_space<vmem>> -> memref<4x1024xf32, #tpu.memory_space<vmem>>
    tpu.enqueue_dma source(%dma_start3A_216 : memref<4x1024xf32, #tpu.memory_space<vmem>>) target(%dma_start3A_213 : memref<4x1024xf32, #tpu.memory_space<hbm>>) target_semaphore(%arg10 : memref<!tpu.dma_semaphore, #tpu.memory_space<semaphore_mem>>)
    %add3A_217 = arith.constant 0 : i32
    %add3A_218 = arith.addi %mul3A_20, %add3A_217 : i32
    %add3A_219 = arith.constant 10 : i32
    %add3A_220 = arith.addi %add3A_218, %add3A_219 : i32
    %dma_start3A_221 = arith.constant 40 : i32
    %dma_start3A_222 = arith.constant 0 : i32
    %dma_start3A_223 = tpu.memref_slice %arg6[%dma_start3A_221, %dma_start3A_222] : memref<56x1024xf32, #tpu.memory_space<vmem>> -> memref<4x1024xf32, #tpu.memory_space<vmem>>
    %dma_start3A_224 = arith.constant 0 : i32
    %dma_start3A_225 = arith.constant 0 : i32
    %dma_start3A_226 = tpu.memref_slice %arg4[%add3A_220, %dma_start3A_224, %dma_start3A_225] : memref<1638x4x1024xf32, #tpu.memory_space<hbm>> -> memref<1x4x1024xf32, #tpu.memory_space<hbm>>
    %dma_start3A_227 = tpu.memref_squeeze %dma_start3A_226 : memref<1x4x1024xf32, #tpu.memory_space<hbm>> -> memref<4x1024xf32, #tpu.memory_space<hbm>>
    %dma_start3A_228 = arith.constant 0 : i32
    %dma_start3A_229 = arith.constant 0 : i32
    %dma_start3A_230 = tpu.memref_slice %arg4[%add3A_220, %dma_start3A_228, %dma_start3A_229] : memref<1638x4x1024xf32, #tpu.memory_space<hbm>> -> memref<1x4x1024xf32, #tpu.memory_space<hbm>>
    %dma_start3A_231 = tpu.memref_squeeze %dma_start3A_230 : memref<1x4x1024xf32, #tpu.memory_space<hbm>> -> memref<4x1024xf32, #tpu.memory_space<hbm>>
    %dma_start3A_232 = arith.constant 40 : i32
    %dma_start3A_233 = arith.constant 0 : i32
    %dma_start3A_234 = tpu.memref_slice %arg6[%dma_start3A_232, %dma_start3A_233] : memref<56x1024xf32, #tpu.memory_space<vmem>> -> memref<4x1024xf32, #tpu.memory_space<vmem>>
    tpu.enqueue_dma source(%dma_start3A_234 : memref<4x1024xf32, #tpu.memory_space<vmem>>) target(%dma_start3A_231 : memref<4x1024xf32, #tpu.memory_space<hbm>>) target_semaphore(%arg10 : memref<!tpu.dma_semaphore, #tpu.memory_space<semaphore_mem>>)
    %add3A_235 = arith.constant 0 : i32
    %add3A_236 = arith.addi %mul3A_20, %add3A_235 : i32
    %add3A_237 = arith.constant 11 : i32
    %add3A_238 = arith.addi %add3A_236, %add3A_237 : i32
    %dma_start3A_239 = arith.constant 44 : i32
    %dma_start3A_240 = arith.constant 0 : i32
    %dma_start3A_241 = tpu.memref_slice %arg6[%dma_start3A_239, %dma_start3A_240] : memref<56x1024xf32, #tpu.memory_space<vmem>> -> memref<4x1024xf32, #tpu.memory_space<vmem>>
    %dma_start3A_242 = arith.constant 0 : i32
    %dma_start3A_243 = arith.constant 0 : i32
    %dma_start3A_244 = tpu.memref_slice %arg4[%add3A_238, %dma_start3A_242, %dma_start3A_243] : memref<1638x4x1024xf32, #tpu.memory_space<hbm>> -> memref<1x4x1024xf32, #tpu.memory_space<hbm>>
    %dma_start3A_245 = tpu.memref_squeeze %dma_start3A_244 : memref<1x4x1024xf32, #tpu.memory_space<hbm>> -> memref<4x1024xf32, #tpu.memory_space<hbm>>
    %dma_start3A_246 = arith.constant 0 : i32
    %dma_start3A_247 = arith.constant 0 : i32
    %dma_start3A_248 = tpu.memref_slice %arg4[%add3A_238, %dma_start3A_246, %dma_start3A_247] : memref<1638x4x1024xf32, #tpu.memory_space<hbm>> -> memref<1x4x1024xf32, #tpu.memory_space<hbm>>
    %dma_start3A_249 = tpu.memref_squeeze %dma_start3A_248 : memref<1x4x1024xf32, #tpu.memory_space<hbm>> -> memref<4x1024xf32, #tpu.memory_space<hbm>>
    %dma_start3A_250 = arith.constant 44 : i32
    %dma_start3A_251 = arith.constant 0 : i32
    %dma_start3A_252 = tpu.memref_slice %arg6[%dma_start3A_250, %dma_start3A_251] : memref<56x1024xf32, #tpu.memory_space<vmem>> -> memref<4x1024xf32, #tpu.memory_space<vmem>>
    tpu.enqueue_dma source(%dma_start3A_252 : memref<4x1024xf32, #tpu.memory_space<vmem>>) target(%dma_start3A_249 : memref<4x1024xf32, #tpu.memory_space<hbm>>) target_semaphore(%arg10 : memref<!tpu.dma_semaphore, #tpu.memory_space<semaphore_mem>>)
    %add3A_253 = arith.constant 0 : i32
    %add3A_254 = arith.addi %mul3A_20, %add3A_253 : i32
    %add3A_255 = arith.constant 12 : i32
    %add3A_256 = arith.addi %add3A_254, %add3A_255 : i32
    %dma_start3A_257 = arith.constant 48 : i32
    %dma_start3A_258 = arith.constant 0 : i32
    %dma_start3A_259 = tpu.memref_slice %arg6[%dma_start3A_257, %dma_start3A_258] : memref<56x1024xf32, #tpu.memory_space<vmem>> -> memref<4x1024xf32, #tpu.memory_space<vmem>>
    %dma_start3A_260 = arith.constant 0 : i32
    %dma_start3A_261 = arith.constant 0 : i32
    %dma_start3A_262 = tpu.memref_slice %arg4[%add3A_256, %dma_start3A_260, %dma_start3A_261] : memref<1638x4x1024xf32, #tpu.memory_space<hbm>> -> memref<1x4x1024xf32, #tpu.memory_space<hbm>>
    %dma_start3A_263 = tpu.memref_squeeze %dma_start3A_262 : memref<1x4x1024xf32, #tpu.memory_space<hbm>> -> memref<4x1024xf32, #tpu.memory_space<hbm>>
    %dma_start3A_264 = arith.constant 0 : i32
    %dma_start3A_265 = arith.constant 0 : i32
    %dma_start3A_266 = tpu.memref_slice %arg4[%add3A_256, %dma_start3A_264, %dma_start3A_265] : memref<1638x4x1024xf32, #tpu.memory_space<hbm>> -> memref<1x4x1024xf32, #tpu.memory_space<hbm>>
    %dma_start3A_267 = tpu.memref_squeeze %dma_start3A_266 : memref<1x4x1024xf32, #tpu.memory_space<hbm>> -> memref<4x1024xf32, #tpu.memory_space<hbm>>
    %dma_start3A_268 = arith.constant 48 : i32
    %dma_start3A_269 = arith.constant 0 : i32
    %dma_start3A_270 = tpu.memref_slice %arg6[%dma_start3A_268, %dma_start3A_269] : memref<56x1024xf32, #tpu.memory_space<vmem>> -> memref<4x1024xf32, #tpu.memory_space<vmem>>
    tpu.enqueue_dma source(%dma_start3A_270 : memref<4x1024xf32, #tpu.memory_space<vmem>>) target(%dma_start3A_267 : memref<4x1024xf32, #tpu.memory_space<hbm>>) target_semaphore(%arg10 : memref<!tpu.dma_semaphore, #tpu.memory_space<semaphore_mem>>)
    %add3A_271 = arith.constant 0 : i32
    %add3A_272 = arith.addi %mul3A_20, %add3A_271 : i32
    %add3A_273 = arith.constant 13 : i32
    %add3A_274 = arith.addi %add3A_272, %add3A_273 : i32
    %dma_start3A_275 = arith.constant 52 : i32
    %dma_start3A_276 = arith.constant 0 : i32
    %dma_start3A_277 = tpu.memref_slice %arg6[%dma_start3A_275, %dma_start3A_276] : memref<56x1024xf32, #tpu.memory_space<vmem>> -> memref<4x1024xf32, #tpu.memory_space<vmem>>
    %dma_start3A_278 = arith.constant 0 : i32
    %dma_start3A_279 = arith.constant 0 : i32
    %dma_start3A_280 = tpu.memref_slice %arg4[%add3A_274, %dma_start3A_278, %dma_start3A_279] : memref<1638x4x1024xf32, #tpu.memory_space<hbm>> -> memref<1x4x1024xf32, #tpu.memory_space<hbm>>
    %dma_start3A_281 = tpu.memref_squeeze %dma_start3A_280 : memref<1x4x1024xf32, #tpu.memory_space<hbm>> -> memref<4x1024xf32, #tpu.memory_space<hbm>>
    %dma_start3A_282 = arith.constant 0 : i32
    %dma_start3A_283 = arith.constant 0 : i32
    %dma_start3A_284 = tpu.memref_slice %arg4[%add3A_274, %dma_start3A_282, %dma_start3A_283] : memref<1638x4x1024xf32, #tpu.memory_space<hbm>> -> memref<1x4x1024xf32, #tpu.memory_space<hbm>>
    %dma_start3A_285 = tpu.memref_squeeze %dma_start3A_284 : memref<1x4x1024xf32, #tpu.memory_space<hbm>> -> memref<4x1024xf32, #tpu.memory_space<hbm>>
    %dma_start3A_286 = arith.constant 52 : i32
    %dma_start3A_287 = arith.constant 0 : i32
    %dma_start3A_288 = tpu.memref_slice %arg6[%dma_start3A_286, %dma_start3A_287] : memref<56x1024xf32, #tpu.memory_space<vmem>> -> memref<4x1024xf32, #tpu.memory_space<vmem>>
    tpu.enqueue_dma source(%dma_start3A_288 : memref<4x1024xf32, #tpu.memory_space<vmem>>) target(%dma_start3A_285 : memref<4x1024xf32, #tpu.memory_space<hbm>>) target_semaphore(%arg10 : memref<!tpu.dma_semaphore, #tpu.memory_space<semaphore_mem>>)
    %add3A_289 = arith.constant 14 : i32
    %add3A_290 = arith.addi %mul3A_20, %add3A_289 : i32
    %mul3A_291 = arith.constant 4 : i32
    %mul3A_292 = arith.muli %mul3A_291, %add3A_290 : i32
    %dma_start3A_293 = arith.constant 0 : i32
    %dma_start3A_294 = arith.constant 0 : i32
    %dma_start3A_295 = tpu.memref_slice %arg7[%dma_start3A_293, %dma_start3A_294] : memref<56x1024xf32, #tpu.memory_space<vmem>> -> memref<56x1024xf32, #tpu.memory_space<vmem>>
    %dma_start3A_296 = tpu.memref_slice %arg5[%mul3A_292] : memref<8192xi32, #tpu.memory_space<vmem>> -> memref<56xi32, #tpu.memory_space<vmem>>
    %dma_start3A_297 = arith.constant 0 : i32
    %dma_start3A_298 = arith.constant 0 : i32
    %dma_start3A_299 = tpu.memref_slice %arg2[%dma_start3A_297, %dma_start3A_298] : memref<32768x1024xf32, #tpu.memory_space<hbm>> -> memref<32768x1024xf32, #tpu.memory_space<hbm>>
    tpu.enqueue_indirect_dma source(%dma_start3A_299 : memref<32768x1024xf32, #tpu.memory_space<hbm>>) target(%dma_start3A_295 : memref<56x1024xf32, #tpu.memory_space<vmem>>) offsets(%dma_start3A_296 : memref<56xi32, #tpu.memory_space<vmem>>) semaphore(%arg9 : memref<!tpu.dma_semaphore, #tpu.memory_space<semaphore_mem>>)
    %dma_wait3A_300 = arith.constant 0 : i32
    %dma_wait3A_301 = arith.constant 0 : i32
    %dma_wait3A_302 = tpu.memref_slice %arg7[%dma_wait3A_300, %dma_wait3A_301] : memref<56x1024xf32, #tpu.memory_space<vmem>> -> memref<56x1024xf32, #tpu.memory_space<vmem>>
    %dma_wait3A_303 = tpu.memref_slice %arg5[%mul3A_292] : memref<8192xi32, #tpu.memory_space<vmem>> -> memref<56xi32, #tpu.memory_space<vmem>>
    %dma_wait3A_304 = arith.constant 0 : i32
    %dma_wait3A_305 = arith.constant 0 : i32
    %dma_wait3A_306 = tpu.memref_slice %arg2[%dma_wait3A_304, %dma_wait3A_305] : memref<32768x1024xf32, #tpu.memory_space<hbm>> -> memref<32768x1024xf32, #tpu.memory_space<hbm>>
    tpu.wait_indirect_dma semaphore(%arg9 : memref<!tpu.dma_semaphore, #tpu.memory_space<semaphore_mem>>) src(%dma_wait3A_306 : memref<32768x1024xf32, #tpu.memory_space<hbm>>) dst(%dma_wait3A_302 : memref<56x1024xf32, #tpu.memory_space<vmem>>)
    %add3A_307 = arith.constant 14 : i32
    %add3A_308 = arith.addi %mul3A_20, %add3A_307 : i32
    %add3A_309 = arith.constant 0 : i32
    %add3A_310 = arith.addi %add3A_308, %add3A_309 : i32
    %dma_start3A_311 = arith.constant 0 : i32
    %dma_start3A_312 = arith.constant 0 : i32
    %dma_start3A_313 = tpu.memref_slice %arg7[%dma_start3A_311, %dma_start3A_312] : memref<56x1024xf32, #tpu.memory_space<vmem>> -> memref<4x1024xf32, #tpu.memory_space<vmem>>
    %dma_start3A_314 = arith.constant 0 : i32
    %dma_start3A_315 = arith.constant 0 : i32
    %dma_start3A_316 = tpu.memref_slice %arg4[%add3A_310, %dma_start3A_314, %dma_start3A_315] : memref<1638x4x1024xf32, #tpu.memory_space<hbm>> -> memref<1x4x1024xf32, #tpu.memory_space<hbm>>
    %dma_start3A_317 = tpu.memref_squeeze %dma_start3A_316 : memref<1x4x1024xf32, #tpu.memory_space<hbm>> -> memref<4x1024xf32, #tpu.memory_space<hbm>>
    %dma_start3A_318 = arith.constant 0 : i32
    %dma_start3A_319 = arith.constant 0 : i32
    %dma_start3A_320 = tpu.memref_slice %arg4[%add3A_310, %dma_start3A_318, %dma_start3A_319] : memref<1638x4x1024xf32, #tpu.memory_space<hbm>> -> memref<1x4x1024xf32, #tpu.memory_space<hbm>>
    %dma_start3A_321 = tpu.memref_squeeze %dma_start3A_320 : memref<1x4x1024xf32, #tpu.memory_space<hbm>> -> memref<4x1024xf32, #tpu.memory_space<hbm>>
    %dma_start3A_322 = arith.constant 0 : i32
    %dma_start3A_323 = arith.constant 0 : i32
    %dma_start3A_324 = tpu.memref_slice %arg7[%dma_start3A_322, %dma_start3A_323] : memref<56x1024xf32, #tpu.memory_space<vmem>> -> memref<4x1024xf32, #tpu.memory_space<vmem>>
    tpu.enqueue_dma source(%dma_start3A_324 : memref<4x1024xf32, #tpu.memory_space<vmem>>) target(%dma_start3A_321 : memref<4x1024xf32, #tpu.memory_space<hbm>>) target_semaphore(%arg11 : memref<!tpu.dma_semaphore, #tpu.memory_space<semaphore_mem>>)
    %add3A_325 = arith.constant 14 : i32
    %add3A_326 = arith.addi %mul3A_20, %add3A_325 : i32
    %add3A_327 = arith.constant 1 : i32
    %add3A_328 = arith.addi %add3A_326, %add3A_327 : i32
    %dma_start3A_329 = arith.constant 4 : i32
    %dma_start3A_330 = arith.constant 0 : i32
    %dma_start3A_331 = tpu.memref_slice %arg7[%dma_start3A_329, %dma_start3A_330] : memref<56x1024xf32, #tpu.memory_space<vmem>> -> memref<4x1024xf32, #tpu.memory_space<vmem>>
    %dma_start3A_332 = arith.constant 0 : i32
    %dma_start3A_333 = arith.constant 0 : i32
    %dma_start3A_334 = tpu.memref_slice %arg4[%add3A_328, %dma_start3A_332, %dma_start3A_333] : memref<1638x4x1024xf32, #tpu.memory_space<hbm>> -> memref<1x4x1024xf32, #tpu.memory_space<hbm>>
    %dma_start3A_335 = tpu.memref_squeeze %dma_start3A_334 : memref<1x4x1024xf32, #tpu.memory_space<hbm>> -> memref<4x1024xf32, #tpu.memory_space<hbm>>
    %dma_start3A_336 = arith.constant 0 : i32
    %dma_start3A_337 = arith.constant 0 : i32
    %dma_start3A_338 = tpu.memref_slice %arg4[%add3A_328, %dma_start3A_336, %dma_start3A_337] : memref<1638x4x1024xf32, #tpu.memory_space<hbm>> -> memref<1x4x1024xf32, #tpu.memory_space<hbm>>
    %dma_start3A_339 = tpu.memref_squeeze %dma_start3A_338 : memref<1x4x1024xf32, #tpu.memory_space<hbm>> -> memref<4x1024xf32, #tpu.memory_space<hbm>>
    %dma_start3A_340 = arith.constant 4 : i32
    %dma_start3A_341 = arith.constant 0 : i32
    %dma_start3A_342 = tpu.memref_slice %arg7[%dma_start3A_340, %dma_start3A_341] : memref<56x1024xf32, #tpu.memory_space<vmem>> -> memref<4x1024xf32, #tpu.memory_space<vmem>>
    tpu.enqueue_dma source(%dma_start3A_342 : memref<4x1024xf32, #tpu.memory_space<vmem>>) target(%dma_start3A_339 : memref<4x1024xf32, #tpu.memory_space<hbm>>) target_semaphore(%arg11 : memref<!tpu.dma_semaphore, #tpu.memory_space<semaphore_mem>>)
    %add3A_343 = arith.constant 14 : i32
    %add3A_344 = arith.addi %mul3A_20, %add3A_343 : i32
    %add3A_345 = arith.constant 2 : i32
    %add3A_346 = arith.addi %add3A_344, %add3A_345 : i32
    %dma_start3A_347 = arith.constant 8 : i32
    %dma_start3A_348 = arith.constant 0 : i32
    %dma_start3A_349 = tpu.memref_slice %arg7[%dma_start3A_347, %dma_start3A_348] : memref<56x1024xf32, #tpu.memory_space<vmem>> -> memref<4x1024xf32, #tpu.memory_space<vmem>>
    %dma_start3A_350 = arith.constant 0 : i32
    %dma_start3A_351 = arith.constant 0 : i32
    %dma_start3A_352 = tpu.memref_slice %arg4[%add3A_346, %dma_start3A_350, %dma_start3A_351] : memref<1638x4x1024xf32, #tpu.memory_space<hbm>> -> memref<1x4x1024xf32, #tpu.memory_space<hbm>>
    %dma_start3A_353 = tpu.memref_squeeze %dma_start3A_352 : memref<1x4x1024xf32, #tpu.memory_space<hbm>> -> memref<4x1024xf32, #tpu.memory_space<hbm>>
    %dma_start3A_354 = arith.constant 0 : i32
    %dma_start3A_355 = arith.constant 0 : i32
    %dma_start3A_356 = tpu.memref_slice %arg4[%add3A_346, %dma_start3A_354, %dma_start3A_355] : memref<1638x4x1024xf32, #tpu.memory_space<hbm>> -> memref<1x4x1024xf32, #tpu.memory_space<hbm>>
    %dma_start3A_357 = tpu.memref_squeeze %dma_start3A_356 : memref<1x4x1024xf32, #tpu.memory_space<hbm>> -> memref<4x1024xf32, #tpu.memory_space<hbm>>
    %dma_start3A_358 = arith.constant 8 : i32
    %dma_start3A_359 = arith.constant 0 : i32
    %dma_start3A_360 = tpu.memref_slice %arg7[%dma_start3A_358, %dma_start3A_359] : memref<56x1024xf32, #tpu.memory_space<vmem>> -> memref<4x1024xf32, #tpu.memory_space<vmem>>
    tpu.enqueue_dma source(%dma_start3A_360 : memref<4x1024xf32, #tpu.memory_space<vmem>>) target(%dma_start3A_357 : memref<4x1024xf32, #tpu.memory_space<hbm>>) target_semaphore(%arg11 : memref<!tpu.dma_semaphore, #tpu.memory_space<semaphore_mem>>)
    %add3A_361 = arith.constant 14 : i32
    %add3A_362 = arith.addi %mul3A_20, %add3A_361 : i32
    %add3A_363 = arith.constant 3 : i32
    %add3A_364 = arith.addi %add3A_362, %add3A_363 : i32
    %dma_start3A_365 = arith.constant 12 : i32
    %dma_start3A_366 = arith.constant 0 : i32
    %dma_start3A_367 = tpu.memref_slice %arg7[%dma_start3A_365, %dma_start3A_366] : memref<56x1024xf32, #tpu.memory_space<vmem>> -> memref<4x1024xf32, #tpu.memory_space<vmem>>
    %dma_start3A_368 = arith.constant 0 : i32
    %dma_start3A_369 = arith.constant 0 : i32
    %dma_start3A_370 = tpu.memref_slice %arg4[%add3A_364, %dma_start3A_368, %dma_start3A_369] : memref<1638x4x1024xf32, #tpu.memory_space<hbm>> -> memref<1x4x1024xf32, #tpu.memory_space<hbm>>
    %dma_start3A_371 = tpu.memref_squeeze %dma_start3A_370 : memref<1x4x1024xf32, #tpu.memory_space<hbm>> -> memref<4x1024xf32, #tpu.memory_space<hbm>>
    %dma_start3A_372 = arith.constant 0 : i32
    %dma_start3A_373 = arith.constant 0 : i32
    %dma_start3A_374 = tpu.memref_slice %arg4[%add3A_364, %dma_start3A_372, %dma_start3A_373] : memref<1638x4x1024xf32, #tpu.memory_space<hbm>> -> memref<1x4x1024xf32, #tpu.memory_space<hbm>>
    %dma_start3A_375 = tpu.memref_squeeze %dma_start3A_374 : memref<1x4x1024xf32, #tpu.memory_space<hbm>> -> memref<4x1024xf32, #tpu.memory_space<hbm>>
    %dma_start3A_376 = arith.constant 12 : i32
    %dma_start3A_377 = arith.constant 0 : i32
    %dma_start3A_378 = tpu.memref_slice %arg7[%dma_start3A_376, %dma_start3A_377] : memref<56x1024xf32, #tpu.memory_space<vmem>> -> memref<4x1024xf32, #tpu.memory_space<vmem>>
    tpu.enqueue_dma source(%dma_start3A_378 : memref<4x1024xf32, #tpu.memory_space<vmem>>) target(%dma_start3A_375 : memref<4x1024xf32, #tpu.memory_space<hbm>>) target_semaphore(%arg11 : memref<!tpu.dma_semaphore, #tpu.memory_space<semaphore_mem>>)
    %add3A_379 = arith.constant 14 : i32
    %add3A_380 = arith.addi %mul3A_20, %add3A_379 : i32
    %add3A_381 = arith.constant 4 : i32
    %add3A_382 = arith.addi %add3A_380, %add3A_381 : i32
    %dma_start3A_383 = arith.constant 16 : i32
    %dma_start3A_384 = arith.constant 0 : i32
    %dma_start3A_385 = tpu.memref_slice %arg7[%dma_start3A_383, %dma_start3A_384] : memref<56x1024xf32, #tpu.memory_space<vmem>> -> memref<4x1024xf32, #tpu.memory_space<vmem>>
    %dma_start3A_386 = arith.constant 0 : i32
    %dma_start3A_387 = arith.constant 0 : i32
    %dma_start3A_388 = tpu.memref_slice %arg4[%add3A_382, %dma_start3A_386, %dma_start3A_387] : memref<1638x4x1024xf32, #tpu.memory_space<hbm>> -> memref<1x4x1024xf32, #tpu.memory_space<hbm>>
    %dma_start3A_389 = tpu.memref_squeeze %dma_start3A_388 : memref<1x4x1024xf32, #tpu.memory_space<hbm>> -> memref<4x1024xf32, #tpu.memory_space<hbm>>
    %dma_start3A_390 = arith.constant 0 : i32
    %dma_start3A_391 = arith.constant 0 : i32
    %dma_start3A_392 = tpu.memref_slice %arg4[%add3A_382, %dma_start3A_390, %dma_start3A_391] : memref<1638x4x1024xf32, #tpu.memory_space<hbm>> -> memref<1x4x1024xf32, #tpu.memory_space<hbm>>
    %dma_start3A_393 = tpu.memref_squeeze %dma_start3A_392 : memref<1x4x1024xf32, #tpu.memory_space<hbm>> -> memref<4x1024xf32, #tpu.memory_space<hbm>>
    %dma_start3A_394 = arith.constant 16 : i32
    %dma_start3A_395 = arith.constant 0 : i32
    %dma_start3A_396 = tpu.memref_slice %arg7[%dma_start3A_394, %dma_start3A_395] : memref<56x1024xf32, #tpu.memory_space<vmem>> -> memref<4x1024xf32, #tpu.memory_space<vmem>>
    tpu.enqueue_dma source(%dma_start3A_396 : memref<4x1024xf32, #tpu.memory_space<vmem>>) target(%dma_start3A_393 : memref<4x1024xf32, #tpu.memory_space<hbm>>) target_semaphore(%arg11 : memref<!tpu.dma_semaphore, #tpu.memory_space<semaphore_mem>>)
    %add3A_397 = arith.constant 14 : i32
    %add3A_398 = arith.addi %mul3A_20, %add3A_397 : i32
    %add3A_399 = arith.constant 5 : i32
    %add3A_400 = arith.addi %add3A_398, %add3A_399 : i32
    %dma_start3A_401 = arith.constant 20 : i32
    %dma_start3A_402 = arith.constant 0 : i32
    %dma_start3A_403 = tpu.memref_slice %arg7[%dma_start3A_401, %dma_start3A_402] : memref<56x1024xf32, #tpu.memory_space<vmem>> -> memref<4x1024xf32, #tpu.memory_space<vmem>>
    %dma_start3A_404 = arith.constant 0 : i32
    %dma_start3A_405 = arith.constant 0 : i32
    %dma_start3A_406 = tpu.memref_slice %arg4[%add3A_400, %dma_start3A_404, %dma_start3A_405] : memref<1638x4x1024xf32, #tpu.memory_space<hbm>> -> memref<1x4x1024xf32, #tpu.memory_space<hbm>>
    %dma_start3A_407 = tpu.memref_squeeze %dma_start3A_406 : memref<1x4x1024xf32, #tpu.memory_space<hbm>> -> memref<4x1024xf32, #tpu.memory_space<hbm>>
    %dma_start3A_408 = arith.constant 0 : i32
    %dma_start3A_409 = arith.constant 0 : i32
    %dma_start3A_410 = tpu.memref_slice %arg4[%add3A_400, %dma_start3A_408, %dma_start3A_409] : memref<1638x4x1024xf32, #tpu.memory_space<hbm>> -> memref<1x4x1024xf32, #tpu.memory_space<hbm>>
    %dma_start3A_411 = tpu.memref_squeeze %dma_start3A_410 : memref<1x4x1024xf32, #tpu.memory_space<hbm>> -> memref<4x1024xf32, #tpu.memory_space<hbm>>
    %dma_start3A_412 = arith.constant 20 : i32
    %dma_start3A_413 = arith.constant 0 : i32
    %dma_start3A_414 = tpu.memref_slice %arg7[%dma_start3A_412, %dma_start3A_413] : memref<56x1024xf32, #tpu.memory_space<vmem>> -> memref<4x1024xf32, #tpu.memory_space<vmem>>
    tpu.enqueue_dma source(%dma_start3A_414 : memref<4x1024xf32, #tpu.memory_space<vmem>>) target(%dma_start3A_411 : memref<4x1024xf32, #tpu.memory_space<hbm>>) target_semaphore(%arg11 : memref<!tpu.dma_semaphore, #tpu.memory_space<semaphore_mem>>)
    %add3A_415 = arith.constant 14 : i32
    %add3A_416 = arith.addi %mul3A_20, %add3A_415 : i32
    %add3A_417 = arith.constant 6 : i32
    %add3A_418 = arith.addi %add3A_416, %add3A_417 : i32
    %dma_start3A_419 = arith.constant 24 : i32
    %dma_start3A_420 = arith.constant 0 : i32
    %dma_start3A_421 = tpu.memref_slice %arg7[%dma_start3A_419, %dma_start3A_420] : memref<56x1024xf32, #tpu.memory_space<vmem>> -> memref<4x1024xf32, #tpu.memory_space<vmem>>
    %dma_start3A_422 = arith.constant 0 : i32
    %dma_start3A_423 = arith.constant 0 : i32
    %dma_start3A_424 = tpu.memref_slice %arg4[%add3A_418, %dma_start3A_422, %dma_start3A_423] : memref<1638x4x1024xf32, #tpu.memory_space<hbm>> -> memref<1x4x1024xf32, #tpu.memory_space<hbm>>
    %dma_start3A_425 = tpu.memref_squeeze %dma_start3A_424 : memref<1x4x1024xf32, #tpu.memory_space<hbm>> -> memref<4x1024xf32, #tpu.memory_space<hbm>>
    %dma_start3A_426 = arith.constant 0 : i32
    %dma_start3A_427 = arith.constant 0 : i32
    %dma_start3A_428 = tpu.memref_slice %arg4[%add3A_418, %dma_start3A_426, %dma_start3A_427] : memref<1638x4x1024xf32, #tpu.memory_space<hbm>> -> memref<1x4x1024xf32, #tpu.memory_space<hbm>>
    %dma_start3A_429 = tpu.memref_squeeze %dma_start3A_428 : memref<1x4x1024xf32, #tpu.memory_space<hbm>> -> memref<4x1024xf32, #tpu.memory_space<hbm>>
    %dma_start3A_430 = arith.constant 24 : i32
    %dma_start3A_431 = arith.constant 0 : i32
    %dma_start3A_432 = tpu.memref_slice %arg7[%dma_start3A_430, %dma_start3A_431] : memref<56x1024xf32, #tpu.memory_space<vmem>> -> memref<4x1024xf32, #tpu.memory_space<vmem>>
    tpu.enqueue_dma source(%dma_start3A_432 : memref<4x1024xf32, #tpu.memory_space<vmem>>) target(%dma_start3A_429 : memref<4x1024xf32, #tpu.memory_space<hbm>>) target_semaphore(%arg11 : memref<!tpu.dma_semaphore, #tpu.memory_space<semaphore_mem>>)
    %add3A_433 = arith.constant 14 : i32
    %add3A_434 = arith.addi %mul3A_20, %add3A_433 : i32
    %add3A_435 = arith.constant 7 : i32
    %add3A_436 = arith.addi %add3A_434, %add3A_435 : i32
    %dma_start3A_437 = arith.constant 28 : i32
    %dma_start3A_438 = arith.constant 0 : i32
    %dma_start3A_439 = tpu.memref_slice %arg7[%dma_start3A_437, %dma_start3A_438] : memref<56x1024xf32, #tpu.memory_space<vmem>> -> memref<4x1024xf32, #tpu.memory_space<vmem>>
    %dma_start3A_440 = arith.constant 0 : i32
    %dma_start3A_441 = arith.constant 0 : i32
    %dma_start3A_442 = tpu.memref_slice %arg4[%add3A_436, %dma_start3A_440, %dma_start3A_441] : memref<1638x4x1024xf32, #tpu.memory_space<hbm>> -> memref<1x4x1024xf32, #tpu.memory_space<hbm>>
    %dma_start3A_443 = tpu.memref_squeeze %dma_start3A_442 : memref<1x4x1024xf32, #tpu.memory_space<hbm>> -> memref<4x1024xf32, #tpu.memory_space<hbm>>
    %dma_start3A_444 = arith.constant 0 : i32
    %dma_start3A_445 = arith.constant 0 : i32
    %dma_start3A_446 = tpu.memref_slice %arg4[%add3A_436, %dma_start3A_444, %dma_start3A_445] : memref<1638x4x1024xf32, #tpu.memory_space<hbm>> -> memref<1x4x1024xf32, #tpu.memory_space<hbm>>
    %dma_start3A_447 = tpu.memref_squeeze %dma_start3A_446 : memref<1x4x1024xf32, #tpu.memory_space<hbm>> -> memref<4x1024xf32, #tpu.memory_space<hbm>>
    %dma_start3A_448 = arith.constant 28 : i32
    %dma_start3A_449 = arith.constant 0 : i32
    %dma_start3A_450 = tpu.memref_slice %arg7[%dma_start3A_448, %dma_start3A_449] : memref<56x1024xf32, #tpu.memory_space<vmem>> -> memref<4x1024xf32, #tpu.memory_space<vmem>>
    tpu.enqueue_dma source(%dma_start3A_450 : memref<4x1024xf32, #tpu.memory_space<vmem>>) target(%dma_start3A_447 : memref<4x1024xf32, #tpu.memory_space<hbm>>) target_semaphore(%arg11 : memref<!tpu.dma_semaphore, #tpu.memory_space<semaphore_mem>>)
    %add3A_451 = arith.constant 14 : i32
    %add3A_452 = arith.addi %mul3A_20, %add3A_451 : i32
    %add3A_453 = arith.constant 8 : i32
    %add3A_454 = arith.addi %add3A_452, %add3A_453 : i32
    %dma_start3A_455 = arith.constant 32 : i32
    %dma_start3A_456 = arith.constant 0 : i32
    %dma_start3A_457 = tpu.memref_slice %arg7[%dma_start3A_455, %dma_start3A_456] : memref<56x1024xf32, #tpu.memory_space<vmem>> -> memref<4x1024xf32, #tpu.memory_space<vmem>>
    %dma_start3A_458 = arith.constant 0 : i32
    %dma_start3A_459 = arith.constant 0 : i32
    %dma_start3A_460 = tpu.memref_slice %arg4[%add3A_454, %dma_start3A_458, %dma_start3A_459] : memref<1638x4x1024xf32, #tpu.memory_space<hbm>> -> memref<1x4x1024xf32, #tpu.memory_space<hbm>>
    %dma_start3A_461 = tpu.memref_squeeze %dma_start3A_460 : memref<1x4x1024xf32, #tpu.memory_space<hbm>> -> memref<4x1024xf32, #tpu.memory_space<hbm>>
    %dma_start3A_462 = arith.constant 0 : i32
    %dma_start3A_463 = arith.constant 0 : i32
    %dma_start3A_464 = tpu.memref_slice %arg4[%add3A_454, %dma_start3A_462, %dma_start3A_463] : memref<1638x4x1024xf32, #tpu.memory_space<hbm>> -> memref<1x4x1024xf32, #tpu.memory_space<hbm>>
    %dma_start3A_465 = tpu.memref_squeeze %dma_start3A_464 : memref<1x4x1024xf32, #tpu.memory_space<hbm>> -> memref<4x1024xf32, #tpu.memory_space<hbm>>
    %dma_start3A_466 = arith.constant 32 : i32
    %dma_start3A_467 = arith.constant 0 : i32
    %dma_start3A_468 = tpu.memref_slice %arg7[%dma_start3A_466, %dma_start3A_467] : memref<56x1024xf32, #tpu.memory_space<vmem>> -> memref<4x1024xf32, #tpu.memory_space<vmem>>
    tpu.enqueue_dma source(%dma_start3A_468 : memref<4x1024xf32, #tpu.memory_space<vmem>>) target(%dma_start3A_465 : memref<4x1024xf32, #tpu.memory_space<hbm>>) target_semaphore(%arg11 : memref<!tpu.dma_semaphore, #tpu.memory_space<semaphore_mem>>)
    %add3A_469 = arith.constant 14 : i32
    %add3A_470 = arith.addi %mul3A_20, %add3A_469 : i32
    %add3A_471 = arith.constant 9 : i32
    %add3A_472 = arith.addi %add3A_470, %add3A_471 : i32
    %dma_start3A_473 = arith.constant 36 : i32
    %dma_start3A_474 = arith.constant 0 : i32
    %dma_start3A_475 = tpu.memref_slice %arg7[%dma_start3A_473, %dma_start3A_474] : memref<56x1024xf32, #tpu.memory_space<vmem>> -> memref<4x1024xf32, #tpu.memory_space<vmem>>
    %dma_start3A_476 = arith.constant 0 : i32
    %dma_start3A_477 = arith.constant 0 : i32
    %dma_start3A_478 = tpu.memref_slice %arg4[%add3A_472, %dma_start3A_476, %dma_start3A_477] : memref<1638x4x1024xf32, #tpu.memory_space<hbm>> -> memref<1x4x1024xf32, #tpu.memory_space<hbm>>
    %dma_start3A_479 = tpu.memref_squeeze %dma_start3A_478 : memref<1x4x1024xf32, #tpu.memory_space<hbm>> -> memref<4x1024xf32, #tpu.memory_space<hbm>>
    %dma_start3A_480 = arith.constant 0 : i32
    %dma_start3A_481 = arith.constant 0 : i32
    %dma_start3A_482 = tpu.memref_slice %arg4[%add3A_472, %dma_start3A_480, %dma_start3A_481] : memref<1638x4x1024xf32, #tpu.memory_space<hbm>> -> memref<1x4x1024xf32, #tpu.memory_space<hbm>>
    %dma_start3A_483 = tpu.memref_squeeze %dma_start3A_482 : memref<1x4x1024xf32, #tpu.memory_space<hbm>> -> memref<4x1024xf32, #tpu.memory_space<hbm>>
    %dma_start3A_484 = arith.constant 36 : i32
    %dma_start3A_485 = arith.constant 0 : i32
    %dma_start3A_486 = tpu.memref_slice %arg7[%dma_start3A_484, %dma_start3A_485] : memref<56x1024xf32, #tpu.memory_space<vmem>> -> memref<4x1024xf32, #tpu.memory_space<vmem>>
    tpu.enqueue_dma source(%dma_start3A_486 : memref<4x1024xf32, #tpu.memory_space<vmem>>) target(%dma_start3A_483 : memref<4x1024xf32, #tpu.memory_space<hbm>>) target_semaphore(%arg11 : memref<!tpu.dma_semaphore, #tpu.memory_space<semaphore_mem>>)
    %add3A_487 = arith.constant 14 : i32
    %add3A_488 = arith.addi %mul3A_20, %add3A_487 : i32
    %add3A_489 = arith.constant 10 : i32
    %add3A_490 = arith.addi %add3A_488, %add3A_489 : i32
    %dma_start3A_491 = arith.constant 40 : i32
    %dma_start3A_492 = arith.constant 0 : i32
    %dma_start3A_493 = tpu.memref_slice %arg7[%dma_start3A_491, %dma_start3A_492] : memref<56x1024xf32, #tpu.memory_space<vmem>> -> memref<4x1024xf32, #tpu.memory_space<vmem>>
    %dma_start3A_494 = arith.constant 0 : i32
    %dma_start3A_495 = arith.constant 0 : i32
    %dma_start3A_496 = tpu.memref_slice %arg4[%add3A_490, %dma_start3A_494, %dma_start3A_495] : memref<1638x4x1024xf32, #tpu.memory_space<hbm>> -> memref<1x4x1024xf32, #tpu.memory_space<hbm>>
    %dma_start3A_497 = tpu.memref_squeeze %dma_start3A_496 : memref<1x4x1024xf32, #tpu.memory_space<hbm>> -> memref<4x1024xf32, #tpu.memory_space<hbm>>
    %dma_start3A_498 = arith.constant 0 : i32
    %dma_start3A_499 = arith.constant 0 : i32
    %dma_start3A_500 = tpu.memref_slice %arg4[%add3A_490, %dma_start3A_498, %dma_start3A_499] : memref<1638x4x1024xf32, #tpu.memory_space<hbm>> -> memref<1x4x1024xf32, #tpu.memory_space<hbm>>
    %dma_start3A_501 = tpu.memref_squeeze %dma_start3A_500 : memref<1x4x1024xf32, #tpu.memory_space<hbm>> -> memref<4x1024xf32, #tpu.memory_space<hbm>>
    %dma_start3A_502 = arith.constant 40 : i32
    %dma_start3A_503 = arith.constant 0 : i32
    %dma_start3A_504 = tpu.memref_slice %arg7[%dma_start3A_502, %dma_start3A_503] : memref<56x1024xf32, #tpu.memory_space<vmem>> -> memref<4x1024xf32, #tpu.memory_space<vmem>>
    tpu.enqueue_dma source(%dma_start3A_504 : memref<4x1024xf32, #tpu.memory_space<vmem>>) target(%dma_start3A_501 : memref<4x1024xf32, #tpu.memory_space<hbm>>) target_semaphore(%arg11 : memref<!tpu.dma_semaphore, #tpu.memory_space<semaphore_mem>>)
    %add3A_505 = arith.constant 14 : i32
    %add3A_506 = arith.addi %mul3A_20, %add3A_505 : i32
    %add3A_507 = arith.constant 11 : i32
    %add3A_508 = arith.addi %add3A_506, %add3A_507 : i32
    %dma_start3A_509 = arith.constant 44 : i32
    %dma_start3A_510 = arith.constant 0 : i32
    %dma_start3A_511 = tpu.memref_slice %arg7[%dma_start3A_509, %dma_start3A_510] : memref<56x1024xf32, #tpu.memory_space<vmem>> -> memref<4x1024xf32, #tpu.memory_space<vmem>>
    %dma_start3A_512 = arith.constant 0 : i32
    %dma_start3A_513 = arith.constant 0 : i32
    %dma_start3A_514 = tpu.memref_slice %arg4[%add3A_508, %dma_start3A_512, %dma_start3A_513] : memref<1638x4x1024xf32, #tpu.memory_space<hbm>> -> memref<1x4x1024xf32, #tpu.memory_space<hbm>>
    %dma_start3A_515 = tpu.memref_squeeze %dma_start3A_514 : memref<1x4x1024xf32, #tpu.memory_space<hbm>> -> memref<4x1024xf32, #tpu.memory_space<hbm>>
    %dma_start3A_516 = arith.constant 0 : i32
    %dma_start3A_517 = arith.constant 0 : i32
    %dma_start3A_518 = tpu.memref_slice %arg4[%add3A_508, %dma_start3A_516, %dma_start3A_517] : memref<1638x4x1024xf32, #tpu.memory_space<hbm>> -> memref<1x4x1024xf32, #tpu.memory_space<hbm>>
    %dma_start3A_519 = tpu.memref_squeeze %dma_start3A_518 : memref<1x4x1024xf32, #tpu.memory_space<hbm>> -> memref<4x1024xf32, #tpu.memory_space<hbm>>
    %dma_start3A_520 = arith.constant 44 : i32
    %dma_start3A_521 = arith.constant 0 : i32
    %dma_start3A_522 = tpu.memref_slice %arg7[%dma_start3A_520, %dma_start3A_521] : memref<56x1024xf32, #tpu.memory_space<vmem>> -> memref<4x1024xf32, #tpu.memory_space<vmem>>
    tpu.enqueue_dma source(%dma_start3A_522 : memref<4x1024xf32, #tpu.memory_space<vmem>>) target(%dma_start3A_519 : memref<4x1024xf32, #tpu.memory_space<hbm>>) target_semaphore(%arg11 : memref<!tpu.dma_semaphore, #tpu.memory_space<semaphore_mem>>)
    %add3A_523 = arith.constant 14 : i32
    %add3A_524 = arith.addi %mul3A_20, %add3A_523 : i32
    %add3A_525 = arith.constant 12 : i32
    %add3A_526 = arith.addi %add3A_524, %add3A_525 : i32
    %dma_start3A_527 = arith.constant 48 : i32
    %dma_start3A_528 = arith.constant 0 : i32
    %dma_start3A_529 = tpu.memref_slice %arg7[%dma_start3A_527, %dma_start3A_528] : memref<56x1024xf32, #tpu.memory_space<vmem>> -> memref<4x1024xf32, #tpu.memory_space<vmem>>
    %dma_start3A_530 = arith.constant 0 : i32
    %dma_start3A_531 = arith.constant 0 : i32
    %dma_start3A_532 = tpu.memref_slice %arg4[%add3A_526, %dma_start3A_530, %dma_start3A_531] : memref<1638x4x1024xf32, #tpu.memory_space<hbm>> -> memref<1x4x1024xf32, #tpu.memory_space<hbm>>
    %dma_start3A_533 = tpu.memref_squeeze %dma_start3A_532 : memref<1x4x1024xf32, #tpu.memory_space<hbm>> -> memref<4x1024xf32, #tpu.memory_space<hbm>>
    %dma_start3A_534 = arith.constant 0 : i32
    %dma_start3A_535 = arith.constant 0 : i32
    %dma_start3A_536 = tpu.memref_slice %arg4[%add3A_526, %dma_start3A_534, %dma_start3A_535] : memref<1638x4x1024xf32, #tpu.memory_space<hbm>> -> memref<1x4x1024xf32, #tpu.memory_space<hbm>>
    %dma_start3A_537 = tpu.memref_squeeze %dma_start3A_536 : memref<1x4x1024xf32, #tpu.memory_space<hbm>> -> memref<4x1024xf32, #tpu.memory_space<hbm>>
    %dma_start3A_538 = arith.constant 48 : i32
    %dma_start3A_539 = arith.constant 0 : i32
    %dma_start3A_540 = tpu.memref_slice %arg7[%dma_start3A_538, %dma_start3A_539] : memref<56x1024xf32, #tpu.memory_space<vmem>> -> memref<4x1024xf32, #tpu.memory_space<vmem>>
    tpu.enqueue_dma source(%dma_start3A_540 : memref<4x1024xf32, #tpu.memory_space<vmem>>) target(%dma_start3A_537 : memref<4x1024xf32, #tpu.memory_space<hbm>>) target_semaphore(%arg11 : memref<!tpu.dma_semaphore, #tpu.memory_space<semaphore_mem>>)
    %add3A_541 = arith.constant 14 : i32
    %add3A_542 = arith.addi %mul3A_20, %add3A_541 : i32
    %add3A_543 = arith.constant 13 : i32
    %add3A_544 = arith.addi %add3A_542, %add3A_543 : i32
    %dma_start3A_545 = arith.constant 52 : i32
    %dma_start3A_546 = arith.constant 0 : i32
    %dma_start3A_547 = tpu.memref_slice %arg7[%dma_start3A_545, %dma_start3A_546] : memref<56x1024xf32, #tpu.memory_space<vmem>> -> memref<4x1024xf32, #tpu.memory_space<vmem>>
    %dma_start3A_548 = arith.constant 0 : i32
    %dma_start3A_549 = arith.constant 0 : i32
    %dma_start3A_550 = tpu.memref_slice %arg4[%add3A_544, %dma_start3A_548, %dma_start3A_549] : memref<1638x4x1024xf32, #tpu.memory_space<hbm>> -> memref<1x4x1024xf32, #tpu.memory_space<hbm>>
    %dma_start3A_551 = tpu.memref_squeeze %dma_start3A_550 : memref<1x4x1024xf32, #tpu.memory_space<hbm>> -> memref<4x1024xf32, #tpu.memory_space<hbm>>
    %dma_start3A_552 = arith.constant 0 : i32
    %dma_start3A_553 = arith.constant 0 : i32
    %dma_start3A_554 = tpu.memref_slice %arg4[%add3A_544, %dma_start3A_552, %dma_start3A_553] : memref<1638x4x1024xf32, #tpu.memory_space<hbm>> -> memref<1x4x1024xf32, #tpu.memory_space<hbm>>
    %dma_start3A_555 = tpu.memref_squeeze %dma_start3A_554 : memref<1x4x1024xf32, #tpu.memory_space<hbm>> -> memref<4x1024xf32, #tpu.memory_space<hbm>>
    %dma_start3A_556 = arith.constant 52 : i32
    %dma_start3A_557 = arith.constant 0 : i32
    %dma_start3A_558 = tpu.memref_slice %arg7[%dma_start3A_556, %dma_start3A_557] : memref<56x1024xf32, #tpu.memory_space<vmem>> -> memref<4x1024xf32, #tpu.memory_space<vmem>>
    tpu.enqueue_dma source(%dma_start3A_558 : memref<4x1024xf32, #tpu.memory_space<vmem>>) target(%dma_start3A_555 : memref<4x1024xf32, #tpu.memory_space<hbm>>) target_semaphore(%arg11 : memref<!tpu.dma_semaphore, #tpu.memory_space<semaphore_mem>>)
    %add3A_559 = arith.constant 0 : i32
    %add3A_560 = arith.addi %mul3A_20, %add3A_559 : i32
    %add3A_561 = arith.constant 0 : i32
    %add3A_562 = arith.addi %add3A_560, %add3A_561 : i32
    %dma_wait3A_563 = arith.constant 0 : i32
    %dma_wait3A_564 = arith.constant 0 : i32
    %dma_wait3A_565 = tpu.memref_slice %arg6[%dma_wait3A_563, %dma_wait3A_564] : memref<56x1024xf32, #tpu.memory_space<vmem>> -> memref<4x1024xf32, #tpu.memory_space<vmem>>
    %dma_wait3A_566 = arith.constant 0 : i32
    %dma_wait3A_567 = arith.constant 0 : i32
    %dma_wait3A_568 = tpu.memref_slice %arg4[%add3A_562, %dma_wait3A_566, %dma_wait3A_567] : memref<1638x4x1024xf32, #tpu.memory_space<hbm>> -> memref<1x4x1024xf32, #tpu.memory_space<hbm>>
    %dma_wait3A_569 = tpu.memref_squeeze %dma_wait3A_568 : memref<1x4x1024xf32, #tpu.memory_space<hbm>> -> memref<4x1024xf32, #tpu.memory_space<hbm>>
    %dma_wait3A_570 = arith.constant 0 : i32
    %dma_wait3A_571 = arith.constant 0 : i32
    %dma_wait3A_572 = tpu.memref_slice %arg4[%add3A_562, %dma_wait3A_570, %dma_wait3A_571] : memref<1638x4x1024xf32, #tpu.memory_space<hbm>> -> memref<1x4x1024xf32, #tpu.memory_space<hbm>>
    %dma_wait3A_573 = tpu.memref_squeeze %dma_wait3A_572 : memref<1x4x1024xf32, #tpu.memory_space<hbm>> -> memref<4x1024xf32, #tpu.memory_space<hbm>>
    %dma_wait3A_574 = arith.constant 0 : i32
    %dma_wait3A_575 = arith.constant 0 : i32
    %dma_wait3A_576 = tpu.memref_slice %arg6[%dma_wait3A_574, %dma_wait3A_575] : memref<56x1024xf32, #tpu.memory_space<vmem>> -> memref<4x1024xf32, #tpu.memory_space<vmem>>
    tpu.wait_dma2 semaphore(%arg10 : memref<!tpu.dma_semaphore, #tpu.memory_space<semaphore_mem>>) src(%dma_wait3A_576 : memref<4x1024xf32, #tpu.memory_space<vmem>>) dst(%dma_wait3A_573 : memref<4x1024xf32, #tpu.memory_space<hbm>>)
    %add3A_577 = arith.constant 0 : i32
    %add3A_578 = arith.addi %mul3A_20, %add3A_577 : i32
    %add3A_579 = arith.constant 1 : i32
    %add3A_580 = arith.addi %add3A_578, %add3A_579 : i32
    %dma_wait3A_581 = arith.constant 4 : i32
    %dma_wait3A_582 = arith.constant 0 : i32
    %dma_wait3A_583 = tpu.memref_slice %arg6[%dma_wait3A_581, %dma_wait3A_582] : memref<56x1024xf32, #tpu.memory_space<vmem>> -> memref<4x1024xf32, #tpu.memory_space<vmem>>
    %dma_wait3A_584 = arith.constant 0 : i32
    %dma_wait3A_585 = arith.constant 0 : i32
    %dma_wait3A_586 = tpu.memref_slice %arg4[%add3A_580, %dma_wait3A_584, %dma_wait3A_585] : memref<1638x4x1024xf32, #tpu.memory_space<hbm>> -> memref<1x4x1024xf32, #tpu.memory_space<hbm>>
    %dma_wait3A_587 = tpu.memref_squeeze %dma_wait3A_586 : memref<1x4x1024xf32, #tpu.memory_space<hbm>> -> memref<4x1024xf32, #tpu.memory_space<hbm>>
    %dma_wait3A_588 = arith.constant 0 : i32
    %dma_wait3A_589 = arith.constant 0 : i32
    %dma_wait3A_590 = tpu.memref_slice %arg4[%add3A_580, %dma_wait3A_588, %dma_wait3A_589] : memref<1638x4x1024xf32, #tpu.memory_space<hbm>> -> memref<1x4x1024xf32, #tpu.memory_space<hbm>>
    %dma_wait3A_591 = tpu.memref_squeeze %dma_wait3A_590 : memref<1x4x1024xf32, #tpu.memory_space<hbm>> -> memref<4x1024xf32, #tpu.memory_space<hbm>>
    %dma_wait3A_592 = arith.constant 4 : i32
    %dma_wait3A_593 = arith.constant 0 : i32
    %dma_wait3A_594 = tpu.memref_slice %arg6[%dma_wait3A_592, %dma_wait3A_593] : memref<56x1024xf32, #tpu.memory_space<vmem>> -> memref<4x1024xf32, #tpu.memory_space<vmem>>
    tpu.wait_dma2 semaphore(%arg10 : memref<!tpu.dma_semaphore, #tpu.memory_space<semaphore_mem>>) src(%dma_wait3A_594 : memref<4x1024xf32, #tpu.memory_space<vmem>>) dst(%dma_wait3A_591 : memref<4x1024xf32, #tpu.memory_space<hbm>>)
    %add3A_595 = arith.constant 0 : i32
    %add3A_596 = arith.addi %mul3A_20, %add3A_595 : i32
    %add3A_597 = arith.constant 2 : i32
    %add3A_598 = arith.addi %add3A_596, %add3A_597 : i32
    %dma_wait3A_599 = arith.constant 8 : i32
    %dma_wait3A_600 = arith.constant 0 : i32
    %dma_wait3A_601 = tpu.memref_slice %arg6[%dma_wait3A_599, %dma_wait3A_600] : memref<56x1024xf32, #tpu.memory_space<vmem>> -> memref<4x1024xf32, #tpu.memory_space<vmem>>
    %dma_wait3A_602 = arith.constant 0 : i32
    %dma_wait3A_603 = arith.constant 0 : i32
    %dma_wait3A_604 = tpu.memref_slice %arg4[%add3A_598, %dma_wait3A_602, %dma_wait3A_603] : memref<1638x4x1024xf32, #tpu.memory_space<hbm>> -> memref<1x4x1024xf32, #tpu.memory_space<hbm>>
    %dma_wait3A_605 = tpu.memref_squeeze %dma_wait3A_604 : memref<1x4x1024xf32, #tpu.memory_space<hbm>> -> memref<4x1024xf32, #tpu.memory_space<hbm>>
    %dma_wait3A_606 = arith.constant 0 : i32
    %dma_wait3A_607 = arith.constant 0 : i32
    %dma_wait3A_608 = tpu.memref_slice %arg4[%add3A_598, %dma_wait3A_606, %dma_wait3A_607] : memref<1638x4x1024xf32, #tpu.memory_space<hbm>> -> memref<1x4x1024xf32, #tpu.memory_space<hbm>>
    %dma_wait3A_609 = tpu.memref_squeeze %dma_wait3A_608 : memref<1x4x1024xf32, #tpu.memory_space<hbm>> -> memref<4x1024xf32, #tpu.memory_space<hbm>>
    %dma_wait3A_610 = arith.constant 8 : i32
    %dma_wait3A_611 = arith.constant 0 : i32
    %dma_wait3A_612 = tpu.memref_slice %arg6[%dma_wait3A_610, %dma_wait3A_611] : memref<56x1024xf32, #tpu.memory_space<vmem>> -> memref<4x1024xf32, #tpu.memory_space<vmem>>
    tpu.wait_dma2 semaphore(%arg10 : memref<!tpu.dma_semaphore, #tpu.memory_space<semaphore_mem>>) src(%dma_wait3A_612 : memref<4x1024xf32, #tpu.memory_space<vmem>>) dst(%dma_wait3A_609 : memref<4x1024xf32, #tpu.memory_space<hbm>>)
    %add3A_613 = arith.constant 0 : i32
    %add3A_614 = arith.addi %mul3A_20, %add3A_613 : i32
    %add3A_615 = arith.constant 3 : i32
    %add3A_616 = arith.addi %add3A_614, %add3A_615 : i32
    %dma_wait3A_617 = arith.constant 12 : i32
    %dma_wait3A_618 = arith.constant 0 : i32
    %dma_wait3A_619 = tpu.memref_slice %arg6[%dma_wait3A_617, %dma_wait3A_618] : memref<56x1024xf32, #tpu.memory_space<vmem>> -> memref<4x1024xf32, #tpu.memory_space<vmem>>
    %dma_wait3A_620 = arith.constant 0 : i32
    %dma_wait3A_621 = arith.constant 0 : i32
    %dma_wait3A_622 = tpu.memref_slice %arg4[%add3A_616, %dma_wait3A_620, %dma_wait3A_621] : memref<1638x4x1024xf32, #tpu.memory_space<hbm>> -> memref<1x4x1024xf32, #tpu.memory_space<hbm>>
    %dma_wait3A_623 = tpu.memref_squeeze %dma_wait3A_622 : memref<1x4x1024xf32, #tpu.memory_space<hbm>> -> memref<4x1024xf32, #tpu.memory_space<hbm>>
    %dma_wait3A_624 = arith.constant 0 : i32
    %dma_wait3A_625 = arith.constant 0 : i32
    %dma_wait3A_626 = tpu.memref_slice %arg4[%add3A_616, %dma_wait3A_624, %dma_wait3A_625] : memref<1638x4x1024xf32, #tpu.memory_space<hbm>> -> memref<1x4x1024xf32, #tpu.memory_space<hbm>>
    %dma_wait3A_627 = tpu.memref_squeeze %dma_wait3A_626 : memref<1x4x1024xf32, #tpu.memory_space<hbm>> -> memref<4x1024xf32, #tpu.memory_space<hbm>>
    %dma_wait3A_628 = arith.constant 12 : i32
    %dma_wait3A_629 = arith.constant 0 : i32
    %dma_wait3A_630 = tpu.memref_slice %arg6[%dma_wait3A_628, %dma_wait3A_629] : memref<56x1024xf32, #tpu.memory_space<vmem>> -> memref<4x1024xf32, #tpu.memory_space<vmem>>
    tpu.wait_dma2 semaphore(%arg10 : memref<!tpu.dma_semaphore, #tpu.memory_space<semaphore_mem>>) src(%dma_wait3A_630 : memref<4x1024xf32, #tpu.memory_space<vmem>>) dst(%dma_wait3A_627 : memref<4x1024xf32, #tpu.memory_space<hbm>>)
    %add3A_631 = arith.constant 0 : i32
    %add3A_632 = arith.addi %mul3A_20, %add3A_631 : i32
    %add3A_633 = arith.constant 4 : i32
    %add3A_634 = arith.addi %add3A_632, %add3A_633 : i32
    %dma_wait3A_635 = arith.constant 16 : i32
    %dma_wait3A_636 = arith.constant 0 : i32
    %dma_wait3A_637 = tpu.memref_slice %arg6[%dma_wait3A_635, %dma_wait3A_636] : memref<56x1024xf32, #tpu.memory_space<vmem>> -> memref<4x1024xf32, #tpu.memory_space<vmem>>
    %dma_wait3A_638 = arith.constant 0 : i32
    %dma_wait3A_639 = arith.constant 0 : i32
    %dma_wait3A_640 = tpu.memref_slice %arg4[%add3A_634, %dma_wait3A_638, %dma_wait3A_639] : memref<1638x4x1024xf32, #tpu.memory_space<hbm>> -> memref<1x4x1024xf32, #tpu.memory_space<hbm>>
    %dma_wait3A_641 = tpu.memref_squeeze %dma_wait3A_640 : memref<1x4x1024xf32, #tpu.memory_space<hbm>> -> memref<4x1024xf32, #tpu.memory_space<hbm>>
    %dma_wait3A_642 = arith.constant 0 : i32
    %dma_wait3A_643 = arith.constant 0 : i32
    %dma_wait3A_644 = tpu.memref_slice %arg4[%add3A_634, %dma_wait3A_642, %dma_wait3A_643] : memref<1638x4x1024xf32, #tpu.memory_space<hbm>> -> memref<1x4x1024xf32, #tpu.memory_space<hbm>>
    %dma_wait3A_645 = tpu.memref_squeeze %dma_wait3A_644 : memref<1x4x1024xf32, #tpu.memory_space<hbm>> -> memref<4x1024xf32, #tpu.memory_space<hbm>>
    %dma_wait3A_646 = arith.constant 16 : i32
    %dma_wait3A_647 = arith.constant 0 : i32
    %dma_wait3A_648 = tpu.memref_slice %arg6[%dma_wait3A_646, %dma_wait3A_647] : memref<56x1024xf32, #tpu.memory_space<vmem>> -> memref<4x1024xf32, #tpu.memory_space<vmem>>
    tpu.wait_dma2 semaphore(%arg10 : memref<!tpu.dma_semaphore, #tpu.memory_space<semaphore_mem>>) src(%dma_wait3A_648 : memref<4x1024xf32, #tpu.memory_space<vmem>>) dst(%dma_wait3A_645 : memref<4x1024xf32, #tpu.memory_space<hbm>>)
    %add3A_649 = arith.constant 0 : i32
    %add3A_650 = arith.addi %mul3A_20, %add3A_649 : i32
    %add3A_651 = arith.constant 5 : i32
    %add3A_652 = arith.addi %add3A_650, %add3A_651 : i32
    %dma_wait3A_653 = arith.constant 20 : i32
    %dma_wait3A_654 = arith.constant 0 : i32
    %dma_wait3A_655 = tpu.memref_slice %arg6[%dma_wait3A_653, %dma_wait3A_654] : memref<56x1024xf32, #tpu.memory_space<vmem>> -> memref<4x1024xf32, #tpu.memory_space<vmem>>
    %dma_wait3A_656 = arith.constant 0 : i32
    %dma_wait3A_657 = arith.constant 0 : i32
    %dma_wait3A_658 = tpu.memref_slice %arg4[%add3A_652, %dma_wait3A_656, %dma_wait3A_657] : memref<1638x4x1024xf32, #tpu.memory_space<hbm>> -> memref<1x4x1024xf32, #tpu.memory_space<hbm>>
    %dma_wait3A_659 = tpu.memref_squeeze %dma_wait3A_658 : memref<1x4x1024xf32, #tpu.memory_space<hbm>> -> memref<4x1024xf32, #tpu.memory_space<hbm>>
    %dma_wait3A_660 = arith.constant 0 : i32
    %dma_wait3A_661 = arith.constant 0 : i32
    %dma_wait3A_662 = tpu.memref_slice %arg4[%add3A_652, %dma_wait3A_660, %dma_wait3A_661] : memref<1638x4x1024xf32, #tpu.memory_space<hbm>> -> memref<1x4x1024xf32, #tpu.memory_space<hbm>>
    %dma_wait3A_663 = tpu.memref_squeeze %dma_wait3A_662 : memref<1x4x1024xf32, #tpu.memory_space<hbm>> -> memref<4x1024xf32, #tpu.memory_space<hbm>>
    %dma_wait3A_664 = arith.constant 20 : i32
    %dma_wait3A_665 = arith.constant 0 : i32
    %dma_wait3A_666 = tpu.memref_slice %arg6[%dma_wait3A_664, %dma_wait3A_665] : memref<56x1024xf32, #tpu.memory_space<vmem>> -> memref<4x1024xf32, #tpu.memory_space<vmem>>
    tpu.wait_dma2 semaphore(%arg10 : memref<!tpu.dma_semaphore, #tpu.memory_space<semaphore_mem>>) src(%dma_wait3A_666 : memref<4x1024xf32, #tpu.memory_space<vmem>>) dst(%dma_wait3A_663 : memref<4x1024xf32, #tpu.memory_space<hbm>>)
    %add3A_667 = arith.constant 0 : i32
    %add3A_668 = arith.addi %mul3A_20, %add3A_667 : i32
    %add3A_669 = arith.constant 6 : i32
    %add3A_670 = arith.addi %add3A_668, %add3A_669 : i32
    %dma_wait3A_671 = arith.constant 24 : i32
    %dma_wait3A_672 = arith.constant 0 : i32
    %dma_wait3A_673 = tpu.memref_slice %arg6[%dma_wait3A_671, %dma_wait3A_672] : memref<56x1024xf32, #tpu.memory_space<vmem>> -> memref<4x1024xf32, #tpu.memory_space<vmem>>
    %dma_wait3A_674 = arith.constant 0 : i32
    %dma_wait3A_675 = arith.constant 0 : i32
    %dma_wait3A_676 = tpu.memref_slice %arg4[%add3A_670, %dma_wait3A_674, %dma_wait3A_675] : memref<1638x4x1024xf32, #tpu.memory_space<hbm>> -> memref<1x4x1024xf32, #tpu.memory_space<hbm>>
    %dma_wait3A_677 = tpu.memref_squeeze %dma_wait3A_676 : memref<1x4x1024xf32, #tpu.memory_space<hbm>> -> memref<4x1024xf32, #tpu.memory_space<hbm>>
    %dma_wait3A_678 = arith.constant 0 : i32
    %dma_wait3A_679 = arith.constant 0 : i32
    %dma_wait3A_680 = tpu.memref_slice %arg4[%add3A_670, %dma_wait3A_678, %dma_wait3A_679] : memref<1638x4x1024xf32, #tpu.memory_space<hbm>> -> memref<1x4x1024xf32, #tpu.memory_space<hbm>>
    %dma_wait3A_681 = tpu.memref_squeeze %dma_wait3A_680 : memref<1x4x1024xf32, #tpu.memory_space<hbm>> -> memref<4x1024xf32, #tpu.memory_space<hbm>>
    %dma_wait3A_682 = arith.constant 24 : i32
    %dma_wait3A_683 = arith.constant 0 : i32
    %dma_wait3A_684 = tpu.memref_slice %arg6[%dma_wait3A_682, %dma_wait3A_683] : memref<56x1024xf32, #tpu.memory_space<vmem>> -> memref<4x1024xf32, #tpu.memory_space<vmem>>
    tpu.wait_dma2 semaphore(%arg10 : memref<!tpu.dma_semaphore, #tpu.memory_space<semaphore_mem>>) src(%dma_wait3A_684 : memref<4x1024xf32, #tpu.memory_space<vmem>>) dst(%dma_wait3A_681 : memref<4x1024xf32, #tpu.memory_space<hbm>>)
    %add3A_685 = arith.constant 0 : i32
    %add3A_686 = arith.addi %mul3A_20, %add3A_685 : i32
    %add3A_687 = arith.constant 7 : i32
    %add3A_688 = arith.addi %add3A_686, %add3A_687 : i32
    %dma_wait3A_689 = arith.constant 28 : i32
    %dma_wait3A_690 = arith.constant 0 : i32
    %dma_wait3A_691 = tpu.memref_slice %arg6[%dma_wait3A_689, %dma_wait3A_690] : memref<56x1024xf32, #tpu.memory_space<vmem>> -> memref<4x1024xf32, #tpu.memory_space<vmem>>
    %dma_wait3A_692 = arith.constant 0 : i32
    %dma_wait3A_693 = arith.constant 0 : i32
    %dma_wait3A_694 = tpu.memref_slice %arg4[%add3A_688, %dma_wait3A_692, %dma_wait3A_693] : memref<1638x4x1024xf32, #tpu.memory_space<hbm>> -> memref<1x4x1024xf32, #tpu.memory_space<hbm>>
    %dma_wait3A_695 = tpu.memref_squeeze %dma_wait3A_694 : memref<1x4x1024xf32, #tpu.memory_space<hbm>> -> memref<4x1024xf32, #tpu.memory_space<hbm>>
    %dma_wait3A_696 = arith.constant 0 : i32
    %dma_wait3A_697 = arith.constant 0 : i32
    %dma_wait3A_698 = tpu.memref_slice %arg4[%add3A_688, %dma_wait3A_696, %dma_wait3A_697] : memref<1638x4x1024xf32, #tpu.memory_space<hbm>> -> memref<1x4x1024xf32, #tpu.memory_space<hbm>>
    %dma_wait3A_699 = tpu.memref_squeeze %dma_wait3A_698 : memref<1x4x1024xf32, #tpu.memory_space<hbm>> -> memref<4x1024xf32, #tpu.memory_space<hbm>>
    %dma_wait3A_700 = arith.constant 28 : i32
    %dma_wait3A_701 = arith.constant 0 : i32
    %dma_wait3A_702 = tpu.memref_slice %arg6[%dma_wait3A_700, %dma_wait3A_701] : memref<56x1024xf32, #tpu.memory_space<vmem>> -> memref<4x1024xf32, #tpu.memory_space<vmem>>
    tpu.wait_dma2 semaphore(%arg10 : memref<!tpu.dma_semaphore, #tpu.memory_space<semaphore_mem>>) src(%dma_wait3A_702 : memref<4x1024xf32, #tpu.memory_space<vmem>>) dst(%dma_wait3A_699 : memref<4x1024xf32, #tpu.memory_space<hbm>>)
    %add3A_703 = arith.constant 0 : i32
    %add3A_704 = arith.addi %mul3A_20, %add3A_703 : i32
    %add3A_705 = arith.constant 8 : i32
    %add3A_706 = arith.addi %add3A_704, %add3A_705 : i32
    %dma_wait3A_707 = arith.constant 32 : i32
    %dma_wait3A_708 = arith.constant 0 : i32
    %dma_wait3A_709 = tpu.memref_slice %arg6[%dma_wait3A_707, %dma_wait3A_708] : memref<56x1024xf32, #tpu.memory_space<vmem>> -> memref<4x1024xf32, #tpu.memory_space<vmem>>
    %dma_wait3A_710 = arith.constant 0 : i32
    %dma_wait3A_711 = arith.constant 0 : i32
    %dma_wait3A_712 = tpu.memref_slice %arg4[%add3A_706, %dma_wait3A_710, %dma_wait3A_711] : memref<1638x4x1024xf32, #tpu.memory_space<hbm>> -> memref<1x4x1024xf32, #tpu.memory_space<hbm>>
    %dma_wait3A_713 = tpu.memref_squeeze %dma_wait3A_712 : memref<1x4x1024xf32, #tpu.memory_space<hbm>> -> memref<4x1024xf32, #tpu.memory_space<hbm>>
    %dma_wait3A_714 = arith.constant 0 : i32
    %dma_wait3A_715 = arith.constant 0 : i32
    %dma_wait3A_716 = tpu.memref_slice %arg4[%add3A_706, %dma_wait3A_714, %dma_wait3A_715] : memref<1638x4x1024xf32, #tpu.memory_space<hbm>> -> memref<1x4x1024xf32, #tpu.memory_space<hbm>>
    %dma_wait3A_717 = tpu.memref_squeeze %dma_wait3A_716 : memref<1x4x1024xf32, #tpu.memory_space<hbm>> -> memref<4x1024xf32, #tpu.memory_space<hbm>>
    %dma_wait3A_718 = arith.constant 32 : i32
    %dma_wait3A_719 = arith.constant 0 : i32
    %dma_wait3A_720 = tpu.memref_slice %arg6[%dma_wait3A_718, %dma_wait3A_719] : memref<56x1024xf32, #tpu.memory_space<vmem>> -> memref<4x1024xf32, #tpu.memory_space<vmem>>
    tpu.wait_dma2 semaphore(%arg10 : memref<!tpu.dma_semaphore, #tpu.memory_space<semaphore_mem>>) src(%dma_wait3A_720 : memref<4x1024xf32, #tpu.memory_space<vmem>>) dst(%dma_wait3A_717 : memref<4x1024xf32, #tpu.memory_space<hbm>>)
    %add3A_721 = arith.constant 0 : i32
    %add3A_722 = arith.addi %mul3A_20, %add3A_721 : i32
    %add3A_723 = arith.constant 9 : i32
    %add3A_724 = arith.addi %add3A_722, %add3A_723 : i32
    %dma_wait3A_725 = arith.constant 36 : i32
    %dma_wait3A_726 = arith.constant 0 : i32
    %dma_wait3A_727 = tpu.memref_slice %arg6[%dma_wait3A_725, %dma_wait3A_726] : memref<56x1024xf32, #tpu.memory_space<vmem>> -> memref<4x1024xf32, #tpu.memory_space<vmem>>
    %dma_wait3A_728 = arith.constant 0 : i32
    %dma_wait3A_729 = arith.constant 0 : i32
    %dma_wait3A_730 = tpu.memref_slice %arg4[%add3A_724, %dma_wait3A_728, %dma_wait3A_729] : memref<1638x4x1024xf32, #tpu.memory_space<hbm>> -> memref<1x4x1024xf32, #tpu.memory_space<hbm>>
    %dma_wait3A_731 = tpu.memref_squeeze %dma_wait3A_730 : memref<1x4x1024xf32, #tpu.memory_space<hbm>> -> memref<4x1024xf32, #tpu.memory_space<hbm>>
    %dma_wait3A_732 = arith.constant 0 : i32
    %dma_wait3A_733 = arith.constant 0 : i32
    %dma_wait3A_734 = tpu.memref_slice %arg4[%add3A_724, %dma_wait3A_732, %dma_wait3A_733] : memref<1638x4x1024xf32, #tpu.memory_space<hbm>> -> memref<1x4x1024xf32, #tpu.memory_space<hbm>>
    %dma_wait3A_735 = tpu.memref_squeeze %dma_wait3A_734 : memref<1x4x1024xf32, #tpu.memory_space<hbm>> -> memref<4x1024xf32, #tpu.memory_space<hbm>>
    %dma_wait3A_736 = arith.constant 36 : i32
    %dma_wait3A_737 = arith.constant 0 : i32
    %dma_wait3A_738 = tpu.memref_slice %arg6[%dma_wait3A_736, %dma_wait3A_737] : memref<56x1024xf32, #tpu.memory_space<vmem>> -> memref<4x1024xf32, #tpu.memory_space<vmem>>
    tpu.wait_dma2 semaphore(%arg10 : memref<!tpu.dma_semaphore, #tpu.memory_space<semaphore_mem>>) src(%dma_wait3A_738 : memref<4x1024xf32, #tpu.memory_space<vmem>>) dst(%dma_wait3A_735 : memref<4x1024xf32, #tpu.memory_space<hbm>>)
    %add3A_739 = arith.constant 0 : i32
    %add3A_740 = arith.addi %mul3A_20, %add3A_739 : i32
    %add3A_741 = arith.constant 10 : i32
    %add3A_742 = arith.addi %add3A_740, %add3A_741 : i32
    %dma_wait3A_743 = arith.constant 40 : i32
    %dma_wait3A_744 = arith.constant 0 : i32
    %dma_wait3A_745 = tpu.memref_slice %arg6[%dma_wait3A_743, %dma_wait3A_744] : memref<56x1024xf32, #tpu.memory_space<vmem>> -> memref<4x1024xf32, #tpu.memory_space<vmem>>
    %dma_wait3A_746 = arith.constant 0 : i32
    %dma_wait3A_747 = arith.constant 0 : i32
    %dma_wait3A_748 = tpu.memref_slice %arg4[%add3A_742, %dma_wait3A_746, %dma_wait3A_747] : memref<1638x4x1024xf32, #tpu.memory_space<hbm>> -> memref<1x4x1024xf32, #tpu.memory_space<hbm>>
    %dma_wait3A_749 = tpu.memref_squeeze %dma_wait3A_748 : memref<1x4x1024xf32, #tpu.memory_space<hbm>> -> memref<4x1024xf32, #tpu.memory_space<hbm>>
    %dma_wait3A_750 = arith.constant 0 : i32
    %dma_wait3A_751 = arith.constant 0 : i32
    %dma_wait3A_752 = tpu.memref_slice %arg4[%add3A_742, %dma_wait3A_750, %dma_wait3A_751] : memref<1638x4x1024xf32, #tpu.memory_space<hbm>> -> memref<1x4x1024xf32, #tpu.memory_space<hbm>>
    %dma_wait3A_753 = tpu.memref_squeeze %dma_wait3A_752 : memref<1x4x1024xf32, #tpu.memory_space<hbm>> -> memref<4x1024xf32, #tpu.memory_space<hbm>>
    %dma_wait3A_754 = arith.constant 40 : i32
    %dma_wait3A_755 = arith.constant 0 : i32
    %dma_wait3A_756 = tpu.memref_slice %arg6[%dma_wait3A_754, %dma_wait3A_755] : memref<56x1024xf32, #tpu.memory_space<vmem>> -> memref<4x1024xf32, #tpu.memory_space<vmem>>
    tpu.wait_dma2 semaphore(%arg10 : memref<!tpu.dma_semaphore, #tpu.memory_space<semaphore_mem>>) src(%dma_wait3A_756 : memref<4x1024xf32, #tpu.memory_space<vmem>>) dst(%dma_wait3A_753 : memref<4x1024xf32, #tpu.memory_space<hbm>>)
    %add3A_757 = arith.constant 0 : i32
    %add3A_758 = arith.addi %mul3A_20, %add3A_757 : i32
    %add3A_759 = arith.constant 11 : i32
    %add3A_760 = arith.addi %add3A_758, %add3A_759 : i32
    %dma_wait3A_761 = arith.constant 44 : i32
    %dma_wait3A_762 = arith.constant 0 : i32
    %dma_wait3A_763 = tpu.memref_slice %arg6[%dma_wait3A_761, %dma_wait3A_762] : memref<56x1024xf32, #tpu.memory_space<vmem>> -> memref<4x1024xf32, #tpu.memory_space<vmem>>
    %dma_wait3A_764 = arith.constant 0 : i32
    %dma_wait3A_765 = arith.constant 0 : i32
    %dma_wait3A_766 = tpu.memref_slice %arg4[%add3A_760, %dma_wait3A_764, %dma_wait3A_765] : memref<1638x4x1024xf32, #tpu.memory_space<hbm>> -> memref<1x4x1024xf32, #tpu.memory_space<hbm>>
    %dma_wait3A_767 = tpu.memref_squeeze %dma_wait3A_766 : memref<1x4x1024xf32, #tpu.memory_space<hbm>> -> memref<4x1024xf32, #tpu.memory_space<hbm>>
    %dma_wait3A_768 = arith.constant 0 : i32
    %dma_wait3A_769 = arith.constant 0 : i32
    %dma_wait3A_770 = tpu.memref_slice %arg4[%add3A_760, %dma_wait3A_768, %dma_wait3A_769] : memref<1638x4x1024xf32, #tpu.memory_space<hbm>> -> memref<1x4x1024xf32, #tpu.memory_space<hbm>>
    %dma_wait3A_771 = tpu.memref_squeeze %dma_wait3A_770 : memref<1x4x1024xf32, #tpu.memory_space<hbm>> -> memref<4x1024xf32, #tpu.memory_space<hbm>>
    %dma_wait3A_772 = arith.constant 44 : i32
    %dma_wait3A_773 = arith.constant 0 : i32
    %dma_wait3A_774 = tpu.memref_slice %arg6[%dma_wait3A_772, %dma_wait3A_773] : memref<56x1024xf32, #tpu.memory_space<vmem>> -> memref<4x1024xf32, #tpu.memory_space<vmem>>
    tpu.wait_dma2 semaphore(%arg10 : memref<!tpu.dma_semaphore, #tpu.memory_space<semaphore_mem>>) src(%dma_wait3A_774 : memref<4x1024xf32, #tpu.memory_space<vmem>>) dst(%dma_wait3A_771 : memref<4x1024xf32, #tpu.memory_space<hbm>>)
    %add3A_775 = arith.constant 0 : i32
    %add3A_776 = arith.addi %mul3A_20, %add3A_775 : i32
    %add3A_777 = arith.constant 12 : i32
    %add3A_778 = arith.addi %add3A_776, %add3A_777 : i32
    %dma_wait3A_779 = arith.constant 48 : i32
    %dma_wait3A_780 = arith.constant 0 : i32
    %dma_wait3A_781 = tpu.memref_slice %arg6[%dma_wait3A_779, %dma_wait3A_780] : memref<56x1024xf32, #tpu.memory_space<vmem>> -> memref<4x1024xf32, #tpu.memory_space<vmem>>
    %dma_wait3A_782 = arith.constant 0 : i32
    %dma_wait3A_783 = arith.constant 0 : i32
    %dma_wait3A_784 = tpu.memref_slice %arg4[%add3A_778, %dma_wait3A_782, %dma_wait3A_783] : memref<1638x4x1024xf32, #tpu.memory_space<hbm>> -> memref<1x4x1024xf32, #tpu.memory_space<hbm>>
    %dma_wait3A_785 = tpu.memref_squeeze %dma_wait3A_784 : memref<1x4x1024xf32, #tpu.memory_space<hbm>> -> memref<4x1024xf32, #tpu.memory_space<hbm>>
    %dma_wait3A_786 = arith.constant 0 : i32
    %dma_wait3A_787 = arith.constant 0 : i32
    %dma_wait3A_788 = tpu.memref_slice %arg4[%add3A_778, %dma_wait3A_786, %dma_wait3A_787] : memref<1638x4x1024xf32, #tpu.memory_space<hbm>> -> memref<1x4x1024xf32, #tpu.memory_space<hbm>>
    %dma_wait3A_789 = tpu.memref_squeeze %dma_wait3A_788 : memref<1x4x1024xf32, #tpu.memory_space<hbm>> -> memref<4x1024xf32, #tpu.memory_space<hbm>>
    %dma_wait3A_790 = arith.constant 48 : i32
    %dma_wait3A_791 = arith.constant 0 : i32
    %dma_wait3A_792 = tpu.memref_slice %arg6[%dma_wait3A_790, %dma_wait3A_791] : memref<56x1024xf32, #tpu.memory_space<vmem>> -> memref<4x1024xf32, #tpu.memory_space<vmem>>
    tpu.wait_dma2 semaphore(%arg10 : memref<!tpu.dma_semaphore, #tpu.memory_space<semaphore_mem>>) src(%dma_wait3A_792 : memref<4x1024xf32, #tpu.memory_space<vmem>>) dst(%dma_wait3A_789 : memref<4x1024xf32, #tpu.memory_space<hbm>>)
    %add3A_793 = arith.constant 0 : i32
    %add3A_794 = arith.addi %mul3A_20, %add3A_793 : i32
    %add3A_795 = arith.constant 13 : i32
    %add3A_796 = arith.addi %add3A_794, %add3A_795 : i32
    %dma_wait3A_797 = arith.constant 52 : i32
    %dma_wait3A_798 = arith.constant 0 : i32
    %dma_wait3A_799 = tpu.memref_slice %arg6[%dma_wait3A_797, %dma_wait3A_798] : memref<56x1024xf32, #tpu.memory_space<vmem>> -> memref<4x1024xf32, #tpu.memory_space<vmem>>
    %dma_wait3A_800 = arith.constant 0 : i32
    %dma_wait3A_801 = arith.constant 0 : i32
    %dma_wait3A_802 = tpu.memref_slice %arg4[%add3A_796, %dma_wait3A_800, %dma_wait3A_801] : memref<1638x4x1024xf32, #tpu.memory_space<hbm>> -> memref<1x4x1024xf32, #tpu.memory_space<hbm>>
    %dma_wait3A_803 = tpu.memref_squeeze %dma_wait3A_802 : memref<1x4x1024xf32, #tpu.memory_space<hbm>> -> memref<4x1024xf32, #tpu.memory_space<hbm>>
    %dma_wait3A_804 = arith.constant 0 : i32
    %dma_wait3A_805 = arith.constant 0 : i32
    %dma_wait3A_806 = tpu.memref_slice %arg4[%add3A_796, %dma_wait3A_804, %dma_wait3A_805] : memref<1638x4x1024xf32, #tpu.memory_space<hbm>> -> memref<1x4x1024xf32, #tpu.memory_space<hbm>>
    %dma_wait3A_807 = tpu.memref_squeeze %dma_wait3A_806 : memref<1x4x1024xf32, #tpu.memory_space<hbm>> -> memref<4x1024xf32, #tpu.memory_space<hbm>>
    %dma_wait3A_808 = arith.constant 52 : i32
    %dma_wait3A_809 = arith.constant 0 : i32
    %dma_wait3A_810 = tpu.memref_slice %arg6[%dma_wait3A_808, %dma_wait3A_809] : memref<56x1024xf32, #tpu.memory_space<vmem>> -> memref<4x1024xf32, #tpu.memory_space<vmem>>
    tpu.wait_dma2 semaphore(%arg10 : memref<!tpu.dma_semaphore, #tpu.memory_space<semaphore_mem>>) src(%dma_wait3A_810 : memref<4x1024xf32, #tpu.memory_space<vmem>>) dst(%dma_wait3A_807 : memref<4x1024xf32, #tpu.memory_space<hbm>>)
    %add3A_811 = arith.constant 28 : i32
    %add3A_812 = arith.addi %mul3A_20, %add3A_811 : i32
    %mul3A_813 = arith.constant 4 : i32
    %mul3A_814 = arith.muli %mul3A_813, %add3A_812 : i32
    %dma_start3A_815 = arith.constant 0 : i32
    %dma_start3A_816 = arith.constant 0 : i32
    %dma_start3A_817 = tpu.memref_slice %arg6[%dma_start3A_815, %dma_start3A_816] : memref<56x1024xf32, #tpu.memory_space<vmem>> -> memref<56x1024xf32, #tpu.memory_space<vmem>>
    %dma_start3A_818 = tpu.memref_slice %arg5[%mul3A_814] : memref<8192xi32, #tpu.memory_space<vmem>> -> memref<56xi32, #tpu.memory_space<vmem>>
    %dma_start3A_819 = arith.constant 0 : i32
    %dma_start3A_820 = arith.constant 0 : i32
    %dma_start3A_821 = tpu.memref_slice %arg2[%dma_start3A_819, %dma_start3A_820] : memref<32768x1024xf32, #tpu.memory_space<hbm>> -> memref<32768x1024xf32, #tpu.memory_space<hbm>>
    tpu.enqueue_indirect_dma source(%dma_start3A_821 : memref<32768x1024xf32, #tpu.memory_space<hbm>>) target(%dma_start3A_817 : memref<56x1024xf32, #tpu.memory_space<vmem>>) offsets(%dma_start3A_818 : memref<56xi32, #tpu.memory_space<vmem>>) semaphore(%arg8 : memref<!tpu.dma_semaphore, #tpu.memory_space<semaphore_mem>>)
    %dma_wait3A_822 = arith.constant 0 : i32
    %dma_wait3A_823 = arith.constant 0 : i32
    %dma_wait3A_824 = tpu.memref_slice %arg6[%dma_wait3A_822, %dma_wait3A_823] : memref<56x1024xf32, #tpu.memory_space<vmem>> -> memref<56x1024xf32, #tpu.memory_space<vmem>>
    %dma_wait3A_825 = tpu.memref_slice %arg5[%mul3A_814] : memref<8192xi32, #tpu.memory_space<vmem>> -> memref<56xi32, #tpu.memory_space<vmem>>
    %dma_wait3A_826 = arith.constant 0 : i32
    %dma_wait3A_827 = arith.constant 0 : i32
    %dma_wait3A_828 = tpu.memref_slice %arg2[%dma_wait3A_826, %dma_wait3A_827] : memref<32768x1024xf32, #tpu.memory_space<hbm>> -> memref<32768x1024xf32, #tpu.memory_space<hbm>>
    tpu.wait_indirect_dma semaphore(%arg8 : memref<!tpu.dma_semaphore, #tpu.memory_space<semaphore_mem>>) src(%dma_wait3A_828 : memref<32768x1024xf32, #tpu.memory_space<hbm>>) dst(%dma_wait3A_824 : memref<56x1024xf32, #tpu.memory_space<vmem>>)
    %add3A_829 = arith.constant 28 : i32
    %add3A_830 = arith.addi %mul3A_20, %add3A_829 : i32
    %add3A_831 = arith.constant 0 : i32
    %add3A_832 = arith.addi %add3A_830, %add3A_831 : i32
    %dma_start3A_833 = arith.constant 0 : i32
    %dma_start3A_834 = arith.constant 0 : i32
    %dma_start3A_835 = tpu.memref_slice %arg6[%dma_start3A_833, %dma_start3A_834] : memref<56x1024xf32, #tpu.memory_space<vmem>> -> memref<4x1024xf32, #tpu.memory_space<vmem>>
    %dma_start3A_836 = arith.constant 0 : i32
    %dma_start3A_837 = arith.constant 0 : i32
    %dma_start3A_838 = tpu.memref_slice %arg4[%add3A_832, %dma_start3A_836, %dma_start3A_837] : memref<1638x4x1024xf32, #tpu.memory_space<hbm>> -> memref<1x4x1024xf32, #tpu.memory_space<hbm>>
    %dma_start3A_839 = tpu.memref_squeeze %dma_start3A_838 : memref<1x4x1024xf32, #tpu.memory_space<hbm>> -> memref<4x1024xf32, #tpu.memory_space<hbm>>
    %dma_start3A_840 = arith.constant 0 : i32
    %dma_start3A_841 = arith.constant 0 : i32
    %dma_start3A_842 = tpu.memref_slice %arg4[%add3A_832, %dma_start3A_840, %dma_start3A_841] : memref<1638x4x1024xf32, #tpu.memory_space<hbm>> -> memref<1x4x1024xf32, #tpu.memory_space<hbm>>
    %dma_start3A_843 = tpu.memref_squeeze %dma_start3A_842 : memref<1x4x1024xf32, #tpu.memory_space<hbm>> -> memref<4x1024xf32, #tpu.memory_space<hbm>>
    %dma_start3A_844 = arith.constant 0 : i32
    %dma_start3A_845 = arith.constant 0 : i32
    %dma_start3A_846 = tpu.memref_slice %arg6[%dma_start3A_844, %dma_start3A_845] : memref<56x1024xf32, #tpu.memory_space<vmem>> -> memref<4x1024xf32, #tpu.memory_space<vmem>>
    tpu.enqueue_dma source(%dma_start3A_846 : memref<4x1024xf32, #tpu.memory_space<vmem>>) target(%dma_start3A_843 : memref<4x1024xf32, #tpu.memory_space<hbm>>) target_semaphore(%arg10 : memref<!tpu.dma_semaphore, #tpu.memory_space<semaphore_mem>>)
    %add3A_847 = arith.constant 28 : i32
    %add3A_848 = arith.addi %mul3A_20, %add3A_847 : i32
    %add3A_849 = arith.constant 1 : i32
    %add3A_850 = arith.addi %add3A_848, %add3A_849 : i32
    %dma_start3A_851 = arith.constant 4 : i32
    %dma_start3A_852 = arith.constant 0 : i32
    %dma_start3A_853 = tpu.memref_slice %arg6[%dma_start3A_851, %dma_start3A_852] : memref<56x1024xf32, #tpu.memory_space<vmem>> -> memref<4x1024xf32, #tpu.memory_space<vmem>>
    %dma_start3A_854 = arith.constant 0 : i32
    %dma_start3A_855 = arith.constant 0 : i32
    %dma_start3A_856 = tpu.memref_slice %arg4[%add3A_850, %dma_start3A_854, %dma_start3A_855] : memref<1638x4x1024xf32, #tpu.memory_space<hbm>> -> memref<1x4x1024xf32, #tpu.memory_space<hbm>>
    %dma_start3A_857 = tpu.memref_squeeze %dma_start3A_856 : memref<1x4x1024xf32, #tpu.memory_space<hbm>> -> memref<4x1024xf32, #tpu.memory_space<hbm>>
    %dma_start3A_858 = arith.constant 0 : i32
    %dma_start3A_859 = arith.constant 0 : i32
    %dma_start3A_860 = tpu.memref_slice %arg4[%add3A_850, %dma_start3A_858, %dma_start3A_859] : memref<1638x4x1024xf32, #tpu.memory_space<hbm>> -> memref<1x4x1024xf32, #tpu.memory_space<hbm>>
    %dma_start3A_861 = tpu.memref_squeeze %dma_start3A_860 : memref<1x4x1024xf32, #tpu.memory_space<hbm>> -> memref<4x1024xf32, #tpu.memory_space<hbm>>
    %dma_start3A_862 = arith.constant 4 : i32
    %dma_start3A_863 = arith.constant 0 : i32
    %dma_start3A_864 = tpu.memref_slice %arg6[%dma_start3A_862, %dma_start3A_863] : memref<56x1024xf32, #tpu.memory_space<vmem>> -> memref<4x1024xf32, #tpu.memory_space<vmem>>
    tpu.enqueue_dma source(%dma_start3A_864 : memref<4x1024xf32, #tpu.memory_space<vmem>>) target(%dma_start3A_861 : memref<4x1024xf32, #tpu.memory_space<hbm>>) target_semaphore(%arg10 : memref<!tpu.dma_semaphore, #tpu.memory_space<semaphore_mem>>)
    %add3A_865 = arith.constant 28 : i32
    %add3A_866 = arith.addi %mul3A_20, %add3A_865 : i32
    %add3A_867 = arith.constant 2 : i32
    %add3A_868 = arith.addi %add3A_866, %add3A_867 : i32
    %dma_start3A_869 = arith.constant 8 : i32
    %dma_start3A_870 = arith.constant 0 : i32
    %dma_start3A_871 = tpu.memref_slice %arg6[%dma_start3A_869, %dma_start3A_870] : memref<56x1024xf32, #tpu.memory_space<vmem>> -> memref<4x1024xf32, #tpu.memory_space<vmem>>
    %dma_start3A_872 = arith.constant 0 : i32
    %dma_start3A_873 = arith.constant 0 : i32
    %dma_start3A_874 = tpu.memref_slice %arg4[%add3A_868, %dma_start3A_872, %dma_start3A_873] : memref<1638x4x1024xf32, #tpu.memory_space<hbm>> -> memref<1x4x1024xf32, #tpu.memory_space<hbm>>
    %dma_start3A_875 = tpu.memref_squeeze %dma_start3A_874 : memref<1x4x1024xf32, #tpu.memory_space<hbm>> -> memref<4x1024xf32, #tpu.memory_space<hbm>>
    %dma_start3A_876 = arith.constant 0 : i32
    %dma_start3A_877 = arith.constant 0 : i32
    %dma_start3A_878 = tpu.memref_slice %arg4[%add3A_868, %dma_start3A_876, %dma_start3A_877] : memref<1638x4x1024xf32, #tpu.memory_space<hbm>> -> memref<1x4x1024xf32, #tpu.memory_space<hbm>>
    %dma_start3A_879 = tpu.memref_squeeze %dma_start3A_878 : memref<1x4x1024xf32, #tpu.memory_space<hbm>> -> memref<4x1024xf32, #tpu.memory_space<hbm>>
    %dma_start3A_880 = arith.constant 8 : i32
    %dma_start3A_881 = arith.constant 0 : i32
    %dma_start3A_882 = tpu.memref_slice %arg6[%dma_start3A_880, %dma_start3A_881] : memref<56x1024xf32, #tpu.memory_space<vmem>> -> memref<4x1024xf32, #tpu.memory_space<vmem>>
    tpu.enqueue_dma source(%dma_start3A_882 : memref<4x1024xf32, #tpu.memory_space<vmem>>) target(%dma_start3A_879 : memref<4x1024xf32, #tpu.memory_space<hbm>>) target_semaphore(%arg10 : memref<!tpu.dma_semaphore, #tpu.memory_space<semaphore_mem>>)
    %add3A_883 = arith.constant 28 : i32
    %add3A_884 = arith.addi %mul3A_20, %add3A_883 : i32
    %add3A_885 = arith.constant 3 : i32
    %add3A_886 = arith.addi %add3A_884, %add3A_885 : i32
    %dma_start3A_887 = arith.constant 12 : i32
    %dma_start3A_888 = arith.constant 0 : i32
    %dma_start3A_889 = tpu.memref_slice %arg6[%dma_start3A_887, %dma_start3A_888] : memref<56x1024xf32, #tpu.memory_space<vmem>> -> memref<4x1024xf32, #tpu.memory_space<vmem>>
    %dma_start3A_890 = arith.constant 0 : i32
    %dma_start3A_891 = arith.constant 0 : i32
    %dma_start3A_892 = tpu.memref_slice %arg4[%add3A_886, %dma_start3A_890, %dma_start3A_891] : memref<1638x4x1024xf32, #tpu.memory_space<hbm>> -> memref<1x4x1024xf32, #tpu.memory_space<hbm>>
    %dma_start3A_893 = tpu.memref_squeeze %dma_start3A_892 : memref<1x4x1024xf32, #tpu.memory_space<hbm>> -> memref<4x1024xf32, #tpu.memory_space<hbm>>
    %dma_start3A_894 = arith.constant 0 : i32
    %dma_start3A_895 = arith.constant 0 : i32
    %dma_start3A_896 = tpu.memref_slice %arg4[%add3A_886, %dma_start3A_894, %dma_start3A_895] : memref<1638x4x1024xf32, #tpu.memory_space<hbm>> -> memref<1x4x1024xf32, #tpu.memory_space<hbm>>
    %dma_start3A_897 = tpu.memref_squeeze %dma_start3A_896 : memref<1x4x1024xf32, #tpu.memory_space<hbm>> -> memref<4x1024xf32, #tpu.memory_space<hbm>>
    %dma_start3A_898 = arith.constant 12 : i32
    %dma_start3A_899 = arith.constant 0 : i32
    %dma_start3A_900 = tpu.memref_slice %arg6[%dma_start3A_898, %dma_start3A_899] : memref<56x1024xf32, #tpu.memory_space<vmem>> -> memref<4x1024xf32, #tpu.memory_space<vmem>>
    tpu.enqueue_dma source(%dma_start3A_900 : memref<4x1024xf32, #tpu.memory_space<vmem>>) target(%dma_start3A_897 : memref<4x1024xf32, #tpu.memory_space<hbm>>) target_semaphore(%arg10 : memref<!tpu.dma_semaphore, #tpu.memory_space<semaphore_mem>>)
    %add3A_901 = arith.constant 28 : i32
    %add3A_902 = arith.addi %mul3A_20, %add3A_901 : i32
    %add3A_903 = arith.constant 4 : i32
    %add3A_904 = arith.addi %add3A_902, %add3A_903 : i32
    %dma_start3A_905 = arith.constant 16 : i32
    %dma_start3A_906 = arith.constant 0 : i32
    %dma_start3A_907 = tpu.memref_slice %arg6[%dma_start3A_905, %dma_start3A_906] : memref<56x1024xf32, #tpu.memory_space<vmem>> -> memref<4x1024xf32, #tpu.memory_space<vmem>>
    %dma_start3A_908 = arith.constant 0 : i32
    %dma_start3A_909 = arith.constant 0 : i32
    %dma_start3A_910 = tpu.memref_slice %arg4[%add3A_904, %dma_start3A_908, %dma_start3A_909] : memref<1638x4x1024xf32, #tpu.memory_space<hbm>> -> memref<1x4x1024xf32, #tpu.memory_space<hbm>>
    %dma_start3A_911 = tpu.memref_squeeze %dma_start3A_910 : memref<1x4x1024xf32, #tpu.memory_space<hbm>> -> memref<4x1024xf32, #tpu.memory_space<hbm>>
    %dma_start3A_912 = arith.constant 0 : i32
    %dma_start3A_913 = arith.constant 0 : i32
    %dma_start3A_914 = tpu.memref_slice %arg4[%add3A_904, %dma_start3A_912, %dma_start3A_913] : memref<1638x4x1024xf32, #tpu.memory_space<hbm>> -> memref<1x4x1024xf32, #tpu.memory_space<hbm>>
    %dma_start3A_915 = tpu.memref_squeeze %dma_start3A_914 : memref<1x4x1024xf32, #tpu.memory_space<hbm>> -> memref<4x1024xf32, #tpu.memory_space<hbm>>
    %dma_start3A_916 = arith.constant 16 : i32
    %dma_start3A_917 = arith.constant 0 : i32
    %dma_start3A_918 = tpu.memref_slice %arg6[%dma_start3A_916, %dma_start3A_917] : memref<56x1024xf32, #tpu.memory_space<vmem>> -> memref<4x1024xf32, #tpu.memory_space<vmem>>
    tpu.enqueue_dma source(%dma_start3A_918 : memref<4x1024xf32, #tpu.memory_space<vmem>>) target(%dma_start3A_915 : memref<4x1024xf32, #tpu.memory_space<hbm>>) target_semaphore(%arg10 : memref<!tpu.dma_semaphore, #tpu.memory_space<semaphore_mem>>)
    %add3A_919 = arith.constant 28 : i32
    %add3A_920 = arith.addi %mul3A_20, %add3A_919 : i32
    %add3A_921 = arith.constant 5 : i32
    %add3A_922 = arith.addi %add3A_920, %add3A_921 : i32
    %dma_start3A_923 = arith.constant 20 : i32
    %dma_start3A_924 = arith.constant 0 : i32
    %dma_start3A_925 = tpu.memref_slice %arg6[%dma_start3A_923, %dma_start3A_924] : memref<56x1024xf32, #tpu.memory_space<vmem>> -> memref<4x1024xf32, #tpu.memory_space<vmem>>
    %dma_start3A_926 = arith.constant 0 : i32
    %dma_start3A_927 = arith.constant 0 : i32
    %dma_start3A_928 = tpu.memref_slice %arg4[%add3A_922, %dma_start3A_926, %dma_start3A_927] : memref<1638x4x1024xf32, #tpu.memory_space<hbm>> -> memref<1x4x1024xf32, #tpu.memory_space<hbm>>
    %dma_start3A_929 = tpu.memref_squeeze %dma_start3A_928 : memref<1x4x1024xf32, #tpu.memory_space<hbm>> -> memref<4x1024xf32, #tpu.memory_space<hbm>>
    %dma_start3A_930 = arith.constant 0 : i32
    %dma_start3A_931 = arith.constant 0 : i32
    %dma_start3A_932 = tpu.memref_slice %arg4[%add3A_922, %dma_start3A_930, %dma_start3A_931] : memref<1638x4x1024xf32, #tpu.memory_space<hbm>> -> memref<1x4x1024xf32, #tpu.memory_space<hbm>>
    %dma_start3A_933 = tpu.memref_squeeze %dma_start3A_932 : memref<1x4x1024xf32, #tpu.memory_space<hbm>> -> memref<4x1024xf32, #tpu.memory_space<hbm>>
    %dma_start3A_934 = arith.constant 20 : i32
    %dma_start3A_935 = arith.constant 0 : i32
    %dma_start3A_936 = tpu.memref_slice %arg6[%dma_start3A_934, %dma_start3A_935] : memref<56x1024xf32, #tpu.memory_space<vmem>> -> memref<4x1024xf32, #tpu.memory_space<vmem>>
    tpu.enqueue_dma source(%dma_start3A_936 : memref<4x1024xf32, #tpu.memory_space<vmem>>) target(%dma_start3A_933 : memref<4x1024xf32, #tpu.memory_space<hbm>>) target_semaphore(%arg10 : memref<!tpu.dma_semaphore, #tpu.memory_space<semaphore_mem>>)
    %add3A_937 = arith.constant 28 : i32
    %add3A_938 = arith.addi %mul3A_20, %add3A_937 : i32
    %add3A_939 = arith.constant 6 : i32
    %add3A_940 = arith.addi %add3A_938, %add3A_939 : i32
    %dma_start3A_941 = arith.constant 24 : i32
    %dma_start3A_942 = arith.constant 0 : i32
    %dma_start3A_943 = tpu.memref_slice %arg6[%dma_start3A_941, %dma_start3A_942] : memref<56x1024xf32, #tpu.memory_space<vmem>> -> memref<4x1024xf32, #tpu.memory_space<vmem>>
    %dma_start3A_944 = arith.constant 0 : i32
    %dma_start3A_945 = arith.constant 0 : i32
    %dma_start3A_946 = tpu.memref_slice %arg4[%add3A_940, %dma_start3A_944, %dma_start3A_945] : memref<1638x4x1024xf32, #tpu.memory_space<hbm>> -> memref<1x4x1024xf32, #tpu.memory_space<hbm>>
    %dma_start3A_947 = tpu.memref_squeeze %dma_start3A_946 : memref<1x4x1024xf32, #tpu.memory_space<hbm>> -> memref<4x1024xf32, #tpu.memory_space<hbm>>
    %dma_start3A_948 = arith.constant 0 : i32
    %dma_start3A_949 = arith.constant 0 : i32
    %dma_start3A_950 = tpu.memref_slice %arg4[%add3A_940, %dma_start3A_948, %dma_start3A_949] : memref<1638x4x1024xf32, #tpu.memory_space<hbm>> -> memref<1x4x1024xf32, #tpu.memory_space<hbm>>
    %dma_start3A_951 = tpu.memref_squeeze %dma_start3A_950 : memref<1x4x1024xf32, #tpu.memory_space<hbm>> -> memref<4x1024xf32, #tpu.memory_space<hbm>>
    %dma_start3A_952 = arith.constant 24 : i32
    %dma_start3A_953 = arith.constant 0 : i32
    %dma_start3A_954 = tpu.memref_slice %arg6[%dma_start3A_952, %dma_start3A_953] : memref<56x1024xf32, #tpu.memory_space<vmem>> -> memref<4x1024xf32, #tpu.memory_space<vmem>>
    tpu.enqueue_dma source(%dma_start3A_954 : memref<4x1024xf32, #tpu.memory_space<vmem>>) target(%dma_start3A_951 : memref<4x1024xf32, #tpu.memory_space<hbm>>) target_semaphore(%arg10 : memref<!tpu.dma_semaphore, #tpu.memory_space<semaphore_mem>>)
    %add3A_955 = arith.constant 28 : i32
    %add3A_956 = arith.addi %mul3A_20, %add3A_955 : i32
    %add3A_957 = arith.constant 7 : i32
    %add3A_958 = arith.addi %add3A_956, %add3A_957 : i32
    %dma_start3A_959 = arith.constant 28 : i32
    %dma_start3A_960 = arith.constant 0 : i32
    %dma_start3A_961 = tpu.memref_slice %arg6[%dma_start3A_959, %dma_start3A_960] : memref<56x1024xf32, #tpu.memory_space<vmem>> -> memref<4x1024xf32, #tpu.memory_space<vmem>>
    %dma_start3A_962 = arith.constant 0 : i32
    %dma_start3A_963 = arith.constant 0 : i32
    %dma_start3A_964 = tpu.memref_slice %arg4[%add3A_958, %dma_start3A_962, %dma_start3A_963] : memref<1638x4x1024xf32, #tpu.memory_space<hbm>> -> memref<1x4x1024xf32, #tpu.memory_space<hbm>>
    %dma_start3A_965 = tpu.memref_squeeze %dma_start3A_964 : memref<1x4x1024xf32, #tpu.memory_space<hbm>> -> memref<4x1024xf32, #tpu.memory_space<hbm>>
    %dma_start3A_966 = arith.constant 0 : i32
    %dma_start3A_967 = arith.constant 0 : i32
    %dma_start3A_968 = tpu.memref_slice %arg4[%add3A_958, %dma_start3A_966, %dma_start3A_967] : memref<1638x4x1024xf32, #tpu.memory_space<hbm>> -> memref<1x4x1024xf32, #tpu.memory_space<hbm>>
    %dma_start3A_969 = tpu.memref_squeeze %dma_start3A_968 : memref<1x4x1024xf32, #tpu.memory_space<hbm>> -> memref<4x1024xf32, #tpu.memory_space<hbm>>
    %dma_start3A_970 = arith.constant 28 : i32
    %dma_start3A_971 = arith.constant 0 : i32
    %dma_start3A_972 = tpu.memref_slice %arg6[%dma_start3A_970, %dma_start3A_971] : memref<56x1024xf32, #tpu.memory_space<vmem>> -> memref<4x1024xf32, #tpu.memory_space<vmem>>
    tpu.enqueue_dma source(%dma_start3A_972 : memref<4x1024xf32, #tpu.memory_space<vmem>>) target(%dma_start3A_969 : memref<4x1024xf32, #tpu.memory_space<hbm>>) target_semaphore(%arg10 : memref<!tpu.dma_semaphore, #tpu.memory_space<semaphore_mem>>)
    %add3A_973 = arith.constant 28 : i32
    %add3A_974 = arith.addi %mul3A_20, %add3A_973 : i32
    %add3A_975 = arith.constant 8 : i32
    %add3A_976 = arith.addi %add3A_974, %add3A_975 : i32
    %dma_start3A_977 = arith.constant 32 : i32
    %dma_start3A_978 = arith.constant 0 : i32
    %dma_start3A_979 = tpu.memref_slice %arg6[%dma_start3A_977, %dma_start3A_978] : memref<56x1024xf32, #tpu.memory_space<vmem>> -> memref<4x1024xf32, #tpu.memory_space<vmem>>
    %dma_start3A_980 = arith.constant 0 : i32
    %dma_start3A_981 = arith.constant 0 : i32
    %dma_start3A_982 = tpu.memref_slice %arg4[%add3A_976, %dma_start3A_980, %dma_start3A_981] : memref<1638x4x1024xf32, #tpu.memory_space<hbm>> -> memref<1x4x1024xf32, #tpu.memory_space<hbm>>
    %dma_start3A_983 = tpu.memref_squeeze %dma_start3A_982 : memref<1x4x1024xf32, #tpu.memory_space<hbm>> -> memref<4x1024xf32, #tpu.memory_space<hbm>>
    %dma_start3A_984 = arith.constant 0 : i32
    %dma_start3A_985 = arith.constant 0 : i32
    %dma_start3A_986 = tpu.memref_slice %arg4[%add3A_976, %dma_start3A_984, %dma_start3A_985] : memref<1638x4x1024xf32, #tpu.memory_space<hbm>> -> memref<1x4x1024xf32, #tpu.memory_space<hbm>>
    %dma_start3A_987 = tpu.memref_squeeze %dma_start3A_986 : memref<1x4x1024xf32, #tpu.memory_space<hbm>> -> memref<4x1024xf32, #tpu.memory_space<hbm>>
    %dma_start3A_988 = arith.constant 32 : i32
    %dma_start3A_989 = arith.constant 0 : i32
    %dma_start3A_990 = tpu.memref_slice %arg6[%dma_start3A_988, %dma_start3A_989] : memref<56x1024xf32, #tpu.memory_space<vmem>> -> memref<4x1024xf32, #tpu.memory_space<vmem>>
    tpu.enqueue_dma source(%dma_start3A_990 : memref<4x1024xf32, #tpu.memory_space<vmem>>) target(%dma_start3A_987 : memref<4x1024xf32, #tpu.memory_space<hbm>>) target_semaphore(%arg10 : memref<!tpu.dma_semaphore, #tpu.memory_space<semaphore_mem>>)
    %add3A_991 = arith.constant 28 : i32
    %add3A_992 = arith.addi %mul3A_20, %add3A_991 : i32
    %add3A_993 = arith.constant 9 : i32
    %add3A_994 = arith.addi %add3A_992, %add3A_993 : i32
    %dma_start3A_995 = arith.constant 36 : i32
    %dma_start3A_996 = arith.constant 0 : i32
    %dma_start3A_997 = tpu.memref_slice %arg6[%dma_start3A_995, %dma_start3A_996] : memref<56x1024xf32, #tpu.memory_space<vmem>> -> memref<4x1024xf32, #tpu.memory_space<vmem>>
    %dma_start3A_998 = arith.constant 0 : i32
    %dma_start3A_999 = arith.constant 0 : i32
    %dma_start3A_1000 = tpu.memref_slice %arg4[%add3A_994, %dma_start3A_998, %dma_start3A_999] : memref<1638x4x1024xf32, #tpu.memory_space<hbm>> -> memref<1x4x1024xf32, #tpu.memory_space<hbm>>
    %dma_start3A_1001 = tpu.memref_squeeze %dma_start3A_1000 : memref<1x4x1024xf32, #tpu.memory_space<hbm>> -> memref<4x1024xf32, #tpu.memory_space<hbm>>
    %dma_start3A_1002 = arith.constant 0 : i32
    %dma_start3A_1003 = arith.constant 0 : i32
    %dma_start3A_1004 = tpu.memref_slice %arg4[%add3A_994, %dma_start3A_1002, %dma_start3A_1003] : memref<1638x4x1024xf32, #tpu.memory_space<hbm>> -> memref<1x4x1024xf32, #tpu.memory_space<hbm>>
    %dma_start3A_1005 = tpu.memref_squeeze %dma_start3A_1004 : memref<1x4x1024xf32, #tpu.memory_space<hbm>> -> memref<4x1024xf32, #tpu.memory_space<hbm>>
    %dma_start3A_1006 = arith.constant 36 : i32
    %dma_start3A_1007 = arith.constant 0 : i32
    %dma_start3A_1008 = tpu.memref_slice %arg6[%dma_start3A_1006, %dma_start3A_1007] : memref<56x1024xf32, #tpu.memory_space<vmem>> -> memref<4x1024xf32, #tpu.memory_space<vmem>>
    tpu.enqueue_dma source(%dma_start3A_1008 : memref<4x1024xf32, #tpu.memory_space<vmem>>) target(%dma_start3A_1005 : memref<4x1024xf32, #tpu.memory_space<hbm>>) target_semaphore(%arg10 : memref<!tpu.dma_semaphore, #tpu.memory_space<semaphore_mem>>)
    %add3A_1009 = arith.constant 28 : i32
    %add3A_1010 = arith.addi %mul3A_20, %add3A_1009 : i32
    %add3A_1011 = arith.constant 10 : i32
    %add3A_1012 = arith.addi %add3A_1010, %add3A_1011 : i32
    %dma_start3A_1013 = arith.constant 40 : i32
    %dma_start3A_1014 = arith.constant 0 : i32
    %dma_start3A_1015 = tpu.memref_slice %arg6[%dma_start3A_1013, %dma_start3A_1014] : memref<56x1024xf32, #tpu.memory_space<vmem>> -> memref<4x1024xf32, #tpu.memory_space<vmem>>
    %dma_start3A_1016 = arith.constant 0 : i32
    %dma_start3A_1017 = arith.constant 0 : i32
    %dma_start3A_1018 = tpu.memref_slice %arg4[%add3A_1012, %dma_start3A_1016, %dma_start3A_1017] : memref<1638x4x1024xf32, #tpu.memory_space<hbm>> -> memref<1x4x1024xf32, #tpu.memory_space<hbm>>
    %dma_start3A_1019 = tpu.memref_squeeze %dma_start3A_1018 : memref<1x4x1024xf32, #tpu.memory_space<hbm>> -> memref<4x1024xf32, #tpu.memory_space<hbm>>
    %dma_start3A_1020 = arith.constant 0 : i32
    %dma_start3A_1021 = arith.constant 0 : i32
    %dma_start3A_1022 = tpu.memref_slice %arg4[%add3A_1012, %dma_start3A_1020, %dma_start3A_1021] : memref<1638x4x1024xf32, #tpu.memory_space<hbm>> -> memref<1x4x1024xf32, #tpu.memory_space<hbm>>
    %dma_start3A_1023 = tpu.memref_squeeze %dma_start3A_1022 : memref<1x4x1024xf32, #tpu.memory_space<hbm>> -> memref<4x1024xf32, #tpu.memory_space<hbm>>
    %dma_start3A_1024 = arith.constant 40 : i32
    %dma_start3A_1025 = arith.constant 0 : i32
    %dma_start3A_1026 = tpu.memref_slice %arg6[%dma_start3A_1024, %dma_start3A_1025] : memref<56x1024xf32, #tpu.memory_space<vmem>> -> memref<4x1024xf32, #tpu.memory_space<vmem>>
    tpu.enqueue_dma source(%dma_start3A_1026 : memref<4x1024xf32, #tpu.memory_space<vmem>>) target(%dma_start3A_1023 : memref<4x1024xf32, #tpu.memory_space<hbm>>) target_semaphore(%arg10 : memref<!tpu.dma_semaphore, #tpu.memory_space<semaphore_mem>>)
    %add3A_1027 = arith.constant 28 : i32
    %add3A_1028 = arith.addi %mul3A_20, %add3A_1027 : i32
    %add3A_1029 = arith.constant 11 : i32
    %add3A_1030 = arith.addi %add3A_1028, %add3A_1029 : i32
    %dma_start3A_1031 = arith.constant 44 : i32
    %dma_start3A_1032 = arith.constant 0 : i32
    %dma_start3A_1033 = tpu.memref_slice %arg6[%dma_start3A_1031, %dma_start3A_1032] : memref<56x1024xf32, #tpu.memory_space<vmem>> -> memref<4x1024xf32, #tpu.memory_space<vmem>>
    %dma_start3A_1034 = arith.constant 0 : i32
    %dma_start3A_1035 = arith.constant 0 : i32
    %dma_start3A_1036 = tpu.memref_slice %arg4[%add3A_1030, %dma_start3A_1034, %dma_start3A_1035] : memref<1638x4x1024xf32, #tpu.memory_space<hbm>> -> memref<1x4x1024xf32, #tpu.memory_space<hbm>>
    %dma_start3A_1037 = tpu.memref_squeeze %dma_start3A_1036 : memref<1x4x1024xf32, #tpu.memory_space<hbm>> -> memref<4x1024xf32, #tpu.memory_space<hbm>>
    %dma_start3A_1038 = arith.constant 0 : i32
    %dma_start3A_1039 = arith.constant 0 : i32
    %dma_start3A_1040 = tpu.memref_slice %arg4[%add3A_1030, %dma_start3A_1038, %dma_start3A_1039] : memref<1638x4x1024xf32, #tpu.memory_space<hbm>> -> memref<1x4x1024xf32, #tpu.memory_space<hbm>>
    %dma_start3A_1041 = tpu.memref_squeeze %dma_start3A_1040 : memref<1x4x1024xf32, #tpu.memory_space<hbm>> -> memref<4x1024xf32, #tpu.memory_space<hbm>>
    %dma_start3A_1042 = arith.constant 44 : i32
    %dma_start3A_1043 = arith.constant 0 : i32
    %dma_start3A_1044 = tpu.memref_slice %arg6[%dma_start3A_1042, %dma_start3A_1043] : memref<56x1024xf32, #tpu.memory_space<vmem>> -> memref<4x1024xf32, #tpu.memory_space<vmem>>
    tpu.enqueue_dma source(%dma_start3A_1044 : memref<4x1024xf32, #tpu.memory_space<vmem>>) target(%dma_start3A_1041 : memref<4x1024xf32, #tpu.memory_space<hbm>>) target_semaphore(%arg10 : memref<!tpu.dma_semaphore, #tpu.memory_space<semaphore_mem>>)
    %add3A_1045 = arith.constant 28 : i32
    %add3A_1046 = arith.addi %mul3A_20, %add3A_1045 : i32
    %add3A_1047 = arith.constant 12 : i32
    %add3A_1048 = arith.addi %add3A_1046, %add3A_1047 : i32
    %dma_start3A_1049 = arith.constant 48 : i32
    %dma_start3A_1050 = arith.constant 0 : i32
    %dma_start3A_1051 = tpu.memref_slice %arg6[%dma_start3A_1049, %dma_start3A_1050] : memref<56x1024xf32, #tpu.memory_space<vmem>> -> memref<4x1024xf32, #tpu.memory_space<vmem>>
    %dma_start3A_1052 = arith.constant 0 : i32
    %dma_start3A_1053 = arith.constant 0 : i32
    %dma_start3A_1054 = tpu.memref_slice %arg4[%add3A_1048, %dma_start3A_1052, %dma_start3A_1053] : memref<1638x4x1024xf32, #tpu.memory_space<hbm>> -> memref<1x4x1024xf32, #tpu.memory_space<hbm>>
    %dma_start3A_1055 = tpu.memref_squeeze %dma_start3A_1054 : memref<1x4x1024xf32, #tpu.memory_space<hbm>> -> memref<4x1024xf32, #tpu.memory_space<hbm>>
    %dma_start3A_1056 = arith.constant 0 : i32
    %dma_start3A_1057 = arith.constant 0 : i32
    %dma_start3A_1058 = tpu.memref_slice %arg4[%add3A_1048, %dma_start3A_1056, %dma_start3A_1057] : memref<1638x4x1024xf32, #tpu.memory_space<hbm>> -> memref<1x4x1024xf32, #tpu.memory_space<hbm>>
    %dma_start3A_1059 = tpu.memref_squeeze %dma_start3A_1058 : memref<1x4x1024xf32, #tpu.memory_space<hbm>> -> memref<4x1024xf32, #tpu.memory_space<hbm>>
    %dma_start3A_1060 = arith.constant 48 : i32
    %dma_start3A_1061 = arith.constant 0 : i32
    %dma_start3A_1062 = tpu.memref_slice %arg6[%dma_start3A_1060, %dma_start3A_1061] : memref<56x1024xf32, #tpu.memory_space<vmem>> -> memref<4x1024xf32, #tpu.memory_space<vmem>>
    tpu.enqueue_dma source(%dma_start3A_1062 : memref<4x1024xf32, #tpu.memory_space<vmem>>) target(%dma_start3A_1059 : memref<4x1024xf32, #tpu.memory_space<hbm>>) target_semaphore(%arg10 : memref<!tpu.dma_semaphore, #tpu.memory_space<semaphore_mem>>)
    %add3A_1063 = arith.constant 28 : i32
    %add3A_1064 = arith.addi %mul3A_20, %add3A_1063 : i32
    %add3A_1065 = arith.constant 13 : i32
    %add3A_1066 = arith.addi %add3A_1064, %add3A_1065 : i32
    %dma_start3A_1067 = arith.constant 52 : i32
    %dma_start3A_1068 = arith.constant 0 : i32
    %dma_start3A_1069 = tpu.memref_slice %arg6[%dma_start3A_1067, %dma_start3A_1068] : memref<56x1024xf32, #tpu.memory_space<vmem>> -> memref<4x1024xf32, #tpu.memory_space<vmem>>
    %dma_start3A_1070 = arith.constant 0 : i32
    %dma_start3A_1071 = arith.constant 0 : i32
    %dma_start3A_1072 = tpu.memref_slice %arg4[%add3A_1066, %dma_start3A_1070, %dma_start3A_1071] : memref<1638x4x1024xf32, #tpu.memory_space<hbm>> -> memref<1x4x1024xf32, #tpu.memory_space<hbm>>
    %dma_start3A_1073 = tpu.memref_squeeze %dma_start3A_1072 : memref<1x4x1024xf32, #tpu.memory_space<hbm>> -> memref<4x1024xf32, #tpu.memory_space<hbm>>
    %dma_start3A_1074 = arith.constant 0 : i32
    %dma_start3A_1075 = arith.constant 0 : i32
    %dma_start3A_1076 = tpu.memref_slice %arg4[%add3A_1066, %dma_start3A_1074, %dma_start3A_1075] : memref<1638x4x1024xf32, #tpu.memory_space<hbm>> -> memref<1x4x1024xf32, #tpu.memory_space<hbm>>
    %dma_start3A_1077 = tpu.memref_squeeze %dma_start3A_1076 : memref<1x4x1024xf32, #tpu.memory_space<hbm>> -> memref<4x1024xf32, #tpu.memory_space<hbm>>
    %dma_start3A_1078 = arith.constant 52 : i32
    %dma_start3A_1079 = arith.constant 0 : i32
    %dma_start3A_1080 = tpu.memref_slice %arg6[%dma_start3A_1078, %dma_start3A_1079] : memref<56x1024xf32, #tpu.memory_space<vmem>> -> memref<4x1024xf32, #tpu.memory_space<vmem>>
    tpu.enqueue_dma source(%dma_start3A_1080 : memref<4x1024xf32, #tpu.memory_space<vmem>>) target(%dma_start3A_1077 : memref<4x1024xf32, #tpu.memory_space<hbm>>) target_semaphore(%arg10 : memref<!tpu.dma_semaphore, #tpu.memory_space<semaphore_mem>>)
    %add3A_1081 = arith.constant 14 : i32
    %add3A_1082 = arith.addi %mul3A_20, %add3A_1081 : i32
    %add3A_1083 = arith.constant 0 : i32
    %add3A_1084 = arith.addi %add3A_1082, %add3A_1083 : i32
    %dma_wait3A_1085 = arith.constant 0 : i32
    %dma_wait3A_1086 = arith.constant 0 : i32
    %dma_wait3A_1087 = tpu.memref_slice %arg7[%dma_wait3A_1085, %dma_wait3A_1086] : memref<56x1024xf32, #tpu.memory_space<vmem>> -> memref<4x1024xf32, #tpu.memory_space<vmem>>
    %dma_wait3A_1088 = arith.constant 0 : i32
    %dma_wait3A_1089 = arith.constant 0 : i32
    %dma_wait3A_1090 = tpu.memref_slice %arg4[%add3A_1084, %dma_wait3A_1088, %dma_wait3A_1089] : memref<1638x4x1024xf32, #tpu.memory_space<hbm>> -> memref<1x4x1024xf32, #tpu.memory_space<hbm>>
    %dma_wait3A_1091 = tpu.memref_squeeze %dma_wait3A_1090 : memref<1x4x1024xf32, #tpu.memory_space<hbm>> -> memref<4x1024xf32, #tpu.memory_space<hbm>>
    %dma_wait3A_1092 = arith.constant 0 : i32
    %dma_wait3A_1093 = arith.constant 0 : i32
    %dma_wait3A_1094 = tpu.memref_slice %arg4[%add3A_1084, %dma_wait3A_1092, %dma_wait3A_1093] : memref<1638x4x1024xf32, #tpu.memory_space<hbm>> -> memref<1x4x1024xf32, #tpu.memory_space<hbm>>
    %dma_wait3A_1095 = tpu.memref_squeeze %dma_wait3A_1094 : memref<1x4x1024xf32, #tpu.memory_space<hbm>> -> memref<4x1024xf32, #tpu.memory_space<hbm>>
    %dma_wait3A_1096 = arith.constant 0 : i32
    %dma_wait3A_1097 = arith.constant 0 : i32
    %dma_wait3A_1098 = tpu.memref_slice %arg7[%dma_wait3A_1096, %dma_wait3A_1097] : memref<56x1024xf32, #tpu.memory_space<vmem>> -> memref<4x1024xf32, #tpu.memory_space<vmem>>
    tpu.wait_dma2 semaphore(%arg11 : memref<!tpu.dma_semaphore, #tpu.memory_space<semaphore_mem>>) src(%dma_wait3A_1098 : memref<4x1024xf32, #tpu.memory_space<vmem>>) dst(%dma_wait3A_1095 : memref<4x1024xf32, #tpu.memory_space<hbm>>)
    %add3A_1099 = arith.constant 14 : i32
    %add3A_1100 = arith.addi %mul3A_20, %add3A_1099 : i32
    %add3A_1101 = arith.constant 1 : i32
    %add3A_1102 = arith.addi %add3A_1100, %add3A_1101 : i32
    %dma_wait3A_1103 = arith.constant 4 : i32
    %dma_wait3A_1104 = arith.constant 0 : i32
    %dma_wait3A_1105 = tpu.memref_slice %arg7[%dma_wait3A_1103, %dma_wait3A_1104] : memref<56x1024xf32, #tpu.memory_space<vmem>> -> memref<4x1024xf32, #tpu.memory_space<vmem>>
    %dma_wait3A_1106 = arith.constant 0 : i32
    %dma_wait3A_1107 = arith.constant 0 : i32
    %dma_wait3A_1108 = tpu.memref_slice %arg4[%add3A_1102, %dma_wait3A_1106, %dma_wait3A_1107] : memref<1638x4x1024xf32, #tpu.memory_space<hbm>> -> memref<1x4x1024xf32, #tpu.memory_space<hbm>>
    %dma_wait3A_1109 = tpu.memref_squeeze %dma_wait3A_1108 : memref<1x4x1024xf32, #tpu.memory_space<hbm>> -> memref<4x1024xf32, #tpu.memory_space<hbm>>
    %dma_wait3A_1110 = arith.constant 0 : i32
    %dma_wait3A_1111 = arith.constant 0 : i32
    %dma_wait3A_1112 = tpu.memref_slice %arg4[%add3A_1102, %dma_wait3A_1110, %dma_wait3A_1111] : memref<1638x4x1024xf32, #tpu.memory_space<hbm>> -> memref<1x4x1024xf32, #tpu.memory_space<hbm>>
    %dma_wait3A_1113 = tpu.memref_squeeze %dma_wait3A_1112 : memref<1x4x1024xf32, #tpu.memory_space<hbm>> -> memref<4x1024xf32, #tpu.memory_space<hbm>>
    %dma_wait3A_1114 = arith.constant 4 : i32
    %dma_wait3A_1115 = arith.constant 0 : i32
    %dma_wait3A_1116 = tpu.memref_slice %arg7[%dma_wait3A_1114, %dma_wait3A_1115] : memref<56x1024xf32, #tpu.memory_space<vmem>> -> memref<4x1024xf32, #tpu.memory_space<vmem>>
    tpu.wait_dma2 semaphore(%arg11 : memref<!tpu.dma_semaphore, #tpu.memory_space<semaphore_mem>>) src(%dma_wait3A_1116 : memref<4x1024xf32, #tpu.memory_space<vmem>>) dst(%dma_wait3A_1113 : memref<4x1024xf32, #tpu.memory_space<hbm>>)
    %add3A_1117 = arith.constant 14 : i32
    %add3A_1118 = arith.addi %mul3A_20, %add3A_1117 : i32
    %add3A_1119 = arith.constant 2 : i32
    %add3A_1120 = arith.addi %add3A_1118, %add3A_1119 : i32
    %dma_wait3A_1121 = arith.constant 8 : i32
    %dma_wait3A_1122 = arith.constant 0 : i32
    %dma_wait3A_1123 = tpu.memref_slice %arg7[%dma_wait3A_1121, %dma_wait3A_1122] : memref<56x1024xf32, #tpu.memory_space<vmem>> -> memref<4x1024xf32, #tpu.memory_space<vmem>>
    %dma_wait3A_1124 = arith.constant 0 : i32
    %dma_wait3A_1125 = arith.constant 0 : i32
    %dma_wait3A_1126 = tpu.memref_slice %arg4[%add3A_1120, %dma_wait3A_1124, %dma_wait3A_1125] : memref<1638x4x1024xf32, #tpu.memory_space<hbm>> -> memref<1x4x1024xf32, #tpu.memory_space<hbm>>
    %dma_wait3A_1127 = tpu.memref_squeeze %dma_wait3A_1126 : memref<1x4x1024xf32, #tpu.memory_space<hbm>> -> memref<4x1024xf32, #tpu.memory_space<hbm>>
    %dma_wait3A_1128 = arith.constant 0 : i32
    %dma_wait3A_1129 = arith.constant 0 : i32
    %dma_wait3A_1130 = tpu.memref_slice %arg4[%add3A_1120, %dma_wait3A_1128, %dma_wait3A_1129] : memref<1638x4x1024xf32, #tpu.memory_space<hbm>> -> memref<1x4x1024xf32, #tpu.memory_space<hbm>>
    %dma_wait3A_1131 = tpu.memref_squeeze %dma_wait3A_1130 : memref<1x4x1024xf32, #tpu.memory_space<hbm>> -> memref<4x1024xf32, #tpu.memory_space<hbm>>
    %dma_wait3A_1132 = arith.constant 8 : i32
    %dma_wait3A_1133 = arith.constant 0 : i32
    %dma_wait3A_1134 = tpu.memref_slice %arg7[%dma_wait3A_1132, %dma_wait3A_1133] : memref<56x1024xf32, #tpu.memory_space<vmem>> -> memref<4x1024xf32, #tpu.memory_space<vmem>>
    tpu.wait_dma2 semaphore(%arg11 : memref<!tpu.dma_semaphore, #tpu.memory_space<semaphore_mem>>) src(%dma_wait3A_1134 : memref<4x1024xf32, #tpu.memory_space<vmem>>) dst(%dma_wait3A_1131 : memref<4x1024xf32, #tpu.memory_space<hbm>>)
    %add3A_1135 = arith.constant 14 : i32
    %add3A_1136 = arith.addi %mul3A_20, %add3A_1135 : i32
    %add3A_1137 = arith.constant 3 : i32
    %add3A_1138 = arith.addi %add3A_1136, %add3A_1137 : i32
    %dma_wait3A_1139 = arith.constant 12 : i32
    %dma_wait3A_1140 = arith.constant 0 : i32
    %dma_wait3A_1141 = tpu.memref_slice %arg7[%dma_wait3A_1139, %dma_wait3A_1140] : memref<56x1024xf32, #tpu.memory_space<vmem>> -> memref<4x1024xf32, #tpu.memory_space<vmem>>
    %dma_wait3A_1142 = arith.constant 0 : i32
    %dma_wait3A_1143 = arith.constant 0 : i32
    %dma_wait3A_1144 = tpu.memref_slice %arg4[%add3A_1138, %dma_wait3A_1142, %dma_wait3A_1143] : memref<1638x4x1024xf32, #tpu.memory_space<hbm>> -> memref<1x4x1024xf32, #tpu.memory_space<hbm>>
    %dma_wait3A_1145 = tpu.memref_squeeze %dma_wait3A_1144 : memref<1x4x1024xf32, #tpu.memory_space<hbm>> -> memref<4x1024xf32, #tpu.memory_space<hbm>>
    %dma_wait3A_1146 = arith.constant 0 : i32
    %dma_wait3A_1147 = arith.constant 0 : i32
    %dma_wait3A_1148 = tpu.memref_slice %arg4[%add3A_1138, %dma_wait3A_1146, %dma_wait3A_1147] : memref<1638x4x1024xf32, #tpu.memory_space<hbm>> -> memref<1x4x1024xf32, #tpu.memory_space<hbm>>
    %dma_wait3A_1149 = tpu.memref_squeeze %dma_wait3A_1148 : memref<1x4x1024xf32, #tpu.memory_space<hbm>> -> memref<4x1024xf32, #tpu.memory_space<hbm>>
    %dma_wait3A_1150 = arith.constant 12 : i32
    %dma_wait3A_1151 = arith.constant 0 : i32
    %dma_wait3A_1152 = tpu.memref_slice %arg7[%dma_wait3A_1150, %dma_wait3A_1151] : memref<56x1024xf32, #tpu.memory_space<vmem>> -> memref<4x1024xf32, #tpu.memory_space<vmem>>
    tpu.wait_dma2 semaphore(%arg11 : memref<!tpu.dma_semaphore, #tpu.memory_space<semaphore_mem>>) src(%dma_wait3A_1152 : memref<4x1024xf32, #tpu.memory_space<vmem>>) dst(%dma_wait3A_1149 : memref<4x1024xf32, #tpu.memory_space<hbm>>)
    %add3A_1153 = arith.constant 14 : i32
    %add3A_1154 = arith.addi %mul3A_20, %add3A_1153 : i32
    %add3A_1155 = arith.constant 4 : i32
    %add3A_1156 = arith.addi %add3A_1154, %add3A_1155 : i32
    %dma_wait3A_1157 = arith.constant 16 : i32
    %dma_wait3A_1158 = arith.constant 0 : i32
    %dma_wait3A_1159 = tpu.memref_slice %arg7[%dma_wait3A_1157, %dma_wait3A_1158] : memref<56x1024xf32, #tpu.memory_space<vmem>> -> memref<4x1024xf32, #tpu.memory_space<vmem>>
    %dma_wait3A_1160 = arith.constant 0 : i32
    %dma_wait3A_1161 = arith.constant 0 : i32
    %dma_wait3A_1162 = tpu.memref_slice %arg4[%add3A_1156, %dma_wait3A_1160, %dma_wait3A_1161] : memref<1638x4x1024xf32, #tpu.memory_space<hbm>> -> memref<1x4x1024xf32, #tpu.memory_space<hbm>>
    %dma_wait3A_1163 = tpu.memref_squeeze %dma_wait3A_1162 : memref<1x4x1024xf32, #tpu.memory_space<hbm>> -> memref<4x1024xf32, #tpu.memory_space<hbm>>
    %dma_wait3A_1164 = arith.constant 0 : i32
    %dma_wait3A_1165 = arith.constant 0 : i32
    %dma_wait3A_1166 = tpu.memref_slice %arg4[%add3A_1156, %dma_wait3A_1164, %dma_wait3A_1165] : memref<1638x4x1024xf32, #tpu.memory_space<hbm>> -> memref<1x4x1024xf32, #tpu.memory_space<hbm>>
    %dma_wait3A_1167 = tpu.memref_squeeze %dma_wait3A_1166 : memref<1x4x1024xf32, #tpu.memory_space<hbm>> -> memref<4x1024xf32, #tpu.memory_space<hbm>>
    %dma_wait3A_1168 = arith.constant 16 : i32
    %dma_wait3A_1169 = arith.constant 0 : i32
    %dma_wait3A_1170 = tpu.memref_slice %arg7[%dma_wait3A_1168, %dma_wait3A_1169] : memref<56x1024xf32, #tpu.memory_space<vmem>> -> memref<4x1024xf32, #tpu.memory_space<vmem>>
    tpu.wait_dma2 semaphore(%arg11 : memref<!tpu.dma_semaphore, #tpu.memory_space<semaphore_mem>>) src(%dma_wait3A_1170 : memref<4x1024xf32, #tpu.memory_space<vmem>>) dst(%dma_wait3A_1167 : memref<4x1024xf32, #tpu.memory_space<hbm>>)
    %add3A_1171 = arith.constant 14 : i32
    %add3A_1172 = arith.addi %mul3A_20, %add3A_1171 : i32
    %add3A_1173 = arith.constant 5 : i32
    %add3A_1174 = arith.addi %add3A_1172, %add3A_1173 : i32
    %dma_wait3A_1175 = arith.constant 20 : i32
    %dma_wait3A_1176 = arith.constant 0 : i32
    %dma_wait3A_1177 = tpu.memref_slice %arg7[%dma_wait3A_1175, %dma_wait3A_1176] : memref<56x1024xf32, #tpu.memory_space<vmem>> -> memref<4x1024xf32, #tpu.memory_space<vmem>>
    %dma_wait3A_1178 = arith.constant 0 : i32
    %dma_wait3A_1179 = arith.constant 0 : i32
    %dma_wait3A_1180 = tpu.memref_slice %arg4[%add3A_1174, %dma_wait3A_1178, %dma_wait3A_1179] : memref<1638x4x1024xf32, #tpu.memory_space<hbm>> -> memref<1x4x1024xf32, #tpu.memory_space<hbm>>
    %dma_wait3A_1181 = tpu.memref_squeeze %dma_wait3A_1180 : memref<1x4x1024xf32, #tpu.memory_space<hbm>> -> memref<4x1024xf32, #tpu.memory_space<hbm>>
    %dma_wait3A_1182 = arith.constant 0 : i32
    %dma_wait3A_1183 = arith.constant 0 : i32
    %dma_wait3A_1184 = tpu.memref_slice %arg4[%add3A_1174, %dma_wait3A_1182, %dma_wait3A_1183] : memref<1638x4x1024xf32, #tpu.memory_space<hbm>> -> memref<1x4x1024xf32, #tpu.memory_space<hbm>>
    %dma_wait3A_1185 = tpu.memref_squeeze %dma_wait3A_1184 : memref<1x4x1024xf32, #tpu.memory_space<hbm>> -> memref<4x1024xf32, #tpu.memory_space<hbm>>
    %dma_wait3A_1186 = arith.constant 20 : i32
    %dma_wait3A_1187 = arith.constant 0 : i32
    %dma_wait3A_1188 = tpu.memref_slice %arg7[%dma_wait3A_1186, %dma_wait3A_1187] : memref<56x1024xf32, #tpu.memory_space<vmem>> -> memref<4x1024xf32, #tpu.memory_space<vmem>>
    tpu.wait_dma2 semaphore(%arg11 : memref<!tpu.dma_semaphore, #tpu.memory_space<semaphore_mem>>) src(%dma_wait3A_1188 : memref<4x1024xf32, #tpu.memory_space<vmem>>) dst(%dma_wait3A_1185 : memref<4x1024xf32, #tpu.memory_space<hbm>>)
    %add3A_1189 = arith.constant 14 : i32
    %add3A_1190 = arith.addi %mul3A_20, %add3A_1189 : i32
    %add3A_1191 = arith.constant 6 : i32
    %add3A_1192 = arith.addi %add3A_1190, %add3A_1191 : i32
    %dma_wait3A_1193 = arith.constant 24 : i32
    %dma_wait3A_1194 = arith.constant 0 : i32
    %dma_wait3A_1195 = tpu.memref_slice %arg7[%dma_wait3A_1193, %dma_wait3A_1194] : memref<56x1024xf32, #tpu.memory_space<vmem>> -> memref<4x1024xf32, #tpu.memory_space<vmem>>
    %dma_wait3A_1196 = arith.constant 0 : i32
    %dma_wait3A_1197 = arith.constant 0 : i32
    %dma_wait3A_1198 = tpu.memref_slice %arg4[%add3A_1192, %dma_wait3A_1196, %dma_wait3A_1197] : memref<1638x4x1024xf32, #tpu.memory_space<hbm>> -> memref<1x4x1024xf32, #tpu.memory_space<hbm>>
    %dma_wait3A_1199 = tpu.memref_squeeze %dma_wait3A_1198 : memref<1x4x1024xf32, #tpu.memory_space<hbm>> -> memref<4x1024xf32, #tpu.memory_space<hbm>>
    %dma_wait3A_1200 = arith.constant 0 : i32
    %dma_wait3A_1201 = arith.constant 0 : i32
    %dma_wait3A_1202 = tpu.memref_slice %arg4[%add3A_1192, %dma_wait3A_1200, %dma_wait3A_1201] : memref<1638x4x1024xf32, #tpu.memory_space<hbm>> -> memref<1x4x1024xf32, #tpu.memory_space<hbm>>
    %dma_wait3A_1203 = tpu.memref_squeeze %dma_wait3A_1202 : memref<1x4x1024xf32, #tpu.memory_space<hbm>> -> memref<4x1024xf32, #tpu.memory_space<hbm>>
    %dma_wait3A_1204 = arith.constant 24 : i32
    %dma_wait3A_1205 = arith.constant 0 : i32
    %dma_wait3A_1206 = tpu.memref_slice %arg7[%dma_wait3A_1204, %dma_wait3A_1205] : memref<56x1024xf32, #tpu.memory_space<vmem>> -> memref<4x1024xf32, #tpu.memory_space<vmem>>
    tpu.wait_dma2 semaphore(%arg11 : memref<!tpu.dma_semaphore, #tpu.memory_space<semaphore_mem>>) src(%dma_wait3A_1206 : memref<4x1024xf32, #tpu.memory_space<vmem>>) dst(%dma_wait3A_1203 : memref<4x1024xf32, #tpu.memory_space<hbm>>)
    %add3A_1207 = arith.constant 14 : i32
    %add3A_1208 = arith.addi %mul3A_20, %add3A_1207 : i32
    %add3A_1209 = arith.constant 7 : i32
    %add3A_1210 = arith.addi %add3A_1208, %add3A_1209 : i32
    %dma_wait3A_1211 = arith.constant 28 : i32
    %dma_wait3A_1212 = arith.constant 0 : i32
    %dma_wait3A_1213 = tpu.memref_slice %arg7[%dma_wait3A_1211, %dma_wait3A_1212] : memref<56x1024xf32, #tpu.memory_space<vmem>> -> memref<4x1024xf32, #tpu.memory_space<vmem>>
    %dma_wait3A_1214 = arith.constant 0 : i32
    %dma_wait3A_1215 = arith.constant 0 : i32
    %dma_wait3A_1216 = tpu.memref_slice %arg4[%add3A_1210, %dma_wait3A_1214, %dma_wait3A_1215] : memref<1638x4x1024xf32, #tpu.memory_space<hbm>> -> memref<1x4x1024xf32, #tpu.memory_space<hbm>>
    %dma_wait3A_1217 = tpu.memref_squeeze %dma_wait3A_1216 : memref<1x4x1024xf32, #tpu.memory_space<hbm>> -> memref<4x1024xf32, #tpu.memory_space<hbm>>
    %dma_wait3A_1218 = arith.constant 0 : i32
    %dma_wait3A_1219 = arith.constant 0 : i32
    %dma_wait3A_1220 = tpu.memref_slice %arg4[%add3A_1210, %dma_wait3A_1218, %dma_wait3A_1219] : memref<1638x4x1024xf32, #tpu.memory_space<hbm>> -> memref<1x4x1024xf32, #tpu.memory_space<hbm>>
    %dma_wait3A_1221 = tpu.memref_squeeze %dma_wait3A_1220 : memref<1x4x1024xf32, #tpu.memory_space<hbm>> -> memref<4x1024xf32, #tpu.memory_space<hbm>>
    %dma_wait3A_1222 = arith.constant 28 : i32
    %dma_wait3A_1223 = arith.constant 0 : i32
    %dma_wait3A_1224 = tpu.memref_slice %arg7[%dma_wait3A_1222, %dma_wait3A_1223] : memref<56x1024xf32, #tpu.memory_space<vmem>> -> memref<4x1024xf32, #tpu.memory_space<vmem>>
    tpu.wait_dma2 semaphore(%arg11 : memref<!tpu.dma_semaphore, #tpu.memory_space<semaphore_mem>>) src(%dma_wait3A_1224 : memref<4x1024xf32, #tpu.memory_space<vmem>>) dst(%dma_wait3A_1221 : memref<4x1024xf32, #tpu.memory_space<hbm>>)
    %add3A_1225 = arith.constant 14 : i32
    %add3A_1226 = arith.addi %mul3A_20, %add3A_1225 : i32
    %add3A_1227 = arith.constant 8 : i32
    %add3A_1228 = arith.addi %add3A_1226, %add3A_1227 : i32
    %dma_wait3A_1229 = arith.constant 32 : i32
    %dma_wait3A_1230 = arith.constant 0 : i32
    %dma_wait3A_1231 = tpu.memref_slice %arg7[%dma_wait3A_1229, %dma_wait3A_1230] : memref<56x1024xf32, #tpu.memory_space<vmem>> -> memref<4x1024xf32, #tpu.memory_space<vmem>>
    %dma_wait3A_1232 = arith.constant 0 : i32
    %dma_wait3A_1233 = arith.constant 0 : i32
    %dma_wait3A_1234 = tpu.memref_slice %arg4[%add3A_1228, %dma_wait3A_1232, %dma_wait3A_1233] : memref<1638x4x1024xf32, #tpu.memory_space<hbm>> -> memref<1x4x1024xf32, #tpu.memory_space<hbm>>
    %dma_wait3A_1235 = tpu.memref_squeeze %dma_wait3A_1234 : memref<1x4x1024xf32, #tpu.memory_space<hbm>> -> memref<4x1024xf32, #tpu.memory_space<hbm>>
    %dma_wait3A_1236 = arith.constant 0 : i32
    %dma_wait3A_1237 = arith.constant 0 : i32
    %dma_wait3A_1238 = tpu.memref_slice %arg4[%add3A_1228, %dma_wait3A_1236, %dma_wait3A_1237] : memref<1638x4x1024xf32, #tpu.memory_space<hbm>> -> memref<1x4x1024xf32, #tpu.memory_space<hbm>>
    %dma_wait3A_1239 = tpu.memref_squeeze %dma_wait3A_1238 : memref<1x4x1024xf32, #tpu.memory_space<hbm>> -> memref<4x1024xf32, #tpu.memory_space<hbm>>
    %dma_wait3A_1240 = arith.constant 32 : i32
    %dma_wait3A_1241 = arith.constant 0 : i32
    %dma_wait3A_1242 = tpu.memref_slice %arg7[%dma_wait3A_1240, %dma_wait3A_1241] : memref<56x1024xf32, #tpu.memory_space<vmem>> -> memref<4x1024xf32, #tpu.memory_space<vmem>>
    tpu.wait_dma2 semaphore(%arg11 : memref<!tpu.dma_semaphore, #tpu.memory_space<semaphore_mem>>) src(%dma_wait3A_1242 : memref<4x1024xf32, #tpu.memory_space<vmem>>) dst(%dma_wait3A_1239 : memref<4x1024xf32, #tpu.memory_space<hbm>>)
    %add3A_1243 = arith.constant 14 : i32
    %add3A_1244 = arith.addi %mul3A_20, %add3A_1243 : i32
    %add3A_1245 = arith.constant 9 : i32
    %add3A_1246 = arith.addi %add3A_1244, %add3A_1245 : i32
    %dma_wait3A_1247 = arith.constant 36 : i32
    %dma_wait3A_1248 = arith.constant 0 : i32
    %dma_wait3A_1249 = tpu.memref_slice %arg7[%dma_wait3A_1247, %dma_wait3A_1248] : memref<56x1024xf32, #tpu.memory_space<vmem>> -> memref<4x1024xf32, #tpu.memory_space<vmem>>
    %dma_wait3A_1250 = arith.constant 0 : i32
    %dma_wait3A_1251 = arith.constant 0 : i32
    %dma_wait3A_1252 = tpu.memref_slice %arg4[%add3A_1246, %dma_wait3A_1250, %dma_wait3A_1251] : memref<1638x4x1024xf32, #tpu.memory_space<hbm>> -> memref<1x4x1024xf32, #tpu.memory_space<hbm>>
    %dma_wait3A_1253 = tpu.memref_squeeze %dma_wait3A_1252 : memref<1x4x1024xf32, #tpu.memory_space<hbm>> -> memref<4x1024xf32, #tpu.memory_space<hbm>>
    %dma_wait3A_1254 = arith.constant 0 : i32
    %dma_wait3A_1255 = arith.constant 0 : i32
    %dma_wait3A_1256 = tpu.memref_slice %arg4[%add3A_1246, %dma_wait3A_1254, %dma_wait3A_1255] : memref<1638x4x1024xf32, #tpu.memory_space<hbm>> -> memref<1x4x1024xf32, #tpu.memory_space<hbm>>
    %dma_wait3A_1257 = tpu.memref_squeeze %dma_wait3A_1256 : memref<1x4x1024xf32, #tpu.memory_space<hbm>> -> memref<4x1024xf32, #tpu.memory_space<hbm>>
    %dma_wait3A_1258 = arith.constant 36 : i32
    %dma_wait3A_1259 = arith.constant 0 : i32
    %dma_wait3A_1260 = tpu.memref_slice %arg7[%dma_wait3A_1258, %dma_wait3A_1259] : memref<56x1024xf32, #tpu.memory_space<vmem>> -> memref<4x1024xf32, #tpu.memory_space<vmem>>
    tpu.wait_dma2 semaphore(%arg11 : memref<!tpu.dma_semaphore, #tpu.memory_space<semaphore_mem>>) src(%dma_wait3A_1260 : memref<4x1024xf32, #tpu.memory_space<vmem>>) dst(%dma_wait3A_1257 : memref<4x1024xf32, #tpu.memory_space<hbm>>)
    %add3A_1261 = arith.constant 14 : i32
    %add3A_1262 = arith.addi %mul3A_20, %add3A_1261 : i32
    %add3A_1263 = arith.constant 10 : i32
    %add3A_1264 = arith.addi %add3A_1262, %add3A_1263 : i32
    %dma_wait3A_1265 = arith.constant 40 : i32
    %dma_wait3A_1266 = arith.constant 0 : i32
    %dma_wait3A_1267 = tpu.memref_slice %arg7[%dma_wait3A_1265, %dma_wait3A_1266] : memref<56x1024xf32, #tpu.memory_space<vmem>> -> memref<4x1024xf32, #tpu.memory_space<vmem>>
    %dma_wait3A_1268 = arith.constant 0 : i32
    %dma_wait3A_1269 = arith.constant 0 : i32
    %dma_wait3A_1270 = tpu.memref_slice %arg4[%add3A_1264, %dma_wait3A_1268, %dma_wait3A_1269] : memref<1638x4x1024xf32, #tpu.memory_space<hbm>> -> memref<1x4x1024xf32, #tpu.memory_space<hbm>>
    %dma_wait3A_1271 = tpu.memref_squeeze %dma_wait3A_1270 : memref<1x4x1024xf32, #tpu.memory_space<hbm>> -> memref<4x1024xf32, #tpu.memory_space<hbm>>
    %dma_wait3A_1272 = arith.constant 0 : i32
    %dma_wait3A_1273 = arith.constant 0 : i32
    %dma_wait3A_1274 = tpu.memref_slice %arg4[%add3A_1264, %dma_wait3A_1272, %dma_wait3A_1273] : memref<1638x4x1024xf32, #tpu.memory_space<hbm>> -> memref<1x4x1024xf32, #tpu.memory_space<hbm>>
    %dma_wait3A_1275 = tpu.memref_squeeze %dma_wait3A_1274 : memref<1x4x1024xf32, #tpu.memory_space<hbm>> -> memref<4x1024xf32, #tpu.memory_space<hbm>>
    %dma_wait3A_1276 = arith.constant 40 : i32
    %dma_wait3A_1277 = arith.constant 0 : i32
    %dma_wait3A_1278 = tpu.memref_slice %arg7[%dma_wait3A_1276, %dma_wait3A_1277] : memref<56x1024xf32, #tpu.memory_space<vmem>> -> memref<4x1024xf32, #tpu.memory_space<vmem>>
    tpu.wait_dma2 semaphore(%arg11 : memref<!tpu.dma_semaphore, #tpu.memory_space<semaphore_mem>>) src(%dma_wait3A_1278 : memref<4x1024xf32, #tpu.memory_space<vmem>>) dst(%dma_wait3A_1275 : memref<4x1024xf32, #tpu.memory_space<hbm>>)
    %add3A_1279 = arith.constant 14 : i32
    %add3A_1280 = arith.addi %mul3A_20, %add3A_1279 : i32
    %add3A_1281 = arith.constant 11 : i32
    %add3A_1282 = arith.addi %add3A_1280, %add3A_1281 : i32
    %dma_wait3A_1283 = arith.constant 44 : i32
    %dma_wait3A_1284 = arith.constant 0 : i32
    %dma_wait3A_1285 = tpu.memref_slice %arg7[%dma_wait3A_1283, %dma_wait3A_1284] : memref<56x1024xf32, #tpu.memory_space<vmem>> -> memref<4x1024xf32, #tpu.memory_space<vmem>>
    %dma_wait3A_1286 = arith.constant 0 : i32
    %dma_wait3A_1287 = arith.constant 0 : i32
    %dma_wait3A_1288 = tpu.memref_slice %arg4[%add3A_1282, %dma_wait3A_1286, %dma_wait3A_1287] : memref<1638x4x1024xf32, #tpu.memory_space<hbm>> -> memref<1x4x1024xf32, #tpu.memory_space<hbm>>
    %dma_wait3A_1289 = tpu.memref_squeeze %dma_wait3A_1288 : memref<1x4x1024xf32, #tpu.memory_space<hbm>> -> memref<4x1024xf32, #tpu.memory_space<hbm>>
    %dma_wait3A_1290 = arith.constant 0 : i32
    %dma_wait3A_1291 = arith.constant 0 : i32
    %dma_wait3A_1292 = tpu.memref_slice %arg4[%add3A_1282, %dma_wait3A_1290, %dma_wait3A_1291] : memref<1638x4x1024xf32, #tpu.memory_space<hbm>> -> memref<1x4x1024xf32, #tpu.memory_space<hbm>>
    %dma_wait3A_1293 = tpu.memref_squeeze %dma_wait3A_1292 : memref<1x4x1024xf32, #tpu.memory_space<hbm>> -> memref<4x1024xf32, #tpu.memory_space<hbm>>
    %dma_wait3A_1294 = arith.constant 44 : i32
    %dma_wait3A_1295 = arith.constant 0 : i32
    %dma_wait3A_1296 = tpu.memref_slice %arg7[%dma_wait3A_1294, %dma_wait3A_1295] : memref<56x1024xf32, #tpu.memory_space<vmem>> -> memref<4x1024xf32, #tpu.memory_space<vmem>>
    tpu.wait_dma2 semaphore(%arg11 : memref<!tpu.dma_semaphore, #tpu.memory_space<semaphore_mem>>) src(%dma_wait3A_1296 : memref<4x1024xf32, #tpu.memory_space<vmem>>) dst(%dma_wait3A_1293 : memref<4x1024xf32, #tpu.memory_space<hbm>>)
    %add3A_1297 = arith.constant 14 : i32
    %add3A_1298 = arith.addi %mul3A_20, %add3A_1297 : i32
    %add3A_1299 = arith.constant 12 : i32
    %add3A_1300 = arith.addi %add3A_1298, %add3A_1299 : i32
    %dma_wait3A_1301 = arith.constant 48 : i32
    %dma_wait3A_1302 = arith.constant 0 : i32
    %dma_wait3A_1303 = tpu.memref_slice %arg7[%dma_wait3A_1301, %dma_wait3A_1302] : memref<56x1024xf32, #tpu.memory_space<vmem>> -> memref<4x1024xf32, #tpu.memory_space<vmem>>
    %dma_wait3A_1304 = arith.constant 0 : i32
    %dma_wait3A_1305 = arith.constant 0 : i32
    %dma_wait3A_1306 = tpu.memref_slice %arg4[%add3A_1300, %dma_wait3A_1304, %dma_wait3A_1305] : memref<1638x4x1024xf32, #tpu.memory_space<hbm>> -> memref<1x4x1024xf32, #tpu.memory_space<hbm>>
    %dma_wait3A_1307 = tpu.memref_squeeze %dma_wait3A_1306 : memref<1x4x1024xf32, #tpu.memory_space<hbm>> -> memref<4x1024xf32, #tpu.memory_space<hbm>>
    %dma_wait3A_1308 = arith.constant 0 : i32
    %dma_wait3A_1309 = arith.constant 0 : i32
    %dma_wait3A_1310 = tpu.memref_slice %arg4[%add3A_1300, %dma_wait3A_1308, %dma_wait3A_1309] : memref<1638x4x1024xf32, #tpu.memory_space<hbm>> -> memref<1x4x1024xf32, #tpu.memory_space<hbm>>
    %dma_wait3A_1311 = tpu.memref_squeeze %dma_wait3A_1310 : memref<1x4x1024xf32, #tpu.memory_space<hbm>> -> memref<4x1024xf32, #tpu.memory_space<hbm>>
    %dma_wait3A_1312 = arith.constant 48 : i32
    %dma_wait3A_1313 = arith.constant 0 : i32
    %dma_wait3A_1314 = tpu.memref_slice %arg7[%dma_wait3A_1312, %dma_wait3A_1313] : memref<56x1024xf32, #tpu.memory_space<vmem>> -> memref<4x1024xf32, #tpu.memory_space<vmem>>
    tpu.wait_dma2 semaphore(%arg11 : memref<!tpu.dma_semaphore, #tpu.memory_space<semaphore_mem>>) src(%dma_wait3A_1314 : memref<4x1024xf32, #tpu.memory_space<vmem>>) dst(%dma_wait3A_1311 : memref<4x1024xf32, #tpu.memory_space<hbm>>)
    %add3A_1315 = arith.constant 14 : i32
    %add3A_1316 = arith.addi %mul3A_20, %add3A_1315 : i32
    %add3A_1317 = arith.constant 13 : i32
    %add3A_1318 = arith.addi %add3A_1316, %add3A_1317 : i32
    %dma_wait3A_1319 = arith.constant 52 : i32
    %dma_wait3A_1320 = arith.constant 0 : i32
    %dma_wait3A_1321 = tpu.memref_slice %arg7[%dma_wait3A_1319, %dma_wait3A_1320] : memref<56x1024xf32, #tpu.memory_space<vmem>> -> memref<4x1024xf32, #tpu.memory_space<vmem>>
    %dma_wait3A_1322 = arith.constant 0 : i32
    %dma_wait3A_1323 = arith.constant 0 : i32
    %dma_wait3A_1324 = tpu.memref_slice %arg4[%add3A_1318, %dma_wait3A_1322, %dma_wait3A_1323] : memref<1638x4x1024xf32, #tpu.memory_space<hbm>> -> memref<1x4x1024xf32, #tpu.memory_space<hbm>>
    %dma_wait3A_1325 = tpu.memref_squeeze %dma_wait3A_1324 : memref<1x4x1024xf32, #tpu.memory_space<hbm>> -> memref<4x1024xf32, #tpu.memory_space<hbm>>
    %dma_wait3A_1326 = arith.constant 0 : i32
    %dma_wait3A_1327 = arith.constant 0 : i32
    %dma_wait3A_1328 = tpu.memref_slice %arg4[%add3A_1318, %dma_wait3A_1326, %dma_wait3A_1327] : memref<1638x4x1024xf32, #tpu.memory_space<hbm>> -> memref<1x4x1024xf32, #tpu.memory_space<hbm>>
    %dma_wait3A_1329 = tpu.memref_squeeze %dma_wait3A_1328 : memref<1x4x1024xf32, #tpu.memory_space<hbm>> -> memref<4x1024xf32, #tpu.memory_space<hbm>>
    %dma_wait3A_1330 = arith.constant 52 : i32
    %dma_wait3A_1331 = arith.constant 0 : i32
    %dma_wait3A_1332 = tpu.memref_slice %arg7[%dma_wait3A_1330, %dma_wait3A_1331] : memref<56x1024xf32, #tpu.memory_space<vmem>> -> memref<4x1024xf32, #tpu.memory_space<vmem>>
    tpu.wait_dma2 semaphore(%arg11 : memref<!tpu.dma_semaphore, #tpu.memory_space<semaphore_mem>>) src(%dma_wait3A_1332 : memref<4x1024xf32, #tpu.memory_space<vmem>>) dst(%dma_wait3A_1329 : memref<4x1024xf32, #tpu.memory_space<hbm>>)
    %add3A_1333 = arith.constant 42 : i32
    %add3A_1334 = arith.addi %mul3A_20, %add3A_1333 : i32
    %mul3A_1335 = arith.constant 4 : i32
    %mul3A_1336 = arith.muli %mul3A_1335, %add3A_1334 : i32
    %dma_start3A_1337 = arith.constant 0 : i32
    %dma_start3A_1338 = arith.constant 0 : i32
    %dma_start3A_1339 = tpu.memref_slice %arg7[%dma_start3A_1337, %dma_start3A_1338] : memref<56x1024xf32, #tpu.memory_space<vmem>> -> memref<56x1024xf32, #tpu.memory_space<vmem>>
    %dma_start3A_1340 = tpu.memref_slice %arg5[%mul3A_1336] : memref<8192xi32, #tpu.memory_space<vmem>> -> memref<56xi32, #tpu.memory_space<vmem>>
    %dma_start3A_1341 = arith.constant 0 : i32
    %dma_start3A_1342 = arith.constant 0 : i32
    %dma_start3A_1343 = tpu.memref_slice %arg2[%dma_start3A_1341, %dma_start3A_1342] : memref<32768x1024xf32, #tpu.memory_space<hbm>> -> memref<32768x1024xf32, #tpu.memory_space<hbm>>
    tpu.enqueue_indirect_dma source(%dma_start3A_1343 : memref<32768x1024xf32, #tpu.memory_space<hbm>>) target(%dma_start3A_1339 : memref<56x1024xf32, #tpu.memory_space<vmem>>) offsets(%dma_start3A_1340 : memref<56xi32, #tpu.memory_space<vmem>>) semaphore(%arg9 : memref<!tpu.dma_semaphore, #tpu.memory_space<semaphore_mem>>)
    %dma_wait3A_1344 = arith.constant 0 : i32
    %dma_wait3A_1345 = arith.constant 0 : i32
    %dma_wait3A_1346 = tpu.memref_slice %arg7[%dma_wait3A_1344, %dma_wait3A_1345] : memref<56x1024xf32, #tpu.memory_space<vmem>> -> memref<56x1024xf32, #tpu.memory_space<vmem>>
    %dma_wait3A_1347 = tpu.memref_slice %arg5[%mul3A_1336] : memref<8192xi32, #tpu.memory_space<vmem>> -> memref<56xi32, #tpu.memory_space<vmem>>
    %dma_wait3A_1348 = arith.constant 0 : i32
    %dma_wait3A_1349 = arith.constant 0 : i32
    %dma_wait3A_1350 = tpu.memref_slice %arg2[%dma_wait3A_1348, %dma_wait3A_1349] : memref<32768x1024xf32, #tpu.memory_space<hbm>> -> memref<32768x1024xf32, #tpu.memory_space<hbm>>
    tpu.wait_indirect_dma semaphore(%arg9 : memref<!tpu.dma_semaphore, #tpu.memory_space<semaphore_mem>>) src(%dma_wait3A_1350 : memref<32768x1024xf32, #tpu.memory_space<hbm>>) dst(%dma_wait3A_1346 : memref<56x1024xf32, #tpu.memory_space<vmem>>)
    %add3A_1351 = arith.constant 42 : i32
    %add3A_1352 = arith.addi %mul3A_20, %add3A_1351 : i32
    %add3A_1353 = arith.constant 0 : i32
    %add3A_1354 = arith.addi %add3A_1352, %add3A_1353 : i32
    %lt3A = arith.constant 1638 : i32
    %lt3A_1355 = arith.cmpi slt, %add3A_1354, %lt3A : i32
    %convert_element_type3A = arith.extui %lt3A_1355 : i1 to i32
    %cond3A = arith.constant 0 : i32
    %cond3A_1356 = arith.cmpi ne, %convert_element_type3A, %cond3A : i32
    scf.if %cond3A_1356 {
      %dma_start3A_1852 = arith.constant 0 : i32
      %dma_start3A_1853 = arith.constant 0 : i32
      %dma_start3A_1854 = tpu.memref_slice %arg7[%dma_start3A_1852, %dma_start3A_1853] : memref<56x1024xf32, #tpu.memory_space<vmem>> -> memref<4x1024xf32, #tpu.memory_space<vmem>>
      %dma_start3A_1855 = arith.constant 0 : i32
      %dma_start3A_1856 = arith.constant 0 : i32
      %dma_start3A_1857 = tpu.memref_slice %arg4[%add3A_1354, %dma_start3A_1855, %dma_start3A_1856] : memref<1638x4x1024xf32, #tpu.memory_space<hbm>> -> memref<1x4x1024xf32, #tpu.memory_space<hbm>>
      %dma_start3A_1858 = tpu.memref_squeeze %dma_start3A_1857 : memref<1x4x1024xf32, #tpu.memory_space<hbm>> -> memref<4x1024xf32, #tpu.memory_space<hbm>>
      %dma_start3A_1859 = arith.constant 0 : i32
      %dma_start3A_1860 = arith.constant 0 : i32
      %dma_start3A_1861 = tpu.memref_slice %arg4[%add3A_1354, %dma_start3A_1859, %dma_start3A_1860] : memref<1638x4x1024xf32, #tpu.memory_space<hbm>> -> memref<1x4x1024xf32, #tpu.memory_space<hbm>>
      %dma_start3A_1862 = tpu.memref_squeeze %dma_start3A_1861 : memref<1x4x1024xf32, #tpu.memory_space<hbm>> -> memref<4x1024xf32, #tpu.memory_space<hbm>>
      %dma_start3A_1863 = arith.constant 0 : i32
      %dma_start3A_1864 = arith.constant 0 : i32
      %dma_start3A_1865 = tpu.memref_slice %arg7[%dma_start3A_1863, %dma_start3A_1864] : memref<56x1024xf32, #tpu.memory_space<vmem>> -> memref<4x1024xf32, #tpu.memory_space<vmem>>
      tpu.enqueue_dma source(%dma_start3A_1865 : memref<4x1024xf32, #tpu.memory_space<vmem>>) target(%dma_start3A_1862 : memref<4x1024xf32, #tpu.memory_space<hbm>>) target_semaphore(%arg11 : memref<!tpu.dma_semaphore, #tpu.memory_space<semaphore_mem>>)
    } else {
    }
    %add3A_1357 = arith.constant 42 : i32
    %add3A_1358 = arith.addi %mul3A_20, %add3A_1357 : i32
    %add3A_1359 = arith.constant 1 : i32
    %add3A_1360 = arith.addi %add3A_1358, %add3A_1359 : i32
    %lt3A_1361 = arith.constant 1638 : i32
    %lt3A_1362 = arith.cmpi slt, %add3A_1360, %lt3A_1361 : i32
    %convert_element_type3A_1363 = arith.extui %lt3A_1362 : i1 to i32
    %cond3A_1364 = arith.constant 0 : i32
    %cond3A_1365 = arith.cmpi ne, %convert_element_type3A_1363, %cond3A_1364 : i32
    scf.if %cond3A_1365 {
      %dma_start3A_1852 = arith.constant 4 : i32
      %dma_start3A_1853 = arith.constant 0 : i32
      %dma_start3A_1854 = tpu.memref_slice %arg7[%dma_start3A_1852, %dma_start3A_1853] : memref<56x1024xf32, #tpu.memory_space<vmem>> -> memref<4x1024xf32, #tpu.memory_space<vmem>>
      %dma_start3A_1855 = arith.constant 0 : i32
      %dma_start3A_1856 = arith.constant 0 : i32
      %dma_start3A_1857 = tpu.memref_slice %arg4[%add3A_1360, %dma_start3A_1855, %dma_start3A_1856] : memref<1638x4x1024xf32, #tpu.memory_space<hbm>> -> memref<1x4x1024xf32, #tpu.memory_space<hbm>>
      %dma_start3A_1858 = tpu.memref_squeeze %dma_start3A_1857 : memref<1x4x1024xf32, #tpu.memory_space<hbm>> -> memref<4x1024xf32, #tpu.memory_space<hbm>>
      %dma_start3A_1859 = arith.constant 0 : i32
      %dma_start3A_1860 = arith.constant 0 : i32
      %dma_start3A_1861 = tpu.memref_slice %arg4[%add3A_1360, %dma_start3A_1859, %dma_start3A_1860] : memref<1638x4x1024xf32, #tpu.memory_space<hbm>> -> memref<1x4x1024xf32, #tpu.memory_space<hbm>>
      %dma_start3A_1862 = tpu.memref_squeeze %dma_start3A_1861 : memref<1x4x1024xf32, #tpu.memory_space<hbm>> -> memref<4x1024xf32, #tpu.memory_space<hbm>>
      %dma_start3A_1863 = arith.constant 4 : i32
      %dma_start3A_1864 = arith.constant 0 : i32
      %dma_start3A_1865 = tpu.memref_slice %arg7[%dma_start3A_1863, %dma_start3A_1864] : memref<56x1024xf32, #tpu.memory_space<vmem>> -> memref<4x1024xf32, #tpu.memory_space<vmem>>
      tpu.enqueue_dma source(%dma_start3A_1865 : memref<4x1024xf32, #tpu.memory_space<vmem>>) target(%dma_start3A_1862 : memref<4x1024xf32, #tpu.memory_space<hbm>>) target_semaphore(%arg11 : memref<!tpu.dma_semaphore, #tpu.memory_space<semaphore_mem>>)
    } else {
    }
    %add3A_1366 = arith.constant 42 : i32
    %add3A_1367 = arith.addi %mul3A_20, %add3A_1366 : i32
    %add3A_1368 = arith.constant 2 : i32
    %add3A_1369 = arith.addi %add3A_1367, %add3A_1368 : i32
    %lt3A_1370 = arith.constant 1638 : i32
    %lt3A_1371 = arith.cmpi slt, %add3A_1369, %lt3A_1370 : i32
    %convert_element_type3A_1372 = arith.extui %lt3A_1371 : i1 to i32
    %cond3A_1373 = arith.constant 0 : i32
    %cond3A_1374 = arith.cmpi ne, %convert_element_type3A_1372, %cond3A_1373 : i32
    scf.if %cond3A_1374 {
      %dma_start3A_1852 = arith.constant 8 : i32
      %dma_start3A_1853 = arith.constant 0 : i32
      %dma_start3A_1854 = tpu.memref_slice %arg7[%dma_start3A_1852, %dma_start3A_1853] : memref<56x1024xf32, #tpu.memory_space<vmem>> -> memref<4x1024xf32, #tpu.memory_space<vmem>>
      %dma_start3A_1855 = arith.constant 0 : i32
      %dma_start3A_1856 = arith.constant 0 : i32
      %dma_start3A_1857 = tpu.memref_slice %arg4[%add3A_1369, %dma_start3A_1855, %dma_start3A_1856] : memref<1638x4x1024xf32, #tpu.memory_space<hbm>> -> memref<1x4x1024xf32, #tpu.memory_space<hbm>>
      %dma_start3A_1858 = tpu.memref_squeeze %dma_start3A_1857 : memref<1x4x1024xf32, #tpu.memory_space<hbm>> -> memref<4x1024xf32, #tpu.memory_space<hbm>>
      %dma_start3A_1859 = arith.constant 0 : i32
      %dma_start3A_1860 = arith.constant 0 : i32
      %dma_start3A_1861 = tpu.memref_slice %arg4[%add3A_1369, %dma_start3A_1859, %dma_start3A_1860] : memref<1638x4x1024xf32, #tpu.memory_space<hbm>> -> memref<1x4x1024xf32, #tpu.memory_space<hbm>>
      %dma_start3A_1862 = tpu.memref_squeeze %dma_start3A_1861 : memref<1x4x1024xf32, #tpu.memory_space<hbm>> -> memref<4x1024xf32, #tpu.memory_space<hbm>>
      %dma_start3A_1863 = arith.constant 8 : i32
      %dma_start3A_1864 = arith.constant 0 : i32
      %dma_start3A_1865 = tpu.memref_slice %arg7[%dma_start3A_1863, %dma_start3A_1864] : memref<56x1024xf32, #tpu.memory_space<vmem>> -> memref<4x1024xf32, #tpu.memory_space<vmem>>
      tpu.enqueue_dma source(%dma_start3A_1865 : memref<4x1024xf32, #tpu.memory_space<vmem>>) target(%dma_start3A_1862 : memref<4x1024xf32, #tpu.memory_space<hbm>>) target_semaphore(%arg11 : memref<!tpu.dma_semaphore, #tpu.memory_space<semaphore_mem>>)
    } else {
    }
    %add3A_1375 = arith.constant 42 : i32
    %add3A_1376 = arith.addi %mul3A_20, %add3A_1375 : i32
    %add3A_1377 = arith.constant 3 : i32
    %add3A_1378 = arith.addi %add3A_1376, %add3A_1377 : i32
    %lt3A_1379 = arith.constant 1638 : i32
    %lt3A_1380 = arith.cmpi slt, %add3A_1378, %lt3A_1379 : i32
    %convert_element_type3A_1381 = arith.extui %lt3A_1380 : i1 to i32
    %cond3A_1382 = arith.constant 0 : i32
    %cond3A_1383 = arith.cmpi ne, %convert_element_type3A_1381, %cond3A_1382 : i32
    scf.if %cond3A_1383 {
      %dma_start3A_1852 = arith.constant 12 : i32
      %dma_start3A_1853 = arith.constant 0 : i32
      %dma_start3A_1854 = tpu.memref_slice %arg7[%dma_start3A_1852, %dma_start3A_1853] : memref<56x1024xf32, #tpu.memory_space<vmem>> -> memref<4x1024xf32, #tpu.memory_space<vmem>>
      %dma_start3A_1855 = arith.constant 0 : i32
      %dma_start3A_1856 = arith.constant 0 : i32
      %dma_start3A_1857 = tpu.memref_slice %arg4[%add3A_1378, %dma_start3A_1855, %dma_start3A_1856] : memref<1638x4x1024xf32, #tpu.memory_space<hbm>> -> memref<1x4x1024xf32, #tpu.memory_space<hbm>>
      %dma_start3A_1858 = tpu.memref_squeeze %dma_start3A_1857 : memref<1x4x1024xf32, #tpu.memory_space<hbm>> -> memref<4x1024xf32, #tpu.memory_space<hbm>>
      %dma_start3A_1859 = arith.constant 0 : i32
      %dma_start3A_1860 = arith.constant 0 : i32
      %dma_start3A_1861 = tpu.memref_slice %arg4[%add3A_1378, %dma_start3A_1859, %dma_start3A_1860] : memref<1638x4x1024xf32, #tpu.memory_space<hbm>> -> memref<1x4x1024xf32, #tpu.memory_space<hbm>>
      %dma_start3A_1862 = tpu.memref_squeeze %dma_start3A_1861 : memref<1x4x1024xf32, #tpu.memory_space<hbm>> -> memref<4x1024xf32, #tpu.memory_space<hbm>>
      %dma_start3A_1863 = arith.constant 12 : i32
      %dma_start3A_1864 = arith.constant 0 : i32
      %dma_start3A_1865 = tpu.memref_slice %arg7[%dma_start3A_1863, %dma_start3A_1864] : memref<56x1024xf32, #tpu.memory_space<vmem>> -> memref<4x1024xf32, #tpu.memory_space<vmem>>
      tpu.enqueue_dma source(%dma_start3A_1865 : memref<4x1024xf32, #tpu.memory_space<vmem>>) target(%dma_start3A_1862 : memref<4x1024xf32, #tpu.memory_space<hbm>>) target_semaphore(%arg11 : memref<!tpu.dma_semaphore, #tpu.memory_space<semaphore_mem>>)
    } else {
    }
    %add3A_1384 = arith.constant 42 : i32
    %add3A_1385 = arith.addi %mul3A_20, %add3A_1384 : i32
    %add3A_1386 = arith.constant 4 : i32
    %add3A_1387 = arith.addi %add3A_1385, %add3A_1386 : i32
    %lt3A_1388 = arith.constant 1638 : i32
    %lt3A_1389 = arith.cmpi slt, %add3A_1387, %lt3A_1388 : i32
    %convert_element_type3A_1390 = arith.extui %lt3A_1389 : i1 to i32
    %cond3A_1391 = arith.constant 0 : i32
    %cond3A_1392 = arith.cmpi ne, %convert_element_type3A_1390, %cond3A_1391 : i32
    scf.if %cond3A_1392 {
      %dma_start3A_1852 = arith.constant 16 : i32
      %dma_start3A_1853 = arith.constant 0 : i32
      %dma_start3A_1854 = tpu.memref_slice %arg7[%dma_start3A_1852, %dma_start3A_1853] : memref<56x1024xf32, #tpu.memory_space<vmem>> -> memref<4x1024xf32, #tpu.memory_space<vmem>>
      %dma_start3A_1855 = arith.constant 0 : i32
      %dma_start3A_1856 = arith.constant 0 : i32
      %dma_start3A_1857 = tpu.memref_slice %arg4[%add3A_1387, %dma_start3A_1855, %dma_start3A_1856] : memref<1638x4x1024xf32, #tpu.memory_space<hbm>> -> memref<1x4x1024xf32, #tpu.memory_space<hbm>>
      %dma_start3A_1858 = tpu.memref_squeeze %dma_start3A_1857 : memref<1x4x1024xf32, #tpu.memory_space<hbm>> -> memref<4x1024xf32, #tpu.memory_space<hbm>>
      %dma_start3A_1859 = arith.constant 0 : i32
      %dma_start3A_1860 = arith.constant 0 : i32
      %dma_start3A_1861 = tpu.memref_slice %arg4[%add3A_1387, %dma_start3A_1859, %dma_start3A_1860] : memref<1638x4x1024xf32, #tpu.memory_space<hbm>> -> memref<1x4x1024xf32, #tpu.memory_space<hbm>>
      %dma_start3A_1862 = tpu.memref_squeeze %dma_start3A_1861 : memref<1x4x1024xf32, #tpu.memory_space<hbm>> -> memref<4x1024xf32, #tpu.memory_space<hbm>>
      %dma_start3A_1863 = arith.constant 16 : i32
      %dma_start3A_1864 = arith.constant 0 : i32
      %dma_start3A_1865 = tpu.memref_slice %arg7[%dma_start3A_1863, %dma_start3A_1864] : memref<56x1024xf32, #tpu.memory_space<vmem>> -> memref<4x1024xf32, #tpu.memory_space<vmem>>
      tpu.enqueue_dma source(%dma_start3A_1865 : memref<4x1024xf32, #tpu.memory_space<vmem>>) target(%dma_start3A_1862 : memref<4x1024xf32, #tpu.memory_space<hbm>>) target_semaphore(%arg11 : memref<!tpu.dma_semaphore, #tpu.memory_space<semaphore_mem>>)
    } else {
    }
    %add3A_1393 = arith.constant 42 : i32
    %add3A_1394 = arith.addi %mul3A_20, %add3A_1393 : i32
    %add3A_1395 = arith.constant 5 : i32
    %add3A_1396 = arith.addi %add3A_1394, %add3A_1395 : i32
    %lt3A_1397 = arith.constant 1638 : i32
    %lt3A_1398 = arith.cmpi slt, %add3A_1396, %lt3A_1397 : i32
    %convert_element_type3A_1399 = arith.extui %lt3A_1398 : i1 to i32
    %cond3A_1400 = arith.constant 0 : i32
    %cond3A_1401 = arith.cmpi ne, %convert_element_type3A_1399, %cond3A_1400 : i32
    scf.if %cond3A_1401 {
      %dma_start3A_1852 = arith.constant 20 : i32
      %dma_start3A_1853 = arith.constant 0 : i32
      %dma_start3A_1854 = tpu.memref_slice %arg7[%dma_start3A_1852, %dma_start3A_1853] : memref<56x1024xf32, #tpu.memory_space<vmem>> -> memref<4x1024xf32, #tpu.memory_space<vmem>>
      %dma_start3A_1855 = arith.constant 0 : i32
      %dma_start3A_1856 = arith.constant 0 : i32
      %dma_start3A_1857 = tpu.memref_slice %arg4[%add3A_1396, %dma_start3A_1855, %dma_start3A_1856] : memref<1638x4x1024xf32, #tpu.memory_space<hbm>> -> memref<1x4x1024xf32, #tpu.memory_space<hbm>>
      %dma_start3A_1858 = tpu.memref_squeeze %dma_start3A_1857 : memref<1x4x1024xf32, #tpu.memory_space<hbm>> -> memref<4x1024xf32, #tpu.memory_space<hbm>>
      %dma_start3A_1859 = arith.constant 0 : i32
      %dma_start3A_1860 = arith.constant 0 : i32
      %dma_start3A_1861 = tpu.memref_slice %arg4[%add3A_1396, %dma_start3A_1859, %dma_start3A_1860] : memref<1638x4x1024xf32, #tpu.memory_space<hbm>> -> memref<1x4x1024xf32, #tpu.memory_space<hbm>>
      %dma_start3A_1862 = tpu.memref_squeeze %dma_start3A_1861 : memref<1x4x1024xf32, #tpu.memory_space<hbm>> -> memref<4x1024xf32, #tpu.memory_space<hbm>>
      %dma_start3A_1863 = arith.constant 20 : i32
      %dma_start3A_1864 = arith.constant 0 : i32
      %dma_start3A_1865 = tpu.memref_slice %arg7[%dma_start3A_1863, %dma_start3A_1864] : memref<56x1024xf32, #tpu.memory_space<vmem>> -> memref<4x1024xf32, #tpu.memory_space<vmem>>
      tpu.enqueue_dma source(%dma_start3A_1865 : memref<4x1024xf32, #tpu.memory_space<vmem>>) target(%dma_start3A_1862 : memref<4x1024xf32, #tpu.memory_space<hbm>>) target_semaphore(%arg11 : memref<!tpu.dma_semaphore, #tpu.memory_space<semaphore_mem>>)
    } else {
    }
    %add3A_1402 = arith.constant 42 : i32
    %add3A_1403 = arith.addi %mul3A_20, %add3A_1402 : i32
    %add3A_1404 = arith.constant 6 : i32
    %add3A_1405 = arith.addi %add3A_1403, %add3A_1404 : i32
    %lt3A_1406 = arith.constant 1638 : i32
    %lt3A_1407 = arith.cmpi slt, %add3A_1405, %lt3A_1406 : i32
    %convert_element_type3A_1408 = arith.extui %lt3A_1407 : i1 to i32
    %cond3A_1409 = arith.constant 0 : i32
    %cond3A_1410 = arith.cmpi ne, %convert_element_type3A_1408, %cond3A_1409 : i32
    scf.if %cond3A_1410 {
      %dma_start3A_1852 = arith.constant 24 : i32
      %dma_start3A_1853 = arith.constant 0 : i32
      %dma_start3A_1854 = tpu.memref_slice %arg7[%dma_start3A_1852, %dma_start3A_1853] : memref<56x1024xf32, #tpu.memory_space<vmem>> -> memref<4x1024xf32, #tpu.memory_space<vmem>>
      %dma_start3A_1855 = arith.constant 0 : i32
      %dma_start3A_1856 = arith.constant 0 : i32
      %dma_start3A_1857 = tpu.memref_slice %arg4[%add3A_1405, %dma_start3A_1855, %dma_start3A_1856] : memref<1638x4x1024xf32, #tpu.memory_space<hbm>> -> memref<1x4x1024xf32, #tpu.memory_space<hbm>>
      %dma_start3A_1858 = tpu.memref_squeeze %dma_start3A_1857 : memref<1x4x1024xf32, #tpu.memory_space<hbm>> -> memref<4x1024xf32, #tpu.memory_space<hbm>>
      %dma_start3A_1859 = arith.constant 0 : i32
      %dma_start3A_1860 = arith.constant 0 : i32
      %dma_start3A_1861 = tpu.memref_slice %arg4[%add3A_1405, %dma_start3A_1859, %dma_start3A_1860] : memref<1638x4x1024xf32, #tpu.memory_space<hbm>> -> memref<1x4x1024xf32, #tpu.memory_space<hbm>>
      %dma_start3A_1862 = tpu.memref_squeeze %dma_start3A_1861 : memref<1x4x1024xf32, #tpu.memory_space<hbm>> -> memref<4x1024xf32, #tpu.memory_space<hbm>>
      %dma_start3A_1863 = arith.constant 24 : i32
      %dma_start3A_1864 = arith.constant 0 : i32
      %dma_start3A_1865 = tpu.memref_slice %arg7[%dma_start3A_1863, %dma_start3A_1864] : memref<56x1024xf32, #tpu.memory_space<vmem>> -> memref<4x1024xf32, #tpu.memory_space<vmem>>
      tpu.enqueue_dma source(%dma_start3A_1865 : memref<4x1024xf32, #tpu.memory_space<vmem>>) target(%dma_start3A_1862 : memref<4x1024xf32, #tpu.memory_space<hbm>>) target_semaphore(%arg11 : memref<!tpu.dma_semaphore, #tpu.memory_space<semaphore_mem>>)
    } else {
    }
    %add3A_1411 = arith.constant 42 : i32
    %add3A_1412 = arith.addi %mul3A_20, %add3A_1411 : i32
    %add3A_1413 = arith.constant 7 : i32
    %add3A_1414 = arith.addi %add3A_1412, %add3A_1413 : i32
    %lt3A_1415 = arith.constant 1638 : i32
    %lt3A_1416 = arith.cmpi slt, %add3A_1414, %lt3A_1415 : i32
    %convert_element_type3A_1417 = arith.extui %lt3A_1416 : i1 to i32
    %cond3A_1418 = arith.constant 0 : i32
    %cond3A_1419 = arith.cmpi ne, %convert_element_type3A_1417, %cond3A_1418 : i32
    scf.if %cond3A_1419 {
      %dma_start3A_1852 = arith.constant 28 : i32
      %dma_start3A_1853 = arith.constant 0 : i32
      %dma_start3A_1854 = tpu.memref_slice %arg7[%dma_start3A_1852, %dma_start3A_1853] : memref<56x1024xf32, #tpu.memory_space<vmem>> -> memref<4x1024xf32, #tpu.memory_space<vmem>>
      %dma_start3A_1855 = arith.constant 0 : i32
      %dma_start3A_1856 = arith.constant 0 : i32
      %dma_start3A_1857 = tpu.memref_slice %arg4[%add3A_1414, %dma_start3A_1855, %dma_start3A_1856] : memref<1638x4x1024xf32, #tpu.memory_space<hbm>> -> memref<1x4x1024xf32, #tpu.memory_space<hbm>>
      %dma_start3A_1858 = tpu.memref_squeeze %dma_start3A_1857 : memref<1x4x1024xf32, #tpu.memory_space<hbm>> -> memref<4x1024xf32, #tpu.memory_space<hbm>>
      %dma_start3A_1859 = arith.constant 0 : i32
      %dma_start3A_1860 = arith.constant 0 : i32
      %dma_start3A_1861 = tpu.memref_slice %arg4[%add3A_1414, %dma_start3A_1859, %dma_start3A_1860] : memref<1638x4x1024xf32, #tpu.memory_space<hbm>> -> memref<1x4x1024xf32, #tpu.memory_space<hbm>>
      %dma_start3A_1862 = tpu.memref_squeeze %dma_start3A_1861 : memref<1x4x1024xf32, #tpu.memory_space<hbm>> -> memref<4x1024xf32, #tpu.memory_space<hbm>>
      %dma_start3A_1863 = arith.constant 28 : i32
      %dma_start3A_1864 = arith.constant 0 : i32
      %dma_start3A_1865 = tpu.memref_slice %arg7[%dma_start3A_1863, %dma_start3A_1864] : memref<56x1024xf32, #tpu.memory_space<vmem>> -> memref<4x1024xf32, #tpu.memory_space<vmem>>
      tpu.enqueue_dma source(%dma_start3A_1865 : memref<4x1024xf32, #tpu.memory_space<vmem>>) target(%dma_start3A_1862 : memref<4x1024xf32, #tpu.memory_space<hbm>>) target_semaphore(%arg11 : memref<!tpu.dma_semaphore, #tpu.memory_space<semaphore_mem>>)
    } else {
    }
    %add3A_1420 = arith.constant 42 : i32
    %add3A_1421 = arith.addi %mul3A_20, %add3A_1420 : i32
    %add3A_1422 = arith.constant 8 : i32
    %add3A_1423 = arith.addi %add3A_1421, %add3A_1422 : i32
    %lt3A_1424 = arith.constant 1638 : i32
    %lt3A_1425 = arith.cmpi slt, %add3A_1423, %lt3A_1424 : i32
    %convert_element_type3A_1426 = arith.extui %lt3A_1425 : i1 to i32
    %cond3A_1427 = arith.constant 0 : i32
    %cond3A_1428 = arith.cmpi ne, %convert_element_type3A_1426, %cond3A_1427 : i32
    scf.if %cond3A_1428 {
      %dma_start3A_1852 = arith.constant 32 : i32
      %dma_start3A_1853 = arith.constant 0 : i32
      %dma_start3A_1854 = tpu.memref_slice %arg7[%dma_start3A_1852, %dma_start3A_1853] : memref<56x1024xf32, #tpu.memory_space<vmem>> -> memref<4x1024xf32, #tpu.memory_space<vmem>>
      %dma_start3A_1855 = arith.constant 0 : i32
      %dma_start3A_1856 = arith.constant 0 : i32
      %dma_start3A_1857 = tpu.memref_slice %arg4[%add3A_1423, %dma_start3A_1855, %dma_start3A_1856] : memref<1638x4x1024xf32, #tpu.memory_space<hbm>> -> memref<1x4x1024xf32, #tpu.memory_space<hbm>>
      %dma_start3A_1858 = tpu.memref_squeeze %dma_start3A_1857 : memref<1x4x1024xf32, #tpu.memory_space<hbm>> -> memref<4x1024xf32, #tpu.memory_space<hbm>>
      %dma_start3A_1859 = arith.constant 0 : i32
      %dma_start3A_1860 = arith.constant 0 : i32
      %dma_start3A_1861 = tpu.memref_slice %arg4[%add3A_1423, %dma_start3A_1859, %dma_start3A_1860] : memref<1638x4x1024xf32, #tpu.memory_space<hbm>> -> memref<1x4x1024xf32, #tpu.memory_space<hbm>>
      %dma_start3A_1862 = tpu.memref_squeeze %dma_start3A_1861 : memref<1x4x1024xf32, #tpu.memory_space<hbm>> -> memref<4x1024xf32, #tpu.memory_space<hbm>>
      %dma_start3A_1863 = arith.constant 32 : i32
      %dma_start3A_1864 = arith.constant 0 : i32
      %dma_start3A_1865 = tpu.memref_slice %arg7[%dma_start3A_1863, %dma_start3A_1864] : memref<56x1024xf32, #tpu.memory_space<vmem>> -> memref<4x1024xf32, #tpu.memory_space<vmem>>
      tpu.enqueue_dma source(%dma_start3A_1865 : memref<4x1024xf32, #tpu.memory_space<vmem>>) target(%dma_start3A_1862 : memref<4x1024xf32, #tpu.memory_space<hbm>>) target_semaphore(%arg11 : memref<!tpu.dma_semaphore, #tpu.memory_space<semaphore_mem>>)
    } else {
    }
    %add3A_1429 = arith.constant 42 : i32
    %add3A_1430 = arith.addi %mul3A_20, %add3A_1429 : i32
    %add3A_1431 = arith.constant 9 : i32
    %add3A_1432 = arith.addi %add3A_1430, %add3A_1431 : i32
    %lt3A_1433 = arith.constant 1638 : i32
    %lt3A_1434 = arith.cmpi slt, %add3A_1432, %lt3A_1433 : i32
    %convert_element_type3A_1435 = arith.extui %lt3A_1434 : i1 to i32
    %cond3A_1436 = arith.constant 0 : i32
    %cond3A_1437 = arith.cmpi ne, %convert_element_type3A_1435, %cond3A_1436 : i32
    scf.if %cond3A_1437 {
      %dma_start3A_1852 = arith.constant 36 : i32
      %dma_start3A_1853 = arith.constant 0 : i32
      %dma_start3A_1854 = tpu.memref_slice %arg7[%dma_start3A_1852, %dma_start3A_1853] : memref<56x1024xf32, #tpu.memory_space<vmem>> -> memref<4x1024xf32, #tpu.memory_space<vmem>>
      %dma_start3A_1855 = arith.constant 0 : i32
      %dma_start3A_1856 = arith.constant 0 : i32
      %dma_start3A_1857 = tpu.memref_slice %arg4[%add3A_1432, %dma_start3A_1855, %dma_start3A_1856] : memref<1638x4x1024xf32, #tpu.memory_space<hbm>> -> memref<1x4x1024xf32, #tpu.memory_space<hbm>>
      %dma_start3A_1858 = tpu.memref_squeeze %dma_start3A_1857 : memref<1x4x1024xf32, #tpu.memory_space<hbm>> -> memref<4x1024xf32, #tpu.memory_space<hbm>>
      %dma_start3A_1859 = arith.constant 0 : i32
      %dma_start3A_1860 = arith.constant 0 : i32
      %dma_start3A_1861 = tpu.memref_slice %arg4[%add3A_1432, %dma_start3A_1859, %dma_start3A_1860] : memref<1638x4x1024xf32, #tpu.memory_space<hbm>> -> memref<1x4x1024xf32, #tpu.memory_space<hbm>>
      %dma_start3A_1862 = tpu.memref_squeeze %dma_start3A_1861 : memref<1x4x1024xf32, #tpu.memory_space<hbm>> -> memref<4x1024xf32, #tpu.memory_space<hbm>>
      %dma_start3A_1863 = arith.constant 36 : i32
      %dma_start3A_1864 = arith.constant 0 : i32
      %dma_start3A_1865 = tpu.memref_slice %arg7[%dma_start3A_1863, %dma_start3A_1864] : memref<56x1024xf32, #tpu.memory_space<vmem>> -> memref<4x1024xf32, #tpu.memory_space<vmem>>
      tpu.enqueue_dma source(%dma_start3A_1865 : memref<4x1024xf32, #tpu.memory_space<vmem>>) target(%dma_start3A_1862 : memref<4x1024xf32, #tpu.memory_space<hbm>>) target_semaphore(%arg11 : memref<!tpu.dma_semaphore, #tpu.memory_space<semaphore_mem>>)
    } else {
    }
    %add3A_1438 = arith.constant 42 : i32
    %add3A_1439 = arith.addi %mul3A_20, %add3A_1438 : i32
    %add3A_1440 = arith.constant 10 : i32
    %add3A_1441 = arith.addi %add3A_1439, %add3A_1440 : i32
    %lt3A_1442 = arith.constant 1638 : i32
    %lt3A_1443 = arith.cmpi slt, %add3A_1441, %lt3A_1442 : i32
    %convert_element_type3A_1444 = arith.extui %lt3A_1443 : i1 to i32
    %cond3A_1445 = arith.constant 0 : i32
    %cond3A_1446 = arith.cmpi ne, %convert_element_type3A_1444, %cond3A_1445 : i32
    scf.if %cond3A_1446 {
      %dma_start3A_1852 = arith.constant 40 : i32
      %dma_start3A_1853 = arith.constant 0 : i32
      %dma_start3A_1854 = tpu.memref_slice %arg7[%dma_start3A_1852, %dma_start3A_1853] : memref<56x1024xf32, #tpu.memory_space<vmem>> -> memref<4x1024xf32, #tpu.memory_space<vmem>>
      %dma_start3A_1855 = arith.constant 0 : i32
      %dma_start3A_1856 = arith.constant 0 : i32
      %dma_start3A_1857 = tpu.memref_slice %arg4[%add3A_1441, %dma_start3A_1855, %dma_start3A_1856] : memref<1638x4x1024xf32, #tpu.memory_space<hbm>> -> memref<1x4x1024xf32, #tpu.memory_space<hbm>>
      %dma_start3A_1858 = tpu.memref_squeeze %dma_start3A_1857 : memref<1x4x1024xf32, #tpu.memory_space<hbm>> -> memref<4x1024xf32, #tpu.memory_space<hbm>>
      %dma_start3A_1859 = arith.constant 0 : i32
      %dma_start3A_1860 = arith.constant 0 : i32
      %dma_start3A_1861 = tpu.memref_slice %arg4[%add3A_1441, %dma_start3A_1859, %dma_start3A_1860] : memref<1638x4x1024xf32, #tpu.memory_space<hbm>> -> memref<1x4x1024xf32, #tpu.memory_space<hbm>>
      %dma_start3A_1862 = tpu.memref_squeeze %dma_start3A_1861 : memref<1x4x1024xf32, #tpu.memory_space<hbm>> -> memref<4x1024xf32, #tpu.memory_space<hbm>>
      %dma_start3A_1863 = arith.constant 40 : i32
      %dma_start3A_1864 = arith.constant 0 : i32
      %dma_start3A_1865 = tpu.memref_slice %arg7[%dma_start3A_1863, %dma_start3A_1864] : memref<56x1024xf32, #tpu.memory_space<vmem>> -> memref<4x1024xf32, #tpu.memory_space<vmem>>
      tpu.enqueue_dma source(%dma_start3A_1865 : memref<4x1024xf32, #tpu.memory_space<vmem>>) target(%dma_start3A_1862 : memref<4x1024xf32, #tpu.memory_space<hbm>>) target_semaphore(%arg11 : memref<!tpu.dma_semaphore, #tpu.memory_space<semaphore_mem>>)
    } else {
    }
    %add3A_1447 = arith.constant 42 : i32
    %add3A_1448 = arith.addi %mul3A_20, %add3A_1447 : i32
    %add3A_1449 = arith.constant 11 : i32
    %add3A_1450 = arith.addi %add3A_1448, %add3A_1449 : i32
    %lt3A_1451 = arith.constant 1638 : i32
    %lt3A_1452 = arith.cmpi slt, %add3A_1450, %lt3A_1451 : i32
    %convert_element_type3A_1453 = arith.extui %lt3A_1452 : i1 to i32
    %cond3A_1454 = arith.constant 0 : i32
    %cond3A_1455 = arith.cmpi ne, %convert_element_type3A_1453, %cond3A_1454 : i32
    scf.if %cond3A_1455 {
      %dma_start3A_1852 = arith.constant 44 : i32
      %dma_start3A_1853 = arith.constant 0 : i32
      %dma_start3A_1854 = tpu.memref_slice %arg7[%dma_start3A_1852, %dma_start3A_1853] : memref<56x1024xf32, #tpu.memory_space<vmem>> -> memref<4x1024xf32, #tpu.memory_space<vmem>>
      %dma_start3A_1855 = arith.constant 0 : i32
      %dma_start3A_1856 = arith.constant 0 : i32
      %dma_start3A_1857 = tpu.memref_slice %arg4[%add3A_1450, %dma_start3A_1855, %dma_start3A_1856] : memref<1638x4x1024xf32, #tpu.memory_space<hbm>> -> memref<1x4x1024xf32, #tpu.memory_space<hbm>>
      %dma_start3A_1858 = tpu.memref_squeeze %dma_start3A_1857 : memref<1x4x1024xf32, #tpu.memory_space<hbm>> -> memref<4x1024xf32, #tpu.memory_space<hbm>>
      %dma_start3A_1859 = arith.constant 0 : i32
      %dma_start3A_1860 = arith.constant 0 : i32
      %dma_start3A_1861 = tpu.memref_slice %arg4[%add3A_1450, %dma_start3A_1859, %dma_start3A_1860] : memref<1638x4x1024xf32, #tpu.memory_space<hbm>> -> memref<1x4x1024xf32, #tpu.memory_space<hbm>>
      %dma_start3A_1862 = tpu.memref_squeeze %dma_start3A_1861 : memref<1x4x1024xf32, #tpu.memory_space<hbm>> -> memref<4x1024xf32, #tpu.memory_space<hbm>>
      %dma_start3A_1863 = arith.constant 44 : i32
      %dma_start3A_1864 = arith.constant 0 : i32
      %dma_start3A_1865 = tpu.memref_slice %arg7[%dma_start3A_1863, %dma_start3A_1864] : memref<56x1024xf32, #tpu.memory_space<vmem>> -> memref<4x1024xf32, #tpu.memory_space<vmem>>
      tpu.enqueue_dma source(%dma_start3A_1865 : memref<4x1024xf32, #tpu.memory_space<vmem>>) target(%dma_start3A_1862 : memref<4x1024xf32, #tpu.memory_space<hbm>>) target_semaphore(%arg11 : memref<!tpu.dma_semaphore, #tpu.memory_space<semaphore_mem>>)
    } else {
    }
    %add3A_1456 = arith.constant 42 : i32
    %add3A_1457 = arith.addi %mul3A_20, %add3A_1456 : i32
    %add3A_1458 = arith.constant 12 : i32
    %add3A_1459 = arith.addi %add3A_1457, %add3A_1458 : i32
    %lt3A_1460 = arith.constant 1638 : i32
    %lt3A_1461 = arith.cmpi slt, %add3A_1459, %lt3A_1460 : i32
    %convert_element_type3A_1462 = arith.extui %lt3A_1461 : i1 to i32
    %cond3A_1463 = arith.constant 0 : i32
    %cond3A_1464 = arith.cmpi ne, %convert_element_type3A_1462, %cond3A_1463 : i32
    scf.if %cond3A_1464 {
      %dma_start3A_1852 = arith.constant 48 : i32
      %dma_start3A_1853 = arith.constant 0 : i32
      %dma_start3A_1854 = tpu.memref_slice %arg7[%dma_start3A_1852, %dma_start3A_1853] : memref<56x1024xf32, #tpu.memory_space<vmem>> -> memref<4x1024xf32, #tpu.memory_space<vmem>>
      %dma_start3A_1855 = arith.constant 0 : i32
      %dma_start3A_1856 = arith.constant 0 : i32
      %dma_start3A_1857 = tpu.memref_slice %arg4[%add3A_1459, %dma_start3A_1855, %dma_start3A_1856] : memref<1638x4x1024xf32, #tpu.memory_space<hbm>> -> memref<1x4x1024xf32, #tpu.memory_space<hbm>>
      %dma_start3A_1858 = tpu.memref_squeeze %dma_start3A_1857 : memref<1x4x1024xf32, #tpu.memory_space<hbm>> -> memref<4x1024xf32, #tpu.memory_space<hbm>>
      %dma_start3A_1859 = arith.constant 0 : i32
      %dma_start3A_1860 = arith.constant 0 : i32
      %dma_start3A_1861 = tpu.memref_slice %arg4[%add3A_1459, %dma_start3A_1859, %dma_start3A_1860] : memref<1638x4x1024xf32, #tpu.memory_space<hbm>> -> memref<1x4x1024xf32, #tpu.memory_space<hbm>>
      %dma_start3A_1862 = tpu.memref_squeeze %dma_start3A_1861 : memref<1x4x1024xf32, #tpu.memory_space<hbm>> -> memref<4x1024xf32, #tpu.memory_space<hbm>>
      %dma_start3A_1863 = arith.constant 48 : i32
      %dma_start3A_1864 = arith.constant 0 : i32
      %dma_start3A_1865 = tpu.memref_slice %arg7[%dma_start3A_1863, %dma_start3A_1864] : memref<56x1024xf32, #tpu.memory_space<vmem>> -> memref<4x1024xf32, #tpu.memory_space<vmem>>
      tpu.enqueue_dma source(%dma_start3A_1865 : memref<4x1024xf32, #tpu.memory_space<vmem>>) target(%dma_start3A_1862 : memref<4x1024xf32, #tpu.memory_space<hbm>>) target_semaphore(%arg11 : memref<!tpu.dma_semaphore, #tpu.memory_space<semaphore_mem>>)
    } else {
    }
    %add3A_1465 = arith.constant 42 : i32
    %add3A_1466 = arith.addi %mul3A_20, %add3A_1465 : i32
    %add3A_1467 = arith.constant 13 : i32
    %add3A_1468 = arith.addi %add3A_1466, %add3A_1467 : i32
    %lt3A_1469 = arith.constant 1638 : i32
    %lt3A_1470 = arith.cmpi slt, %add3A_1468, %lt3A_1469 : i32
    %convert_element_type3A_1471 = arith.extui %lt3A_1470 : i1 to i32
    %cond3A_1472 = arith.constant 0 : i32
    %cond3A_1473 = arith.cmpi ne, %convert_element_type3A_1471, %cond3A_1472 : i32
    scf.if %cond3A_1473 {
      %dma_start3A_1852 = arith.constant 52 : i32
      %dma_start3A_1853 = arith.constant 0 : i32
      %dma_start3A_1854 = tpu.memref_slice %arg7[%dma_start3A_1852, %dma_start3A_1853] : memref<56x1024xf32, #tpu.memory_space<vmem>> -> memref<4x1024xf32, #tpu.memory_space<vmem>>
      %dma_start3A_1855 = arith.constant 0 : i32
      %dma_start3A_1856 = arith.constant 0 : i32
      %dma_start3A_1857 = tpu.memref_slice %arg4[%add3A_1468, %dma_start3A_1855, %dma_start3A_1856] : memref<1638x4x1024xf32, #tpu.memory_space<hbm>> -> memref<1x4x1024xf32, #tpu.memory_space<hbm>>
      %dma_start3A_1858 = tpu.memref_squeeze %dma_start3A_1857 : memref<1x4x1024xf32, #tpu.memory_space<hbm>> -> memref<4x1024xf32, #tpu.memory_space<hbm>>
      %dma_start3A_1859 = arith.constant 0 : i32
      %dma_start3A_1860 = arith.constant 0 : i32
      %dma_start3A_1861 = tpu.memref_slice %arg4[%add3A_1468, %dma_start3A_1859, %dma_start3A_1860] : memref<1638x4x1024xf32, #tpu.memory_space<hbm>> -> memref<1x4x1024xf32, #tpu.memory_space<hbm>>
      %dma_start3A_1862 = tpu.memref_squeeze %dma_start3A_1861 : memref<1x4x1024xf32, #tpu.memory_space<hbm>> -> memref<4x1024xf32, #tpu.memory_space<hbm>>
      %dma_start3A_1863 = arith.constant 52 : i32
      %dma_start3A_1864 = arith.constant 0 : i32
      %dma_start3A_1865 = tpu.memref_slice %arg7[%dma_start3A_1863, %dma_start3A_1864] : memref<56x1024xf32, #tpu.memory_space<vmem>> -> memref<4x1024xf32, #tpu.memory_space<vmem>>
      tpu.enqueue_dma source(%dma_start3A_1865 : memref<4x1024xf32, #tpu.memory_space<vmem>>) target(%dma_start3A_1862 : memref<4x1024xf32, #tpu.memory_space<hbm>>) target_semaphore(%arg11 : memref<!tpu.dma_semaphore, #tpu.memory_space<semaphore_mem>>)
    } else {
    }
    %add3A_1474 = arith.constant 28 : i32
    %add3A_1475 = arith.addi %mul3A_20, %add3A_1474 : i32
    %add3A_1476 = arith.constant 0 : i32
    %add3A_1477 = arith.addi %add3A_1475, %add3A_1476 : i32
    %dma_wait3A_1478 = arith.constant 0 : i32
    %dma_wait3A_1479 = arith.constant 0 : i32
    %dma_wait3A_1480 = tpu.memref_slice %arg6[%dma_wait3A_1478, %dma_wait3A_1479] : memref<56x1024xf32, #tpu.memory_space<vmem>> -> memref<4x1024xf32, #tpu.memory_space<vmem>>
    %dma_wait3A_1481 = arith.constant 0 : i32
    %dma_wait3A_1482 = arith.constant 0 : i32
    %dma_wait3A_1483 = tpu.memref_slice %arg4[%add3A_1477, %dma_wait3A_1481, %dma_wait3A_1482] : memref<1638x4x1024xf32, #tpu.memory_space<hbm>> -> memref<1x4x1024xf32, #tpu.memory_space<hbm>>
    %dma_wait3A_1484 = tpu.memref_squeeze %dma_wait3A_1483 : memref<1x4x1024xf32, #tpu.memory_space<hbm>> -> memref<4x1024xf32, #tpu.memory_space<hbm>>
    %dma_wait3A_1485 = arith.constant 0 : i32
    %dma_wait3A_1486 = arith.constant 0 : i32
    %dma_wait3A_1487 = tpu.memref_slice %arg4[%add3A_1477, %dma_wait3A_1485, %dma_wait3A_1486] : memref<1638x4x1024xf32, #tpu.memory_space<hbm>> -> memref<1x4x1024xf32, #tpu.memory_space<hbm>>
    %dma_wait3A_1488 = tpu.memref_squeeze %dma_wait3A_1487 : memref<1x4x1024xf32, #tpu.memory_space<hbm>> -> memref<4x1024xf32, #tpu.memory_space<hbm>>
    %dma_wait3A_1489 = arith.constant 0 : i32
    %dma_wait3A_1490 = arith.constant 0 : i32
    %dma_wait3A_1491 = tpu.memref_slice %arg6[%dma_wait3A_1489, %dma_wait3A_1490] : memref<56x1024xf32, #tpu.memory_space<vmem>> -> memref<4x1024xf32, #tpu.memory_space<vmem>>
    tpu.wait_dma2 semaphore(%arg10 : memref<!tpu.dma_semaphore, #tpu.memory_space<semaphore_mem>>) src(%dma_wait3A_1491 : memref<4x1024xf32, #tpu.memory_space<vmem>>) dst(%dma_wait3A_1488 : memref<4x1024xf32, #tpu.memory_space<hbm>>)
    %add3A_1492 = arith.constant 28 : i32
    %add3A_1493 = arith.addi %mul3A_20, %add3A_1492 : i32
    %add3A_1494 = arith.constant 1 : i32
    %add3A_1495 = arith.addi %add3A_1493, %add3A_1494 : i32
    %dma_wait3A_1496 = arith.constant 4 : i32
    %dma_wait3A_1497 = arith.constant 0 : i32
    %dma_wait3A_1498 = tpu.memref_slice %arg6[%dma_wait3A_1496, %dma_wait3A_1497] : memref<56x1024xf32, #tpu.memory_space<vmem>> -> memref<4x1024xf32, #tpu.memory_space<vmem>>
    %dma_wait3A_1499 = arith.constant 0 : i32
    %dma_wait3A_1500 = arith.constant 0 : i32
    %dma_wait3A_1501 = tpu.memref_slice %arg4[%add3A_1495, %dma_wait3A_1499, %dma_wait3A_1500] : memref<1638x4x1024xf32, #tpu.memory_space<hbm>> -> memref<1x4x1024xf32, #tpu.memory_space<hbm>>
    %dma_wait3A_1502 = tpu.memref_squeeze %dma_wait3A_1501 : memref<1x4x1024xf32, #tpu.memory_space<hbm>> -> memref<4x1024xf32, #tpu.memory_space<hbm>>
    %dma_wait3A_1503 = arith.constant 0 : i32
    %dma_wait3A_1504 = arith.constant 0 : i32
    %dma_wait3A_1505 = tpu.memref_slice %arg4[%add3A_1495, %dma_wait3A_1503, %dma_wait3A_1504] : memref<1638x4x1024xf32, #tpu.memory_space<hbm>> -> memref<1x4x1024xf32, #tpu.memory_space<hbm>>
    %dma_wait3A_1506 = tpu.memref_squeeze %dma_wait3A_1505 : memref<1x4x1024xf32, #tpu.memory_space<hbm>> -> memref<4x1024xf32, #tpu.memory_space<hbm>>
    %dma_wait3A_1507 = arith.constant 4 : i32
    %dma_wait3A_1508 = arith.constant 0 : i32
    %dma_wait3A_1509 = tpu.memref_slice %arg6[%dma_wait3A_1507, %dma_wait3A_1508] : memref<56x1024xf32, #tpu.memory_space<vmem>> -> memref<4x1024xf32, #tpu.memory_space<vmem>>
    tpu.wait_dma2 semaphore(%arg10 : memref<!tpu.dma_semaphore, #tpu.memory_space<semaphore_mem>>) src(%dma_wait3A_1509 : memref<4x1024xf32, #tpu.memory_space<vmem>>) dst(%dma_wait3A_1506 : memref<4x1024xf32, #tpu.memory_space<hbm>>)
    %add3A_1510 = arith.constant 28 : i32
    %add3A_1511 = arith.addi %mul3A_20, %add3A_1510 : i32
    %add3A_1512 = arith.constant 2 : i32
    %add3A_1513 = arith.addi %add3A_1511, %add3A_1512 : i32
    %dma_wait3A_1514 = arith.constant 8 : i32
    %dma_wait3A_1515 = arith.constant 0 : i32
    %dma_wait3A_1516 = tpu.memref_slice %arg6[%dma_wait3A_1514, %dma_wait3A_1515] : memref<56x1024xf32, #tpu.memory_space<vmem>> -> memref<4x1024xf32, #tpu.memory_space<vmem>>
    %dma_wait3A_1517 = arith.constant 0 : i32
    %dma_wait3A_1518 = arith.constant 0 : i32
    %dma_wait3A_1519 = tpu.memref_slice %arg4[%add3A_1513, %dma_wait3A_1517, %dma_wait3A_1518] : memref<1638x4x1024xf32, #tpu.memory_space<hbm>> -> memref<1x4x1024xf32, #tpu.memory_space<hbm>>
    %dma_wait3A_1520 = tpu.memref_squeeze %dma_wait3A_1519 : memref<1x4x1024xf32, #tpu.memory_space<hbm>> -> memref<4x1024xf32, #tpu.memory_space<hbm>>
    %dma_wait3A_1521 = arith.constant 0 : i32
    %dma_wait3A_1522 = arith.constant 0 : i32
    %dma_wait3A_1523 = tpu.memref_slice %arg4[%add3A_1513, %dma_wait3A_1521, %dma_wait3A_1522] : memref<1638x4x1024xf32, #tpu.memory_space<hbm>> -> memref<1x4x1024xf32, #tpu.memory_space<hbm>>
    %dma_wait3A_1524 = tpu.memref_squeeze %dma_wait3A_1523 : memref<1x4x1024xf32, #tpu.memory_space<hbm>> -> memref<4x1024xf32, #tpu.memory_space<hbm>>
    %dma_wait3A_1525 = arith.constant 8 : i32
    %dma_wait3A_1526 = arith.constant 0 : i32
    %dma_wait3A_1527 = tpu.memref_slice %arg6[%dma_wait3A_1525, %dma_wait3A_1526] : memref<56x1024xf32, #tpu.memory_space<vmem>> -> memref<4x1024xf32, #tpu.memory_space<vmem>>
    tpu.wait_dma2 semaphore(%arg10 : memref<!tpu.dma_semaphore, #tpu.memory_space<semaphore_mem>>) src(%dma_wait3A_1527 : memref<4x1024xf32, #tpu.memory_space<vmem>>) dst(%dma_wait3A_1524 : memref<4x1024xf32, #tpu.memory_space<hbm>>)
    %add3A_1528 = arith.constant 28 : i32
    %add3A_1529 = arith.addi %mul3A_20, %add3A_1528 : i32
    %add3A_1530 = arith.constant 3 : i32
    %add3A_1531 = arith.addi %add3A_1529, %add3A_1530 : i32
    %dma_wait3A_1532 = arith.constant 12 : i32
    %dma_wait3A_1533 = arith.constant 0 : i32
    %dma_wait3A_1534 = tpu.memref_slice %arg6[%dma_wait3A_1532, %dma_wait3A_1533] : memref<56x1024xf32, #tpu.memory_space<vmem>> -> memref<4x1024xf32, #tpu.memory_space<vmem>>
    %dma_wait3A_1535 = arith.constant 0 : i32
    %dma_wait3A_1536 = arith.constant 0 : i32
    %dma_wait3A_1537 = tpu.memref_slice %arg4[%add3A_1531, %dma_wait3A_1535, %dma_wait3A_1536] : memref<1638x4x1024xf32, #tpu.memory_space<hbm>> -> memref<1x4x1024xf32, #tpu.memory_space<hbm>>
    %dma_wait3A_1538 = tpu.memref_squeeze %dma_wait3A_1537 : memref<1x4x1024xf32, #tpu.memory_space<hbm>> -> memref<4x1024xf32, #tpu.memory_space<hbm>>
    %dma_wait3A_1539 = arith.constant 0 : i32
    %dma_wait3A_1540 = arith.constant 0 : i32
    %dma_wait3A_1541 = tpu.memref_slice %arg4[%add3A_1531, %dma_wait3A_1539, %dma_wait3A_1540] : memref<1638x4x1024xf32, #tpu.memory_space<hbm>> -> memref<1x4x1024xf32, #tpu.memory_space<hbm>>
    %dma_wait3A_1542 = tpu.memref_squeeze %dma_wait3A_1541 : memref<1x4x1024xf32, #tpu.memory_space<hbm>> -> memref<4x1024xf32, #tpu.memory_space<hbm>>
    %dma_wait3A_1543 = arith.constant 12 : i32
    %dma_wait3A_1544 = arith.constant 0 : i32
    %dma_wait3A_1545 = tpu.memref_slice %arg6[%dma_wait3A_1543, %dma_wait3A_1544] : memref<56x1024xf32, #tpu.memory_space<vmem>> -> memref<4x1024xf32, #tpu.memory_space<vmem>>
    tpu.wait_dma2 semaphore(%arg10 : memref<!tpu.dma_semaphore, #tpu.memory_space<semaphore_mem>>) src(%dma_wait3A_1545 : memref<4x1024xf32, #tpu.memory_space<vmem>>) dst(%dma_wait3A_1542 : memref<4x1024xf32, #tpu.memory_space<hbm>>)
    %add3A_1546 = arith.constant 28 : i32
    %add3A_1547 = arith.addi %mul3A_20, %add3A_1546 : i32
    %add3A_1548 = arith.constant 4 : i32
    %add3A_1549 = arith.addi %add3A_1547, %add3A_1548 : i32
    %dma_wait3A_1550 = arith.constant 16 : i32
    %dma_wait3A_1551 = arith.constant 0 : i32
    %dma_wait3A_1552 = tpu.memref_slice %arg6[%dma_wait3A_1550, %dma_wait3A_1551] : memref<56x1024xf32, #tpu.memory_space<vmem>> -> memref<4x1024xf32, #tpu.memory_space<vmem>>
    %dma_wait3A_1553 = arith.constant 0 : i32
    %dma_wait3A_1554 = arith.constant 0 : i32
    %dma_wait3A_1555 = tpu.memref_slice %arg4[%add3A_1549, %dma_wait3A_1553, %dma_wait3A_1554] : memref<1638x4x1024xf32, #tpu.memory_space<hbm>> -> memref<1x4x1024xf32, #tpu.memory_space<hbm>>
    %dma_wait3A_1556 = tpu.memref_squeeze %dma_wait3A_1555 : memref<1x4x1024xf32, #tpu.memory_space<hbm>> -> memref<4x1024xf32, #tpu.memory_space<hbm>>
    %dma_wait3A_1557 = arith.constant 0 : i32
    %dma_wait3A_1558 = arith.constant 0 : i32
    %dma_wait3A_1559 = tpu.memref_slice %arg4[%add3A_1549, %dma_wait3A_1557, %dma_wait3A_1558] : memref<1638x4x1024xf32, #tpu.memory_space<hbm>> -> memref<1x4x1024xf32, #tpu.memory_space<hbm>>
    %dma_wait3A_1560 = tpu.memref_squeeze %dma_wait3A_1559 : memref<1x4x1024xf32, #tpu.memory_space<hbm>> -> memref<4x1024xf32, #tpu.memory_space<hbm>>
    %dma_wait3A_1561 = arith.constant 16 : i32
    %dma_wait3A_1562 = arith.constant 0 : i32
    %dma_wait3A_1563 = tpu.memref_slice %arg6[%dma_wait3A_1561, %dma_wait3A_1562] : memref<56x1024xf32, #tpu.memory_space<vmem>> -> memref<4x1024xf32, #tpu.memory_space<vmem>>
    tpu.wait_dma2 semaphore(%arg10 : memref<!tpu.dma_semaphore, #tpu.memory_space<semaphore_mem>>) src(%dma_wait3A_1563 : memref<4x1024xf32, #tpu.memory_space<vmem>>) dst(%dma_wait3A_1560 : memref<4x1024xf32, #tpu.memory_space<hbm>>)
    %add3A_1564 = arith.constant 28 : i32
    %add3A_1565 = arith.addi %mul3A_20, %add3A_1564 : i32
    %add3A_1566 = arith.constant 5 : i32
    %add3A_1567 = arith.addi %add3A_1565, %add3A_1566 : i32
    %dma_wait3A_1568 = arith.constant 20 : i32
    %dma_wait3A_1569 = arith.constant 0 : i32
    %dma_wait3A_1570 = tpu.memref_slice %arg6[%dma_wait3A_1568, %dma_wait3A_1569] : memref<56x1024xf32, #tpu.memory_space<vmem>> -> memref<4x1024xf32, #tpu.memory_space<vmem>>
    %dma_wait3A_1571 = arith.constant 0 : i32
    %dma_wait3A_1572 = arith.constant 0 : i32
    %dma_wait3A_1573 = tpu.memref_slice %arg4[%add3A_1567, %dma_wait3A_1571, %dma_wait3A_1572] : memref<1638x4x1024xf32, #tpu.memory_space<hbm>> -> memref<1x4x1024xf32, #tpu.memory_space<hbm>>
    %dma_wait3A_1574 = tpu.memref_squeeze %dma_wait3A_1573 : memref<1x4x1024xf32, #tpu.memory_space<hbm>> -> memref<4x1024xf32, #tpu.memory_space<hbm>>
    %dma_wait3A_1575 = arith.constant 0 : i32
    %dma_wait3A_1576 = arith.constant 0 : i32
    %dma_wait3A_1577 = tpu.memref_slice %arg4[%add3A_1567, %dma_wait3A_1575, %dma_wait3A_1576] : memref<1638x4x1024xf32, #tpu.memory_space<hbm>> -> memref<1x4x1024xf32, #tpu.memory_space<hbm>>
    %dma_wait3A_1578 = tpu.memref_squeeze %dma_wait3A_1577 : memref<1x4x1024xf32, #tpu.memory_space<hbm>> -> memref<4x1024xf32, #tpu.memory_space<hbm>>
    %dma_wait3A_1579 = arith.constant 20 : i32
    %dma_wait3A_1580 = arith.constant 0 : i32
    %dma_wait3A_1581 = tpu.memref_slice %arg6[%dma_wait3A_1579, %dma_wait3A_1580] : memref<56x1024xf32, #tpu.memory_space<vmem>> -> memref<4x1024xf32, #tpu.memory_space<vmem>>
    tpu.wait_dma2 semaphore(%arg10 : memref<!tpu.dma_semaphore, #tpu.memory_space<semaphore_mem>>) src(%dma_wait3A_1581 : memref<4x1024xf32, #tpu.memory_space<vmem>>) dst(%dma_wait3A_1578 : memref<4x1024xf32, #tpu.memory_space<hbm>>)
    %add3A_1582 = arith.constant 28 : i32
    %add3A_1583 = arith.addi %mul3A_20, %add3A_1582 : i32
    %add3A_1584 = arith.constant 6 : i32
    %add3A_1585 = arith.addi %add3A_1583, %add3A_1584 : i32
    %dma_wait3A_1586 = arith.constant 24 : i32
    %dma_wait3A_1587 = arith.constant 0 : i32
    %dma_wait3A_1588 = tpu.memref_slice %arg6[%dma_wait3A_1586, %dma_wait3A_1587] : memref<56x1024xf32, #tpu.memory_space<vmem>> -> memref<4x1024xf32, #tpu.memory_space<vmem>>
    %dma_wait3A_1589 = arith.constant 0 : i32
    %dma_wait3A_1590 = arith.constant 0 : i32
    %dma_wait3A_1591 = tpu.memref_slice %arg4[%add3A_1585, %dma_wait3A_1589, %dma_wait3A_1590] : memref<1638x4x1024xf32, #tpu.memory_space<hbm>> -> memref<1x4x1024xf32, #tpu.memory_space<hbm>>
    %dma_wait3A_1592 = tpu.memref_squeeze %dma_wait3A_1591 : memref<1x4x1024xf32, #tpu.memory_space<hbm>> -> memref<4x1024xf32, #tpu.memory_space<hbm>>
    %dma_wait3A_1593 = arith.constant 0 : i32
    %dma_wait3A_1594 = arith.constant 0 : i32
    %dma_wait3A_1595 = tpu.memref_slice %arg4[%add3A_1585, %dma_wait3A_1593, %dma_wait3A_1594] : memref<1638x4x1024xf32, #tpu.memory_space<hbm>> -> memref<1x4x1024xf32, #tpu.memory_space<hbm>>
    %dma_wait3A_1596 = tpu.memref_squeeze %dma_wait3A_1595 : memref<1x4x1024xf32, #tpu.memory_space<hbm>> -> memref<4x1024xf32, #tpu.memory_space<hbm>>
    %dma_wait3A_1597 = arith.constant 24 : i32
    %dma_wait3A_1598 = arith.constant 0 : i32
    %dma_wait3A_1599 = tpu.memref_slice %arg6[%dma_wait3A_1597, %dma_wait3A_1598] : memref<56x1024xf32, #tpu.memory_space<vmem>> -> memref<4x1024xf32, #tpu.memory_space<vmem>>
    tpu.wait_dma2 semaphore(%arg10 : memref<!tpu.dma_semaphore, #tpu.memory_space<semaphore_mem>>) src(%dma_wait3A_1599 : memref<4x1024xf32, #tpu.memory_space<vmem>>) dst(%dma_wait3A_1596 : memref<4x1024xf32, #tpu.memory_space<hbm>>)
    %add3A_1600 = arith.constant 28 : i32
    %add3A_1601 = arith.addi %mul3A_20, %add3A_1600 : i32
    %add3A_1602 = arith.constant 7 : i32
    %add3A_1603 = arith.addi %add3A_1601, %add3A_1602 : i32
    %dma_wait3A_1604 = arith.constant 28 : i32
    %dma_wait3A_1605 = arith.constant 0 : i32
    %dma_wait3A_1606 = tpu.memref_slice %arg6[%dma_wait3A_1604, %dma_wait3A_1605] : memref<56x1024xf32, #tpu.memory_space<vmem>> -> memref<4x1024xf32, #tpu.memory_space<vmem>>
    %dma_wait3A_1607 = arith.constant 0 : i32
    %dma_wait3A_1608 = arith.constant 0 : i32
    %dma_wait3A_1609 = tpu.memref_slice %arg4[%add3A_1603, %dma_wait3A_1607, %dma_wait3A_1608] : memref<1638x4x1024xf32, #tpu.memory_space<hbm>> -> memref<1x4x1024xf32, #tpu.memory_space<hbm>>
    %dma_wait3A_1610 = tpu.memref_squeeze %dma_wait3A_1609 : memref<1x4x1024xf32, #tpu.memory_space<hbm>> -> memref<4x1024xf32, #tpu.memory_space<hbm>>
    %dma_wait3A_1611 = arith.constant 0 : i32
    %dma_wait3A_1612 = arith.constant 0 : i32
    %dma_wait3A_1613 = tpu.memref_slice %arg4[%add3A_1603, %dma_wait3A_1611, %dma_wait3A_1612] : memref<1638x4x1024xf32, #tpu.memory_space<hbm>> -> memref<1x4x1024xf32, #tpu.memory_space<hbm>>
    %dma_wait3A_1614 = tpu.memref_squeeze %dma_wait3A_1613 : memref<1x4x1024xf32, #tpu.memory_space<hbm>> -> memref<4x1024xf32, #tpu.memory_space<hbm>>
    %dma_wait3A_1615 = arith.constant 28 : i32
    %dma_wait3A_1616 = arith.constant 0 : i32
    %dma_wait3A_1617 = tpu.memref_slice %arg6[%dma_wait3A_1615, %dma_wait3A_1616] : memref<56x1024xf32, #tpu.memory_space<vmem>> -> memref<4x1024xf32, #tpu.memory_space<vmem>>
    tpu.wait_dma2 semaphore(%arg10 : memref<!tpu.dma_semaphore, #tpu.memory_space<semaphore_mem>>) src(%dma_wait3A_1617 : memref<4x1024xf32, #tpu.memory_space<vmem>>) dst(%dma_wait3A_1614 : memref<4x1024xf32, #tpu.memory_space<hbm>>)
    %add3A_1618 = arith.constant 28 : i32
    %add3A_1619 = arith.addi %mul3A_20, %add3A_1618 : i32
    %add3A_1620 = arith.constant 8 : i32
    %add3A_1621 = arith.addi %add3A_1619, %add3A_1620 : i32
    %dma_wait3A_1622 = arith.constant 32 : i32
    %dma_wait3A_1623 = arith.constant 0 : i32
    %dma_wait3A_1624 = tpu.memref_slice %arg6[%dma_wait3A_1622, %dma_wait3A_1623] : memref<56x1024xf32, #tpu.memory_space<vmem>> -> memref<4x1024xf32, #tpu.memory_space<vmem>>
    %dma_wait3A_1625 = arith.constant 0 : i32
    %dma_wait3A_1626 = arith.constant 0 : i32
    %dma_wait3A_1627 = tpu.memref_slice %arg4[%add3A_1621, %dma_wait3A_1625, %dma_wait3A_1626] : memref<1638x4x1024xf32, #tpu.memory_space<hbm>> -> memref<1x4x1024xf32, #tpu.memory_space<hbm>>
    %dma_wait3A_1628 = tpu.memref_squeeze %dma_wait3A_1627 : memref<1x4x1024xf32, #tpu.memory_space<hbm>> -> memref<4x1024xf32, #tpu.memory_space<hbm>>
    %dma_wait3A_1629 = arith.constant 0 : i32
    %dma_wait3A_1630 = arith.constant 0 : i32
    %dma_wait3A_1631 = tpu.memref_slice %arg4[%add3A_1621, %dma_wait3A_1629, %dma_wait3A_1630] : memref<1638x4x1024xf32, #tpu.memory_space<hbm>> -> memref<1x4x1024xf32, #tpu.memory_space<hbm>>
    %dma_wait3A_1632 = tpu.memref_squeeze %dma_wait3A_1631 : memref<1x4x1024xf32, #tpu.memory_space<hbm>> -> memref<4x1024xf32, #tpu.memory_space<hbm>>
    %dma_wait3A_1633 = arith.constant 32 : i32
    %dma_wait3A_1634 = arith.constant 0 : i32
    %dma_wait3A_1635 = tpu.memref_slice %arg6[%dma_wait3A_1633, %dma_wait3A_1634] : memref<56x1024xf32, #tpu.memory_space<vmem>> -> memref<4x1024xf32, #tpu.memory_space<vmem>>
    tpu.wait_dma2 semaphore(%arg10 : memref<!tpu.dma_semaphore, #tpu.memory_space<semaphore_mem>>) src(%dma_wait3A_1635 : memref<4x1024xf32, #tpu.memory_space<vmem>>) dst(%dma_wait3A_1632 : memref<4x1024xf32, #tpu.memory_space<hbm>>)
    %add3A_1636 = arith.constant 28 : i32
    %add3A_1637 = arith.addi %mul3A_20, %add3A_1636 : i32
    %add3A_1638 = arith.constant 9 : i32
    %add3A_1639 = arith.addi %add3A_1637, %add3A_1638 : i32
    %dma_wait3A_1640 = arith.constant 36 : i32
    %dma_wait3A_1641 = arith.constant 0 : i32
    %dma_wait3A_1642 = tpu.memref_slice %arg6[%dma_wait3A_1640, %dma_wait3A_1641] : memref<56x1024xf32, #tpu.memory_space<vmem>> -> memref<4x1024xf32, #tpu.memory_space<vmem>>
    %dma_wait3A_1643 = arith.constant 0 : i32
    %dma_wait3A_1644 = arith.constant 0 : i32
    %dma_wait3A_1645 = tpu.memref_slice %arg4[%add3A_1639, %dma_wait3A_1643, %dma_wait3A_1644] : memref<1638x4x1024xf32, #tpu.memory_space<hbm>> -> memref<1x4x1024xf32, #tpu.memory_space<hbm>>
    %dma_wait3A_1646 = tpu.memref_squeeze %dma_wait3A_1645 : memref<1x4x1024xf32, #tpu.memory_space<hbm>> -> memref<4x1024xf32, #tpu.memory_space<hbm>>
    %dma_wait3A_1647 = arith.constant 0 : i32
    %dma_wait3A_1648 = arith.constant 0 : i32
    %dma_wait3A_1649 = tpu.memref_slice %arg4[%add3A_1639, %dma_wait3A_1647, %dma_wait3A_1648] : memref<1638x4x1024xf32, #tpu.memory_space<hbm>> -> memref<1x4x1024xf32, #tpu.memory_space<hbm>>
    %dma_wait3A_1650 = tpu.memref_squeeze %dma_wait3A_1649 : memref<1x4x1024xf32, #tpu.memory_space<hbm>> -> memref<4x1024xf32, #tpu.memory_space<hbm>>
    %dma_wait3A_1651 = arith.constant 36 : i32
    %dma_wait3A_1652 = arith.constant 0 : i32
    %dma_wait3A_1653 = tpu.memref_slice %arg6[%dma_wait3A_1651, %dma_wait3A_1652] : memref<56x1024xf32, #tpu.memory_space<vmem>> -> memref<4x1024xf32, #tpu.memory_space<vmem>>
    tpu.wait_dma2 semaphore(%arg10 : memref<!tpu.dma_semaphore, #tpu.memory_space<semaphore_mem>>) src(%dma_wait3A_1653 : memref<4x1024xf32, #tpu.memory_space<vmem>>) dst(%dma_wait3A_1650 : memref<4x1024xf32, #tpu.memory_space<hbm>>)
    %add3A_1654 = arith.constant 28 : i32
    %add3A_1655 = arith.addi %mul3A_20, %add3A_1654 : i32
    %add3A_1656 = arith.constant 10 : i32
    %add3A_1657 = arith.addi %add3A_1655, %add3A_1656 : i32
    %dma_wait3A_1658 = arith.constant 40 : i32
    %dma_wait3A_1659 = arith.constant 0 : i32
    %dma_wait3A_1660 = tpu.memref_slice %arg6[%dma_wait3A_1658, %dma_wait3A_1659] : memref<56x1024xf32, #tpu.memory_space<vmem>> -> memref<4x1024xf32, #tpu.memory_space<vmem>>
    %dma_wait3A_1661 = arith.constant 0 : i32
    %dma_wait3A_1662 = arith.constant 0 : i32
    %dma_wait3A_1663 = tpu.memref_slice %arg4[%add3A_1657, %dma_wait3A_1661, %dma_wait3A_1662] : memref<1638x4x1024xf32, #tpu.memory_space<hbm>> -> memref<1x4x1024xf32, #tpu.memory_space<hbm>>
    %dma_wait3A_1664 = tpu.memref_squeeze %dma_wait3A_1663 : memref<1x4x1024xf32, #tpu.memory_space<hbm>> -> memref<4x1024xf32, #tpu.memory_space<hbm>>
    %dma_wait3A_1665 = arith.constant 0 : i32
    %dma_wait3A_1666 = arith.constant 0 : i32
    %dma_wait3A_1667 = tpu.memref_slice %arg4[%add3A_1657, %dma_wait3A_1665, %dma_wait3A_1666] : memref<1638x4x1024xf32, #tpu.memory_space<hbm>> -> memref<1x4x1024xf32, #tpu.memory_space<hbm>>
    %dma_wait3A_1668 = tpu.memref_squeeze %dma_wait3A_1667 : memref<1x4x1024xf32, #tpu.memory_space<hbm>> -> memref<4x1024xf32, #tpu.memory_space<hbm>>
    %dma_wait3A_1669 = arith.constant 40 : i32
    %dma_wait3A_1670 = arith.constant 0 : i32
    %dma_wait3A_1671 = tpu.memref_slice %arg6[%dma_wait3A_1669, %dma_wait3A_1670] : memref<56x1024xf32, #tpu.memory_space<vmem>> -> memref<4x1024xf32, #tpu.memory_space<vmem>>
    tpu.wait_dma2 semaphore(%arg10 : memref<!tpu.dma_semaphore, #tpu.memory_space<semaphore_mem>>) src(%dma_wait3A_1671 : memref<4x1024xf32, #tpu.memory_space<vmem>>) dst(%dma_wait3A_1668 : memref<4x1024xf32, #tpu.memory_space<hbm>>)
    %add3A_1672 = arith.constant 28 : i32
    %add3A_1673 = arith.addi %mul3A_20, %add3A_1672 : i32
    %add3A_1674 = arith.constant 11 : i32
    %add3A_1675 = arith.addi %add3A_1673, %add3A_1674 : i32
    %dma_wait3A_1676 = arith.constant 44 : i32
    %dma_wait3A_1677 = arith.constant 0 : i32
    %dma_wait3A_1678 = tpu.memref_slice %arg6[%dma_wait3A_1676, %dma_wait3A_1677] : memref<56x1024xf32, #tpu.memory_space<vmem>> -> memref<4x1024xf32, #tpu.memory_space<vmem>>
    %dma_wait3A_1679 = arith.constant 0 : i32
    %dma_wait3A_1680 = arith.constant 0 : i32
    %dma_wait3A_1681 = tpu.memref_slice %arg4[%add3A_1675, %dma_wait3A_1679, %dma_wait3A_1680] : memref<1638x4x1024xf32, #tpu.memory_space<hbm>> -> memref<1x4x1024xf32, #tpu.memory_space<hbm>>
    %dma_wait3A_1682 = tpu.memref_squeeze %dma_wait3A_1681 : memref<1x4x1024xf32, #tpu.memory_space<hbm>> -> memref<4x1024xf32, #tpu.memory_space<hbm>>
    %dma_wait3A_1683 = arith.constant 0 : i32
    %dma_wait3A_1684 = arith.constant 0 : i32
    %dma_wait3A_1685 = tpu.memref_slice %arg4[%add3A_1675, %dma_wait3A_1683, %dma_wait3A_1684] : memref<1638x4x1024xf32, #tpu.memory_space<hbm>> -> memref<1x4x1024xf32, #tpu.memory_space<hbm>>
    %dma_wait3A_1686 = tpu.memref_squeeze %dma_wait3A_1685 : memref<1x4x1024xf32, #tpu.memory_space<hbm>> -> memref<4x1024xf32, #tpu.memory_space<hbm>>
    %dma_wait3A_1687 = arith.constant 44 : i32
    %dma_wait3A_1688 = arith.constant 0 : i32
    %dma_wait3A_1689 = tpu.memref_slice %arg6[%dma_wait3A_1687, %dma_wait3A_1688] : memref<56x1024xf32, #tpu.memory_space<vmem>> -> memref<4x1024xf32, #tpu.memory_space<vmem>>
    tpu.wait_dma2 semaphore(%arg10 : memref<!tpu.dma_semaphore, #tpu.memory_space<semaphore_mem>>) src(%dma_wait3A_1689 : memref<4x1024xf32, #tpu.memory_space<vmem>>) dst(%dma_wait3A_1686 : memref<4x1024xf32, #tpu.memory_space<hbm>>)
    %add3A_1690 = arith.constant 28 : i32
    %add3A_1691 = arith.addi %mul3A_20, %add3A_1690 : i32
    %add3A_1692 = arith.constant 12 : i32
    %add3A_1693 = arith.addi %add3A_1691, %add3A_1692 : i32
    %dma_wait3A_1694 = arith.constant 48 : i32
    %dma_wait3A_1695 = arith.constant 0 : i32
    %dma_wait3A_1696 = tpu.memref_slice %arg6[%dma_wait3A_1694, %dma_wait3A_1695] : memref<56x1024xf32, #tpu.memory_space<vmem>> -> memref<4x1024xf32, #tpu.memory_space<vmem>>
    %dma_wait3A_1697 = arith.constant 0 : i32
    %dma_wait3A_1698 = arith.constant 0 : i32
    %dma_wait3A_1699 = tpu.memref_slice %arg4[%add3A_1693, %dma_wait3A_1697, %dma_wait3A_1698] : memref<1638x4x1024xf32, #tpu.memory_space<hbm>> -> memref<1x4x1024xf32, #tpu.memory_space<hbm>>
    %dma_wait3A_1700 = tpu.memref_squeeze %dma_wait3A_1699 : memref<1x4x1024xf32, #tpu.memory_space<hbm>> -> memref<4x1024xf32, #tpu.memory_space<hbm>>
    %dma_wait3A_1701 = arith.constant 0 : i32
    %dma_wait3A_1702 = arith.constant 0 : i32
    %dma_wait3A_1703 = tpu.memref_slice %arg4[%add3A_1693, %dma_wait3A_1701, %dma_wait3A_1702] : memref<1638x4x1024xf32, #tpu.memory_space<hbm>> -> memref<1x4x1024xf32, #tpu.memory_space<hbm>>
    %dma_wait3A_1704 = tpu.memref_squeeze %dma_wait3A_1703 : memref<1x4x1024xf32, #tpu.memory_space<hbm>> -> memref<4x1024xf32, #tpu.memory_space<hbm>>
    %dma_wait3A_1705 = arith.constant 48 : i32
    %dma_wait3A_1706 = arith.constant 0 : i32
    %dma_wait3A_1707 = tpu.memref_slice %arg6[%dma_wait3A_1705, %dma_wait3A_1706] : memref<56x1024xf32, #tpu.memory_space<vmem>> -> memref<4x1024xf32, #tpu.memory_space<vmem>>
    tpu.wait_dma2 semaphore(%arg10 : memref<!tpu.dma_semaphore, #tpu.memory_space<semaphore_mem>>) src(%dma_wait3A_1707 : memref<4x1024xf32, #tpu.memory_space<vmem>>) dst(%dma_wait3A_1704 : memref<4x1024xf32, #tpu.memory_space<hbm>>)
    %add3A_1708 = arith.constant 28 : i32
    %add3A_1709 = arith.addi %mul3A_20, %add3A_1708 : i32
    %add3A_1710 = arith.constant 13 : i32
    %add3A_1711 = arith.addi %add3A_1709, %add3A_1710 : i32
    %dma_wait3A_1712 = arith.constant 52 : i32
    %dma_wait3A_1713 = arith.constant 0 : i32
    %dma_wait3A_1714 = tpu.memref_slice %arg6[%dma_wait3A_1712, %dma_wait3A_1713] : memref<56x1024xf32, #tpu.memory_space<vmem>> -> memref<4x1024xf32, #tpu.memory_space<vmem>>
    %dma_wait3A_1715 = arith.constant 0 : i32
    %dma_wait3A_1716 = arith.constant 0 : i32
    %dma_wait3A_1717 = tpu.memref_slice %arg4[%add3A_1711, %dma_wait3A_1715, %dma_wait3A_1716] : memref<1638x4x1024xf32, #tpu.memory_space<hbm>> -> memref<1x4x1024xf32, #tpu.memory_space<hbm>>
    %dma_wait3A_1718 = tpu.memref_squeeze %dma_wait3A_1717 : memref<1x4x1024xf32, #tpu.memory_space<hbm>> -> memref<4x1024xf32, #tpu.memory_space<hbm>>
    %dma_wait3A_1719 = arith.constant 0 : i32
    %dma_wait3A_1720 = arith.constant 0 : i32
    %dma_wait3A_1721 = tpu.memref_slice %arg4[%add3A_1711, %dma_wait3A_1719, %dma_wait3A_1720] : memref<1638x4x1024xf32, #tpu.memory_space<hbm>> -> memref<1x4x1024xf32, #tpu.memory_space<hbm>>
    %dma_wait3A_1722 = tpu.memref_squeeze %dma_wait3A_1721 : memref<1x4x1024xf32, #tpu.memory_space<hbm>> -> memref<4x1024xf32, #tpu.memory_space<hbm>>
    %dma_wait3A_1723 = arith.constant 52 : i32
    %dma_wait3A_1724 = arith.constant 0 : i32
    %dma_wait3A_1725 = tpu.memref_slice %arg6[%dma_wait3A_1723, %dma_wait3A_1724] : memref<56x1024xf32, #tpu.memory_space<vmem>> -> memref<4x1024xf32, #tpu.memory_space<vmem>>
    tpu.wait_dma2 semaphore(%arg10 : memref<!tpu.dma_semaphore, #tpu.memory_space<semaphore_mem>>) src(%dma_wait3A_1725 : memref<4x1024xf32, #tpu.memory_space<vmem>>) dst(%dma_wait3A_1722 : memref<4x1024xf32, #tpu.memory_space<hbm>>)
    %add3A_1726 = arith.constant 42 : i32
    %add3A_1727 = arith.addi %mul3A_20, %add3A_1726 : i32
    %add3A_1728 = arith.constant 0 : i32
    %add3A_1729 = arith.addi %add3A_1727, %add3A_1728 : i32
    %lt3A_1730 = arith.constant 1638 : i32
    %lt3A_1731 = arith.cmpi slt, %add3A_1729, %lt3A_1730 : i32
    %convert_element_type3A_1732 = arith.extui %lt3A_1731 : i1 to i32
    %cond3A_1733 = arith.constant 0 : i32
    %cond3A_1734 = arith.cmpi ne, %convert_element_type3A_1732, %cond3A_1733 : i32
    scf.if %cond3A_1734 {
      %dma_wait3A_1852 = arith.constant 0 : i32
      %dma_wait3A_1853 = arith.constant 0 : i32
      %dma_wait3A_1854 = tpu.memref_slice %arg7[%dma_wait3A_1852, %dma_wait3A_1853] : memref<56x1024xf32, #tpu.memory_space<vmem>> -> memref<4x1024xf32, #tpu.memory_space<vmem>>
      %dma_wait3A_1855 = arith.constant 0 : i32
      %dma_wait3A_1856 = arith.constant 0 : i32
      %dma_wait3A_1857 = tpu.memref_slice %arg4[%add3A_1729, %dma_wait3A_1855, %dma_wait3A_1856] : memref<1638x4x1024xf32, #tpu.memory_space<hbm>> -> memref<1x4x1024xf32, #tpu.memory_space<hbm>>
      %dma_wait3A_1858 = tpu.memref_squeeze %dma_wait3A_1857 : memref<1x4x1024xf32, #tpu.memory_space<hbm>> -> memref<4x1024xf32, #tpu.memory_space<hbm>>
      %dma_wait3A_1859 = arith.constant 0 : i32
      %dma_wait3A_1860 = arith.constant 0 : i32
      %dma_wait3A_1861 = tpu.memref_slice %arg4[%add3A_1729, %dma_wait3A_1859, %dma_wait3A_1860] : memref<1638x4x1024xf32, #tpu.memory_space<hbm>> -> memref<1x4x1024xf32, #tpu.memory_space<hbm>>
      %dma_wait3A_1862 = tpu.memref_squeeze %dma_wait3A_1861 : memref<1x4x1024xf32, #tpu.memory_space<hbm>> -> memref<4x1024xf32, #tpu.memory_space<hbm>>
      %dma_wait3A_1863 = arith.constant 0 : i32
      %dma_wait3A_1864 = arith.constant 0 : i32
      %dma_wait3A_1865 = tpu.memref_slice %arg7[%dma_wait3A_1863, %dma_wait3A_1864] : memref<56x1024xf32, #tpu.memory_space<vmem>> -> memref<4x1024xf32, #tpu.memory_space<vmem>>
      tpu.wait_dma2 semaphore(%arg11 : memref<!tpu.dma_semaphore, #tpu.memory_space<semaphore_mem>>) src(%dma_wait3A_1865 : memref<4x1024xf32, #tpu.memory_space<vmem>>) dst(%dma_wait3A_1862 : memref<4x1024xf32, #tpu.memory_space<hbm>>)
    } else {
    }
    %add3A_1735 = arith.constant 42 : i32
    %add3A_1736 = arith.addi %mul3A_20, %add3A_1735 : i32
    %add3A_1737 = arith.constant 1 : i32
    %add3A_1738 = arith.addi %add3A_1736, %add3A_1737 : i32
    %lt3A_1739 = arith.constant 1638 : i32
    %lt3A_1740 = arith.cmpi slt, %add3A_1738, %lt3A_1739 : i32
    %convert_element_type3A_1741 = arith.extui %lt3A_1740 : i1 to i32
    %cond3A_1742 = arith.constant 0 : i32
    %cond3A_1743 = arith.cmpi ne, %convert_element_type3A_1741, %cond3A_1742 : i32
    scf.if %cond3A_1743 {
      %dma_wait3A_1852 = arith.constant 4 : i32
      %dma_wait3A_1853 = arith.constant 0 : i32
      %dma_wait3A_1854 = tpu.memref_slice %arg7[%dma_wait3A_1852, %dma_wait3A_1853] : memref<56x1024xf32, #tpu.memory_space<vmem>> -> memref<4x1024xf32, #tpu.memory_space<vmem>>
      %dma_wait3A_1855 = arith.constant 0 : i32
      %dma_wait3A_1856 = arith.constant 0 : i32
      %dma_wait3A_1857 = tpu.memref_slice %arg4[%add3A_1738, %dma_wait3A_1855, %dma_wait3A_1856] : memref<1638x4x1024xf32, #tpu.memory_space<hbm>> -> memref<1x4x1024xf32, #tpu.memory_space<hbm>>
      %dma_wait3A_1858 = tpu.memref_squeeze %dma_wait3A_1857 : memref<1x4x1024xf32, #tpu.memory_space<hbm>> -> memref<4x1024xf32, #tpu.memory_space<hbm>>
      %dma_wait3A_1859 = arith.constant 0 : i32
      %dma_wait3A_1860 = arith.constant 0 : i32
      %dma_wait3A_1861 = tpu.memref_slice %arg4[%add3A_1738, %dma_wait3A_1859, %dma_wait3A_1860] : memref<1638x4x1024xf32, #tpu.memory_space<hbm>> -> memref<1x4x1024xf32, #tpu.memory_space<hbm>>
      %dma_wait3A_1862 = tpu.memref_squeeze %dma_wait3A_1861 : memref<1x4x1024xf32, #tpu.memory_space<hbm>> -> memref<4x1024xf32, #tpu.memory_space<hbm>>
      %dma_wait3A_1863 = arith.constant 4 : i32
      %dma_wait3A_1864 = arith.constant 0 : i32
      %dma_wait3A_1865 = tpu.memref_slice %arg7[%dma_wait3A_1863, %dma_wait3A_1864] : memref<56x1024xf32, #tpu.memory_space<vmem>> -> memref<4x1024xf32, #tpu.memory_space<vmem>>
      tpu.wait_dma2 semaphore(%arg11 : memref<!tpu.dma_semaphore, #tpu.memory_space<semaphore_mem>>) src(%dma_wait3A_1865 : memref<4x1024xf32, #tpu.memory_space<vmem>>) dst(%dma_wait3A_1862 : memref<4x1024xf32, #tpu.memory_space<hbm>>)
    } else {
    }
    %add3A_1744 = arith.constant 42 : i32
    %add3A_1745 = arith.addi %mul3A_20, %add3A_1744 : i32
    %add3A_1746 = arith.constant 2 : i32
    %add3A_1747 = arith.addi %add3A_1745, %add3A_1746 : i32
    %lt3A_1748 = arith.constant 1638 : i32
    %lt3A_1749 = arith.cmpi slt, %add3A_1747, %lt3A_1748 : i32
    %convert_element_type3A_1750 = arith.extui %lt3A_1749 : i1 to i32
    %cond3A_1751 = arith.constant 0 : i32
    %cond3A_1752 = arith.cmpi ne, %convert_element_type3A_1750, %cond3A_1751 : i32
    scf.if %cond3A_1752 {
      %dma_wait3A_1852 = arith.constant 8 : i32
      %dma_wait3A_1853 = arith.constant 0 : i32
      %dma_wait3A_1854 = tpu.memref_slice %arg7[%dma_wait3A_1852, %dma_wait3A_1853] : memref<56x1024xf32, #tpu.memory_space<vmem>> -> memref<4x1024xf32, #tpu.memory_space<vmem>>
      %dma_wait3A_1855 = arith.constant 0 : i32
      %dma_wait3A_1856 = arith.constant 0 : i32
      %dma_wait3A_1857 = tpu.memref_slice %arg4[%add3A_1747, %dma_wait3A_1855, %dma_wait3A_1856] : memref<1638x4x1024xf32, #tpu.memory_space<hbm>> -> memref<1x4x1024xf32, #tpu.memory_space<hbm>>
      %dma_wait3A_1858 = tpu.memref_squeeze %dma_wait3A_1857 : memref<1x4x1024xf32, #tpu.memory_space<hbm>> -> memref<4x1024xf32, #tpu.memory_space<hbm>>
      %dma_wait3A_1859 = arith.constant 0 : i32
      %dma_wait3A_1860 = arith.constant 0 : i32
      %dma_wait3A_1861 = tpu.memref_slice %arg4[%add3A_1747, %dma_wait3A_1859, %dma_wait3A_1860] : memref<1638x4x1024xf32, #tpu.memory_space<hbm>> -> memref<1x4x1024xf32, #tpu.memory_space<hbm>>
      %dma_wait3A_1862 = tpu.memref_squeeze %dma_wait3A_1861 : memref<1x4x1024xf32, #tpu.memory_space<hbm>> -> memref<4x1024xf32, #tpu.memory_space<hbm>>
      %dma_wait3A_1863 = arith.constant 8 : i32
      %dma_wait3A_1864 = arith.constant 0 : i32
      %dma_wait3A_1865 = tpu.memref_slice %arg7[%dma_wait3A_1863, %dma_wait3A_1864] : memref<56x1024xf32, #tpu.memory_space<vmem>> -> memref<4x1024xf32, #tpu.memory_space<vmem>>
      tpu.wait_dma2 semaphore(%arg11 : memref<!tpu.dma_semaphore, #tpu.memory_space<semaphore_mem>>) src(%dma_wait3A_1865 : memref<4x1024xf32, #tpu.memory_space<vmem>>) dst(%dma_wait3A_1862 : memref<4x1024xf32, #tpu.memory_space<hbm>>)
    } else {
    }
    %add3A_1753 = arith.constant 42 : i32
    %add3A_1754 = arith.addi %mul3A_20, %add3A_1753 : i32
    %add3A_1755 = arith.constant 3 : i32
    %add3A_1756 = arith.addi %add3A_1754, %add3A_1755 : i32
    %lt3A_1757 = arith.constant 1638 : i32
    %lt3A_1758 = arith.cmpi slt, %add3A_1756, %lt3A_1757 : i32
    %convert_element_type3A_1759 = arith.extui %lt3A_1758 : i1 to i32
    %cond3A_1760 = arith.constant 0 : i32
    %cond3A_1761 = arith.cmpi ne, %convert_element_type3A_1759, %cond3A_1760 : i32
    scf.if %cond3A_1761 {
      %dma_wait3A_1852 = arith.constant 12 : i32
      %dma_wait3A_1853 = arith.constant 0 : i32
      %dma_wait3A_1854 = tpu.memref_slice %arg7[%dma_wait3A_1852, %dma_wait3A_1853] : memref<56x1024xf32, #tpu.memory_space<vmem>> -> memref<4x1024xf32, #tpu.memory_space<vmem>>
      %dma_wait3A_1855 = arith.constant 0 : i32
      %dma_wait3A_1856 = arith.constant 0 : i32
      %dma_wait3A_1857 = tpu.memref_slice %arg4[%add3A_1756, %dma_wait3A_1855, %dma_wait3A_1856] : memref<1638x4x1024xf32, #tpu.memory_space<hbm>> -> memref<1x4x1024xf32, #tpu.memory_space<hbm>>
      %dma_wait3A_1858 = tpu.memref_squeeze %dma_wait3A_1857 : memref<1x4x1024xf32, #tpu.memory_space<hbm>> -> memref<4x1024xf32, #tpu.memory_space<hbm>>
      %dma_wait3A_1859 = arith.constant 0 : i32
      %dma_wait3A_1860 = arith.constant 0 : i32
      %dma_wait3A_1861 = tpu.memref_slice %arg4[%add3A_1756, %dma_wait3A_1859, %dma_wait3A_1860] : memref<1638x4x1024xf32, #tpu.memory_space<hbm>> -> memref<1x4x1024xf32, #tpu.memory_space<hbm>>
      %dma_wait3A_1862 = tpu.memref_squeeze %dma_wait3A_1861 : memref<1x4x1024xf32, #tpu.memory_space<hbm>> -> memref<4x1024xf32, #tpu.memory_space<hbm>>
      %dma_wait3A_1863 = arith.constant 12 : i32
      %dma_wait3A_1864 = arith.constant 0 : i32
      %dma_wait3A_1865 = tpu.memref_slice %arg7[%dma_wait3A_1863, %dma_wait3A_1864] : memref<56x1024xf32, #tpu.memory_space<vmem>> -> memref<4x1024xf32, #tpu.memory_space<vmem>>
      tpu.wait_dma2 semaphore(%arg11 : memref<!tpu.dma_semaphore, #tpu.memory_space<semaphore_mem>>) src(%dma_wait3A_1865 : memref<4x1024xf32, #tpu.memory_space<vmem>>) dst(%dma_wait3A_1862 : memref<4x1024xf32, #tpu.memory_space<hbm>>)
    } else {
    }
    %add3A_1762 = arith.constant 42 : i32
    %add3A_1763 = arith.addi %mul3A_20, %add3A_1762 : i32
    %add3A_1764 = arith.constant 4 : i32
    %add3A_1765 = arith.addi %add3A_1763, %add3A_1764 : i32
    %lt3A_1766 = arith.constant 1638 : i32
    %lt3A_1767 = arith.cmpi slt, %add3A_1765, %lt3A_1766 : i32
    %convert_element_type3A_1768 = arith.extui %lt3A_1767 : i1 to i32
    %cond3A_1769 = arith.constant 0 : i32
    %cond3A_1770 = arith.cmpi ne, %convert_element_type3A_1768, %cond3A_1769 : i32
    scf.if %cond3A_1770 {
      %dma_wait3A_1852 = arith.constant 16 : i32
      %dma_wait3A_1853 = arith.constant 0 : i32
      %dma_wait3A_1854 = tpu.memref_slice %arg7[%dma_wait3A_1852, %dma_wait3A_1853] : memref<56x1024xf32, #tpu.memory_space<vmem>> -> memref<4x1024xf32, #tpu.memory_space<vmem>>
      %dma_wait3A_1855 = arith.constant 0 : i32
      %dma_wait3A_1856 = arith.constant 0 : i32
      %dma_wait3A_1857 = tpu.memref_slice %arg4[%add3A_1765, %dma_wait3A_1855, %dma_wait3A_1856] : memref<1638x4x1024xf32, #tpu.memory_space<hbm>> -> memref<1x4x1024xf32, #tpu.memory_space<hbm>>
      %dma_wait3A_1858 = tpu.memref_squeeze %dma_wait3A_1857 : memref<1x4x1024xf32, #tpu.memory_space<hbm>> -> memref<4x1024xf32, #tpu.memory_space<hbm>>
      %dma_wait3A_1859 = arith.constant 0 : i32
      %dma_wait3A_1860 = arith.constant 0 : i32
      %dma_wait3A_1861 = tpu.memref_slice %arg4[%add3A_1765, %dma_wait3A_1859, %dma_wait3A_1860] : memref<1638x4x1024xf32, #tpu.memory_space<hbm>> -> memref<1x4x1024xf32, #tpu.memory_space<hbm>>
      %dma_wait3A_1862 = tpu.memref_squeeze %dma_wait3A_1861 : memref<1x4x1024xf32, #tpu.memory_space<hbm>> -> memref<4x1024xf32, #tpu.memory_space<hbm>>
      %dma_wait3A_1863 = arith.constant 16 : i32
      %dma_wait3A_1864 = arith.constant 0 : i32
      %dma_wait3A_1865 = tpu.memref_slice %arg7[%dma_wait3A_1863, %dma_wait3A_1864] : memref<56x1024xf32, #tpu.memory_space<vmem>> -> memref<4x1024xf32, #tpu.memory_space<vmem>>
      tpu.wait_dma2 semaphore(%arg11 : memref<!tpu.dma_semaphore, #tpu.memory_space<semaphore_mem>>) src(%dma_wait3A_1865 : memref<4x1024xf32, #tpu.memory_space<vmem>>) dst(%dma_wait3A_1862 : memref<4x1024xf32, #tpu.memory_space<hbm>>)
    } else {
    }
    %add3A_1771 = arith.constant 42 : i32
    %add3A_1772 = arith.addi %mul3A_20, %add3A_1771 : i32
    %add3A_1773 = arith.constant 5 : i32
    %add3A_1774 = arith.addi %add3A_1772, %add3A_1773 : i32
    %lt3A_1775 = arith.constant 1638 : i32
    %lt3A_1776 = arith.cmpi slt, %add3A_1774, %lt3A_1775 : i32
    %convert_element_type3A_1777 = arith.extui %lt3A_1776 : i1 to i32
    %cond3A_1778 = arith.constant 0 : i32
    %cond3A_1779 = arith.cmpi ne, %convert_element_type3A_1777, %cond3A_1778 : i32
    scf.if %cond3A_1779 {
      %dma_wait3A_1852 = arith.constant 20 : i32
      %dma_wait3A_1853 = arith.constant 0 : i32
      %dma_wait3A_1854 = tpu.memref_slice %arg7[%dma_wait3A_1852, %dma_wait3A_1853] : memref<56x1024xf32, #tpu.memory_space<vmem>> -> memref<4x1024xf32, #tpu.memory_space<vmem>>
      %dma_wait3A_1855 = arith.constant 0 : i32
      %dma_wait3A_1856 = arith.constant 0 : i32
      %dma_wait3A_1857 = tpu.memref_slice %arg4[%add3A_1774, %dma_wait3A_1855, %dma_wait3A_1856] : memref<1638x4x1024xf32, #tpu.memory_space<hbm>> -> memref<1x4x1024xf32, #tpu.memory_space<hbm>>
      %dma_wait3A_1858 = tpu.memref_squeeze %dma_wait3A_1857 : memref<1x4x1024xf32, #tpu.memory_space<hbm>> -> memref<4x1024xf32, #tpu.memory_space<hbm>>
      %dma_wait3A_1859 = arith.constant 0 : i32
      %dma_wait3A_1860 = arith.constant 0 : i32
      %dma_wait3A_1861 = tpu.memref_slice %arg4[%add3A_1774, %dma_wait3A_1859, %dma_wait3A_1860] : memref<1638x4x1024xf32, #tpu.memory_space<hbm>> -> memref<1x4x1024xf32, #tpu.memory_space<hbm>>
      %dma_wait3A_1862 = tpu.memref_squeeze %dma_wait3A_1861 : memref<1x4x1024xf32, #tpu.memory_space<hbm>> -> memref<4x1024xf32, #tpu.memory_space<hbm>>
      %dma_wait3A_1863 = arith.constant 20 : i32
      %dma_wait3A_1864 = arith.constant 0 : i32
      %dma_wait3A_1865 = tpu.memref_slice %arg7[%dma_wait3A_1863, %dma_wait3A_1864] : memref<56x1024xf32, #tpu.memory_space<vmem>> -> memref<4x1024xf32, #tpu.memory_space<vmem>>
      tpu.wait_dma2 semaphore(%arg11 : memref<!tpu.dma_semaphore, #tpu.memory_space<semaphore_mem>>) src(%dma_wait3A_1865 : memref<4x1024xf32, #tpu.memory_space<vmem>>) dst(%dma_wait3A_1862 : memref<4x1024xf32, #tpu.memory_space<hbm>>)
    } else {
    }
    %add3A_1780 = arith.constant 42 : i32
    %add3A_1781 = arith.addi %mul3A_20, %add3A_1780 : i32
    %add3A_1782 = arith.constant 6 : i32
    %add3A_1783 = arith.addi %add3A_1781, %add3A_1782 : i32
    %lt3A_1784 = arith.constant 1638 : i32
    %lt3A_1785 = arith.cmpi slt, %add3A_1783, %lt3A_1784 : i32
    %convert_element_type3A_1786 = arith.extui %lt3A_1785 : i1 to i32
    %cond3A_1787 = arith.constant 0 : i32
    %cond3A_1788 = arith.cmpi ne, %convert_element_type3A_1786, %cond3A_1787 : i32
    scf.if %cond3A_1788 {
      %dma_wait3A_1852 = arith.constant 24 : i32
      %dma_wait3A_1853 = arith.constant 0 : i32
      %dma_wait3A_1854 = tpu.memref_slice %arg7[%dma_wait3A_1852, %dma_wait3A_1853] : memref<56x1024xf32, #tpu.memory_space<vmem>> -> memref<4x1024xf32, #tpu.memory_space<vmem>>
      %dma_wait3A_1855 = arith.constant 0 : i32
      %dma_wait3A_1856 = arith.constant 0 : i32
      %dma_wait3A_1857 = tpu.memref_slice %arg4[%add3A_1783, %dma_wait3A_1855, %dma_wait3A_1856] : memref<1638x4x1024xf32, #tpu.memory_space<hbm>> -> memref<1x4x1024xf32, #tpu.memory_space<hbm>>
      %dma_wait3A_1858 = tpu.memref_squeeze %dma_wait3A_1857 : memref<1x4x1024xf32, #tpu.memory_space<hbm>> -> memref<4x1024xf32, #tpu.memory_space<hbm>>
      %dma_wait3A_1859 = arith.constant 0 : i32
      %dma_wait3A_1860 = arith.constant 0 : i32
      %dma_wait3A_1861 = tpu.memref_slice %arg4[%add3A_1783, %dma_wait3A_1859, %dma_wait3A_1860] : memref<1638x4x1024xf32, #tpu.memory_space<hbm>> -> memref<1x4x1024xf32, #tpu.memory_space<hbm>>
      %dma_wait3A_1862 = tpu.memref_squeeze %dma_wait3A_1861 : memref<1x4x1024xf32, #tpu.memory_space<hbm>> -> memref<4x1024xf32, #tpu.memory_space<hbm>>
      %dma_wait3A_1863 = arith.constant 24 : i32
      %dma_wait3A_1864 = arith.constant 0 : i32
      %dma_wait3A_1865 = tpu.memref_slice %arg7[%dma_wait3A_1863, %dma_wait3A_1864] : memref<56x1024xf32, #tpu.memory_space<vmem>> -> memref<4x1024xf32, #tpu.memory_space<vmem>>
      tpu.wait_dma2 semaphore(%arg11 : memref<!tpu.dma_semaphore, #tpu.memory_space<semaphore_mem>>) src(%dma_wait3A_1865 : memref<4x1024xf32, #tpu.memory_space<vmem>>) dst(%dma_wait3A_1862 : memref<4x1024xf32, #tpu.memory_space<hbm>>)
    } else {
    }
    %add3A_1789 = arith.constant 42 : i32
    %add3A_1790 = arith.addi %mul3A_20, %add3A_1789 : i32
    %add3A_1791 = arith.constant 7 : i32
    %add3A_1792 = arith.addi %add3A_1790, %add3A_1791 : i32
    %lt3A_1793 = arith.constant 1638 : i32
    %lt3A_1794 = arith.cmpi slt, %add3A_1792, %lt3A_1793 : i32
    %convert_element_type3A_1795 = arith.extui %lt3A_1794 : i1 to i32
    %cond3A_1796 = arith.constant 0 : i32
    %cond3A_1797 = arith.cmpi ne, %convert_element_type3A_1795, %cond3A_1796 : i32
    scf.if %cond3A_1797 {
      %dma_wait3A_1852 = arith.constant 28 : i32
      %dma_wait3A_1853 = arith.constant 0 : i32
      %dma_wait3A_1854 = tpu.memref_slice %arg7[%dma_wait3A_1852, %dma_wait3A_1853] : memref<56x1024xf32, #tpu.memory_space<vmem>> -> memref<4x1024xf32, #tpu.memory_space<vmem>>
      %dma_wait3A_1855 = arith.constant 0 : i32
      %dma_wait3A_1856 = arith.constant 0 : i32
      %dma_wait3A_1857 = tpu.memref_slice %arg4[%add3A_1792, %dma_wait3A_1855, %dma_wait3A_1856] : memref<1638x4x1024xf32, #tpu.memory_space<hbm>> -> memref<1x4x1024xf32, #tpu.memory_space<hbm>>
      %dma_wait3A_1858 = tpu.memref_squeeze %dma_wait3A_1857 : memref<1x4x1024xf32, #tpu.memory_space<hbm>> -> memref<4x1024xf32, #tpu.memory_space<hbm>>
      %dma_wait3A_1859 = arith.constant 0 : i32
      %dma_wait3A_1860 = arith.constant 0 : i32
      %dma_wait3A_1861 = tpu.memref_slice %arg4[%add3A_1792, %dma_wait3A_1859, %dma_wait3A_1860] : memref<1638x4x1024xf32, #tpu.memory_space<hbm>> -> memref<1x4x1024xf32, #tpu.memory_space<hbm>>
      %dma_wait3A_1862 = tpu.memref_squeeze %dma_wait3A_1861 : memref<1x4x1024xf32, #tpu.memory_space<hbm>> -> memref<4x1024xf32, #tpu.memory_space<hbm>>
      %dma_wait3A_1863 = arith.constant 28 : i32
      %dma_wait3A_1864 = arith.constant 0 : i32
      %dma_wait3A_1865 = tpu.memref_slice %arg7[%dma_wait3A_1863, %dma_wait3A_1864] : memref<56x1024xf32, #tpu.memory_space<vmem>> -> memref<4x1024xf32, #tpu.memory_space<vmem>>
      tpu.wait_dma2 semaphore(%arg11 : memref<!tpu.dma_semaphore, #tpu.memory_space<semaphore_mem>>) src(%dma_wait3A_1865 : memref<4x1024xf32, #tpu.memory_space<vmem>>) dst(%dma_wait3A_1862 : memref<4x1024xf32, #tpu.memory_space<hbm>>)
    } else {
    }
    %add3A_1798 = arith.constant 42 : i32
    %add3A_1799 = arith.addi %mul3A_20, %add3A_1798 : i32
    %add3A_1800 = arith.constant 8 : i32
    %add3A_1801 = arith.addi %add3A_1799, %add3A_1800 : i32
    %lt3A_1802 = arith.constant 1638 : i32
    %lt3A_1803 = arith.cmpi slt, %add3A_1801, %lt3A_1802 : i32
    %convert_element_type3A_1804 = arith.extui %lt3A_1803 : i1 to i32
    %cond3A_1805 = arith.constant 0 : i32
    %cond3A_1806 = arith.cmpi ne, %convert_element_type3A_1804, %cond3A_1805 : i32
    scf.if %cond3A_1806 {
      %dma_wait3A_1852 = arith.constant 32 : i32
      %dma_wait3A_1853 = arith.constant 0 : i32
      %dma_wait3A_1854 = tpu.memref_slice %arg7[%dma_wait3A_1852, %dma_wait3A_1853] : memref<56x1024xf32, #tpu.memory_space<vmem>> -> memref<4x1024xf32, #tpu.memory_space<vmem>>
      %dma_wait3A_1855 = arith.constant 0 : i32
      %dma_wait3A_1856 = arith.constant 0 : i32
      %dma_wait3A_1857 = tpu.memref_slice %arg4[%add3A_1801, %dma_wait3A_1855, %dma_wait3A_1856] : memref<1638x4x1024xf32, #tpu.memory_space<hbm>> -> memref<1x4x1024xf32, #tpu.memory_space<hbm>>
      %dma_wait3A_1858 = tpu.memref_squeeze %dma_wait3A_1857 : memref<1x4x1024xf32, #tpu.memory_space<hbm>> -> memref<4x1024xf32, #tpu.memory_space<hbm>>
      %dma_wait3A_1859 = arith.constant 0 : i32
      %dma_wait3A_1860 = arith.constant 0 : i32
      %dma_wait3A_1861 = tpu.memref_slice %arg4[%add3A_1801, %dma_wait3A_1859, %dma_wait3A_1860] : memref<1638x4x1024xf32, #tpu.memory_space<hbm>> -> memref<1x4x1024xf32, #tpu.memory_space<hbm>>
      %dma_wait3A_1862 = tpu.memref_squeeze %dma_wait3A_1861 : memref<1x4x1024xf32, #tpu.memory_space<hbm>> -> memref<4x1024xf32, #tpu.memory_space<hbm>>
      %dma_wait3A_1863 = arith.constant 32 : i32
      %dma_wait3A_1864 = arith.constant 0 : i32
      %dma_wait3A_1865 = tpu.memref_slice %arg7[%dma_wait3A_1863, %dma_wait3A_1864] : memref<56x1024xf32, #tpu.memory_space<vmem>> -> memref<4x1024xf32, #tpu.memory_space<vmem>>
      tpu.wait_dma2 semaphore(%arg11 : memref<!tpu.dma_semaphore, #tpu.memory_space<semaphore_mem>>) src(%dma_wait3A_1865 : memref<4x1024xf32, #tpu.memory_space<vmem>>) dst(%dma_wait3A_1862 : memref<4x1024xf32, #tpu.memory_space<hbm>>)
    } else {
    }
    %add3A_1807 = arith.constant 42 : i32
    %add3A_1808 = arith.addi %mul3A_20, %add3A_1807 : i32
    %add3A_1809 = arith.constant 9 : i32
    %add3A_1810 = arith.addi %add3A_1808, %add3A_1809 : i32
    %lt3A_1811 = arith.constant 1638 : i32
    %lt3A_1812 = arith.cmpi slt, %add3A_1810, %lt3A_1811 : i32
    %convert_element_type3A_1813 = arith.extui %lt3A_1812 : i1 to i32
    %cond3A_1814 = arith.constant 0 : i32
    %cond3A_1815 = arith.cmpi ne, %convert_element_type3A_1813, %cond3A_1814 : i32
    scf.if %cond3A_1815 {
      %dma_wait3A_1852 = arith.constant 36 : i32
      %dma_wait3A_1853 = arith.constant 0 : i32
      %dma_wait3A_1854 = tpu.memref_slice %arg7[%dma_wait3A_1852, %dma_wait3A_1853] : memref<56x1024xf32, #tpu.memory_space<vmem>> -> memref<4x1024xf32, #tpu.memory_space<vmem>>
      %dma_wait3A_1855 = arith.constant 0 : i32
      %dma_wait3A_1856 = arith.constant 0 : i32
      %dma_wait3A_1857 = tpu.memref_slice %arg4[%add3A_1810, %dma_wait3A_1855, %dma_wait3A_1856] : memref<1638x4x1024xf32, #tpu.memory_space<hbm>> -> memref<1x4x1024xf32, #tpu.memory_space<hbm>>
      %dma_wait3A_1858 = tpu.memref_squeeze %dma_wait3A_1857 : memref<1x4x1024xf32, #tpu.memory_space<hbm>> -> memref<4x1024xf32, #tpu.memory_space<hbm>>
      %dma_wait3A_1859 = arith.constant 0 : i32
      %dma_wait3A_1860 = arith.constant 0 : i32
      %dma_wait3A_1861 = tpu.memref_slice %arg4[%add3A_1810, %dma_wait3A_1859, %dma_wait3A_1860] : memref<1638x4x1024xf32, #tpu.memory_space<hbm>> -> memref<1x4x1024xf32, #tpu.memory_space<hbm>>
      %dma_wait3A_1862 = tpu.memref_squeeze %dma_wait3A_1861 : memref<1x4x1024xf32, #tpu.memory_space<hbm>> -> memref<4x1024xf32, #tpu.memory_space<hbm>>
      %dma_wait3A_1863 = arith.constant 36 : i32
      %dma_wait3A_1864 = arith.constant 0 : i32
      %dma_wait3A_1865 = tpu.memref_slice %arg7[%dma_wait3A_1863, %dma_wait3A_1864] : memref<56x1024xf32, #tpu.memory_space<vmem>> -> memref<4x1024xf32, #tpu.memory_space<vmem>>
      tpu.wait_dma2 semaphore(%arg11 : memref<!tpu.dma_semaphore, #tpu.memory_space<semaphore_mem>>) src(%dma_wait3A_1865 : memref<4x1024xf32, #tpu.memory_space<vmem>>) dst(%dma_wait3A_1862 : memref<4x1024xf32, #tpu.memory_space<hbm>>)
    } else {
    }
    %add3A_1816 = arith.constant 42 : i32
    %add3A_1817 = arith.addi %mul3A_20, %add3A_1816 : i32
    %add3A_1818 = arith.constant 10 : i32
    %add3A_1819 = arith.addi %add3A_1817, %add3A_1818 : i32
    %lt3A_1820 = arith.constant 1638 : i32
    %lt3A_1821 = arith.cmpi slt, %add3A_1819, %lt3A_1820 : i32
    %convert_element_type3A_1822 = arith.extui %lt3A_1821 : i1 to i32
    %cond3A_1823 = arith.constant 0 : i32
    %cond3A_1824 = arith.cmpi ne, %convert_element_type3A_1822, %cond3A_1823 : i32
    scf.if %cond3A_1824 {
      %dma_wait3A_1852 = arith.constant 40 : i32
      %dma_wait3A_1853 = arith.constant 0 : i32
      %dma_wait3A_1854 = tpu.memref_slice %arg7[%dma_wait3A_1852, %dma_wait3A_1853] : memref<56x1024xf32, #tpu.memory_space<vmem>> -> memref<4x1024xf32, #tpu.memory_space<vmem>>
      %dma_wait3A_1855 = arith.constant 0 : i32
      %dma_wait3A_1856 = arith.constant 0 : i32
      %dma_wait3A_1857 = tpu.memref_slice %arg4[%add3A_1819, %dma_wait3A_1855, %dma_wait3A_1856] : memref<1638x4x1024xf32, #tpu.memory_space<hbm>> -> memref<1x4x1024xf32, #tpu.memory_space<hbm>>
      %dma_wait3A_1858 = tpu.memref_squeeze %dma_wait3A_1857 : memref<1x4x1024xf32, #tpu.memory_space<hbm>> -> memref<4x1024xf32, #tpu.memory_space<hbm>>
      %dma_wait3A_1859 = arith.constant 0 : i32
      %dma_wait3A_1860 = arith.constant 0 : i32
      %dma_wait3A_1861 = tpu.memref_slice %arg4[%add3A_1819, %dma_wait3A_1859, %dma_wait3A_1860] : memref<1638x4x1024xf32, #tpu.memory_space<hbm>> -> memref<1x4x1024xf32, #tpu.memory_space<hbm>>
      %dma_wait3A_1862 = tpu.memref_squeeze %dma_wait3A_1861 : memref<1x4x1024xf32, #tpu.memory_space<hbm>> -> memref<4x1024xf32, #tpu.memory_space<hbm>>
      %dma_wait3A_1863 = arith.constant 40 : i32
      %dma_wait3A_1864 = arith.constant 0 : i32
      %dma_wait3A_1865 = tpu.memref_slice %arg7[%dma_wait3A_1863, %dma_wait3A_1864] : memref<56x1024xf32, #tpu.memory_space<vmem>> -> memref<4x1024xf32, #tpu.memory_space<vmem>>
      tpu.wait_dma2 semaphore(%arg11 : memref<!tpu.dma_semaphore, #tpu.memory_space<semaphore_mem>>) src(%dma_wait3A_1865 : memref<4x1024xf32, #tpu.memory_space<vmem>>) dst(%dma_wait3A_1862 : memref<4x1024xf32, #tpu.memory_space<hbm>>)
    } else {
    }
    %add3A_1825 = arith.constant 42 : i32
    %add3A_1826 = arith.addi %mul3A_20, %add3A_1825 : i32
    %add3A_1827 = arith.constant 11 : i32
    %add3A_1828 = arith.addi %add3A_1826, %add3A_1827 : i32
    %lt3A_1829 = arith.constant 1638 : i32
    %lt3A_1830 = arith.cmpi slt, %add3A_1828, %lt3A_1829 : i32
    %convert_element_type3A_1831 = arith.extui %lt3A_1830 : i1 to i32
    %cond3A_1832 = arith.constant 0 : i32
    %cond3A_1833 = arith.cmpi ne, %convert_element_type3A_1831, %cond3A_1832 : i32
    scf.if %cond3A_1833 {
      %dma_wait3A_1852 = arith.constant 44 : i32
      %dma_wait3A_1853 = arith.constant 0 : i32
      %dma_wait3A_1854 = tpu.memref_slice %arg7[%dma_wait3A_1852, %dma_wait3A_1853] : memref<56x1024xf32, #tpu.memory_space<vmem>> -> memref<4x1024xf32, #tpu.memory_space<vmem>>
      %dma_wait3A_1855 = arith.constant 0 : i32
      %dma_wait3A_1856 = arith.constant 0 : i32
      %dma_wait3A_1857 = tpu.memref_slice %arg4[%add3A_1828, %dma_wait3A_1855, %dma_wait3A_1856] : memref<1638x4x1024xf32, #tpu.memory_space<hbm>> -> memref<1x4x1024xf32, #tpu.memory_space<hbm>>
      %dma_wait3A_1858 = tpu.memref_squeeze %dma_wait3A_1857 : memref<1x4x1024xf32, #tpu.memory_space<hbm>> -> memref<4x1024xf32, #tpu.memory_space<hbm>>
      %dma_wait3A_1859 = arith.constant 0 : i32
      %dma_wait3A_1860 = arith.constant 0 : i32
      %dma_wait3A_1861 = tpu.memref_slice %arg4[%add3A_1828, %dma_wait3A_1859, %dma_wait3A_1860] : memref<1638x4x1024xf32, #tpu.memory_space<hbm>> -> memref<1x4x1024xf32, #tpu.memory_space<hbm>>
      %dma_wait3A_1862 = tpu.memref_squeeze %dma_wait3A_1861 : memref<1x4x1024xf32, #tpu.memory_space<hbm>> -> memref<4x1024xf32, #tpu.memory_space<hbm>>
      %dma_wait3A_1863 = arith.constant 44 : i32
      %dma_wait3A_1864 = arith.constant 0 : i32
      %dma_wait3A_1865 = tpu.memref_slice %arg7[%dma_wait3A_1863, %dma_wait3A_1864] : memref<56x1024xf32, #tpu.memory_space<vmem>> -> memref<4x1024xf32, #tpu.memory_space<vmem>>
      tpu.wait_dma2 semaphore(%arg11 : memref<!tpu.dma_semaphore, #tpu.memory_space<semaphore_mem>>) src(%dma_wait3A_1865 : memref<4x1024xf32, #tpu.memory_space<vmem>>) dst(%dma_wait3A_1862 : memref<4x1024xf32, #tpu.memory_space<hbm>>)
    } else {
    }
    %add3A_1834 = arith.constant 42 : i32
    %add3A_1835 = arith.addi %mul3A_20, %add3A_1834 : i32
    %add3A_1836 = arith.constant 12 : i32
    %add3A_1837 = arith.addi %add3A_1835, %add3A_1836 : i32
    %lt3A_1838 = arith.constant 1638 : i32
    %lt3A_1839 = arith.cmpi slt, %add3A_1837, %lt3A_1838 : i32
    %convert_element_type3A_1840 = arith.extui %lt3A_1839 : i1 to i32
    %cond3A_1841 = arith.constant 0 : i32
    %cond3A_1842 = arith.cmpi ne, %convert_element_type3A_1840, %cond3A_1841 : i32
    scf.if %cond3A_1842 {
      %dma_wait3A_1852 = arith.constant 48 : i32
      %dma_wait3A_1853 = arith.constant 0 : i32
      %dma_wait3A_1854 = tpu.memref_slice %arg7[%dma_wait3A_1852, %dma_wait3A_1853] : memref<56x1024xf32, #tpu.memory_space<vmem>> -> memref<4x1024xf32, #tpu.memory_space<vmem>>
      %dma_wait3A_1855 = arith.constant 0 : i32
      %dma_wait3A_1856 = arith.constant 0 : i32
      %dma_wait3A_1857 = tpu.memref_slice %arg4[%add3A_1837, %dma_wait3A_1855, %dma_wait3A_1856] : memref<1638x4x1024xf32, #tpu.memory_space<hbm>> -> memref<1x4x1024xf32, #tpu.memory_space<hbm>>
      %dma_wait3A_1858 = tpu.memref_squeeze %dma_wait3A_1857 : memref<1x4x1024xf32, #tpu.memory_space<hbm>> -> memref<4x1024xf32, #tpu.memory_space<hbm>>
      %dma_wait3A_1859 = arith.constant 0 : i32
      %dma_wait3A_1860 = arith.constant 0 : i32
      %dma_wait3A_1861 = tpu.memref_slice %arg4[%add3A_1837, %dma_wait3A_1859, %dma_wait3A_1860] : memref<1638x4x1024xf32, #tpu.memory_space<hbm>> -> memref<1x4x1024xf32, #tpu.memory_space<hbm>>
      %dma_wait3A_1862 = tpu.memref_squeeze %dma_wait3A_1861 : memref<1x4x1024xf32, #tpu.memory_space<hbm>> -> memref<4x1024xf32, #tpu.memory_space<hbm>>
      %dma_wait3A_1863 = arith.constant 48 : i32
      %dma_wait3A_1864 = arith.constant 0 : i32
      %dma_wait3A_1865 = tpu.memref_slice %arg7[%dma_wait3A_1863, %dma_wait3A_1864] : memref<56x1024xf32, #tpu.memory_space<vmem>> -> memref<4x1024xf32, #tpu.memory_space<vmem>>
      tpu.wait_dma2 semaphore(%arg11 : memref<!tpu.dma_semaphore, #tpu.memory_space<semaphore_mem>>) src(%dma_wait3A_1865 : memref<4x1024xf32, #tpu.memory_space<vmem>>) dst(%dma_wait3A_1862 : memref<4x1024xf32, #tpu.memory_space<hbm>>)
    } else {
    }
    %add3A_1843 = arith.constant 42 : i32
    %add3A_1844 = arith.addi %mul3A_20, %add3A_1843 : i32
    %add3A_1845 = arith.constant 13 : i32
    %add3A_1846 = arith.addi %add3A_1844, %add3A_1845 : i32
    %lt3A_1847 = arith.constant 1638 : i32
    %lt3A_1848 = arith.cmpi slt, %add3A_1846, %lt3A_1847 : i32
    %convert_element_type3A_1849 = arith.extui %lt3A_1848 : i1 to i32
    %cond3A_1850 = arith.constant 0 : i32
    %cond3A_1851 = arith.cmpi ne, %convert_element_type3A_1849, %cond3A_1850 : i32
    scf.if %cond3A_1851 {
      %dma_wait3A_1852 = arith.constant 52 : i32
      %dma_wait3A_1853 = arith.constant 0 : i32
      %dma_wait3A_1854 = tpu.memref_slice %arg7[%dma_wait3A_1852, %dma_wait3A_1853] : memref<56x1024xf32, #tpu.memory_space<vmem>> -> memref<4x1024xf32, #tpu.memory_space<vmem>>
      %dma_wait3A_1855 = arith.constant 0 : i32
      %dma_wait3A_1856 = arith.constant 0 : i32
      %dma_wait3A_1857 = tpu.memref_slice %arg4[%add3A_1846, %dma_wait3A_1855, %dma_wait3A_1856] : memref<1638x4x1024xf32, #tpu.memory_space<hbm>> -> memref<1x4x1024xf32, #tpu.memory_space<hbm>>
      %dma_wait3A_1858 = tpu.memref_squeeze %dma_wait3A_1857 : memref<1x4x1024xf32, #tpu.memory_space<hbm>> -> memref<4x1024xf32, #tpu.memory_space<hbm>>
      %dma_wait3A_1859 = arith.constant 0 : i32
      %dma_wait3A_1860 = arith.constant 0 : i32
      %dma_wait3A_1861 = tpu.memref_slice %arg4[%add3A_1846, %dma_wait3A_1859, %dma_wait3A_1860] : memref<1638x4x1024xf32, #tpu.memory_space<hbm>> -> memref<1x4x1024xf32, #tpu.memory_space<hbm>>
      %dma_wait3A_1862 = tpu.memref_squeeze %dma_wait3A_1861 : memref<1x4x1024xf32, #tpu.memory_space<hbm>> -> memref<4x1024xf32, #tpu.memory_space<hbm>>
      %dma_wait3A_1863 = arith.constant 52 : i32
      %dma_wait3A_1864 = arith.constant 0 : i32
      %dma_wait3A_1865 = tpu.memref_slice %arg7[%dma_wait3A_1863, %dma_wait3A_1864] : memref<56x1024xf32, #tpu.memory_space<vmem>> -> memref<4x1024xf32, #tpu.memory_space<vmem>>
      tpu.wait_dma2 semaphore(%arg11 : memref<!tpu.dma_semaphore, #tpu.memory_space<semaphore_mem>>) src(%dma_wait3A_1865 : memref<4x1024xf32, #tpu.memory_space<vmem>>) dst(%dma_wait3A_1862 : memref<4x1024xf32, #tpu.memory_space<hbm>>)
    } else {
    }
    return
  }
}

module attributes {stable_mosaic.version = 14 : i64} {
  func.func @_select_kernel(%arg0: memref<4x8192xi32, #tpu.memory_space<vmem>>, %arg1: memref<4x2048xi32, #tpu.memory_space<vmem>>) attributes {dimension_semantics = [], scalar_prefetch = 0 : i64, scratch_operands = 0 : i64, tpu.core_type = #tpu.core_type<tc>} {
    %iota3A = tpu.iota {dimensions = array<i32: 0>} : vector<4x8192xi32>
    %mul3A = arith.constant 8192 : i32
    %mul3A_0 = vector.broadcast %mul3A : i32 to vector<4x8192xi32>
    %mul3A_1 = arith.muli %mul3A_0, %iota3A : vector<4x8192xi32>
    %iota3A_2 = tpu.iota {dimensions = array<i32: 1>} : vector<4x8192xi32>
    %add3A = arith.addi %mul3A_1, %iota3A_2 : vector<4x8192xi32>
    %broadcast_in_dim3A = arith.constant 0 : i32
    %broadcast_in_dim3A_3 = vector.broadcast %broadcast_in_dim3A : i32 to vector<4x8192xi32>
    %add3A_4 = arith.constant 0 : i32
    %add3A_5 = vector.broadcast %add3A_4 : i32 to vector<4x8192xi32>
    %add3A_6 = arith.addi %broadcast_in_dim3A_3, %add3A_5 : vector<4x8192xi32>
    %add3A_7 = arith.constant 42 : i32
    %add3A_8 = vector.broadcast %add3A_7 : i32 to vector<4x8192xi32>
    %add3A_9 = arith.addi %add3A, %add3A_8 : vector<4x8192xi32>
    %add3A_10 = arith.addi %add3A_6, %add3A_9 : vector<4x8192xi32>
    %shift_left3A = arith.constant 13 : i32
    %shift_left3A_11 = vector.broadcast %shift_left3A : i32 to vector<4x8192xi32>
    %shift_left3A_12 = arith.shli %add3A_9, %shift_left3A_11 : vector<4x8192xi32>
    %shift_right_logical3A = arith.constant 19 : i32
    %shift_right_logical3A_13 = vector.broadcast %shift_right_logical3A : i32 to vector<4x8192xi32>
    %shift_right_logical3A_14 = arith.shrui %add3A_9, %shift_right_logical3A_13 : vector<4x8192xi32>
    %or3A = arith.ori %shift_left3A_12, %shift_right_logical3A_14 : vector<4x8192xi32>
    %xor3A = arith.xori %add3A_10, %or3A : vector<4x8192xi32>
    %add3A_15 = arith.addi %add3A_10, %xor3A : vector<4x8192xi32>
    %shift_left3A_16 = arith.constant 15 : i32
    %shift_left3A_17 = vector.broadcast %shift_left3A_16 : i32 to vector<4x8192xi32>
    %shift_left3A_18 = arith.shli %xor3A, %shift_left3A_17 : vector<4x8192xi32>
    %shift_right_logical3A_19 = arith.constant 17 : i32
    %shift_right_logical3A_20 = vector.broadcast %shift_right_logical3A_19 : i32 to vector<4x8192xi32>
    %shift_right_logical3A_21 = arith.shrui %xor3A, %shift_right_logical3A_20 : vector<4x8192xi32>
    %or3A_22 = arith.ori %shift_left3A_18, %shift_right_logical3A_21 : vector<4x8192xi32>
    %xor3A_23 = arith.xori %add3A_15, %or3A_22 : vector<4x8192xi32>
    %add3A_24 = arith.addi %add3A_15, %xor3A_23 : vector<4x8192xi32>
    %shift_left3A_25 = arith.constant 26 : i32
    %shift_left3A_26 = vector.broadcast %shift_left3A_25 : i32 to vector<4x8192xi32>
    %shift_left3A_27 = arith.shli %xor3A_23, %shift_left3A_26 : vector<4x8192xi32>
    %shift_right_logical3A_28 = arith.constant 6 : i32
    %shift_right_logical3A_29 = vector.broadcast %shift_right_logical3A_28 : i32 to vector<4x8192xi32>
    %shift_right_logical3A_30 = arith.shrui %xor3A_23, %shift_right_logical3A_29 : vector<4x8192xi32>
    %or3A_31 = arith.ori %shift_left3A_27, %shift_right_logical3A_30 : vector<4x8192xi32>
    %xor3A_32 = arith.xori %add3A_24, %or3A_31 : vector<4x8192xi32>
    %add3A_33 = arith.addi %add3A_24, %xor3A_32 : vector<4x8192xi32>
    %shift_left3A_34 = arith.constant 6 : i32
    %shift_left3A_35 = vector.broadcast %shift_left3A_34 : i32 to vector<4x8192xi32>
    %shift_left3A_36 = arith.shli %xor3A_32, %shift_left3A_35 : vector<4x8192xi32>
    %shift_right_logical3A_37 = arith.constant 26 : i32
    %shift_right_logical3A_38 = vector.broadcast %shift_right_logical3A_37 : i32 to vector<4x8192xi32>
    %shift_right_logical3A_39 = arith.shrui %xor3A_32, %shift_right_logical3A_38 : vector<4x8192xi32>
    %or3A_40 = arith.ori %shift_left3A_36, %shift_right_logical3A_39 : vector<4x8192xi32>
    %xor3A_41 = arith.xori %add3A_33, %or3A_40 : vector<4x8192xi32>
    %add3A_42 = arith.constant 42 : i32
    %add3A_43 = vector.broadcast %add3A_42 : i32 to vector<4x8192xi32>
    %add3A_44 = arith.addi %add3A_33, %add3A_43 : vector<4x8192xi32>
    %add3A_45 = arith.constant 466689008 : i32
    %add3A_46 = vector.broadcast %add3A_45 : i32 to vector<4x8192xi32>
    %add3A_47 = arith.addi %xor3A_41, %add3A_46 : vector<4x8192xi32>
    %add3A_48 = arith.constant 1 : i32
    %add3A_49 = vector.broadcast %add3A_48 : i32 to vector<4x8192xi32>
    %add3A_50 = arith.addi %add3A_47, %add3A_49 : vector<4x8192xi32>
    %add3A_51 = arith.addi %add3A_44, %add3A_50 : vector<4x8192xi32>
    %shift_left3A_52 = arith.constant 17 : i32
    %shift_left3A_53 = vector.broadcast %shift_left3A_52 : i32 to vector<4x8192xi32>
    %shift_left3A_54 = arith.shli %add3A_50, %shift_left3A_53 : vector<4x8192xi32>
    %shift_right_logical3A_55 = arith.constant 15 : i32
    %shift_right_logical3A_56 = vector.broadcast %shift_right_logical3A_55 : i32 to vector<4x8192xi32>
    %shift_right_logical3A_57 = arith.shrui %add3A_50, %shift_right_logical3A_56 : vector<4x8192xi32>
    %or3A_58 = arith.ori %shift_left3A_54, %shift_right_logical3A_57 : vector<4x8192xi32>
    %xor3A_59 = arith.xori %add3A_51, %or3A_58 : vector<4x8192xi32>
    %add3A_60 = arith.addi %add3A_51, %xor3A_59 : vector<4x8192xi32>
    %shift_left3A_61 = arith.constant 29 : i32
    %shift_left3A_62 = vector.broadcast %shift_left3A_61 : i32 to vector<4x8192xi32>
    %shift_left3A_63 = arith.shli %xor3A_59, %shift_left3A_62 : vector<4x8192xi32>
    %shift_right_logical3A_64 = arith.constant 3 : i32
    %shift_right_logical3A_65 = vector.broadcast %shift_right_logical3A_64 : i32 to vector<4x8192xi32>
    %shift_right_logical3A_66 = arith.shrui %xor3A_59, %shift_right_logical3A_65 : vector<4x8192xi32>
    %or3A_67 = arith.ori %shift_left3A_63, %shift_right_logical3A_66 : vector<4x8192xi32>
    %xor3A_68 = arith.xori %add3A_60, %or3A_67 : vector<4x8192xi32>
    %add3A_69 = arith.addi %add3A_60, %xor3A_68 : vector<4x8192xi32>
    %shift_left3A_70 = arith.constant 16 : i32
    %shift_left3A_71 = vector.broadcast %shift_left3A_70 : i32 to vector<4x8192xi32>
    %shift_left3A_72 = arith.shli %xor3A_68, %shift_left3A_71 : vector<4x8192xi32>
    %shift_right_logical3A_73 = arith.constant 16 : i32
    %shift_right_logical3A_74 = vector.broadcast %shift_right_logical3A_73 : i32 to vector<4x8192xi32>
    %shift_right_logical3A_75 = arith.shrui %xor3A_68, %shift_right_logical3A_74 : vector<4x8192xi32>
    %or3A_76 = arith.ori %shift_left3A_72, %shift_right_logical3A_75 : vector<4x8192xi32>
    %xor3A_77 = arith.xori %add3A_69, %or3A_76 : vector<4x8192xi32>
    %add3A_78 = arith.addi %add3A_69, %xor3A_77 : vector<4x8192xi32>
    %shift_left3A_79 = arith.constant 24 : i32
    %shift_left3A_80 = vector.broadcast %shift_left3A_79 : i32 to vector<4x8192xi32>
    %shift_left3A_81 = arith.shli %xor3A_77, %shift_left3A_80 : vector<4x8192xi32>
    %shift_right_logical3A_82 = arith.constant 8 : i32
    %shift_right_logical3A_83 = vector.broadcast %shift_right_logical3A_82 : i32 to vector<4x8192xi32>
    %shift_right_logical3A_84 = arith.shrui %xor3A_77, %shift_right_logical3A_83 : vector<4x8192xi32>
    %or3A_85 = arith.ori %shift_left3A_81, %shift_right_logical3A_84 : vector<4x8192xi32>
    %xor3A_86 = arith.xori %add3A_78, %or3A_85 : vector<4x8192xi32>
    %add3A_87 = arith.constant 466689008 : i32
    %add3A_88 = vector.broadcast %add3A_87 : i32 to vector<4x8192xi32>
    %add3A_89 = arith.addi %add3A_78, %add3A_88 : vector<4x8192xi32>
    %add3A_90 = arith.constant 0 : i32
    %add3A_91 = vector.broadcast %add3A_90 : i32 to vector<4x8192xi32>
    %add3A_92 = arith.addi %xor3A_86, %add3A_91 : vector<4x8192xi32>
    %add3A_93 = arith.constant 2 : i32
    %add3A_94 = vector.broadcast %add3A_93 : i32 to vector<4x8192xi32>
    %add3A_95 = arith.addi %add3A_92, %add3A_94 : vector<4x8192xi32>
    %add3A_96 = arith.addi %add3A_89, %add3A_95 : vector<4x8192xi32>
    %shift_left3A_97 = arith.constant 13 : i32
    %shift_left3A_98 = vector.broadcast %shift_left3A_97 : i32 to vector<4x8192xi32>
    %shift_left3A_99 = arith.shli %add3A_95, %shift_left3A_98 : vector<4x8192xi32>
    %shift_right_logical3A_100 = arith.constant 19 : i32
    %shift_right_logical3A_101 = vector.broadcast %shift_right_logical3A_100 : i32 to vector<4x8192xi32>
    %shift_right_logical3A_102 = arith.shrui %add3A_95, %shift_right_logical3A_101 : vector<4x8192xi32>
    %or3A_103 = arith.ori %shift_left3A_99, %shift_right_logical3A_102 : vector<4x8192xi32>
    %xor3A_104 = arith.xori %add3A_96, %or3A_103 : vector<4x8192xi32>
    %add3A_105 = arith.addi %add3A_96, %xor3A_104 : vector<4x8192xi32>
    %shift_left3A_106 = arith.constant 15 : i32
    %shift_left3A_107 = vector.broadcast %shift_left3A_106 : i32 to vector<4x8192xi32>
    %shift_left3A_108 = arith.shli %xor3A_104, %shift_left3A_107 : vector<4x8192xi32>
    %shift_right_logical3A_109 = arith.constant 17 : i32
    %shift_right_logical3A_110 = vector.broadcast %shift_right_logical3A_109 : i32 to vector<4x8192xi32>
    %shift_right_logical3A_111 = arith.shrui %xor3A_104, %shift_right_logical3A_110 : vector<4x8192xi32>
    %or3A_112 = arith.ori %shift_left3A_108, %shift_right_logical3A_111 : vector<4x8192xi32>
    %xor3A_113 = arith.xori %add3A_105, %or3A_112 : vector<4x8192xi32>
    %add3A_114 = arith.addi %add3A_105, %xor3A_113 : vector<4x8192xi32>
    %shift_left3A_115 = arith.constant 26 : i32
    %shift_left3A_116 = vector.broadcast %shift_left3A_115 : i32 to vector<4x8192xi32>
    %shift_left3A_117 = arith.shli %xor3A_113, %shift_left3A_116 : vector<4x8192xi32>
    %shift_right_logical3A_118 = arith.constant 6 : i32
    %shift_right_logical3A_119 = vector.broadcast %shift_right_logical3A_118 : i32 to vector<4x8192xi32>
    %shift_right_logical3A_120 = arith.shrui %xor3A_113, %shift_right_logical3A_119 : vector<4x8192xi32>
    %or3A_121 = arith.ori %shift_left3A_117, %shift_right_logical3A_120 : vector<4x8192xi32>
    %xor3A_122 = arith.xori %add3A_114, %or3A_121 : vector<4x8192xi32>
    %add3A_123 = arith.addi %add3A_114, %xor3A_122 : vector<4x8192xi32>
    %shift_left3A_124 = arith.constant 6 : i32
    %shift_left3A_125 = vector.broadcast %shift_left3A_124 : i32 to vector<4x8192xi32>
    %shift_left3A_126 = arith.shli %xor3A_122, %shift_left3A_125 : vector<4x8192xi32>
    %shift_right_logical3A_127 = arith.constant 26 : i32
    %shift_right_logical3A_128 = vector.broadcast %shift_right_logical3A_127 : i32 to vector<4x8192xi32>
    %shift_right_logical3A_129 = arith.shrui %xor3A_122, %shift_right_logical3A_128 : vector<4x8192xi32>
    %or3A_130 = arith.ori %shift_left3A_126, %shift_right_logical3A_129 : vector<4x8192xi32>
    %xor3A_131 = arith.xori %add3A_123, %or3A_130 : vector<4x8192xi32>
    %add3A_132 = arith.constant 0 : i32
    %add3A_133 = vector.broadcast %add3A_132 : i32 to vector<4x8192xi32>
    %add3A_134 = arith.addi %add3A_123, %add3A_133 : vector<4x8192xi32>
    %add3A_135 = arith.constant 42 : i32
    %add3A_136 = vector.broadcast %add3A_135 : i32 to vector<4x8192xi32>
    %add3A_137 = arith.addi %xor3A_131, %add3A_136 : vector<4x8192xi32>
    %add3A_138 = arith.constant 3 : i32
    %add3A_139 = vector.broadcast %add3A_138 : i32 to vector<4x8192xi32>
    %add3A_140 = arith.addi %add3A_137, %add3A_139 : vector<4x8192xi32>
    %add3A_141 = arith.addi %add3A_134, %add3A_140 : vector<4x8192xi32>
    %shift_left3A_142 = arith.constant 17 : i32
    %shift_left3A_143 = vector.broadcast %shift_left3A_142 : i32 to vector<4x8192xi32>
    %shift_left3A_144 = arith.shli %add3A_140, %shift_left3A_143 : vector<4x8192xi32>
    %shift_right_logical3A_145 = arith.constant 15 : i32
    %shift_right_logical3A_146 = vector.broadcast %shift_right_logical3A_145 : i32 to vector<4x8192xi32>
    %shift_right_logical3A_147 = arith.shrui %add3A_140, %shift_right_logical3A_146 : vector<4x8192xi32>
    %or3A_148 = arith.ori %shift_left3A_144, %shift_right_logical3A_147 : vector<4x8192xi32>
    %xor3A_149 = arith.xori %add3A_141, %or3A_148 : vector<4x8192xi32>
    %add3A_150 = arith.addi %add3A_141, %xor3A_149 : vector<4x8192xi32>
    %shift_left3A_151 = arith.constant 29 : i32
    %shift_left3A_152 = vector.broadcast %shift_left3A_151 : i32 to vector<4x8192xi32>
    %shift_left3A_153 = arith.shli %xor3A_149, %shift_left3A_152 : vector<4x8192xi32>
    %shift_right_logical3A_154 = arith.constant 3 : i32
    %shift_right_logical3A_155 = vector.broadcast %shift_right_logical3A_154 : i32 to vector<4x8192xi32>
    %shift_right_logical3A_156 = arith.shrui %xor3A_149, %shift_right_logical3A_155 : vector<4x8192xi32>
    %or3A_157 = arith.ori %shift_left3A_153, %shift_right_logical3A_156 : vector<4x8192xi32>
    %xor3A_158 = arith.xori %add3A_150, %or3A_157 : vector<4x8192xi32>
    %add3A_159 = arith.addi %add3A_150, %xor3A_158 : vector<4x8192xi32>
    %shift_left3A_160 = arith.constant 16 : i32
    %shift_left3A_161 = vector.broadcast %shift_left3A_160 : i32 to vector<4x8192xi32>
    %shift_left3A_162 = arith.shli %xor3A_158, %shift_left3A_161 : vector<4x8192xi32>
    %shift_right_logical3A_163 = arith.constant 16 : i32
    %shift_right_logical3A_164 = vector.broadcast %shift_right_logical3A_163 : i32 to vector<4x8192xi32>
    %shift_right_logical3A_165 = arith.shrui %xor3A_158, %shift_right_logical3A_164 : vector<4x8192xi32>
    %or3A_166 = arith.ori %shift_left3A_162, %shift_right_logical3A_165 : vector<4x8192xi32>
    %xor3A_167 = arith.xori %add3A_159, %or3A_166 : vector<4x8192xi32>
    %add3A_168 = arith.addi %add3A_159, %xor3A_167 : vector<4x8192xi32>
    %shift_left3A_169 = arith.constant 24 : i32
    %shift_left3A_170 = vector.broadcast %shift_left3A_169 : i32 to vector<4x8192xi32>
    %shift_left3A_171 = arith.shli %xor3A_167, %shift_left3A_170 : vector<4x8192xi32>
    %shift_right_logical3A_172 = arith.constant 8 : i32
    %shift_right_logical3A_173 = vector.broadcast %shift_right_logical3A_172 : i32 to vector<4x8192xi32>
    %shift_right_logical3A_174 = arith.shrui %xor3A_167, %shift_right_logical3A_173 : vector<4x8192xi32>
    %or3A_175 = arith.ori %shift_left3A_171, %shift_right_logical3A_174 : vector<4x8192xi32>
    %xor3A_176 = arith.xori %add3A_168, %or3A_175 : vector<4x8192xi32>
    %add3A_177 = arith.constant 42 : i32
    %add3A_178 = vector.broadcast %add3A_177 : i32 to vector<4x8192xi32>
    %add3A_179 = arith.addi %add3A_168, %add3A_178 : vector<4x8192xi32>
    %add3A_180 = arith.constant 466689008 : i32
    %add3A_181 = vector.broadcast %add3A_180 : i32 to vector<4x8192xi32>
    %add3A_182 = arith.addi %xor3A_176, %add3A_181 : vector<4x8192xi32>
    %add3A_183 = arith.constant 4 : i32
    %add3A_184 = vector.broadcast %add3A_183 : i32 to vector<4x8192xi32>
    %add3A_185 = arith.addi %add3A_182, %add3A_184 : vector<4x8192xi32>
    %add3A_186 = arith.addi %add3A_179, %add3A_185 : vector<4x8192xi32>
    %shift_left3A_187 = arith.constant 13 : i32
    %shift_left3A_188 = vector.broadcast %shift_left3A_187 : i32 to vector<4x8192xi32>
    %shift_left3A_189 = arith.shli %add3A_185, %shift_left3A_188 : vector<4x8192xi32>
    %shift_right_logical3A_190 = arith.constant 19 : i32
    %shift_right_logical3A_191 = vector.broadcast %shift_right_logical3A_190 : i32 to vector<4x8192xi32>
    %shift_right_logical3A_192 = arith.shrui %add3A_185, %shift_right_logical3A_191 : vector<4x8192xi32>
    %or3A_193 = arith.ori %shift_left3A_189, %shift_right_logical3A_192 : vector<4x8192xi32>
    %xor3A_194 = arith.xori %add3A_186, %or3A_193 : vector<4x8192xi32>
    %add3A_195 = arith.addi %add3A_186, %xor3A_194 : vector<4x8192xi32>
    %shift_left3A_196 = arith.constant 15 : i32
    %shift_left3A_197 = vector.broadcast %shift_left3A_196 : i32 to vector<4x8192xi32>
    %shift_left3A_198 = arith.shli %xor3A_194, %shift_left3A_197 : vector<4x8192xi32>
    %shift_right_logical3A_199 = arith.constant 17 : i32
    %shift_right_logical3A_200 = vector.broadcast %shift_right_logical3A_199 : i32 to vector<4x8192xi32>
    %shift_right_logical3A_201 = arith.shrui %xor3A_194, %shift_right_logical3A_200 : vector<4x8192xi32>
    %or3A_202 = arith.ori %shift_left3A_198, %shift_right_logical3A_201 : vector<4x8192xi32>
    %xor3A_203 = arith.xori %add3A_195, %or3A_202 : vector<4x8192xi32>
    %add3A_204 = arith.addi %add3A_195, %xor3A_203 : vector<4x8192xi32>
    %shift_left3A_205 = arith.constant 26 : i32
    %shift_left3A_206 = vector.broadcast %shift_left3A_205 : i32 to vector<4x8192xi32>
    %shift_left3A_207 = arith.shli %xor3A_203, %shift_left3A_206 : vector<4x8192xi32>
    %shift_right_logical3A_208 = arith.constant 6 : i32
    %shift_right_logical3A_209 = vector.broadcast %shift_right_logical3A_208 : i32 to vector<4x8192xi32>
    %shift_right_logical3A_210 = arith.shrui %xor3A_203, %shift_right_logical3A_209 : vector<4x8192xi32>
    %or3A_211 = arith.ori %shift_left3A_207, %shift_right_logical3A_210 : vector<4x8192xi32>
    %xor3A_212 = arith.xori %add3A_204, %or3A_211 : vector<4x8192xi32>
    %add3A_213 = arith.addi %add3A_204, %xor3A_212 : vector<4x8192xi32>
    %shift_left3A_214 = arith.constant 6 : i32
    %shift_left3A_215 = vector.broadcast %shift_left3A_214 : i32 to vector<4x8192xi32>
    %shift_left3A_216 = arith.shli %xor3A_212, %shift_left3A_215 : vector<4x8192xi32>
    %shift_right_logical3A_217 = arith.constant 26 : i32
    %shift_right_logical3A_218 = vector.broadcast %shift_right_logical3A_217 : i32 to vector<4x8192xi32>
    %shift_right_logical3A_219 = arith.shrui %xor3A_212, %shift_right_logical3A_218 : vector<4x8192xi32>
    %or3A_220 = arith.ori %shift_left3A_216, %shift_right_logical3A_219 : vector<4x8192xi32>
    %xor3A_221 = arith.xori %add3A_213, %or3A_220 : vector<4x8192xi32>
    %add3A_222 = arith.constant 466689008 : i32
    %add3A_223 = vector.broadcast %add3A_222 : i32 to vector<4x8192xi32>
    %add3A_224 = arith.addi %add3A_213, %add3A_223 : vector<4x8192xi32>
    %add3A_225 = arith.constant 0 : i32
    %add3A_226 = vector.broadcast %add3A_225 : i32 to vector<4x8192xi32>
    %add3A_227 = arith.addi %xor3A_221, %add3A_226 : vector<4x8192xi32>
    %add3A_228 = arith.constant 5 : i32
    %add3A_229 = vector.broadcast %add3A_228 : i32 to vector<4x8192xi32>
    %add3A_230 = arith.addi %add3A_227, %add3A_229 : vector<4x8192xi32>
    %xor3A_231 = arith.xori %add3A_224, %add3A_230 : vector<4x8192xi32>
    %shift_right_logical3A_232 = arith.constant 9 : i32
    %shift_right_logical3A_233 = vector.broadcast %shift_right_logical3A_232 : i32 to vector<4x8192xi32>
    %shift_right_logical3A_234 = arith.shrui %xor3A_231, %shift_right_logical3A_233 : vector<4x8192xi32>
    %broadcast_in_dim3A_235 = arith.constant 6291456 : i32
    %broadcast_in_dim3A_236 = vector.broadcast %broadcast_in_dim3A_235 : i32 to vector<4x1xi32>
    %broadcast_in_dim3A_237 = arith.constant 7340032 : i32
    %broadcast_in_dim3A_238 = vector.broadcast %broadcast_in_dim3A_237 : i32 to vector<4x1xi32>
    %scan3A = arith.constant 0 : i32
    %scan3A_239 = arith.constant 20 : i32
    %scan3A_240 = arith.addi %scan3A, %scan3A_239 : i32
    %scan3A_241 = arith.constant 1 : i32
    %scan3A_242:2 = scf.for %scan3A_457 = %scan3A to %scan3A_240 step %scan3A_241 iter_args(%scan3A_458 = %broadcast_in_dim3A_236, %scan3A_459 = %broadcast_in_dim3A_238) -> (vector<4x1xi32>, vector<4x1xi32>)  : i32 {
      %sub3A_460 = arith.subi %scan3A_459, %scan3A_458 : vector<4x1xi32>
      %jit3A_461 = arith.constant 2 : i32
      %div3A_462 = vector.broadcast %jit3A_461 : i32 to vector<4x1xi32>
      %div3A_463 = arith.divsi %sub3A_460, %div3A_462 : vector<4x1xi32>
      %sign3A_464 = arith.constant 0 : i32
      %sign3A_465 = vector.broadcast %sign3A_464 : i32 to vector<4x1xi32>
      %sign3A_466 = arith.cmpi sgt, %sub3A_460, %sign3A_465 : vector<4x1xi32>
      %sign3A_467 = arith.extui %sign3A_466 : vector<4x1xi1> to vector<4x1xi32>
      %sign3A_468 = arith.constant 0 : i32
      %sign3A_469 = vector.broadcast %sign3A_468 : i32 to vector<4x1xi32>
      %sign3A_470 = arith.cmpi slt, %sub3A_460, %sign3A_469 : vector<4x1xi32>
      %sign3A_471 = arith.extui %sign3A_470 : vector<4x1xi1> to vector<4x1xi32>
      %sign3A_472 = arith.subi %sign3A_467, %sign3A_471 : vector<4x1xi32>
      %sign3A_473 = arith.constant 0 : i32
      %sign3A_474 = arith.cmpi sgt, %jit3A_461, %sign3A_473 : i32
      %sign3A_475 = arith.extui %sign3A_474 : i1 to i32
      %sign3A_476 = arith.constant 0 : i32
      %sign3A_477 = arith.cmpi slt, %jit3A_461, %sign3A_476 : i32
      %sign3A_478 = arith.extui %sign3A_477 : i1 to i32
      %sign3A_479 = arith.subi %sign3A_475, %sign3A_478 : i32
      %ne3A_480 = vector.broadcast %sign3A_479 : i32 to vector<4x1xi32>
      %ne3A_481 = arith.cmpi ne, %sign3A_472, %ne3A_480 : vector<4x1xi32>
      %rem3A_482 = vector.broadcast %jit3A_461 : i32 to vector<4x1xi32>
      %rem3A_483 = arith.remsi %sub3A_460, %rem3A_482 : vector<4x1xi32>
      %ne3A_484 = arith.constant 0 : i32
      %ne3A_485 = vector.broadcast %ne3A_484 : i32 to vector<4x1xi32>
      %ne3A_486 = arith.cmpi ne, %rem3A_483, %ne3A_485 : vector<4x1xi32>
      %and3A_487 = arith.andi %ne3A_481, %ne3A_486 : vector<4x1xi1>
      %sub3A_488 = arith.constant 1 : i32
      %sub3A_489 = vector.broadcast %sub3A_488 : i32 to vector<4x1xi32>
      %sub3A_490 = arith.subi %div3A_463, %sub3A_489 : vector<4x1xi32>
      %select_n3A_491 = arith.select %and3A_487, %sub3A_490, %div3A_463 : vector<4x1xi1>, vector<4x1xi32>
      %add3A_492 = arith.addi %scan3A_458, %select_n3A_491 : vector<4x1xi32>
      %ge3A_493 = vector.broadcast %add3A_492 : vector<4x1xi32> to vector<4x8192xi32>
      %ge3A_494 = arith.cmpi sge, %shift_right_logical3A_234, %ge3A_493 : vector<4x8192xi32>
      %convert_element_type3A_495 = arith.extui %ge3A_494 : vector<4x8192xi1> to vector<4x8192xi32>
      %reduce_sum3A = arith.constant dense<0> : vector<4xi32>
      %reduce_sum3A_496 = vector.multi_reduction <add>, %convert_element_type3A_495, %reduce_sum3A [1] : vector<4x8192xi32> to vector<4xi32>
      %broadcast_in_dim3A_497 = vector.shape_cast %reduce_sum3A_496 : vector<4xi32> to vector<4x1xi32>
      %ge3A_498 = arith.constant 1638 : i32
      %ge3A_499 = vector.broadcast %ge3A_498 : i32 to vector<4x1xi32>
      %ge3A_500 = arith.cmpi sge, %broadcast_in_dim3A_497, %ge3A_499 : vector<4x1xi32>
      %select_n3A_501 = arith.select %ge3A_500, %add3A_492, %scan3A_458 : vector<4x1xi1>, vector<4x1xi32>
      %select_n3A_502 = arith.select %ge3A_500, %scan3A_459, %add3A_492 : vector<4x1xi1>, vector<4x1xi32>
      scf.yield %select_n3A_501, %select_n3A_502 : vector<4x1xi32>, vector<4x1xi32>
    }
    %ge3A = vector.broadcast %scan3A_242#0 : vector<4x1xi32> to vector<4x8192xi32>
    %ge3A_243 = arith.cmpi sge, %shift_right_logical3A_234, %ge3A : vector<4x8192xi32>
    %swap3A = arith.constant 0 : index
    %swap3A_244 = arith.constant 0 : index
    %swap3A_245 = vector.load %arg0[%swap3A, %swap3A_244] : memref<4x8192xi32, #tpu.memory_space<vmem>>, vector<4x8192xi32>
    %swap3A_246 = arith.extui %ge3A_243 : vector<4x8192xi1> to vector<4x8192xi32>
    %swap3A_247 = arith.constant dense<0> : vector<4x8192xi32>
    %swap3A_248 = arith.cmpi ne, %swap3A_245, %swap3A_247 : vector<4x8192xi32>
    tpu.vector_store %arg0[%swap3A, %swap3A_244], %swap3A_246 {strides = array<i32>} : memref<4x8192xi32, #tpu.memory_space<vmem>>, vector<4x8192xi32>,
    %convert_element_type3A = arith.extui %ge3A_243 : vector<4x8192xi1> to vector<4x8192xi32>
    %broadcast_in_dim3A_249 = arith.constant 0 : i32
    %broadcast_in_dim3A_250 = vector.broadcast %broadcast_in_dim3A_249 : i32 to vector<4x1xi32>
    %slice3A = vector.extract_strided_slice %convert_element_type3A {offsets = [0, 0], sizes = [4, 8191], strides = [1, 1]} : vector<4x8192xi32> to vector<4x8191xi32>
    %concatenate3A = tpu.concatenate %broadcast_in_dim3A_250, %slice3A in 1 : vector<4x1xi32>, vector<4x8191xi32> -> vector<4x8192xi32>
    %add3A_251 = arith.addi %convert_element_type3A, %concatenate3A : vector<4x8192xi32>
    %broadcast_in_dim3A_252 = arith.constant 0 : i32
    %broadcast_in_dim3A_253 = vector.broadcast %broadcast_in_dim3A_252 : i32 to vector<4x2xi32>
    %slice3A_254 = vector.extract_strided_slice %add3A_251 {offsets = [0, 0], sizes = [4, 8190], strides = [1, 1]} : vector<4x8192xi32> to vector<4x8190xi32>
    %concatenate3A_255 = tpu.concatenate %broadcast_in_dim3A_253, %slice3A_254 in 1 : vector<4x2xi32>, vector<4x8190xi32> -> vector<4x8192xi32>
    %add3A_256 = arith.addi %add3A_251, %concatenate3A_255 : vector<4x8192xi32>
    %broadcast_in_dim3A_257 = arith.constant 0 : i32
    %broadcast_in_dim3A_258 = vector.broadcast %broadcast_in_dim3A_257 : i32 to vector<4x4xi32>
    %slice3A_259 = vector.extract_strided_slice %add3A_256 {offsets = [0, 0], sizes = [4, 8188], strides = [1, 1]} : vector<4x8192xi32> to vector<4x8188xi32>
    %concatenate3A_260 = tpu.concatenate %broadcast_in_dim3A_258, %slice3A_259 in 1 : vector<4x4xi32>, vector<4x8188xi32> -> vector<4x8192xi32>
    %add3A_261 = arith.addi %add3A_256, %concatenate3A_260 : vector<4x8192xi32>
    %broadcast_in_dim3A_262 = arith.constant 0 : i32
    %broadcast_in_dim3A_263 = vector.broadcast %broadcast_in_dim3A_262 : i32 to vector<4x8xi32>
    %slice3A_264 = vector.extract_strided_slice %add3A_261 {offsets = [0, 0], sizes = [4, 8184], strides = [1, 1]} : vector<4x8192xi32> to vector<4x8184xi32>
    %concatenate3A_265 = tpu.concatenate %broadcast_in_dim3A_263, %slice3A_264 in 1 : vector<4x8xi32>, vector<4x8184xi32> -> vector<4x8192xi32>
    %add3A_266 = arith.addi %add3A_261, %concatenate3A_265 : vector<4x8192xi32>
    %broadcast_in_dim3A_267 = arith.constant 0 : i32
    %broadcast_in_dim3A_268 = vector.broadcast %broadcast_in_dim3A_267 : i32 to vector<4x16xi32>
    %slice3A_269 = vector.extract_strided_slice %add3A_266 {offsets = [0, 0], sizes = [4, 8176], strides = [1, 1]} : vector<4x8192xi32> to vector<4x8176xi32>
    %concatenate3A_270 = tpu.concatenate %broadcast_in_dim3A_268, %slice3A_269 in 1 : vector<4x16xi32>, vector<4x8176xi32> -> vector<4x8192xi32>
    %add3A_271 = arith.addi %add3A_266, %concatenate3A_270 : vector<4x8192xi32>
    %broadcast_in_dim3A_272 = arith.constant 0 : i32
    %broadcast_in_dim3A_273 = vector.broadcast %broadcast_in_dim3A_272 : i32 to vector<4x32xi32>
    %slice3A_274 = vector.extract_strided_slice %add3A_271 {offsets = [0, 0], sizes = [4, 8160], strides = [1, 1]} : vector<4x8192xi32> to vector<4x8160xi32>
    %concatenate3A_275 = tpu.concatenate %broadcast_in_dim3A_273, %slice3A_274 in 1 : vector<4x32xi32>, vector<4x8160xi32> -> vector<4x8192xi32>
    %add3A_276 = arith.addi %add3A_271, %concatenate3A_275 : vector<4x8192xi32>
    %broadcast_in_dim3A_277 = arith.constant 0 : i32
    %broadcast_in_dim3A_278 = vector.broadcast %broadcast_in_dim3A_277 : i32 to vector<4x64xi32>
    %slice3A_279 = vector.extract_strided_slice %add3A_276 {offsets = [0, 0], sizes = [4, 8128], strides = [1, 1]} : vector<4x8192xi32> to vector<4x8128xi32>
    %concatenate3A_280 = tpu.concatenate %broadcast_in_dim3A_278, %slice3A_279 in 1 : vector<4x64xi32>, vector<4x8128xi32> -> vector<4x8192xi32>
    %add3A_281 = arith.addi %add3A_276, %concatenate3A_280 : vector<4x8192xi32>
    %broadcast_in_dim3A_282 = arith.constant 0 : i32
    %broadcast_in_dim3A_283 = vector.broadcast %broadcast_in_dim3A_282 : i32 to vector<4x128xi32>
    %slice3A_284 = vector.extract_strided_slice %add3A_281 {offsets = [0, 0], sizes = [4, 8064], strides = [1, 1]} : vector<4x8192xi32> to vector<4x8064xi32>
    %concatenate3A_285 = tpu.concatenate %broadcast_in_dim3A_283, %slice3A_284 in 1 : vector<4x128xi32>, vector<4x8064xi32> -> vector<4x8192xi32>
    %add3A_286 = arith.addi %add3A_281, %concatenate3A_285 : vector<4x8192xi32>
    %broadcast_in_dim3A_287 = arith.constant 0 : i32
    %broadcast_in_dim3A_288 = vector.broadcast %broadcast_in_dim3A_287 : i32 to vector<4x256xi32>
    %slice3A_289 = vector.extract_strided_slice %add3A_286 {offsets = [0, 0], sizes = [4, 7936], strides = [1, 1]} : vector<4x8192xi32> to vector<4x7936xi32>
    %concatenate3A_290 = tpu.concatenate %broadcast_in_dim3A_288, %slice3A_289 in 1 : vector<4x256xi32>, vector<4x7936xi32> -> vector<4x8192xi32>
    %add3A_291 = arith.addi %add3A_286, %concatenate3A_290 : vector<4x8192xi32>
    %broadcast_in_dim3A_292 = arith.constant 0 : i32
    %broadcast_in_dim3A_293 = vector.broadcast %broadcast_in_dim3A_292 : i32 to vector<4x512xi32>
    %slice3A_294 = vector.extract_strided_slice %add3A_291 {offsets = [0, 0], sizes = [4, 7680], strides = [1, 1]} : vector<4x8192xi32> to vector<4x7680xi32>
    %concatenate3A_295 = tpu.concatenate %broadcast_in_dim3A_293, %slice3A_294 in 1 : vector<4x512xi32>, vector<4x7680xi32> -> vector<4x8192xi32>
    %add3A_296 = arith.addi %add3A_291, %concatenate3A_295 : vector<4x8192xi32>
    %broadcast_in_dim3A_297 = arith.constant 0 : i32
    %broadcast_in_dim3A_298 = vector.broadcast %broadcast_in_dim3A_297 : i32 to vector<4x1024xi32>
    %slice3A_299 = vector.extract_strided_slice %add3A_296 {offsets = [0, 0], sizes = [4, 7168], strides = [1, 1]} : vector<4x8192xi32> to vector<4x7168xi32>
    %concatenate3A_300 = tpu.concatenate %broadcast_in_dim3A_298, %slice3A_299 in 1 : vector<4x1024xi32>, vector<4x7168xi32> -> vector<4x8192xi32>
    %add3A_301 = arith.addi %add3A_296, %concatenate3A_300 : vector<4x8192xi32>
    %broadcast_in_dim3A_302 = arith.constant 0 : i32
    %broadcast_in_dim3A_303 = vector.broadcast %broadcast_in_dim3A_302 : i32 to vector<4x2048xi32>
    %slice3A_304 = vector.extract_strided_slice %add3A_301 {offsets = [0, 0], sizes = [4, 6144], strides = [1, 1]} : vector<4x8192xi32> to vector<4x6144xi32>
    %concatenate3A_305 = tpu.concatenate %broadcast_in_dim3A_303, %slice3A_304 in 1 : vector<4x2048xi32>, vector<4x6144xi32> -> vector<4x8192xi32>
    %add3A_306 = arith.addi %add3A_301, %concatenate3A_305 : vector<4x8192xi32>
    %broadcast_in_dim3A_307 = arith.constant 0 : i32
    %broadcast_in_dim3A_308 = vector.broadcast %broadcast_in_dim3A_307 : i32 to vector<4x4096xi32>
    %slice3A_309 = vector.extract_strided_slice %add3A_306 {offsets = [0, 0], sizes = [4, 4096], strides = [1, 1]} : vector<4x8192xi32> to vector<4x4096xi32>
    %concatenate3A_310 = tpu.concatenate %broadcast_in_dim3A_308, %slice3A_309 in 1 : vector<4x4096xi32>, vector<4x4096xi32> -> vector<4x8192xi32>
    %add3A_311 = arith.addi %add3A_306, %concatenate3A_310 : vector<4x8192xi32>
    %jit3A = arith.constant 128 : i32
    %div3A = vector.broadcast %jit3A : i32 to vector<4x8192xi32>
    %div3A_312 = arith.divsi %add3A_311, %div3A : vector<4x8192xi32>
    %sign3A = arith.constant 0 : i32
    %sign3A_313 = vector.broadcast %sign3A : i32 to vector<4x8192xi32>
    %sign3A_314 = arith.cmpi sgt, %add3A_311, %sign3A_313 : vector<4x8192xi32>
    %sign3A_315 = arith.extui %sign3A_314 : vector<4x8192xi1> to vector<4x8192xi32>
    %sign3A_316 = arith.constant 0 : i32
    %sign3A_317 = vector.broadcast %sign3A_316 : i32 to vector<4x8192xi32>
    %sign3A_318 = arith.cmpi slt, %add3A_311, %sign3A_317 : vector<4x8192xi32>
    %sign3A_319 = arith.extui %sign3A_318 : vector<4x8192xi1> to vector<4x8192xi32>
    %sign3A_320 = arith.subi %sign3A_315, %sign3A_319 : vector<4x8192xi32>
    %sign3A_321 = arith.constant 0 : i32
    %sign3A_322 = arith.cmpi sgt, %jit3A, %sign3A_321 : i32
    %sign3A_323 = arith.extui %sign3A_322 : i1 to i32
    %sign3A_324 = arith.constant 0 : i32
    %sign3A_325 = arith.cmpi slt, %jit3A, %sign3A_324 : i32
    %sign3A_326 = arith.extui %sign3A_325 : i1 to i32
    %sign3A_327 = arith.subi %sign3A_323, %sign3A_326 : i32
    %ne3A = vector.broadcast %sign3A_327 : i32 to vector<4x8192xi32>
    %ne3A_328 = arith.cmpi ne, %sign3A_320, %ne3A : vector<4x8192xi32>
    %rem3A = vector.broadcast %jit3A : i32 to vector<4x8192xi32>
    %rem3A_329 = arith.remsi %add3A_311, %rem3A : vector<4x8192xi32>
    %ne3A_330 = arith.constant 0 : i32
    %ne3A_331 = vector.broadcast %ne3A_330 : i32 to vector<4x8192xi32>
    %ne3A_332 = arith.cmpi ne, %rem3A_329, %ne3A_331 : vector<4x8192xi32>
    %and3A = arith.andi %ne3A_328, %ne3A_332 : vector<4x8192xi1>
    %sub3A = arith.constant 1 : i32
    %sub3A_333 = vector.broadcast %sub3A : i32 to vector<4x8192xi32>
    %sub3A_334 = arith.subi %div3A_312, %sub3A_333 : vector<4x8192xi32>
    %select_n3A = arith.select %and3A, %sub3A_334, %div3A_312 : vector<4x8192xi1>, vector<4x8192xi32>
    %mul3A_335 = arith.constant 128 : i32
    %mul3A_336 = vector.broadcast %mul3A_335 : i32 to vector<4x8192xi32>
    %mul3A_337 = arith.muli %select_n3A, %mul3A_336 : vector<4x8192xi32>
    %sub3A_338 = arith.subi %add3A_311, %mul3A_337 : vector<4x8192xi32>
    %iota3A_339 = tpu.iota {dimensions = array<i32: 0>} : vector<16x8192xi32>
    %iota3A_340 = tpu.iota {dimensions = array<i32: 0>} : vector<128x8192xi32>
    %slice3A_341 = vector.extract_strided_slice %select_n3A {offsets = [0, 0], sizes = [1, 8192], strides = [1, 1]} : vector<4x8192xi32> to vector<1x8192xi32>
    %eq3A = vector.broadcast %slice3A_341 : vector<1x8192xi32> to vector<16x8192xi32>
    %eq3A_342 = arith.cmpi eq, %eq3A, %iota3A_339 : vector<16x8192xi32>
    %convert_element_type3A_343 = arith.extui %eq3A_342 : vector<16x8192xi1> to vector<16x8192xi32>
    %convert_element_type3A_344 = arith.sitofp %convert_element_type3A_343 : vector<16x8192xi32> to vector<16x8192xf32>
    %slice3A_345 = vector.extract_strided_slice %sub3A_338 {offsets = [0, 0], sizes = [1, 8192], strides = [1, 1]} : vector<4x8192xi32> to vector<1x8192xi32>
    %eq3A_346 = vector.broadcast %slice3A_345 : vector<1x8192xi32> to vector<128x8192xi32>
    %eq3A_347 = arith.cmpi eq, %eq3A_346, %iota3A_340 : vector<128x8192xi32>
    %convert_element_type3A_348 = arith.extui %eq3A_347 : vector<128x8192xi1> to vector<128x8192xi32>
    %convert_element_type3A_349 = arith.sitofp %convert_element_type3A_348 : vector<128x8192xi32> to vector<128x8192xf32>
    %dot_general3A = arith.constant dense<0.000000e+00> : vector<16x128xf32>
    %dot_general3A_350 = tpu.matmul %convert_element_type3A_344, %convert_element_type3A_349, %dot_general3A {dimension_numbers = #tpu.dot_dimension_numbers<[1], [1], [0], [0], [0, 0, 1, 0], [], []>, transpose_lhs_hint = false} : vector<16x8192xf32>, vector<128x8192xf32>, vector<16x128xf32> -> vector<16x128xf32>
    %reshape3A = vector.shape_cast %dot_general3A_350 : vector<16x128xf32> to vector<1x2048xf32>
    %slice3A_351 = vector.extract_strided_slice %select_n3A {offsets = [1, 0], sizes = [1, 8192], strides = [1, 1]} : vector<4x8192xi32> to vector<1x8192xi32>
    %eq3A_352 = vector.broadcast %slice3A_351 : vector<1x8192xi32> to vector<16x8192xi32>
    %eq3A_353 = arith.cmpi eq, %eq3A_352, %iota3A_339 : vector<16x8192xi32>
    %convert_element_type3A_354 = arith.extui %eq3A_353 : vector<16x8192xi1> to vector<16x8192xi32>
    %convert_element_type3A_355 = arith.sitofp %convert_element_type3A_354 : vector<16x8192xi32> to vector<16x8192xf32>
    %slice3A_356 = vector.extract_strided_slice %sub3A_338 {offsets = [1, 0], sizes = [1, 8192], strides = [1, 1]} : vector<4x8192xi32> to vector<1x8192xi32>
    %eq3A_357 = vector.broadcast %slice3A_356 : vector<1x8192xi32> to vector<128x8192xi32>
    %eq3A_358 = arith.cmpi eq, %eq3A_357, %iota3A_340 : vector<128x8192xi32>
    %convert_element_type3A_359 = arith.extui %eq3A_358 : vector<128x8192xi1> to vector<128x8192xi32>
    %convert_element_type3A_360 = arith.sitofp %convert_element_type3A_359 : vector<128x8192xi32> to vector<128x8192xf32>
    %dot_general3A_361 = arith.constant dense<0.000000e+00> : vector<16x128xf32>
    %dot_general3A_362 = tpu.matmul %convert_element_type3A_355, %convert_element_type3A_360, %dot_general3A_361 {dimension_numbers = #tpu.dot_dimension_numbers<[1], [1], [0], [0], [0, 0, 1, 0], [], []>, transpose_lhs_hint = false} : vector<16x8192xf32>, vector<128x8192xf32>, vector<16x128xf32> -> vector<16x128xf32>
    %reshape3A_363 = vector.shape_cast %dot_general3A_362 : vector<16x128xf32> to vector<1x2048xf32>
    %slice3A_364 = vector.extract_strided_slice %select_n3A {offsets = [2, 0], sizes = [1, 8192], strides = [1, 1]} : vector<4x8192xi32> to vector<1x8192xi32>
    %eq3A_365 = vector.broadcast %slice3A_364 : vector<1x8192xi32> to vector<16x8192xi32>
    %eq3A_366 = arith.cmpi eq, %eq3A_365, %iota3A_339 : vector<16x8192xi32>
    %convert_element_type3A_367 = arith.extui %eq3A_366 : vector<16x8192xi1> to vector<16x8192xi32>
    %convert_element_type3A_368 = arith.sitofp %convert_element_type3A_367 : vector<16x8192xi32> to vector<16x8192xf32>
    %slice3A_369 = vector.extract_strided_slice %sub3A_338 {offsets = [2, 0], sizes = [1, 8192], strides = [1, 1]} : vector<4x8192xi32> to vector<1x8192xi32>
    %eq3A_370 = vector.broadcast %slice3A_369 : vector<1x8192xi32> to vector<128x8192xi32>
    %eq3A_371 = arith.cmpi eq, %eq3A_370, %iota3A_340 : vector<128x8192xi32>
    %convert_element_type3A_372 = arith.extui %eq3A_371 : vector<128x8192xi1> to vector<128x8192xi32>
    %convert_element_type3A_373 = arith.sitofp %convert_element_type3A_372 : vector<128x8192xi32> to vector<128x8192xf32>
    %dot_general3A_374 = arith.constant dense<0.000000e+00> : vector<16x128xf32>
    %dot_general3A_375 = tpu.matmul %convert_element_type3A_368, %convert_element_type3A_373, %dot_general3A_374 {dimension_numbers = #tpu.dot_dimension_numbers<[1], [1], [0], [0], [0, 0, 1, 0], [], []>, transpose_lhs_hint = false} : vector<16x8192xf32>, vector<128x8192xf32>, vector<16x128xf32> -> vector<16x128xf32>
    %reshape3A_376 = vector.shape_cast %dot_general3A_375 : vector<16x128xf32> to vector<1x2048xf32>
    %slice3A_377 = vector.extract_strided_slice %select_n3A {offsets = [3, 0], sizes = [1, 8192], strides = [1, 1]} : vector<4x8192xi32> to vector<1x8192xi32>
    %eq3A_378 = vector.broadcast %slice3A_377 : vector<1x8192xi32> to vector<16x8192xi32>
    %eq3A_379 = arith.cmpi eq, %eq3A_378, %iota3A_339 : vector<16x8192xi32>
    %convert_element_type3A_380 = arith.extui %eq3A_379 : vector<16x8192xi1> to vector<16x8192xi32>
    %convert_element_type3A_381 = arith.sitofp %convert_element_type3A_380 : vector<16x8192xi32> to vector<16x8192xf32>
    %slice3A_382 = vector.extract_strided_slice %sub3A_338 {offsets = [3, 0], sizes = [1, 8192], strides = [1, 1]} : vector<4x8192xi32> to vector<1x8192xi32>
    %eq3A_383 = vector.broadcast %slice3A_382 : vector<1x8192xi32> to vector<128x8192xi32>
    %eq3A_384 = arith.cmpi eq, %eq3A_383, %iota3A_340 : vector<128x8192xi32>
    %convert_element_type3A_385 = arith.extui %eq3A_384 : vector<128x8192xi1> to vector<128x8192xi32>
    %convert_element_type3A_386 = arith.sitofp %convert_element_type3A_385 : vector<128x8192xi32> to vector<128x8192xf32>
    %dot_general3A_387 = arith.constant dense<0.000000e+00> : vector<16x128xf32>
    %dot_general3A_388 = tpu.matmul %convert_element_type3A_381, %convert_element_type3A_386, %dot_general3A_387 {dimension_numbers = #tpu.dot_dimension_numbers<[1], [1], [0], [0], [0, 0, 1, 0], [], []>, transpose_lhs_hint = false} : vector<16x8192xf32>, vector<128x8192xf32>, vector<16x128xf32> -> vector<16x128xf32>
    %reshape3A_389 = vector.shape_cast %dot_general3A_388 : vector<16x128xf32> to vector<1x2048xf32>
    %concatenate3A_390 = tpu.concatenate %reshape3A, %reshape3A_363, %reshape3A_376, %reshape3A_389 in 0 : vector<1x2048xf32>, vector<1x2048xf32>, vector<1x2048xf32>, vector<1x2048xf32> -> vector<4x2048xf32>
    %broadcast_in_dim3A_391 = arith.constant 0.000000e+00 : f32
    %broadcast_in_dim3A_392 = vector.broadcast %broadcast_in_dim3A_391 : f32 to vector<4x1xf32>
    %slice3A_393 = vector.extract_strided_slice %concatenate3A_390 {offsets = [0, 0], sizes = [4, 2047], strides = [1, 1]} : vector<4x2048xf32> to vector<4x2047xf32>
    %concatenate3A_394 = tpu.concatenate %broadcast_in_dim3A_392, %slice3A_393 in 1 : vector<4x1xf32>, vector<4x2047xf32> -> vector<4x2048xf32>
    %add3A_395 = arith.addf %concatenate3A_390, %concatenate3A_394 : vector<4x2048xf32>
    %broadcast_in_dim3A_396 = arith.constant 0.000000e+00 : f32
    %broadcast_in_dim3A_397 = vector.broadcast %broadcast_in_dim3A_396 : f32 to vector<4x2xf32>
    %slice3A_398 = vector.extract_strided_slice %add3A_395 {offsets = [0, 0], sizes = [4, 2046], strides = [1, 1]} : vector<4x2048xf32> to vector<4x2046xf32>
    %concatenate3A_399 = tpu.concatenate %broadcast_in_dim3A_397, %slice3A_398 in 1 : vector<4x2xf32>, vector<4x2046xf32> -> vector<4x2048xf32>
    %add3A_400 = arith.addf %add3A_395, %concatenate3A_399 : vector<4x2048xf32>
    %broadcast_in_dim3A_401 = arith.constant 0.000000e+00 : f32
    %broadcast_in_dim3A_402 = vector.broadcast %broadcast_in_dim3A_401 : f32 to vector<4x4xf32>
    %slice3A_403 = vector.extract_strided_slice %add3A_400 {offsets = [0, 0], sizes = [4, 2044], strides = [1, 1]} : vector<4x2048xf32> to vector<4x2044xf32>
    %concatenate3A_404 = tpu.concatenate %broadcast_in_dim3A_402, %slice3A_403 in 1 : vector<4x4xf32>, vector<4x2044xf32> -> vector<4x2048xf32>
    %add3A_405 = arith.addf %add3A_400, %concatenate3A_404 : vector<4x2048xf32>
    %broadcast_in_dim3A_406 = arith.constant 0.000000e+00 : f32
    %broadcast_in_dim3A_407 = vector.broadcast %broadcast_in_dim3A_406 : f32 to vector<4x8xf32>
    %slice3A_408 = vector.extract_strided_slice %add3A_405 {offsets = [0, 0], sizes = [4, 2040], strides = [1, 1]} : vector<4x2048xf32> to vector<4x2040xf32>
    %concatenate3A_409 = tpu.concatenate %broadcast_in_dim3A_407, %slice3A_408 in 1 : vector<4x8xf32>, vector<4x2040xf32> -> vector<4x2048xf32>
    %add3A_410 = arith.addf %add3A_405, %concatenate3A_409 : vector<4x2048xf32>
    %broadcast_in_dim3A_411 = arith.constant 0.000000e+00 : f32
    %broadcast_in_dim3A_412 = vector.broadcast %broadcast_in_dim3A_411 : f32 to vector<4x16xf32>
    %slice3A_413 = vector.extract_strided_slice %add3A_410 {offsets = [0, 0], sizes = [4, 2032], strides = [1, 1]} : vector<4x2048xf32> to vector<4x2032xf32>
    %concatenate3A_414 = tpu.concatenate %broadcast_in_dim3A_412, %slice3A_413 in 1 : vector<4x16xf32>, vector<4x2032xf32> -> vector<4x2048xf32>
    %add3A_415 = arith.addf %add3A_410, %concatenate3A_414 : vector<4x2048xf32>
    %broadcast_in_dim3A_416 = arith.constant 0.000000e+00 : f32
    %broadcast_in_dim3A_417 = vector.broadcast %broadcast_in_dim3A_416 : f32 to vector<4x32xf32>
    %slice3A_418 = vector.extract_strided_slice %add3A_415 {offsets = [0, 0], sizes = [4, 2016], strides = [1, 1]} : vector<4x2048xf32> to vector<4x2016xf32>
    %concatenate3A_419 = tpu.concatenate %broadcast_in_dim3A_417, %slice3A_418 in 1 : vector<4x32xf32>, vector<4x2016xf32> -> vector<4x2048xf32>
    %add3A_420 = arith.addf %add3A_415, %concatenate3A_419 : vector<4x2048xf32>
    %broadcast_in_dim3A_421 = arith.constant 0.000000e+00 : f32
    %broadcast_in_dim3A_422 = vector.broadcast %broadcast_in_dim3A_421 : f32 to vector<4x64xf32>
    %slice3A_423 = vector.extract_strided_slice %add3A_420 {offsets = [0, 0], sizes = [4, 1984], strides = [1, 1]} : vector<4x2048xf32> to vector<4x1984xf32>
    %concatenate3A_424 = tpu.concatenate %broadcast_in_dim3A_422, %slice3A_423 in 1 : vector<4x64xf32>, vector<4x1984xf32> -> vector<4x2048xf32>
    %add3A_425 = arith.addf %add3A_420, %concatenate3A_424 : vector<4x2048xf32>
    %broadcast_in_dim3A_426 = arith.constant 0.000000e+00 : f32
    %broadcast_in_dim3A_427 = vector.broadcast %broadcast_in_dim3A_426 : f32 to vector<4x128xf32>
    %slice3A_428 = vector.extract_strided_slice %add3A_425 {offsets = [0, 0], sizes = [4, 1920], strides = [1, 1]} : vector<4x2048xf32> to vector<4x1920xf32>
    %concatenate3A_429 = tpu.concatenate %broadcast_in_dim3A_427, %slice3A_428 in 1 : vector<4x128xf32>, vector<4x1920xf32> -> vector<4x2048xf32>
    %add3A_430 = arith.addf %add3A_425, %concatenate3A_429 : vector<4x2048xf32>
    %broadcast_in_dim3A_431 = arith.constant 0.000000e+00 : f32
    %broadcast_in_dim3A_432 = vector.broadcast %broadcast_in_dim3A_431 : f32 to vector<4x256xf32>
    %slice3A_433 = vector.extract_strided_slice %add3A_430 {offsets = [0, 0], sizes = [4, 1792], strides = [1, 1]} : vector<4x2048xf32> to vector<4x1792xf32>
    %concatenate3A_434 = tpu.concatenate %broadcast_in_dim3A_432, %slice3A_433 in 1 : vector<4x256xf32>, vector<4x1792xf32> -> vector<4x2048xf32>
    %add3A_435 = arith.addf %add3A_430, %concatenate3A_434 : vector<4x2048xf32>
    %broadcast_in_dim3A_436 = arith.constant 0.000000e+00 : f32
    %broadcast_in_dim3A_437 = vector.broadcast %broadcast_in_dim3A_436 : f32 to vector<4x512xf32>
    %slice3A_438 = vector.extract_strided_slice %add3A_435 {offsets = [0, 0], sizes = [4, 1536], strides = [1, 1]} : vector<4x2048xf32> to vector<4x1536xf32>
    %concatenate3A_439 = tpu.concatenate %broadcast_in_dim3A_437, %slice3A_438 in 1 : vector<4x512xf32>, vector<4x1536xf32> -> vector<4x2048xf32>
    %add3A_440 = arith.addf %add3A_435, %concatenate3A_439 : vector<4x2048xf32>
    %broadcast_in_dim3A_441 = arith.constant 0.000000e+00 : f32
    %broadcast_in_dim3A_442 = vector.broadcast %broadcast_in_dim3A_441 : f32 to vector<4x1024xf32>
    %slice3A_443 = vector.extract_strided_slice %add3A_440 {offsets = [0, 0], sizes = [4, 1024], strides = [1, 1]} : vector<4x2048xf32> to vector<4x1024xf32>
    %concatenate3A_444 = tpu.concatenate %broadcast_in_dim3A_442, %slice3A_443 in 1 : vector<4x1024xf32>, vector<4x1024xf32> -> vector<4x2048xf32>
    %add3A_445 = arith.addf %add3A_440, %concatenate3A_444 : vector<4x2048xf32>
    %convert_element_type3A_446 = arith.fptosi %add3A_445 : vector<4x2048xf32> to vector<4x2048xi32>
    %min3A = arith.constant 8191 : i32
    %min3A_447 = vector.broadcast %min3A : i32 to vector<4x2048xi32>
    %min3A_448 = arith.minsi %convert_element_type3A_446, %min3A_447 : vector<4x2048xi32>
    %iota3A_449 = tpu.iota {dimensions = array<i32: 0>} : vector<4x2048xi32>
    %mul3A_450 = arith.constant 8192 : i32
    %mul3A_451 = vector.broadcast %mul3A_450 : i32 to vector<4x2048xi32>
    %mul3A_452 = arith.muli %mul3A_451, %iota3A_449 : vector<4x2048xi32>
    %add3A_453 = arith.addi %min3A_448, %mul3A_452 : vector<4x2048xi32>
    %swap3A_454 = arith.constant 0 : index
    %swap3A_455 = arith.constant 0 : index
    %swap3A_456 = vector.load %arg1[%swap3A_454, %swap3A_455] : memref<4x2048xi32, #tpu.memory_space<vmem>>, vector<4x2048xi32>
    tpu.vector_store %arg1[%swap3A_454, %swap3A_455], %add3A_453 {strides = array<i32>} : memref<4x2048xi32, #tpu.memory_space<vmem>>, vector<4x2048xi32>,
    return
  }
}

</mosaic_0001>

<sc_bundles>
// kernel: kernel.4.cloned.1.call-start
scs
__scs_entry_jumppad:
0x0: {  	(pc) =	sbr.rel $0x88, $3  }
0x1: {  	(tag) =	ssettag $0x0;
	lr =	simm.s32 $0x1  }
0x2: {  	[smem:$0x3FA0] =	sst lr;
	_ =	strace $0xD0000000  }
0x3: {  	_ = 	snop  }
0x4: {  	_ = 	snop  }
0x5: {  	_ = 	snop  }
0x6: {  	_ = 	snop  }
0x7: {  	_ = 	snop  }
__scs_overlays_trampoline_lowered:
0x8: {  	[smem:$0x3FAF] =	sst s0  }
0x9: {  	[smem:$0x3FB0] =	sst s1  }
0xa: {  	[smem:$0x3FB1] =	sst s2  }
0xb: {  	[smem:$0x3FB2] =	sst s3  }
0xc: {  	[smem:$0x3FB3] =	sst s4  }
0xd: {  	[smem:$0x3FB4] =	sst s5  }
0xe: {  	[smem:$0x3FB5] =	sst s6  }
0xf: {  	[smem:$0x3FB6] =	sst s7  }
0x10: {  	[smem:$0x3FB7] =	sst s8  }
0x11: {  	[smem:$0x3FB8] =	sst s9;
	s0 =	simm.s32 @!p0 $0x0  }
0x12: {  	s1 =	sld [smem:$0x3F9E];
	s0 =	simm.s32 @p0 $0x1  }
0x13: {  	[smem:$0x3FB9] =	sst s0;
	s0 =	simm.s32 @!p1 $0x0  }
0x14: {  	s2 =	sld [smem:$0x3F9D];
	s0 =	simm.s32 @p1 $0x1  }
0x15: {  	[smem:$0x3FBA] =	sst s0;
	s0 =	simm.s32 @!p2 $0x0  }
0x16: {  	s3 =	sld [smem:$0x3FDB];
	s0 =	simm.s32 @p2 $0x1  }
0x17: {  	s4 =	simm.s32 $0x1BF5;
	[smem:$0x3FBC] =	sst s0  }
0x18: {  	s0 =	sld [smem:$0x3F9F];
	_ =	swait.ge [sflag:s4], $0x0  }
0x19: {  	s7 =	sld [smem:$0x3FA0]  }
0x1a: {  	s8 =	sadd.s32 $0xFFFFE003, lr  }
0x1b: {  	s9 =	sadd.s32 $0xFFFFFEF7, lr;
	s5 =	simm.s32 $0xFFFFFFFF;
	p2 =	slt.u32 s8, $0xFFFFF086  }
0x1c: {  	p1 =	slt.u32 s9, $0xF7A;
	s5 =	simm.s32 @!p2 $0x0  }
0x1d: {  	s5 =	simm.s32 @p1 $0x1;
	p0 =	seq.s32 s7, s2  }
0x1e: {  	s7 =	smul.u32 @!p0 $0xF7A, s2;
	p2 =	seq.s32 @!p0 s5, $0x0  }
0x1f: {  	s9 =	smul.u32 $0xF7A, s1;
	s8 =	simm.s32 @!p0 $0x1BF5;
	p2 =	por !p2, p0  }
0x20: {  	[sflag:s8] =	ssyncset.s32 @!p0 $0xFFFFF086;
	s6 =	sadd.s32 @!p0 s3, s7;
	s7 =	simm.s32 @!p0 $0x108  }
0x21: {  	s3 =	sadd.s32 s3, s9;
	s6 =	sadd.s32 @!p0 $0x88, s6;
	s7 =	simm.s32 @p2 $0x1082  }
0x22: {  	[simem:s7], [sflag:s8] =	dma.local @!p0 [hbm:s6], $0xF7A  }
0x23: {  	s9 =	sor.u32 $0xD0000000, s2;
	s6 =	simm.s32 $0x108;
	_ =	swait.ge @!p0 [sflag:s8], $0x0  }
0x24: {  	s3 =	sadd.s32 $0x88, s3;
	s6 =	simm.s32 @!p1 $0x1082;
	[sflag:s4] =	ssyncset.s32 $0xFFFFF086  }
0x25: {  	[simem:s6], [sflag:s4] =	dma.local [hbm:s3], $0xF7A  }
0x26: {  	[smem:$0x3FA0] =	sst s1;
	(tag) =	ssettag s2;
	_ =	strace s9  }
0x27: {  	s1 =	sld [smem:$0x3FB0]  }
0x28: {  	s2 =	sld [smem:$0x3FB1]  }
0x29: {  	s4 =	sld [smem:$0x3FB3]  }
0x2a: {  	p0 =	seq.s32 s5, $0x0;
	s5 =	sld [smem:$0x3FB4]  }
0x2b: {  	s6 =	sld [smem:$0x3FB5]  }
0x2c: {  	s7 =	sld [smem:$0x3FB6]  }
0x2d: {  	s3 =	simm.s32 $0x108;
	s8 =	sld [smem:$0x3FB7]  }
0x2e: {  	s3 =	simm.s32 @!p0 $0x1082;
	s9 =	sld [smem:$0x3FB8]  }
0x2f: {  	lr =	sadd.s32 s0, s3;
	s0 =	sld [smem:$0x3FAF]  }
0x30: {  	s3 =	sld [smem:$0x3FB2]  }
0x31: {  	[smem:$0x3FBB] =	sst s10  }
0x32: {  	s10 =	sld [smem:$0x3FB9];
	_ =	sdelay $0x3  }
0x33: {  	p0 =	seq.s32 s10, $0x1;
	s10 =	sld [smem:$0x3FBB];
	_ =	sdelay $0x3  }
0x34: {  	[smem:$0x3FBB] =	sst s10  }
0x35: {  	s10 =	sld [smem:$0x3FBA];
	_ =	sdelay $0x3  }
0x36: {  	p1 =	seq.s32 s10, $0x1;
	s10 =	sld [smem:$0x3FBB];
	_ =	sdelay $0x3  }
0x37: {  	[smem:$0x3FBB] =	sst s10  }
0x38: {  	s10 =	sld [smem:$0x3FBC]  }
0x39: {  	_ = 	snop;
	(pc) =	sbr.ind lr, $3  }
0x3a: {  	_ = 	snop  }
0x3b: {  	_ = 	snop  }
0x3c: {  	p2 =	seq.s32 s10, $0x1;
	s10 =	sld [smem:$0x3FBB]  }
0x3d: {  	_ =	shalt  }
0x3e: {  	_ =	shalt  }
0x3f: {  	_ =	shalt  }
0x40: {  	_ =	shalt  }
0x41: {  	_ =	shalt  }
0x42: {  	_ =	shalt  }
0x43: {  	_ =	shalt  }
0x44: {  	_ =	shalt  }
0x45: {  	_ =	shalt  }
0x46: {  	_ =	shalt  }
0x47: {  	_ =	shalt  }
0x48: {  	_ =	shalt  }
0x49: {  	_ =	shalt  }
0x4a: {  	_ =	shalt  }
0x4b: {  	_ =	shalt  }
0x4c: {  	_ =	shalt  }
0x4d: {  	_ =	shalt  }
0x4e: {  	_ =	shalt  }
0x4f: {  	_ =	shalt  }
0x50: {  	_ =	shalt  }
0x51: {  	_ =	shalt  }
0x52: {  	_ =	shalt  }
0x53: {  	_ =	shalt  }
0x54: {  	_ =	shalt  }
0x55: {  	_ =	shalt  }
0x56: {  	_ =	shalt  }
0x57: {  	_ =	shalt  }
0x58: {  	_ =	shalt  }
0x59: {  	_ =	shalt  }
0x5a: {  	_ =	shalt  }
0x5b: {  	_ =	shalt  }
0x5c: {  	_ =	shalt  }
0x5d: {  	_ =	shalt  }
0x5e: {  	_ =	shalt  }
0x5f: {  	_ =	shalt  }
0x60: {  	_ =	shalt  }
0x61: {  	_ =	shalt  }
0x62: {  	_ =	shalt  }
0x63: {  	_ =	shalt  }
0x64: {  	_ =	shalt  }
0x65: {  	_ =	shalt  }
0x66: {  	_ =	shalt  }
0x67: {  	_ =	shalt  }
0x68: {  	_ =	shalt  }
0x69: {  	_ =	shalt  }
0x6a: {  	_ =	shalt  }
0x6b: {  	_ =	shalt  }
0x6c: {  	_ =	shalt  }
0x6d: {  	_ =	shalt  }
0x6e: {  	_ =	shalt  }
0x6f: {  	_ =	shalt  }
0x70: {  	_ =	shalt  }
0x71: {  	_ =	shalt  }
0x72: {  	_ =	shalt  }
0x73: {  	_ =	shalt  }
0x74: {  	_ =	shalt  }
0x75: {  	_ =	shalt  }
0x76: {  	_ =	shalt  }
0x77: {  	_ =	shalt  }
0x78: {  	_ =	shalt  }
0x79: {  	_ =	shalt  }
0x7a: {  	_ =	shalt  }
0x7b: {  	_ =	shalt  }
0x7c: {  	_ =	shalt  }
0x7d: {  	_ =	shalt  }
0x7e: {  	_ =	shalt  }
0x7f: {  	_ =	shalt  }
0x80: {  	_ =	shalt  }
0x81: {  	_ =	shalt  }
0x82: {  	_ =	shalt  }
0x83: {  	_ =	shalt  }
0x84: {  	_ =	shalt  }
0x85: {  	_ =	shalt  }
0x86: {  	_ =	shalt  }
0x87: {  	_ =	shalt  }
.Lfunc_end0:
.L_simem_size_0:
called_computation_lowered:
.L_overlay_start_0:
0x88: {  	s2 =	sld [smem:$0x3FD9]  }
0x89: {  	s3 =	sld [smem:$0x3FFE];
	_ =	sdelay $0x1  }
0x8a: {  	s1 =	srdreg.scid  }
0x8b: {  	s0 =	sand.u32 $0x1, s1  }
0x8c: {  	s14 =	sshll.u32 s0, $0xA;
	s2 =	sadd.s32 s3, s2  }
0x8d: {  	s2 =	sadd.s32 s2, s14  }
0x8e: {  	[smem:$0x3FC7] =	sst s2  }
0x8f: {  	_ = 	snop  }
0x90: {  	s2 =	sld [smem:$0x3FD0];
	_ =	sdelay $0x2  }
0x91: {  	s4 =	simm.s32 $0xA;
	s5 =	simm.s32 $0x10;
	s15 =	sld [smem:$0x3FC9]  }
0x92: {  	[smem:s5], [sflag:s4] =	dma.local [hbm:s2], $0x1  }
0x93: {  	_ =	swait.eq [sflag:s4], $0x1  }
0x94: {  	[sflag:s4] =	ssyncset.done $0x0  }
0x95: {  	[sflag:s4] =	ssyncadd.s32 $0xFFFFFFFF  }
0x96: {  	s16 =	sld [smem:$0x10];
	(tm) =	ssettm $0x1  }
0x97: {  	s17 =	sld [smem:$0x3FFB];
	_ =	sdelay $0x3  }
0x98: {  	_ =	strace s17  }
0x99: {  	s4 =	sld [smem:$0x3FFC];
	_ =	sdelay $0x3  }
0x9a: {  	_ =	strace s4  }
0x9b: {  	s4 =	sld [smem:$0x3FFD];
	_ =	sdelay $0x3  }
0x9c: {  	_ =	strace s4  }
0x9d: {  	_ =	strace $0x8FFFFFFF  }
0x9e: {  	s18 =	sld [smem:$0x3FDB];
	_ =	sdelay $0x1  }
0x9f: {  	s19 =	simm.s32 $_scs_section_size  }
0xa0: {  	s6 =	simm.s32 $_size__tile_overlayer_lowered;
	s7 =	simm.s32 $_tile_overlayer_lowered  }
0xa1: {  	s22 =	simm.s32 $0x1BFF;
	s21 =	sshll.u32 s7, $0x1;
	s4 =	sadd.s32 s19, s18  }
0xa2: {  	s8 =	simm.s32 $0x0;
	s20 =	sshll.u32 s6, $0x1;
	s6 =	sadd.s32 s21, s4  }
0xa3: {  	[timem:s8], [sflag:s22] =	dma.local [hbm:s6], s20  }
0xa4: {  	_ =	swait.ge [sflag:s22], s20  }
0xa5: {  	s5 =	ssub.s32 $0x0, s20;
	[sflag:s22] =	ssyncset.done $0x0  }
0xa6: {  	[sflag:s22] =	ssyncadd.s32 s5;
	_ =	sdelay $0x1  }
0xa7: {  	s23 =	simm.s32 $0x1B8B  }
0xa8: {  	_ =	swait.ge [sflag:s23], $0x1  }
0xa9: {  	[sflag:s23] =	ssyncset.done $0x0  }
0xaa: {  	s25 =	simm.s32 $0x1B8E;
	s24 =	sld [smem:$0x3FFE];
	[sflag:s23] =	ssyncadd.s32 $0xFFFFFFFF  }
0xab: {  	s26 =	simm.s32 $execute0_lowered;
	[smem:$0x3FD2] =	sst s25  }
0xac: {  	s6 =	sshll.u32 s26, $0x1;
	_ =	strace $0x80000046;
	[dreg:$0x1] =	wrdreg $0xFFFFFFFF  }
0xad: {  	s28 =	simm.s32 $_size_execute0_lowered;
	s4 =	sadd.s32 s4, s6;
	[dreg:$0x0] =	wrdreg $0x0  }
0xae: {  	s6 =	sshll.u32 s28, $0x1;
	[dreg:$0x2] =	wrdreg s4  }
0xaf: {  	[dreg:$0x3] =	wrdreg s6  }
0xb0: {  	[dreg:$0x4] =	wrdreg $0xC0  }
0xb1: {  	_ =	task [dreg:s8], $0x5FFFF  }
0xb2: {  	[dreg:$0x1] =	wrdreg $0xFFFFFFFF  }
0xb3: {  	[dreg:$0x0] =	wrdreg $0x60  }
0xb4: {  	[dreg:$0x2] =	wrdreg s15  }
0xb5: {  	[dreg:$0x3] =	wrdreg s24  }
0xb6: {  	[dreg:$0x4] =	wrdreg s16  }
0xb7: {  	[dreg:$0x5] =	wrdreg $0x9  }
0xb8: {  	_ =	task.clear_ibuf [dreg:s8], $0x6FFFF;
	_ =	strace $0x90000046  }
0xb9: {  	s29 =	simm.s32 $0x9;
	_ =	strace $0x80000048  }
0xba: {  	_ =	swait.ge [sflag:s29], $0x1  }
0xbb: {  	[sflag:s29] =	ssyncadd.s32 $0xFFFFFFFF  }
0xbc: {  	_ =	strace $0x90000048  }
0xbd: {  	_ =	sfence  }
0xbe: {  	s30 =	sld [smem:$0x0];
	_ =	sdelay $0x2  }
0xbf: {  	s31 =	sshll.u32 s1, $0xD;
	s1 =	sshrl.u32 s1, $0x2  }
0xc0: {  	s3 =	sand.u32 $0x4000, s31;
	s1 =	sadd.s32 s1, s30  }
0xc1: {  	s0 =	sor.u32 s3, s0;
	s1 =	sshll.u32 s1, $0x11  }
0xc2: {  	s0 =	sor.u32 s1, s0  }
0xc3: {  	s0 =	sadd.s32 $0x8F2B, s0  }
0xc4: {  	[sflag:s0] =	ssyncadd.remote.s32 $0x1  }
0xc5: {  	_ =	sfence.sel $0xFFFF  }
0xc6: {  	[dreg:$0x0] =	wrdreg $0xFFFFFFFF;
	(pc) =	sbr.abs _section_cstart, $3  }
0xc7: {  	[dreg:$0x1] =	wrdreg $0xFFFFFFFF  }
0xc8: {  	_ =	task.clear_ibuf [dreg:s8], $0x2FFFF;
	_ =	strace $0x9FFFFFFF  }
0xc9: {  	(tm) =	ssettm $0x7FFFFFFF  }
tec
execute0_lowered:
.L_overlay_start_1:
0x0: {  	(tag) =	ssettag $0x1  }
0x1: {  	s1 =	rddreg [dreg:$0x0]  }
0x2: {  	s0 =	rddreg [dreg:$0x1];
	s3 =	stileid.u32  }
0x3: {  	s4 =	rddreg [dreg:$0x2];
	s5 =	sshll.u32 s3, $0x1;
	s3 =	simm.s32 $0x0  }
0x4: {  	s0 =	sadd.s32 $0x600, s0;
	[smem:$0x7FF] =	sst s3  }
0x5: {  	s17 =	simm.s32 $0x1CC00;
	_ =	strace $0x80000047;
	[dreg:$0x4] =	wrdreg s0  }
0x6: {  	s18 =	simm.s32 $0x1D400;
	[dreg:$0x6] =	wrdreg s17  }
0x7: {  	s20 =	simm.s32 $0x1DC00;
	[dreg:$0x7] =	wrdreg s18  }
0x8: {  	s21 =	simm.s32 $0x1C200;
	[dreg:$0x8] =	wrdreg s20  }
0x9: {  	s22 =	simm.s32 $0x1C600;
	[dreg:$0x9] =	wrdreg s21  }
0xa: {  	s2 =	srdreg.scid;
	s23 =	simm.s32 $0x1CA00;
	[dreg:$0xa] =	wrdreg s22  }
0xb: {  	s24 =	simm.s32 $0x1CE00;
	s2 =	sand.u32 $0x1, s2;
	[dreg:$0xb] =	wrdreg s23  }
0xc: {  	s26 =	simm.s32 $0x1D200;
	s9 =	sor.u32 s2, s5;
	[dreg:$0xc] =	wrdreg s24  }
0xd: {  	s28 =	simm.s32 $0x1D600;
	s5 =	smul.u32 $0x666, s9;
	[dreg:$0xd] =	wrdreg s26  }
0xe: {  	s29 =	simm.s32 $0x1DA00;
	s2 =	ssub.s32 $0x2, s2;
	[dreg:$0xe] =	wrdreg s28  }
0xf: {  	s30 =	sshrl.u32 s2, $0x1;
	[dreg:$0xf] =	wrdreg s29;
	s5 =	sshrl.u32 s5, $0x8  }
0x10: {  	s31 =	sshll.u32 s5, $0x3;
	s6 =	sshll.u32 s5, $0xC;
	s5 =	sshll.u32 s5, $0x5  }
0x11: {  	s0 =	ssub.s32 s2, s30;
	[dreg:$0x11] =	wrdreg s5;
	s15 =	sadd.s32 $0xE, s31  }
0x12: {  	s19 =	sadd.s32 $0x1C, s31;
	s2 =	sadd.s32 $0x2A, s31;
	s31 =	simm.s32 $0x1DE00  }
0x13: {  	s7 =	sadd.s32 $0x200, s1;
	s6 =	sadd.s32 s4, s6;
	[dreg:$0x10] =	wrdreg s31  }
0x14: {  	s8 =	sadd.s32 $0x300, s1;
	s10 =	sadd.s32 $0x200, s6;
	[smem:$0x7FC] =	sst s6  }
0x15: {  	s5 =	sadd.s32 $0x100, s1;
	s1 =	sadd.s32 $0x400, s6;
	[dreg:$0x12] =	wrdreg s10  }
0x16: {  	s11 =	sadd.s32 $0x600, s6;
	[dreg:$0x13] =	wrdreg s1  }
0x17: {  	s12 =	sadd.s32 $0x800, s6;
	[dreg:$0x14] =	wrdreg s11  }
0x18: {  	s13 =	sadd.s32 $0xA00, s6;
	[dreg:$0x15] =	wrdreg s12  }
0x19: {  	s14 =	sadd.s32 $0xC00, s6;
	[dreg:$0x16] =	wrdreg s13  }
0x1a: {  	s30 =	sadd.s32 $0x1000, s6;
	[dreg:$0x17] =	wrdreg s14  }
0x1b: {  	p0 =	seq.s32 s9, $0x1F;
	s9 =	sadd.s32 $0x1400, s6;
	[dreg:$0x1c] =	wrdreg s30  }
0x1c: {  	s25 =	sshll.u32 s2, $0x9;
	s2 =	sshll.u32 s2, $0x2;
	[dreg:$0x1e] =	wrdreg s9  }
0x1d: {  	s18 =	sadd.s32 $0x2200, s6;
	[smem:$0x7D2] =	sst s2  }
0x1e: {  	s20 =	sadd.s32 $0x2600, s6;
	[smem:$0x7D8] =	sst s18  }
0x1f: {  	s21 =	sadd.s32 $0x2800, s6;
	[smem:$0x7DA] =	sst s20  }
0x20: {  	s22 =	sadd.s32 $0x2A00, s6;
	[smem:$0x7DB] =	sst s21  }
0x21: {  	s23 =	sadd.s32 $0x2C00, s6;
	[smem:$0x7DC] =	sst s22  }
0x22: {  	s24 =	sadd.s32 $0x2E00, s6;
	[smem:$0x7DD] =	sst s23  }
0x23: {  	s26 =	sadd.s32 $0x3200, s6;
	[smem:$0x7DE] =	sst s24  }
0x24: {  	s28 =	sadd.s32 $0x3400, s6;
	[smem:$0x7E0] =	sst s26  }
0x25: {  	s29 =	sadd.s32 $0x3600, s6;
	[smem:$0x7E1] =	sst s28  }
0x26: {  	s31 =	sadd.s32 $0x3C00, s6;
	[smem:$0x7E2] =	sst s29  }
0x27: {  	s11 =	sadd.s32 $0xE00, s6;
	[smem:$0x7E4] =	sst s31  }
0x28: {  	s12 =	simm.s32 $0x1C400;
	[dreg:$0x18] =	wrdreg s11  }
0x29: {  	s1 =	sadd.s32 $0x1200, s6;
	[dreg:$0x5] =	wrdreg s12  }
0x2a: {  	s10 =	sshll.u32 s15, $0x2;
	[dreg:$0x1d] =	wrdreg s1  }
0x2b: {  	s14 =	sadd.s32 $0x1A00, s6;
	[dreg:$0x1f] =	wrdreg s10  }
0x2c: {  	s16 =	sshll.u32 s15, $0x9;
	s15 =	sadd.s32 $0x1E00, s6;
	[smem:$0x7D5] =	sst s14  }
0x2d: {  	s30 =	sadd.s32 $0x3A00, s6;
	[smem:$0x7D6] =	sst s15  }
0x2e: {  	s2 =	sadd.s32 $0x4000, s6;
	[smem:$0x7E3] =	sst s30  }
0x2f: {  	s9 =	sadd.s32 $0x4400, s6;
	[smem:$0x7E6] =	sst s2  }
0x30: {  	s18 =	sadd.s32 $0x5600, s6;
	[smem:$0x7E8] =	sst s9  }
0x31: {  	s20 =	sadd.s32 $0x5A00, s6;
	[smem:$0x7F0] =	sst s18  }
0x32: {  	s21 =	sadd.s32 $0x5C00, s6;
	[smem:$0x7F2] =	sst s20  }
0x33: {  	s22 =	sadd.s32 $0x5E00, s6;
	[smem:$0x7F3] =	sst s21  }
0x34: {  	s23 =	sadd.s32 $0x6000, s6;
	[smem:$0x7F4] =	sst s22  }
0x35: {  	s24 =	sadd.s32 $0x6200, s6;
	[smem:$0x7F5] =	sst s23  }
0x36: {  	s26 =	sadd.s32 $0x6600, s6;
	[smem:$0x7F6] =	sst s24  }
0x37: {  	s28 =	sadd.s32 $0x6800, s6;
	[smem:$0x7F8] =	sst s26  }
0x38: {  	s29 =	sadd.s32 $0x6A00, s6;
	[smem:$0x7F9] =	sst s28  }
0x39: {  	s31 =	sadd.s32 $0x6E00, s6;
	[smem:$0x7FA] =	sst s29  }
0x3a: {  	s12 =	sadd.s32 $0x1600, s6;
	[smem:$0x7FD] =	sst s31  }
0x3b: {  	s11 =	sand.u32 $0x1FFFFC00, s16;
	s16 =	sadd.s32 $0x2000, s6;
	[smem:$0x7D3] =	sst s12  }
0x3c: {  	s1 =	sadd.s32 $0x3E00, s6;
	[smem:$0x7D7] =	sst s16  }
0x3d: {  	s10 =	sadd.s32 $0x4600, s6;
	[smem:$0x7E5] =	sst s1  }
0x3e: {  	s14 =	sadd.s32 $0x4E00, s6;
	[smem:$0x7E9] =	sst s10  }
0x3f: {  	s15 =	sadd.s32 $0x5000, s6;
	[smem:$0x7ED] =	sst s14  }
0x40: {  	s13 =	sshll.u32 s19, $0x9;
	s30 =	sadd.s32 $0x6C00, s6;
	[smem:$0x7EE] =	sst s15  }
0x41: {  	s13 =	sand.u32 $0x1FFFF800, s13;
	s11 =	sadd.s32 s4, s11;
	[smem:$0x7FB] =	sst s30  }
0x42: {  	s13 =	sadd.s32 s4, s13;
	[dreg:$0x19] =	wrdreg s11  }
0x43: {  	s12 =	sadd.s32 $0x4A00, s6;
	[dreg:$0x1a] =	wrdreg s13  }
0x44: {  	s16 =	sadd.s32 $0x5200, s6;
	[smem:$0x7EB] =	sst s12  }
0x45: {  	s11 =	sshll.u32 s19, $0x2;
	[smem:$0x7EF] =	sst s16  }
0x46: {  	s19 =	sadd.s32 $0x2400, s6;
	[smem:$0x7D1] =	sst s11  }
0x47: {  	s13 =	sand.u32 $0x1FFFF400, s25;
	s25 =	sadd.s32 $0x3000, s6;
	[smem:$0x7D9] =	sst s19  }
0x48: {  	s4 =	sadd.s32 s4, s13;
	[smem:$0x7DF] =	sst s25  }
0x49: {  	s13 =	sadd.s32 $0x1800, s6;
	[dreg:$0x1b] =	wrdreg s4  }
0x4a: {  	s11 =	sadd.s32 $0x4800, s6;
	[smem:$0x7D4] =	sst s13  }
0x4b: {  	s19 =	sadd.s32 $0x5800, s6;
	[smem:$0x7EA] =	sst s11  }
0x4c: {  	s25 =	sadd.s32 $0x6400, s6;
	[smem:$0x7F1] =	sst s19  }
0x4d: {  	v2 =	vlaneseq.u32;
	s4 =	sadd.s32 $0x4200, s6;
	[smem:$0x7F7] =	sst s25  }
0x4e: {  	vm0 =	vmmov $0xffff;
	v1 =	vshrl.u32 v2, $0x3;
	s17 =	smax.u32 s0, $0x1;
	s13 =	sadd.s32 $0x4C00, s6;
	[smem:$0x7E7] =	sst s4  }
0x4f: {  	v0 =	vand.u32 $0x7, v2;
	v2 =	vor.u32 $0x8, v2;
	v1 =	vmul.u32 $0x8, v1;
	s14 =	simm.s32 $0x3;
	s15 =	simm.s32 $0x4;
	[smem:$0x7EC] =	sst s13  }
.LBB2_1:
0x50: {  	[smem:$0x7D0] =	sst s17  }
0x51: {  	s16 =	rddreg [dreg:$0x4];
	s23 =	simm.s32 $0x5  }
0x52: {  	[tilespmem:s3], [sflag:$0x5] =	stream.linear.gather [hbm4b:s16+s3], $0x2000, $0x38;
	[tilespmem:$0x1E000] =	vst v63  }
0x53: {  	_ =	swait.ge [sflag:s23], $0x2000  }
0x54: {  	[sflag:s23] =	ssyncset.done $0x0  }
0x55: {  	s16 =	rddreg [dreg:$0x11];
	[sflag:s23] =	ssyncadd.s32 $0xFFFFE000  }
0x56: {  	v3 =	vld [tilespmem:s16+$0x0];
	_ =	sdelay $0x4  }
0x57: {  	v4 =	vshll.u32 v3, $0x3  }
0x58: {  	v3 =	vand.u32 $0x7, v3;
	v4 =	vand.u32 $0xFFFFFFC0, v4  }
0x59: {  	v3 =	vor.u32 v3, v4  }
0x5a: {  	v4 =	vperm.xlane v3, v0;
	_ =	sdelay $0x1  }
0x5b: {  	v4 =	vadd.s32 v1, v4;
	_ =	sdelay $0x3  }
0x5c: {  	s0 =	simm.s32 $0x2000;
	s4 =	rddreg [dreg:$0x0]  }
0x5d: {  	[tilespmem:s0], [sflag:$0x1] =	stream.indirect_vreg.gather [hbm4b:s4+s3], $0x80, v4, vm0, $0xb8;
	[tilespmem:$0x1E000] =	vst v63  }
0x5e: {  	s24 =	simm.s32 $0x2800;
	v3 =	vperm.xlane v3, v2  }
0x5f: {  	[tilespmem:s24], [sflag:$0x1] =	stream.indirect_vreg.gather [hbm4b:s5+s3], $0x80, v4, vm0, $0xb8;
	[tilespmem:$0x1E000] =	vst v63  }
0x60: {  	s25 =	simm.s32 $0x3000;
	v3 =	vadd.s32 v1, v3  }
0x61: {  	[tilespmem:s25], [sflag:$0x1] =	stream.indirect_vreg.gather [hbm4b:s7+s3], $0x80, v4, vm0, $0xb8;
	[tilespmem:$0x1E000] =	vst v63  }
0x62: {  	s26 =	simm.s32 $0x3800  }
0x63: {  	[tilespmem:s26], [sflag:$0x1] =	stream.indirect_vreg.gather [hbm4b:s8+s3], $0x80, v4, vm0, $0xb8;
	[tilespmem:$0x1E000] =	vst v63  }
0x64: {  	s28 =	simm.s32 $0x4000  }
0x65: {  	[tilespmem:s28], [sflag:$0x1] =	stream.indirect_vreg.gather [hbm4b:s4+s3], $0x80, v3, vm0, $0xb8;
	[tilespmem:$0x1E000] =	vst v63  }
0x66: {  	s29 =	simm.s32 $0x4800  }
0x67: {  	[tilespmem:s29], [sflag:$0x1] =	stream.indirect_vreg.gather [hbm4b:s5+s3], $0x80, v3, vm0, $0xb8;
	[tilespmem:$0x1E000] =	vst v63  }
0x68: {  	s30 =	simm.s32 $0x5000  }
0x69: {  	[tilespmem:s30], [sflag:$0x1] =	stream.indirect_vreg.gather [hbm4b:s7+s3], $0x80, v3, vm0, $0xb8;
	[tilespmem:$0x1E000] =	vst v63  }
0x6a: {  	s2 =	simm.s32 $0x5800  }
0x6b: {  	[tilespmem:s2], [sflag:$0x1] =	stream.indirect_vreg.gather [hbm4b:s8+s3], $0x80, v3, vm0, $0xb8;
	[tilespmem:$0x1E000] =	vst v63  }
0x6c: {  	v3 =	vld [tilespmem:s16+$0x10];
	_ =	sdelay $0x4  }
0x6d: {  	v49 =	vshll.u32 v3, $0x3  }
0x6e: {  	v3 =	vand.u32 $0x7, v3;
	v4 =	vand.u32 $0xFFFFFFC0, v49  }
0x6f: {  	v3 =	vor.u32 v3, v4  }
0x70: {  	v4 =	vperm.xlane v3, v0;
	_ =	sdelay $0x1  }
0x71: {  	v4 =	vadd.s32 v1, v4;
	_ =	sdelay $0x3  }
0x72: {  	s13 =	simm.s32 $0x6000  }
0x73: {  	[tilespmem:s13], [sflag:$0x1] =	stream.indirect_vreg.gather [hbm4b:s4+s3], $0x80, v4, vm0, $0xb8;
	[tilespmem:$0x1E000] =	vst v63  }
0x74: {  	s17 =	simm.s32 $0x6800;
	v3 =	vperm.xlane v3, v2  }
0x75: {  	[tilespmem:s17], [sflag:$0x1] =	stream.indirect_vreg.gather [hbm4b:s5+s3], $0x80, v4, vm0, $0xb8;
	[tilespmem:$0x1E000] =	vst v63  }
0x76: {  	s18 =	simm.s32 $0x7000;
	v3 =	vadd.s32 v1, v3  }
0x77: {  	[tilespmem:s18], [sflag:$0x1] =	stream.indirect_vreg.gather [hbm4b:s7+s3], $0x80, v4, vm0, $0xb8;
	[tilespmem:$0x1E000] =	vst v63  }
0x78: {  	s19 =	simm.s32 $0x7800  }
0x79: {  	[tilespmem:s19], [sflag:$0x1] =	stream.indirect_vreg.gather [hbm4b:s8+s3], $0x80, v4, vm0, $0xb8;
	[tilespmem:$0x1E000] =	vst v63  }
0x7a: {  	s20 =	simm.s32 $0x8000  }
0x7b: {  	[tilespmem:s20], [sflag:$0x1] =	stream.indirect_vreg.gather [hbm4b:s4+s3], $0x80, v3, vm0, $0xb8;
	[tilespmem:$0x1E000] =	vst v63  }
0x7c: {  	s22 =	simm.s32 $0x8800  }
0x7d: {  	[tilespmem:s22], [sflag:$0x1] =	stream.indirect_vreg.gather [hbm4b:s5+s3], $0x80, v3, vm0, $0xb8;
	[tilespmem:$0x1E000] =	vst v63  }
0x7e: {  	s23 =	simm.s32 $0x9000  }
0x7f: {  	[tilespmem:s23], [sflag:$0x1] =	stream.indirect_vreg.gather [hbm4b:s7+s3], $0x80, v3, vm0, $0xb8;
	[tilespmem:$0x1E000] =	vst v63  }
0x80: {  	s24 =	simm.s32 $0x9800  }
0x81: {  	[tilespmem:s24], [sflag:$0x1] =	stream.indirect_vreg.gather [hbm4b:s8+s3], $0x80, v3, vm0, $0xb8;
	[tilespmem:$0x1E000] =	vst v63  }
0x82: {  	v3 =	vld [tilespmem:s16+$0x20];
	_ =	sdelay $0x4  }
0x83: {  	v50 =	vshll.u32 v3, $0x3  }
0x84: {  	v3 =	vand.u32 $0x7, v3;
	v4 =	vand.u32 $0xFFFFFFC0, v50  }
0x85: {  	v3 =	vor.u32 v3, v4  }
0x86: {  	v4 =	vperm.xlane v3, v0;
	_ =	sdelay $0x1  }
0x87: {  	v4 =	vadd.s32 v1, v4;
	_ =	sdelay $0x3  }
0x88: {  	s25 =	simm.s32 $0xA000  }
0x89: {  	[tilespmem:s25], [sflag:$0x1] =	stream.indirect_vreg.gather [hbm4b:s4+s3], $0x80, v4, vm0, $0xb8;
	[tilespmem:$0x1E000] =	vst v63  }
0x8a: {  	s26 =	simm.s32 $0xA800;
	v3 =	vperm.xlane v3, v2  }
0x8b: {  	[tilespmem:s26], [sflag:$0x1] =	stream.indirect_vreg.gather [hbm4b:s5+s3], $0x80, v4, vm0, $0xb8;
	[tilespmem:$0x1E000] =	vst v63  }
0x8c: {  	s28 =	simm.s32 $0xB000;
	v3 =	vadd.s32 v1, v3  }
0x8d: {  	[tilespmem:s28], [sflag:$0x1] =	stream.indirect_vreg.gather [hbm4b:s7+s3], $0x80, v4, vm0, $0xb8;
	[tilespmem:$0x1E000] =	vst v63  }
0x8e: {  	s2 =	simm.s32 $0xB800  }
0x8f: {  	[tilespmem:s2], [sflag:$0x1] =	stream.indirect_vreg.gather [hbm4b:s8+s3], $0x80, v4, vm0, $0xb8;
	[tilespmem:$0x1E000] =	vst v63  }
0x90: {  	s17 =	simm.s32 $0xC000  }
0x91: {  	[tilespmem:s17], [sflag:$0x1] =	stream.indirect_vreg.gather [hbm4b:s4+s3], $0x80, v3, vm0, $0xb8;
	[tilespmem:$0x1E000] =	vst v63  }
0x92: {  	s2 =	simm.s32 $0xC800  }
0x93: {  	[tilespmem:s2], [sflag:$0x1] =	stream.indirect_vreg.gather [hbm4b:s5+s3], $0x80, v3, vm0, $0xb8;
	[tilespmem:$0x1E000] =	vst v63  }
0x94: {  	s2 =	simm.s32 $0xD000  }
0x95: {  	[tilespmem:s2], [sflag:$0x1] =	stream.indirect_vreg.gather [hbm4b:s7+s3], $0x80, v3, vm0, $0xb8;
	[tilespmem:$0x1E000] =	vst v63  }
0x96: {  	s17 =	simm.s32 $0xD800  }
0x97: {  	[tilespmem:s17], [sflag:$0x1] =	stream.indirect_vreg.gather [hbm4b:s8+s3], $0x80, v3, vm0, $0xb8;
	[tilespmem:$0x1E000] =	vst v63  }
0x98: {  	v3 =	vld.msk [tilespmem:s16+$0x30], $0xff;
	_ =	sdelay $0x4  }
0x99: {  	v51 =	vshll.u32 v3, $0x3  }
0x9a: {  	v3 =	vand.u32 $0x7, v3;
	v4 =	vand.u32 $0xFFFFFFC0, v51  }
0x9b: {  	v3 =	vor.u32 v3, v4  }
0x9c: {  	v3 =	vperm.xlane v3, v0;
	_ =	sdelay $0x1  }
0x9d: {  	v3 =	vadd.s32 v1, v3;
	_ =	sdelay $0x3  }
0x9e: {  	s17 =	simm.s32 $0xE000  }
0x9f: {  	[tilespmem:s17], [sflag:$0x1] =	stream.indirect_vreg.gather [hbm4b:s4+s3], $0x80, v3, vm0, $0xb8;
	[tilespmem:$0x1E000] =	vst v63  }
0xa0: {  	s17 =	simm.s32 $0xE800  }
0xa1: {  	[tilespmem:s17], [sflag:$0x1] =	stream.indirect_vreg.gather [hbm4b:s5+s3], $0x80, v3, vm0, $0xb8;
	[tilespmem:$0x1E000] =	vst v63  }
0xa2: {  	s17 =	simm.s32 $0xF000  }
0xa3: {  	[tilespmem:s17], [sflag:$0x1] =	stream.indirect_vreg.gather [hbm4b:s7+s3], $0x80, v3, vm0, $0xb8;
	[tilespmem:$0x1E000] =	vst v63  }
0xa4: {  	s17 =	simm.s32 $0xF800  }
0xa5: {  	[tilespmem:s17], [sflag:$0x1] =	stream.indirect_vreg.gather [hbm4b:s8+s3], $0x80, v3, vm0, $0xb8;
	[tilespmem:$0x1E000] =	vst v63  }
0xa6: {  	s17 =	simm.s32 $0x1  }
0xa7: {  	_ =	swait.ge [sflag:s17], $0xE000  }
0xa8: {  	[sflag:s17] =	ssyncset.done $0x0  }
0xa9: {  	[sflag:s17] =	ssyncadd.s32 $0xFFFF2000;
	s17 =	sld [smem:$0x7FC];
	_ =	sdelay $0x1  }
0xaa: {  	s1 =	simm.s32 $0x2000  }
0xab: {  	[hbm4b:s17+s3] =	stream.linear.scatter [tilespmem:s1], [sflag:$0x3], $0x200, $0x38;
	[tilespmem:$0x1E000] =	vst v63  }
0xac: {  	s16 =	sadd.s32 $0x40, s17;
	s1 =	simm.s32 $0x2400  }
0xad: {  	[hbm4b:s16+s3] =	stream.linear.scatter [tilespmem:s1], [sflag:$0x3], $0x200, $0x38;
	[tilespmem:$0x1E000] =	vst v63  }
0xae: {  	s6 =	simm.s32 $0x2800;
	s1 =	sadd.s32 $0x80, s17  }
0xaf: {  	[hbm4b:s1+s3] =	stream.linear.scatter [tilespmem:s6], [sflag:$0x3], $0x200, $0x38;
	[tilespmem:$0x1E000] =	vst v63  }
0xb0: {  	s1 =	sadd.s32 $0xC0, s17;
	s6 =	simm.s32 $0x2C00  }
0xb1: {  	[hbm4b:s1+s3] =	stream.linear.scatter [tilespmem:s6], [sflag:$0x3], $0x200, $0x38;
	[tilespmem:$0x1E000] =	vst v63  }
0xb2: {  	s9 =	simm.s32 $0x3000;
	s1 =	sadd.s32 $0x100, s17  }
0xb3: {  	[hbm4b:s1+s3] =	stream.linear.scatter [tilespmem:s9], [sflag:$0x3], $0x200, $0x38;
	[tilespmem:$0x1E000] =	vst v63  }
0xb4: {  	s6 =	sadd.s32 $0x140, s17;
	s9 =	simm.s32 $0x3400  }
0xb5: {  	[hbm4b:s6+s3] =	stream.linear.scatter [tilespmem:s9], [sflag:$0x3], $0x200, $0x38;
	[tilespmem:$0x1E000] =	vst v63  }
0xb6: {  	s10 =	simm.s32 $0x3800;
	s6 =	sadd.s32 $0x180, s17  }
0xb7: {  	[hbm4b:s6+s3] =	stream.linear.scatter [tilespmem:s10], [sflag:$0x3], $0x200, $0x38;
	[tilespmem:$0x1E000] =	vst v63  }
0xb8: {  	s9 =	sadd.s32 $0x1C0, s17;
	s10 =	simm.s32 $0x3C00  }
0xb9: {  	[hbm4b:s9+s3] =	stream.linear.scatter [tilespmem:s10], [sflag:$0x3], $0x200, $0x38;
	[tilespmem:$0x1E000] =	vst v63  }
0xba: {  	s16 =	simm.s32 $0x2200;
	s17 =	rddreg [dreg:$0x12]  }
0xbb: {  	[hbm4b:s17+s3] =	stream.linear.scatter [tilespmem:s16], [sflag:$0x3], $0x200, $0x38;
	[tilespmem:$0x1E000] =	vst v63  }
0xbc: {  	s1 =	sadd.s32 $0x40, s17;
	s6 =	simm.s32 $0x2600  }
0xbd: {  	[hbm4b:s1+s3] =	stream.linear.scatter [tilespmem:s6], [sflag:$0x3], $0x200, $0x38;
	[tilespmem:$0x1E000] =	vst v63  }
0xbe: {  	s9 =	sadd.s32 $0x80, s17;
	s10 =	simm.s32 $0x2A00  }
0xbf: {  	[hbm4b:s9+s3] =	stream.linear.scatter [tilespmem:s10], [sflag:$0x3], $0x200, $0x38;
	[tilespmem:$0x1E000] =	vst v63  }
0xc0: {  	s1 =	sadd.s32 $0xC0, s17;
	s6 =	simm.s32 $0x2E00  }
0xc1: {  	[hbm4b:s1+s3] =	stream.linear.scatter [tilespmem:s6], [sflag:$0x3], $0x200, $0x38;
	[tilespmem:$0x1E000] =	vst v63  }
0xc2: {  	s9 =	sadd.s32 $0x100, s17;
	s10 =	simm.s32 $0x3200  }
0xc3: {  	[hbm4b:s9+s3] =	stream.linear.scatter [tilespmem:s10], [sflag:$0x3], $0x200, $0x38;
	[tilespmem:$0x1E000] =	vst v63  }
0xc4: {  	s1 =	sadd.s32 $0x140, s17;
	s6 =	simm.s32 $0x3600  }
0xc5: {  	[hbm4b:s1+s3] =	stream.linear.scatter [tilespmem:s6], [sflag:$0x3], $0x200, $0x38;
	[tilespmem:$0x1E000] =	vst v63  }
0xc6: {  	s9 =	sadd.s32 $0x180, s17;
	s10 =	simm.s32 $0x3A00  }
0xc7: {  	[hbm4b:s9+s3] =	stream.linear.scatter [tilespmem:s10], [sflag:$0x3], $0x200, $0x38;
	[tilespmem:$0x1E000] =	vst v63  }
0xc8: {  	s1 =	sadd.s32 $0x1C0, s17;
	s6 =	simm.s32 $0x3E00  }
0xc9: {  	[hbm4b:s1+s3] =	stream.linear.scatter [tilespmem:s6], [sflag:$0x3], $0x200, $0x38;
	[tilespmem:$0x1E000] =	vst v63  }
0xca: {  	s11 =	simm.s32 $0x4000;
	s17 =	rddreg [dreg:$0x13]  }
0xcb: {  	[hbm4b:s17+s3] =	stream.linear.scatter [tilespmem:s11], [sflag:$0x3], $0x200, $0x38;
	[tilespmem:$0x1E000] =	vst v63  }
0xcc: {  	s9 =	sadd.s32 $0x40, s17;
	s10 =	simm.s32 $0x4400  }
0xcd: {  	[hbm4b:s9+s3] =	stream.linear.scatter [tilespmem:s10], [sflag:$0x3], $0x200, $0x38;
	[tilespmem:$0x1E000] =	vst v63  }
0xce: {  	s31 =	simm.s32 $0x4800;
	s11 =	sadd.s32 $0x80, s17  }
0xcf: {  	[hbm4b:s11+s3] =	stream.linear.scatter [tilespmem:s31], [sflag:$0x3], $0x200, $0x38;
	[tilespmem:$0x1E000] =	vst v63  }
0xd0: {  	s1 =	sadd.s32 $0xC0, s17;
	s6 =	simm.s32 $0x4C00  }
0xd1: {  	[hbm4b:s1+s3] =	stream.linear.scatter [tilespmem:s6], [sflag:$0x3], $0x200, $0x38;
	[tilespmem:$0x1E000] =	vst v63  }
0xd2: {  	s12 =	simm.s32 $0x5000;
	s9 =	sadd.s32 $0x100, s17  }
0xd3: {  	[hbm4b:s9+s3] =	stream.linear.scatter [tilespmem:s12], [sflag:$0x3], $0x200, $0x38;
	[tilespmem:$0x1E000] =	vst v63  }
0xd4: {  	s10 =	sadd.s32 $0x140, s17;
	s11 =	simm.s32 $0x5400  }
0xd5: {  	[hbm4b:s10+s3] =	stream.linear.scatter [tilespmem:s11], [sflag:$0x3], $0x200, $0x38;
	[tilespmem:$0x1E000] =	vst v63  }
0xd6: {  	s30 =	simm.s32 $0x5800;
	s12 =	sadd.s32 $0x180, s17  }
0xd7: {  	[hbm4b:s12+s3] =	stream.linear.scatter [tilespmem:s30], [sflag:$0x3], $0x200, $0x38;
	[tilespmem:$0x1E000] =	vst v63  }
0xd8: {  	s31 =	simm.s32 $0x5C00;
	s30 =	sadd.s32 $0x1C0, s17  }
0xd9: {  	[hbm4b:s30+s3] =	stream.linear.scatter [tilespmem:s31], [sflag:$0x3], $0x200, $0x38;
	[tilespmem:$0x1E000] =	vst v63  }
0xda: {  	s6 =	simm.s32 $0x4200;
	s17 =	rddreg [dreg:$0x14]  }
0xdb: {  	[hbm4b:s17+s3] =	stream.linear.scatter [tilespmem:s6], [sflag:$0x3], $0x200, $0x38;
	[tilespmem:$0x1E000] =	vst v63  }
0xdc: {  	s10 =	simm.s32 $0x4600;
	s9 =	sadd.s32 $0x40, s17  }
0xdd: {  	[hbm4b:s9+s3] =	stream.linear.scatter [tilespmem:s10], [sflag:$0x3], $0x200, $0x38;
	[tilespmem:$0x1E000] =	vst v63  }
0xde: {  	s12 =	simm.s32 $0x4A00;
	s11 =	sadd.s32 $0x80, s17  }
0xdf: {  	[hbm4b:s11+s3] =	stream.linear.scatter [tilespmem:s12], [sflag:$0x3], $0x200, $0x38;
	[tilespmem:$0x1E000] =	vst v63  }
0xe0: {  	s30 =	sadd.s32 $0xC0, s17;
	s31 =	simm.s32 $0x4E00  }
0xe1: {  	[hbm4b:s30+s3] =	stream.linear.scatter [tilespmem:s31], [sflag:$0x3], $0x200, $0x38;
	[tilespmem:$0x1E000] =	vst v63  }
0xe2: {  	s1 =	sadd.s32 $0x100, s17;
	s6 =	simm.s32 $0x5200  }
0xe3: {  	[hbm4b:s1+s3] =	stream.linear.scatter [tilespmem:s6], [sflag:$0x3], $0x200, $0x38;
	[tilespmem:$0x1E000] =	vst v63  }
0xe4: {  	s9 =	sadd.s32 $0x140, s17;
	s10 =	simm.s32 $0x5600  }
0xe5: {  	[hbm4b:s9+s3] =	stream.linear.scatter [tilespmem:s10], [sflag:$0x3], $0x200, $0x38;
	[tilespmem:$0x1E000] =	vst v63  }
0xe6: {  	s11 =	sadd.s32 $0x180, s17;
	s12 =	simm.s32 $0x5A00  }
0xe7: {  	[hbm4b:s11+s3] =	stream.linear.scatter [tilespmem:s12], [sflag:$0x3], $0x200, $0x38;
	[tilespmem:$0x1E000] =	vst v63  }
0xe8: {  	s17 =	sadd.s32 $0x1C0, s17;
	s30 =	simm.s32 $0x5E00  }
0xe9: {  	[hbm4b:s17+s3] =	stream.linear.scatter [tilespmem:s30], [sflag:$0x3], $0x200, $0x38;
	[tilespmem:$0x1E000] =	vst v63  }
0xea: {  	s13 =	simm.s32 $0x6000;
	s31 =	rddreg [dreg:$0x15]  }
0xeb: {  	[hbm4b:s31+s3] =	stream.linear.scatter [tilespmem:s13], [sflag:$0x3], $0x200, $0x38;
	[tilespmem:$0x1E000] =	vst v63  }
0xec: {  	s1 =	sadd.s32 $0x40, s31;
	s6 =	simm.s32 $0x6400  }
0xed: {  	[hbm4b:s1+s3] =	stream.linear.scatter [tilespmem:s6], [sflag:$0x3], $0x200, $0x38;
	[tilespmem:$0x1E000] =	vst v63  }
0xee: {  	s21 =	simm.s32 $0x6800;
	s9 =	sadd.s32 $0x80, s31  }
0xef: {  	[hbm4b:s9+s3] =	stream.linear.scatter [tilespmem:s21], [sflag:$0x3], $0x200, $0x38;
	[tilespmem:$0x1E000] =	vst v63  }
0xf0: {  	s10 =	sadd.s32 $0xC0, s31;
	s11 =	simm.s32 $0x6C00  }
0xf1: {  	[hbm4b:s10+s3] =	stream.linear.scatter [tilespmem:s11], [sflag:$0x3], $0x200, $0x38;
	[tilespmem:$0x1E000] =	vst v63  }
0xf2: {  	s29 =	simm.s32 $0x7000;
	s12 =	sadd.s32 $0x100, s31  }
0xf3: {  	[hbm4b:s12+s3] =	stream.linear.scatter [tilespmem:s29], [sflag:$0x3], $0x200, $0x38;
	[tilespmem:$0x1E000] =	vst v63  }
0xf4: {  	s13 =	sadd.s32 $0x140, s31;
	s21 =	simm.s32 $0x7400  }
0xf5: {  	[hbm4b:s13+s3] =	stream.linear.scatter [tilespmem:s21], [sflag:$0x3], $0x200, $0x38;
	[tilespmem:$0x1E000] =	vst v63  }
0xf6: {  	s18 =	simm.s32 $0x7800;
	s29 =	sadd.s32 $0x180, s31  }
0xf7: {  	[hbm4b:s29+s3] =	stream.linear.scatter [tilespmem:s18], [sflag:$0x3], $0x200, $0x38;
	[tilespmem:$0x1E000] =	vst v63  }
0xf8: {  	s30 =	sadd.s32 $0x1C0, s31;
	s31 =	simm.s32 $0x7C00  }
0xf9: {  	[hbm4b:s30+s3] =	stream.linear.scatter [tilespmem:s31], [sflag:$0x3], $0x200, $0x38;
	[tilespmem:$0x1E000] =	vst v63  }
0xfa: {  	s17 =	rddreg [dreg:$0x16];
	s6 =	simm.s32 $0x6200  }
0xfb: {  	[hbm4b:s17+s3] =	stream.linear.scatter [tilespmem:s6], [sflag:$0x3], $0x200, $0x38;
	[tilespmem:$0x1E000] =	vst v63  }
0xfc: {  	s9 =	sadd.s32 $0x40, s17;
	s10 =	simm.s32 $0x6600  }
0xfd: {  	[hbm4b:s9+s3] =	stream.linear.scatter [tilespmem:s10], [sflag:$0x3], $0x200, $0x38;
	[tilespmem:$0x1E000] =	vst v63  }
0xfe: {  	s11 =	sadd.s32 $0x80, s17;
	s12 =	simm.s32 $0x6A00  }
0xff: {  	[hbm4b:s11+s3] =	stream.linear.scatter [tilespmem:s12], [sflag:$0x3], $0x200, $0x38;
	[tilespmem:$0x1E000] =	vst v63  }
0x100: {  	s13 =	sadd.s32 $0xC0, s17;
	s18 =	simm.s32 $0x6E00  }
0x101: {  	[hbm4b:s13+s3] =	stream.linear.scatter [tilespmem:s18], [sflag:$0x3], $0x200, $0x38;
	[tilespmem:$0x1E000] =	vst v63  }
0x102: {  	s21 =	sadd.s32 $0x100, s17;
	s29 =	simm.s32 $0x7200  }
0x103: {  	[hbm4b:s21+s3] =	stream.linear.scatter [tilespmem:s29], [sflag:$0x3], $0x200, $0x38;
	[tilespmem:$0x1E000] =	vst v63  }
0x104: {  	s30 =	sadd.s32 $0x140, s17;
	s31 =	simm.s32 $0x7600  }
0x105: {  	[hbm4b:s30+s3] =	stream.linear.scatter [tilespmem:s31], [sflag:$0x3], $0x200, $0x38;
	[tilespmem:$0x1E000] =	vst v63  }
0x106: {  	s1 =	sadd.s32 $0x180, s17;
	s6 =	simm.s32 $0x7A00  }
0x107: {  	[hbm4b:s1+s3] =	stream.linear.scatter [tilespmem:s6], [sflag:$0x3], $0x200, $0x38;
	[tilespmem:$0x1E000] =	vst v63  }
0x108: {  	s9 =	sadd.s32 $0x1C0, s17;
	s10 =	simm.s32 $0x7E00  }
0x109: {  	[hbm4b:s9+s3] =	stream.linear.scatter [tilespmem:s10], [sflag:$0x3], $0x200, $0x38;
	[tilespmem:$0x1E000] =	vst v63  }
0x10a: {  	s19 =	simm.s32 $0x8000;
	s11 =	rddreg [dreg:$0x17]  }
0x10b: {  	[hbm4b:s11+s3] =	stream.linear.scatter [tilespmem:s19], [sflag:$0x3], $0x200, $0x38;
	[tilespmem:$0x1E000] =	vst v63  }
0x10c: {  	s12 =	sadd.s32 $0x40, s11;
	s13 =	simm.s32 $0x8400  }
0x10d: {  	[hbm4b:s12+s3] =	stream.linear.scatter [tilespmem:s13], [sflag:$0x3], $0x200, $0x38;
	[tilespmem:$0x1E000] =	vst v63  }
0x10e: {  	s20 =	simm.s32 $0x8800;
	s18 =	sadd.s32 $0x80, s11  }
0x10f: {  	[hbm4b:s18+s3] =	stream.linear.scatter [tilespmem:s20], [sflag:$0x3], $0x200, $0x38;
	[tilespmem:$0x1E000] =	vst v63  }
0x110: {  	s19 =	sadd.s32 $0xC0, s11;
	s20 =	simm.s32 $0x8C00  }
0x111: {  	[hbm4b:s19+s3] =	stream.linear.scatter [tilespmem:s20], [sflag:$0x3], $0x200, $0x38;
	[tilespmem:$0x1E000] =	vst v63  }
0x112: {  	s22 =	simm.s32 $0x9000;
	s21 =	sadd.s32 $0x100, s11  }
0x113: {  	[hbm4b:s21+s3] =	stream.linear.scatter [tilespmem:s22], [sflag:$0x3], $0x200, $0x38;
	[tilespmem:$0x1E000] =	vst v63  }
0x114: {  	s29 =	sadd.s32 $0x140, s11;
	s30 =	simm.s32 $0x9400  }
0x115: {  	[hbm4b:s29+s3] =	stream.linear.scatter [tilespmem:s30], [sflag:$0x3], $0x200, $0x38;
	[tilespmem:$0x1E000] =	vst v63  }
0x116: {  	s23 =	simm.s32 $0x9800;
	s31 =	sadd.s32 $0x180, s11  }
0x117: {  	[hbm4b:s31+s3] =	stream.linear.scatter [tilespmem:s23], [sflag:$0x3], $0x200, $0x38;
	[tilespmem:$0x1E000] =	vst v63  }
0x118: {  	s1 =	sadd.s32 $0x1C0, s11;
	s6 =	simm.s32 $0x9C00  }
0x119: {  	[hbm4b:s1+s3] =	stream.linear.scatter [tilespmem:s6], [sflag:$0x3], $0x200, $0x38;
	[tilespmem:$0x1E000] =	vst v63  }
0x11a: {  	s9 =	rddreg [dreg:$0x18];
	s10 =	simm.s32 $0x8200  }
0x11b: {  	[hbm4b:s9+s3] =	stream.linear.scatter [tilespmem:s10], [sflag:$0x3], $0x200, $0x38;
	[tilespmem:$0x1E000] =	vst v63  }
0x11c: {  	s11 =	sadd.s32 $0x40, s9;
	s12 =	simm.s32 $0x8600  }
0x11d: {  	[hbm4b:s11+s3] =	stream.linear.scatter [tilespmem:s12], [sflag:$0x3], $0x200, $0x38;
	[tilespmem:$0x1E000] =	vst v63  }
0x11e: {  	s13 =	sadd.s32 $0x80, s9;
	s18 =	simm.s32 $0x8A00  }
0x11f: {  	[hbm4b:s13+s3] =	stream.linear.scatter [tilespmem:s18], [sflag:$0x3], $0x200, $0x38;
	[tilespmem:$0x1E000] =	vst v63  }
0x120: {  	s19 =	sadd.s32 $0xC0, s9;
	s20 =	simm.s32 $0x8E00  }
0x121: {  	[hbm4b:s19+s3] =	stream.linear.scatter [tilespmem:s20], [sflag:$0x3], $0x200, $0x38;
	[tilespmem:$0x1E000] =	vst v63  }
0x122: {  	s21 =	sadd.s32 $0x100, s9;
	s22 =	simm.s32 $0x9200  }
0x123: {  	[hbm4b:s21+s3] =	stream.linear.scatter [tilespmem:s22], [sflag:$0x3], $0x200, $0x38;
	[tilespmem:$0x1E000] =	vst v63  }
0x124: {  	s29 =	simm.s32 $0x9600;
	s23 =	sadd.s32 $0x140, s9  }
0x125: {  	[hbm4b:s23+s3] =	stream.linear.scatter [tilespmem:s29], [sflag:$0x3], $0x200, $0x38;
	[tilespmem:$0x1E000] =	vst v63  }
0x126: {  	s30 =	sadd.s32 $0x180, s9;
	s31 =	simm.s32 $0x9A00  }
0x127: {  	[hbm4b:s30+s3] =	stream.linear.scatter [tilespmem:s31], [sflag:$0x3], $0x200, $0x38;
	[tilespmem:$0x1E000] =	vst v63  }
0x128: {  	s1 =	sadd.s32 $0x1C0, s9;
	s6 =	simm.s32 $0x9E00  }
0x129: {  	[hbm4b:s1+s3] =	stream.linear.scatter [tilespmem:s6], [sflag:$0x3], $0x200, $0x38;
	[tilespmem:$0x1E000] =	vst v63  }
0x12a: {  	s25 =	simm.s32 $0xA000;
	s9 =	rddreg [dreg:$0x1c]  }
0x12b: {  	[hbm4b:s9+s3] =	stream.linear.scatter [tilespmem:s25], [sflag:$0x3], $0x200, $0x38;
	[tilespmem:$0x1E000] =	vst v63  }
0x12c: {  	s10 =	sadd.s32 $0x40, s9;
	s11 =	simm.s32 $0xA400  }
0x12d: {  	[hbm4b:s10+s3] =	stream.linear.scatter [tilespmem:s11], [sflag:$0x3], $0x200, $0x38;
	[tilespmem:$0x1E000] =	vst v63  }
0x12e: {  	s24 =	simm.s32 $0xA800;
	s12 =	sadd.s32 $0x80, s9  }
0x12f: {  	[hbm4b:s12+s3] =	stream.linear.scatter [tilespmem:s24], [sflag:$0x3], $0x200, $0x38;
	[tilespmem:$0x1E000] =	vst v63  }
0x130: {  	s13 =	sadd.s32 $0xC0, s9;
	s18 =	simm.s32 $0xAC00  }
0x131: {  	[hbm4b:s13+s3] =	stream.linear.scatter [tilespmem:s18], [sflag:$0x3], $0x200, $0x38;
	[tilespmem:$0x1E000] =	vst v63  }
0x132: {  	s26 =	simm.s32 $0xB000;
	s19 =	sadd.s32 $0x100, s9  }
0x133: {  	[hbm4b:s19+s3] =	stream.linear.scatter [tilespmem:s26], [sflag:$0x3], $0x200, $0x38;
	[tilespmem:$0x1E000] =	vst v63  }
0x134: {  	s20 =	sadd.s32 $0x140, s9;
	s21 =	simm.s32 $0xB400  }
0x135: {  	[hbm4b:s20+s3] =	stream.linear.scatter [tilespmem:s21], [sflag:$0x3], $0x200, $0x38;
	[tilespmem:$0x1E000] =	vst v63  }
0x136: {  	s28 =	simm.s32 $0xB800;
	s22 =	sadd.s32 $0x180, s9  }
0x137: {  	[hbm4b:s22+s3] =	stream.linear.scatter [tilespmem:s28], [sflag:$0x3], $0x200, $0x38;
	[tilespmem:$0x1E000] =	vst v63  }
0x138: {  	s23 =	sadd.s32 $0x1C0, s9;
	s24 =	simm.s32 $0xBC00  }
0x139: {  	[hbm4b:s23+s3] =	stream.linear.scatter [tilespmem:s24], [sflag:$0x3], $0x200, $0x38;
	[tilespmem:$0x1E000] =	vst v63  }
0x13a: {  	s25 =	rddreg [dreg:$0x1d];
	s26 =	simm.s32 $0xA200  }
0x13b: {  	[hbm4b:s25+s3] =	stream.linear.scatter [tilespmem:s26], [sflag:$0x3], $0x200, $0x38;
	[tilespmem:$0x1E000] =	vst v63  }
0x13c: {  	s29 =	simm.s32 $0xA600;
	s28 =	sadd.s32 $0x40, s25  }
0x13d: {  	[hbm4b:s28+s3] =	stream.linear.scatter [tilespmem:s29], [sflag:$0x3], $0x200, $0x38;
	[tilespmem:$0x1E000] =	vst v63  }
0x13e: {  	s31 =	simm.s32 $0xAA00;
	s30 =	sadd.s32 $0x80, s25  }
0x13f: {  	[hbm4b:s30+s3] =	stream.linear.scatter [tilespmem:s31], [sflag:$0x3], $0x200, $0x38;
	[tilespmem:$0x1E000] =	vst v63  }
0x140: {  	s6 =	simm.s32 $0xAE00;
	s1 =	sadd.s32 $0xC0, s25  }
0x141: {  	[hbm4b:s1+s3] =	stream.linear.scatter [tilespmem:s6], [sflag:$0x3], $0x200, $0x38;
	[tilespmem:$0x1E000] =	vst v63  }
0x142: {  	s9 =	sadd.s32 $0x100, s25;
	s10 =	simm.s32 $0xB200  }
0x143: {  	[hbm4b:s9+s3] =	stream.linear.scatter [tilespmem:s10], [sflag:$0x3], $0x200, $0x38;
	[tilespmem:$0x1E000] =	vst v63  }
0x144: {  	s11 =	sadd.s32 $0x140, s25;
	s12 =	simm.s32 $0xB600  }
0x145: {  	[hbm4b:s11+s3] =	stream.linear.scatter [tilespmem:s12], [sflag:$0x3], $0x200, $0x38;
	[tilespmem:$0x1E000] =	vst v63  }
0x146: {  	s13 =	sadd.s32 $0x180, s25;
	s18 =	simm.s32 $0xBA00  }
0x147: {  	[hbm4b:s13+s3] =	stream.linear.scatter [tilespmem:s18], [sflag:$0x3], $0x200, $0x38;
	[tilespmem:$0x1E000] =	vst v63  }
0x148: {  	s19 =	sadd.s32 $0x1C0, s25;
	s20 =	simm.s32 $0xBE00  }
0x149: {  	[hbm4b:s19+s3] =	stream.linear.scatter [tilespmem:s20], [sflag:$0x3], $0x200, $0x38;
	[tilespmem:$0x1E000] =	vst v63  }
0x14a: {  	s21 =	rddreg [dreg:$0x1e];
	s22 =	simm.s32 $0xC000  }
0x14b: {  	[hbm4b:s21+s3] =	stream.linear.scatter [tilespmem:s22], [sflag:$0x3], $0x200, $0x38;
	[tilespmem:$0x1E000] =	vst v63  }
0x14c: {  	s23 =	sadd.s32 $0x40, s21;
	s24 =	simm.s32 $0xC400  }
0x14d: {  	[hbm4b:s23+s3] =	stream.linear.scatter [tilespmem:s24], [sflag:$0x3], $0x200, $0x38;
	[tilespmem:$0x1E000] =	vst v63  }
0x14e: {  	s0 =	simm.s32 $0xC800;
	s25 =	sadd.s32 $0x80, s21  }
0x14f: {  	[hbm4b:s25+s3] =	stream.linear.scatter [tilespmem:s0], [sflag:$0x3], $0x200, $0x38;
	[tilespmem:$0x1E000] =	vst v63  }
0x150: {  	s26 =	sadd.s32 $0xC0, s21;
	s28 =	simm.s32 $0xCC00  }
0x151: {  	[hbm4b:s26+s3] =	stream.linear.scatter [tilespmem:s28], [sflag:$0x3], $0x200, $0x38;
	[tilespmem:$0x1E000] =	vst v63  }
0x152: {  	s2 =	simm.s32 $0xD000;
	s29 =	sadd.s32 $0x100, s21  }
0x153: {  	[hbm4b:s29+s3] =	stream.linear.scatter [tilespmem:s2], [sflag:$0x3], $0x200, $0x38;
	[tilespmem:$0x1E000] =	vst v63  }
0x154: {  	s30 =	sadd.s32 $0x140, s21;
	s31 =	simm.s32 $0xD400  }
0x155: {  	[hbm4b:s30+s3] =	stream.linear.scatter [tilespmem:s31], [sflag:$0x3], $0x200, $0x38;
	[tilespmem:$0x1E000] =	vst v63  }
0x156: {  	s1 =	simm.s32 $0xD800;
	s0 =	sadd.s32 $0x180, s21  }
0x157: {  	[hbm4b:s0+s3] =	stream.linear.scatter [tilespmem:s1], [sflag:$0x3], $0x200, $0x38;
	[tilespmem:$0x1E000] =	vst v63  }
0x158: {  	s6 =	simm.s32 $0xDC00;
	s9 =	sld [smem:$0x7D3];
	s2 =	sadd.s32 $0x1C0, s21  }
0x159: {  	[hbm4b:s2+s3] =	stream.linear.scatter [tilespmem:s6], [sflag:$0x3], $0x200, $0x38;
	[tilespmem:$0x1E000] =	vst v63  }
0x15a: {  	s10 =	simm.s32 $0xC200  }
0x15b: {  	[hbm4b:s9+s3] =	stream.linear.scatter [tilespmem:s10], [sflag:$0x3], $0x200, $0x38;
	[tilespmem:$0x1E000] =	vst v63  }
0x15c: {  	s12 =	simm.s32 $0xC600;
	s11 =	sadd.s32 $0x40, s9  }
0x15d: {  	[hbm4b:s11+s3] =	stream.linear.scatter [tilespmem:s12], [sflag:$0x3], $0x200, $0x38;
	[tilespmem:$0x1E000] =	vst v63  }
0x15e: {  	s13 =	sadd.s32 $0x80, s9;
	s18 =	simm.s32 $0xCA00  }
0x15f: {  	[hbm4b:s13+s3] =	stream.linear.scatter [tilespmem:s18], [sflag:$0x3], $0x200, $0x38;
	[tilespmem:$0x1E000] =	vst v63  }
0x160: {  	s19 =	sadd.s32 $0xC0, s9;
	s20 =	simm.s32 $0xCE00  }
0x161: {  	[hbm4b:s19+s3] =	stream.linear.scatter [tilespmem:s20], [sflag:$0x3], $0x200, $0x38;
	[tilespmem:$0x1E000] =	vst v63  }
0x162: {  	s22 =	simm.s32 $0xD200;
	s21 =	sadd.s32 $0x100, s9  }
0x163: {  	[hbm4b:s21+s3] =	stream.linear.scatter [tilespmem:s22], [sflag:$0x3], $0x200, $0x38;
	[tilespmem:$0x1E000] =	vst v63  }
0x164: {  	s23 =	sadd.s32 $0x140, s9;
	s24 =	simm.s32 $0xD600  }
0x165: {  	[hbm4b:s23+s3] =	stream.linear.scatter [tilespmem:s24], [sflag:$0x3], $0x200, $0x38;
	[tilespmem:$0x1E000] =	vst v63  }
0x166: {  	s25 =	sadd.s32 $0x180, s9;
	s26 =	simm.s32 $0xDA00  }
0x167: {  	[hbm4b:s25+s3] =	stream.linear.scatter [tilespmem:s26], [sflag:$0x3], $0x200, $0x38;
	[tilespmem:$0x1E000] =	vst v63  }
0x168: {  	s28 =	sadd.s32 $0x1C0, s9;
	s29 =	simm.s32 $0xDE00;
	s30 =	sld [smem:$0x7D4]  }
0x169: {  	[hbm4b:s28+s3] =	stream.linear.scatter [tilespmem:s29], [sflag:$0x3], $0x200, $0x38;
	[tilespmem:$0x1E000] =	vst v63  }
0x16a: {  	s31 =	simm.s32 $0xE000  }
0x16b: {  	[hbm4b:s30+s3] =	stream.linear.scatter [tilespmem:s31], [sflag:$0x3], $0x200, $0x38;
	[tilespmem:$0x1E000] =	vst v63  }
0x16c: {  	s1 =	simm.s32 $0xE400;
	s0 =	sadd.s32 $0x40, s30  }
0x16d: {  	[hbm4b:s0+s3] =	stream.linear.scatter [tilespmem:s1], [sflag:$0x3], $0x200, $0x38;
	[tilespmem:$0x1E000] =	vst v63  }
0x16e: {  	s2 =	sadd.s32 $0x80, s30;
	s6 =	simm.s32 $0xE800  }
0x16f: {  	[hbm4b:s2+s3] =	stream.linear.scatter [tilespmem:s6], [sflag:$0x3], $0x200, $0x38;
	[tilespmem:$0x1E000] =	vst v63  }
0x170: {  	s9 =	sadd.s32 $0xC0, s30;
	s10 =	simm.s32 $0xEC00  }
0x171: {  	[hbm4b:s9+s3] =	stream.linear.scatter [tilespmem:s10], [sflag:$0x3], $0x200, $0x38;
	[tilespmem:$0x1E000] =	vst v63  }
0x172: {  	s11 =	sadd.s32 $0x100, s30;
	s12 =	simm.s32 $0xF000  }
0x173: {  	[hbm4b:s11+s3] =	stream.linear.scatter [tilespmem:s12], [sflag:$0x3], $0x200, $0x38;
	[tilespmem:$0x1E000] =	vst v63  }
0x174: {  	s13 =	sadd.s32 $0x140, s30;
	s18 =	simm.s32 $0xF400  }
0x175: {  	[hbm4b:s13+s3] =	stream.linear.scatter [tilespmem:s18], [sflag:$0x3], $0x200, $0x38;
	[tilespmem:$0x1E000] =	vst v63  }
0x176: {  	s19 =	sadd.s32 $0x180, s30;
	s20 =	simm.s32 $0xF800  }
0x177: {  	[hbm4b:s19+s3] =	stream.linear.scatter [tilespmem:s20], [sflag:$0x3], $0x200, $0x38;
	[tilespmem:$0x1E000] =	vst v63  }
0x178: {  	s21 =	sadd.s32 $0x1C0, s30;
	s22 =	simm.s32 $0xFC00;
	s23 =	sld [smem:$0x7D5]  }
0x179: {  	[hbm4b:s21+s3] =	stream.linear.scatter [tilespmem:s22], [sflag:$0x3], $0x200, $0x38;
	[tilespmem:$0x1E000] =	vst v63  }
0x17a: {  	s24 =	simm.s32 $0xE200  }
0x17b: {  	[hbm4b:s23+s3] =	stream.linear.scatter [tilespmem:s24], [sflag:$0x3], $0x200, $0x38;
	[tilespmem:$0x1E000] =	vst v63  }
0x17c: {  	s26 =	simm.s32 $0xE600;
	s25 =	sadd.s32 $0x40, s23  }
0x17d: {  	[hbm4b:s25+s3] =	stream.linear.scatter [tilespmem:s26], [sflag:$0x3], $0x200, $0x38;
	[tilespmem:$0x1E000] =	vst v63  }
0x17e: {  	s28 =	sadd.s32 $0x80, s23;
	s29 =	simm.s32 $0xEA00  }
0x17f: {  	[hbm4b:s28+s3] =	stream.linear.scatter [tilespmem:s29], [sflag:$0x3], $0x200, $0x38;
	[tilespmem:$0x1E000] =	vst v63  }
0x180: {  	s30 =	sadd.s32 $0xC0, s23;
	s31 =	simm.s32 $0xEE00  }
0x181: {  	[hbm4b:s30+s3] =	stream.linear.scatter [tilespmem:s31], [sflag:$0x3], $0x200, $0x38;
	[tilespmem:$0x1E000] =	vst v63  }
0x182: {  	s0 =	sadd.s32 $0x100, s23;
	s1 =	simm.s32 $0xF200  }
0x183: {  	[hbm4b:s0+s3] =	stream.linear.scatter [tilespmem:s1], [sflag:$0x3], $0x200, $0x38;
	[tilespmem:$0x1E000] =	vst v63  }
0x184: {  	s2 =	sadd.s32 $0x140, s23;
	s6 =	simm.s32 $0xF600  }
0x185: {  	[hbm4b:s2+s3] =	stream.linear.scatter [tilespmem:s6], [sflag:$0x3], $0x200, $0x38;
	[tilespmem:$0x1E000] =	vst v63  }
0x186: {  	s9 =	sadd.s32 $0x180, s23;
	s10 =	simm.s32 $0xFA00  }
0x187: {  	[hbm4b:s9+s3] =	stream.linear.scatter [tilespmem:s10], [sflag:$0x3], $0x200, $0x38;
	[tilespmem:$0x1E000] =	vst v63  }
0x188: {  	s16 =	rddreg [dreg:$0x1f];
	s11 =	sadd.s32 $0x1C0, s23;
	s12 =	simm.s32 $0xFE00  }
0x189: {  	[hbm4b:s11+s3] =	stream.linear.scatter [tilespmem:s12], [sflag:$0x3], $0x200, $0x38;
	[tilespmem:$0x1E000] =	vst v63  }
0x18a: {  	v3 =	vld [tilespmem:s16+$0x0];
	_ =	sdelay $0x4  }
0x18b: {  	v52 =	vshll.u32 v3, $0x3  }
0x18c: {  	v3 =	vand.u32 $0x7, v3;
	v4 =	vand.u32 $0xFFFFFFC0, v52  }
0x18d: {  	v3 =	vor.u32 v3, v4  }
0x18e: {  	v4 =	vperm.xlane v3, v0;
	_ =	sdelay $0x1  }
0x18f: {  	v4 =	vadd.s32 v1, v4;
	_ =	sdelay $0x3  }
0x190: {  	s13 =	simm.s32 $0x10000  }
0x191: {  	[tilespmem:s13], [sflag:$0x2] =	stream.indirect_vreg.gather [hbm4b:s4+s3], $0x80, v4, vm0, $0xb8;
	[tilespmem:$0x1E000] =	vst v63  }
0x192: {  	s17 =	simm.s32 $0x10800;
	v3 =	vperm.xlane v3, v2  }
0x193: {  	[tilespmem:s17], [sflag:$0x2] =	stream.indirect_vreg.gather [hbm4b:s5+s3], $0x80, v4, vm0, $0xb8;
	[tilespmem:$0x1E000] =	vst v63  }
0x194: {  	s18 =	simm.s32 $0x11000;
	v3 =	vadd.s32 v1, v3  }
0x195: {  	[tilespmem:s18], [sflag:$0x2] =	stream.indirect_vreg.gather [hbm4b:s7+s3], $0x80, v4, vm0, $0xb8;
	[tilespmem:$0x1E000] =	vst v63  }
0x196: {  	s19 =	simm.s32 $0x11800  }
0x197: {  	[tilespmem:s19], [sflag:$0x2] =	stream.indirect_vreg.gather [hbm4b:s8+s3], $0x80, v4, vm0, $0xb8;
	[tilespmem:$0x1E000] =	vst v63  }
0x198: {  	s20 =	simm.s32 $0x12000  }
0x199: {  	[tilespmem:s20], [sflag:$0x2] =	stream.indirect_vreg.gather [hbm4b:s4+s3], $0x80, v3, vm0, $0xb8;
	[tilespmem:$0x1E000] =	vst v63  }
0x19a: {  	s22 =	simm.s32 $0x12800  }
0x19b: {  	[tilespmem:s22], [sflag:$0x2] =	stream.indirect_vreg.gather [hbm4b:s5+s3], $0x80, v3, vm0, $0xb8;
	[tilespmem:$0x1E000] =	vst v63  }
0x19c: {  	s23 =	simm.s32 $0x13000  }
0x19d: {  	[tilespmem:s23], [sflag:$0x2] =	stream.indirect_vreg.gather [hbm4b:s7+s3], $0x80, v3, vm0, $0xb8;
	[tilespmem:$0x1E000] =	vst v63  }
0x19e: {  	s24 =	simm.s32 $0x13800  }
0x19f: {  	[tilespmem:s24], [sflag:$0x2] =	stream.indirect_vreg.gather [hbm4b:s8+s3], $0x80, v3, vm0, $0xb8;
	[tilespmem:$0x1E000] =	vst v63  }
0x1a0: {  	v3 =	vld [tilespmem:s16+$0x10];
	_ =	sdelay $0x4  }
0x1a1: {  	v53 =	vshll.u32 v3, $0x3  }
0x1a2: {  	v3 =	vand.u32 $0x7, v3;
	v4 =	vand.u32 $0xFFFFFFC0, v53  }
0x1a3: {  	v3 =	vor.u32 v3, v4  }
0x1a4: {  	v4 =	vperm.xlane v3, v0;
	_ =	sdelay $0x1  }
0x1a5: {  	v4 =	vadd.s32 v1, v4;
	_ =	sdelay $0x3  }
0x1a6: {  	s25 =	simm.s32 $0x14000  }
0x1a7: {  	[tilespmem:s25], [sflag:$0x2] =	stream.indirect_vreg.gather [hbm4b:s4+s3], $0x80, v4, vm0, $0xb8;
	[tilespmem:$0x1E000] =	vst v63  }
0x1a8: {  	s26 =	simm.s32 $0x14800;
	v3 =	vperm.xlane v3, v2  }
0x1a9: {  	[tilespmem:s26], [sflag:$0x2] =	stream.indirect_vreg.gather [hbm4b:s5+s3], $0x80, v4, vm0, $0xb8;
	[tilespmem:$0x1E000] =	vst v63  }
0x1aa: {  	s28 =	simm.s32 $0x15000;
	v3 =	vadd.s32 v1, v3  }
0x1ab: {  	[tilespmem:s28], [sflag:$0x2] =	stream.indirect_vreg.gather [hbm4b:s7+s3], $0x80, v4, vm0, $0xb8;
	[tilespmem:$0x1E000] =	vst v63  }
0x1ac: {  	s29 =	simm.s32 $0x15800  }
0x1ad: {  	[tilespmem:s29], [sflag:$0x2] =	stream.indirect_vreg.gather [hbm4b:s8+s3], $0x80, v4, vm0, $0xb8;
	[tilespmem:$0x1E000] =	vst v63  }
0x1ae: {  	s31 =	simm.s32 $0x16000  }
0x1af: {  	[tilespmem:s31], [sflag:$0x2] =	stream.indirect_vreg.gather [hbm4b:s4+s3], $0x80, v3, vm0, $0xb8;
	[tilespmem:$0x1E000] =	vst v63  }
0x1b0: {  	s2 =	simm.s32 $0x16800  }
0x1b1: {  	[tilespmem:s2], [sflag:$0x2] =	stream.indirect_vreg.gather [hbm4b:s5+s3], $0x80, v3, vm0, $0xb8;
	[tilespmem:$0x1E000] =	vst v63  }
0x1b2: {  	s17 =	simm.s32 $0x17000  }
0x1b3: {  	[tilespmem:s17], [sflag:$0x2] =	stream.indirect_vreg.gather [hbm4b:s7+s3], $0x80, v3, vm0, $0xb8;
	[tilespmem:$0x1E000] =	vst v63  }
0x1b4: {  	s18 =	simm.s32 $0x17800  }
0x1b5: {  	[tilespmem:s18], [sflag:$0x2] =	stream.indirect_vreg.gather [hbm4b:s8+s3], $0x80, v3, vm0, $0xb8;
	[tilespmem:$0x1E000] =	vst v63  }
0x1b6: {  	v3 =	vld [tilespmem:s16+$0x20];
	_ =	sdelay $0x4  }
0x1b7: {  	v54 =	vshll.u32 v3, $0x3  }
0x1b8: {  	v3 =	vand.u32 $0x7, v3;
	v4 =	vand.u32 $0xFFFFFFC0, v54  }
0x1b9: {  	v3 =	vor.u32 v3, v4  }
0x1ba: {  	v4 =	vperm.xlane v3, v0;
	_ =	sdelay $0x1  }
0x1bb: {  	v4 =	vadd.s32 v1, v4;
	_ =	sdelay $0x3  }
0x1bc: {  	s19 =	simm.s32 $0x18000  }
0x1bd: {  	[tilespmem:s19], [sflag:$0x2] =	stream.indirect_vreg.gather [hbm4b:s4+s3], $0x80, v4, vm0, $0xb8;
	[tilespmem:$0x1E000] =	vst v63  }
0x1be: {  	s20 =	simm.s32 $0x18800;
	v3 =	vperm.xlane v3, v2  }
0x1bf: {  	[tilespmem:s20], [sflag:$0x2] =	stream.indirect_vreg.gather [hbm4b:s5+s3], $0x80, v4, vm0, $0xb8;
	[tilespmem:$0x1E000] =	vst v63  }
0x1c0: {  	s26 =	simm.s32 $0x19000;
	v3 =	vadd.s32 v1, v3  }
0x1c1: {  	[tilespmem:s26], [sflag:$0x2] =	stream.indirect_vreg.gather [hbm4b:s7+s3], $0x80, v4, vm0, $0xb8;
	[tilespmem:$0x1E000] =	vst v63  }
0x1c2: {  	s28 =	simm.s32 $0x19800  }
0x1c3: {  	[tilespmem:s28], [sflag:$0x2] =	stream.indirect_vreg.gather [hbm4b:s8+s3], $0x80, v4, vm0, $0xb8;
	[tilespmem:$0x1E000] =	vst v63  }
0x1c4: {  	s20 =	simm.s32 $0x1A000  }
0x1c5: {  	[tilespmem:s20], [sflag:$0x2] =	stream.indirect_vreg.gather [hbm4b:s4+s3], $0x80, v3, vm0, $0xb8;
	[tilespmem:$0x1E000] =	vst v63  }
0x1c6: {  	s26 =	simm.s32 $0x1A800  }
0x1c7: {  	[tilespmem:s26], [sflag:$0x2] =	stream.indirect_vreg.gather [hbm4b:s5+s3], $0x80, v3, vm0, $0xb8;
	[tilespmem:$0x1E000] =	vst v63  }
0x1c8: {  	s26 =	simm.s32 $0x1B000  }
0x1c9: {  	[tilespmem:s26], [sflag:$0x2] =	stream.indirect_vreg.gather [hbm4b:s7+s3], $0x80, v3, vm0, $0xb8;
	[tilespmem:$0x1E000] =	vst v63  }
0x1ca: {  	s26 =	simm.s32 $0x1B800  }
0x1cb: {  	[tilespmem:s26], [sflag:$0x2] =	stream.indirect_vreg.gather [hbm4b:s8+s3], $0x80, v3, vm0, $0xb8;
	[tilespmem:$0x1E000] =	vst v63  }
0x1cc: {  	v3 =	vld.msk [tilespmem:s16+$0x30], $0xff;
	_ =	sdelay $0x4  }
0x1cd: {  	v55 =	vshll.u32 v3, $0x3  }
0x1ce: {  	v3 =	vand.u32 $0x7, v3;
	v4 =	vand.u32 $0xFFFFFFC0, v55  }
0x1cf: {  	v3 =	vor.u32 v3, v4  }
0x1d0: {  	v3 =	vperm.xlane v3, v0;
	_ =	sdelay $0x1  }
0x1d1: {  	v3 =	vadd.s32 v1, v3;
	_ =	sdelay $0x3  }
0x1d2: {  	s26 =	simm.s32 $0x1C000  }
0x1d3: {  	[tilespmem:s26], [sflag:$0x2] =	stream.indirect_vreg.gather [hbm4b:s4+s3], $0x80, v3, vm0, $0xb8;
	[tilespmem:$0x1E000] =	vst v63  }
0x1d4: {  	s17 =	simm.s32 $0x1C800  }
0x1d5: {  	[tilespmem:s17], [sflag:$0x2] =	stream.indirect_vreg.gather [hbm4b:s5+s3], $0x80, v3, vm0, $0xb8;
	[tilespmem:$0x1E000] =	vst v63  }
0x1d6: {  	s17 =	simm.s32 $0x1D000  }
0x1d7: {  	[tilespmem:s17], [sflag:$0x2] =	stream.indirect_vreg.gather [hbm4b:s7+s3], $0x80, v3, vm0, $0xb8;
	[tilespmem:$0x1E000] =	vst v63  }
0x1d8: {  	s17 =	simm.s32 $0x1D800  }
0x1d9: {  	[tilespmem:s17], [sflag:$0x2] =	stream.indirect_vreg.gather [hbm4b:s8+s3], $0x80, v3, vm0, $0xb8;
	[tilespmem:$0x1E000] =	vst v63  }
0x1da: {  	s17 =	simm.s32 $0x2  }
0x1db: {  	_ =	swait.ge [sflag:s17], $0xE000  }
0x1dc: {  	[sflag:s17] =	ssyncset.done $0x0  }
0x1dd: {  	s30 =	simm.s32 $0x10000;
	[sflag:s17] =	ssyncadd.s32 $0xFFFF2000;
	s17 =	rddreg [dreg:$0x19]  }
0x1de: {  	[hbm4b:s17+s3] =	stream.linear.scatter [tilespmem:s30], [sflag:$0x4], $0x200, $0x38;
	[tilespmem:$0x1E000] =	vst v63  }
0x1df: {  	s16 =	sadd.s32 $0x40, s17;
	s30 =	simm.s32 $0x10400  }
0x1e0: {  	[hbm4b:s16+s3] =	stream.linear.scatter [tilespmem:s30], [sflag:$0x4], $0x200, $0x38;
	[tilespmem:$0x1E000] =	vst v63  }
0x1e1: {  	s1 =	simm.s32 $0x10800;
	s30 =	sadd.s32 $0x80, s17  }
0x1e2: {  	[hbm4b:s30+s3] =	stream.linear.scatter [tilespmem:s1], [sflag:$0x4], $0x200, $0x38;
	[tilespmem:$0x1E000] =	vst v63  }
0x1e3: {  	s1 =	sadd.s32 $0xC0, s17;
	s30 =	simm.s32 $0x10C00  }
0x1e4: {  	[hbm4b:s1+s3] =	stream.linear.scatter [tilespmem:s30], [sflag:$0x4], $0x200, $0x38;
	[tilespmem:$0x1E000] =	vst v63  }
0x1e5: {  	s21 =	simm.s32 $0x11000;
	s30 =	sadd.s32 $0x100, s17  }
0x1e6: {  	[hbm4b:s30+s3] =	stream.linear.scatter [tilespmem:s21], [sflag:$0x4], $0x200, $0x38;
	[tilespmem:$0x1E000] =	vst v63  }
0x1e7: {  	s1 =	sadd.s32 $0x140, s17;
	s21 =	simm.s32 $0x11400  }
0x1e8: {  	[hbm4b:s1+s3] =	stream.linear.scatter [tilespmem:s21], [sflag:$0x4], $0x200, $0x38;
	[tilespmem:$0x1E000] =	vst v63  }
0x1e9: {  	s6 =	simm.s32 $0x11800;
	s30 =	sadd.s32 $0x180, s17  }
0x1ea: {  	[hbm4b:s30+s3] =	stream.linear.scatter [tilespmem:s6], [sflag:$0x4], $0x200, $0x38;
	[tilespmem:$0x1E000] =	vst v63  }
0x1eb: {  	s1 =	sadd.s32 $0x1C0, s17;
	s17 =	sld [smem:$0x7D6];
	s6 =	simm.s32 $0x11C00  }
0x1ec: {  	[hbm4b:s1+s3] =	stream.linear.scatter [tilespmem:s6], [sflag:$0x4], $0x200, $0x38;
	[tilespmem:$0x1E000] =	vst v63  }
0x1ed: {  	s16 =	simm.s32 $0x10200  }
0x1ee: {  	[hbm4b:s17+s3] =	stream.linear.scatter [tilespmem:s16], [sflag:$0x4], $0x200, $0x38;
	[tilespmem:$0x1E000] =	vst v63  }
0x1ef: {  	s30 =	simm.s32 $0x10600;
	s21 =	sadd.s32 $0x40, s17  }
0x1f0: {  	[hbm4b:s21+s3] =	stream.linear.scatter [tilespmem:s30], [sflag:$0x4], $0x200, $0x38;
	[tilespmem:$0x1E000] =	vst v63  }
0x1f1: {  	s1 =	sadd.s32 $0x80, s17;
	s6 =	simm.s32 $0x10A00  }
0x1f2: {  	[hbm4b:s1+s3] =	stream.linear.scatter [tilespmem:s6], [sflag:$0x4], $0x200, $0x38;
	[tilespmem:$0x1E000] =	vst v63  }
0x1f3: {  	s21 =	sadd.s32 $0xC0, s17;
	s30 =	simm.s32 $0x10E00  }
0x1f4: {  	[hbm4b:s21+s3] =	stream.linear.scatter [tilespmem:s30], [sflag:$0x4], $0x200, $0x38;
	[tilespmem:$0x1E000] =	vst v63  }
0x1f5: {  	s1 =	sadd.s32 $0x100, s17;
	s6 =	simm.s32 $0x11200  }
0x1f6: {  	[hbm4b:s1+s3] =	stream.linear.scatter [tilespmem:s6], [sflag:$0x4], $0x200, $0x38;
	[tilespmem:$0x1E000] =	vst v63  }
0x1f7: {  	s21 =	sadd.s32 $0x140, s17;
	s30 =	simm.s32 $0x11600  }
0x1f8: {  	[hbm4b:s21+s3] =	stream.linear.scatter [tilespmem:s30], [sflag:$0x4], $0x200, $0x38;
	[tilespmem:$0x1E000] =	vst v63  }
0x1f9: {  	s1 =	sadd.s32 $0x180, s17;
	s6 =	simm.s32 $0x11A00  }
0x1fa: {  	[hbm4b:s1+s3] =	stream.linear.scatter [tilespmem:s6], [sflag:$0x4], $0x200, $0x38;
	[tilespmem:$0x1E000] =	vst v63  }
0x1fb: {  	s21 =	sadd.s32 $0x1C0, s17;
	s30 =	simm.s32 $0x11E00;
	s17 =	sld [smem:$0x7D7]  }
0x1fc: {  	[hbm4b:s21+s3] =	stream.linear.scatter [tilespmem:s30], [sflag:$0x4], $0x200, $0x38;
	[tilespmem:$0x1E000] =	vst v63  }
0x1fd: {  	s13 =	simm.s32 $0x12000  }
0x1fe: {  	[hbm4b:s17+s3] =	stream.linear.scatter [tilespmem:s13], [sflag:$0x4], $0x200, $0x38;
	[tilespmem:$0x1E000] =	vst v63  }
0x1ff: {  	s6 =	simm.s32 $0x12400;
	s1 =	sadd.s32 $0x40, s17  }
0x200: {  	[hbm4b:s1+s3] =	stream.linear.scatter [tilespmem:s6], [sflag:$0x4], $0x200, $0x38;
	[tilespmem:$0x1E000] =	vst v63  }
0x201: {  	s12 =	simm.s32 $0x12800;
	s13 =	sadd.s32 $0x80, s17  }
0x202: {  	[hbm4b:s13+s3] =	stream.linear.scatter [tilespmem:s12], [sflag:$0x4], $0x200, $0x38;
	[tilespmem:$0x1E000] =	vst v63  }
0x203: {  	s21 =	sadd.s32 $0xC0, s17;
	s30 =	simm.s32 $0x12C00  }
0x204: {  	[hbm4b:s21+s3] =	stream.linear.scatter [tilespmem:s30], [sflag:$0x4], $0x200, $0x38;
	[tilespmem:$0x1E000] =	vst v63  }
0x205: {  	s11 =	simm.s32 $0x13000;
	s6 =	sadd.s32 $0x100, s17  }
0x206: {  	[hbm4b:s6+s3] =	stream.linear.scatter [tilespmem:s11], [sflag:$0x4], $0x200, $0x38;
	[tilespmem:$0x1E000] =	vst v63  }
0x207: {  	s12 =	simm.s32 $0x13400;
	s11 =	sadd.s32 $0x140, s17  }
0x208: {  	[hbm4b:s11+s3] =	stream.linear.scatter [tilespmem:s12], [sflag:$0x4], $0x200, $0x38;
	[tilespmem:$0x1E000] =	vst v63  }
0x209: {  	s10 =	simm.s32 $0x13800;
	s13 =	sadd.s32 $0x180, s17  }
0x20a: {  	[hbm4b:s13+s3] =	stream.linear.scatter [tilespmem:s10], [sflag:$0x4], $0x200, $0x38;
	[tilespmem:$0x1E000] =	vst v63  }
0x20b: {  	s21 =	sadd.s32 $0x1C0, s17;
	s30 =	simm.s32 $0x13C00;
	s17 =	sld [smem:$0x7D8]  }
0x20c: {  	[hbm4b:s21+s3] =	stream.linear.scatter [tilespmem:s30], [sflag:$0x4], $0x200, $0x38;
	[tilespmem:$0x1E000] =	vst v63  }
0x20d: {  	s6 =	simm.s32 $0x12200  }
0x20e: {  	[hbm4b:s17+s3] =	stream.linear.scatter [tilespmem:s6], [sflag:$0x4], $0x200, $0x38;
	[tilespmem:$0x1E000] =	vst v63  }
0x20f: {  	s11 =	simm.s32 $0x12600;
	s10 =	sadd.s32 $0x40, s17  }
0x210: {  	[hbm4b:s10+s3] =	stream.linear.scatter [tilespmem:s11], [sflag:$0x4], $0x200, $0x38;
	[tilespmem:$0x1E000] =	vst v63  }
0x211: {  	s12 =	sadd.s32 $0x80, s17;
	s13 =	simm.s32 $0x12A00  }
0x212: {  	[hbm4b:s12+s3] =	stream.linear.scatter [tilespmem:s13], [sflag:$0x4], $0x200, $0x38;
	[tilespmem:$0x1E000] =	vst v63  }
0x213: {  	s21 =	sadd.s32 $0xC0, s17;
	s30 =	simm.s32 $0x12E00  }
0x214: {  	[hbm4b:s21+s3] =	stream.linear.scatter [tilespmem:s30], [sflag:$0x4], $0x200, $0x38;
	[tilespmem:$0x1E000] =	vst v63  }
0x215: {  	s1 =	sadd.s32 $0x100, s17;
	s6 =	simm.s32 $0x13200  }
0x216: {  	[hbm4b:s1+s3] =	stream.linear.scatter [tilespmem:s6], [sflag:$0x4], $0x200, $0x38;
	[tilespmem:$0x1E000] =	vst v63  }
0x217: {  	s10 =	sadd.s32 $0x140, s17;
	s11 =	simm.s32 $0x13600  }
0x218: {  	[hbm4b:s10+s3] =	stream.linear.scatter [tilespmem:s11], [sflag:$0x4], $0x200, $0x38;
	[tilespmem:$0x1E000] =	vst v63  }
0x219: {  	s12 =	sadd.s32 $0x180, s17;
	s13 =	simm.s32 $0x13A00  }
0x21a: {  	[hbm4b:s12+s3] =	stream.linear.scatter [tilespmem:s13], [sflag:$0x4], $0x200, $0x38;
	[tilespmem:$0x1E000] =	vst v63  }
0x21b: {  	s17 =	sadd.s32 $0x1C0, s17;
	s21 =	simm.s32 $0x13E00;
	s30 =	sld [smem:$0x7D9]  }
0x21c: {  	[hbm4b:s17+s3] =	stream.linear.scatter [tilespmem:s21], [sflag:$0x4], $0x200, $0x38;
	[tilespmem:$0x1E000] =	vst v63  }
0x21d: {  	s9 =	simm.s32 $0x14000  }
0x21e: {  	[hbm4b:s30+s3] =	stream.linear.scatter [tilespmem:s9], [sflag:$0x4], $0x200, $0x38;
	[tilespmem:$0x1E000] =	vst v63  }
0x21f: {  	s6 =	simm.s32 $0x14400;
	s1 =	sadd.s32 $0x40, s30  }
0x220: {  	[hbm4b:s1+s3] =	stream.linear.scatter [tilespmem:s6], [sflag:$0x4], $0x200, $0x38;
	[tilespmem:$0x1E000] =	vst v63  }
0x221: {  	s25 =	simm.s32 $0x14800;
	s9 =	sadd.s32 $0x80, s30  }
0x222: {  	[hbm4b:s9+s3] =	stream.linear.scatter [tilespmem:s25], [sflag:$0x4], $0x200, $0x38;
	[tilespmem:$0x1E000] =	vst v63  }
0x223: {  	s10 =	sadd.s32 $0xC0, s30;
	s11 =	simm.s32 $0x14C00  }
0x224: {  	[hbm4b:s10+s3] =	stream.linear.scatter [tilespmem:s11], [sflag:$0x4], $0x200, $0x38;
	[tilespmem:$0x1E000] =	vst v63  }
0x225: {  	s24 =	simm.s32 $0x15000;
	s12 =	sadd.s32 $0x100, s30  }
0x226: {  	[hbm4b:s12+s3] =	stream.linear.scatter [tilespmem:s24], [sflag:$0x4], $0x200, $0x38;
	[tilespmem:$0x1E000] =	vst v63  }
0x227: {  	s13 =	sadd.s32 $0x140, s30;
	s21 =	simm.s32 $0x15400  }
0x228: {  	[hbm4b:s13+s3] =	stream.linear.scatter [tilespmem:s21], [sflag:$0x4], $0x200, $0x38;
	[tilespmem:$0x1E000] =	vst v63  }
0x229: {  	s23 =	simm.s32 $0x15800;
	s24 =	sadd.s32 $0x180, s30  }
0x22a: {  	[hbm4b:s24+s3] =	stream.linear.scatter [tilespmem:s23], [sflag:$0x4], $0x200, $0x38;
	[tilespmem:$0x1E000] =	vst v63  }
0x22b: {  	s17 =	sld [smem:$0x7DA];
	s25 =	sadd.s32 $0x1C0, s30;
	s30 =	simm.s32 $0x15C00  }
0x22c: {  	[hbm4b:s25+s3] =	stream.linear.scatter [tilespmem:s30], [sflag:$0x4], $0x200, $0x38;
	[tilespmem:$0x1E000] =	vst v63  }
0x22d: {  	s6 =	simm.s32 $0x14200  }
0x22e: {  	[hbm4b:s17+s3] =	stream.linear.scatter [tilespmem:s6], [sflag:$0x4], $0x200, $0x38;
	[tilespmem:$0x1E000] =	vst v63  }
0x22f: {  	s9 =	sadd.s32 $0x40, s17;
	s10 =	simm.s32 $0x14600  }
0x230: {  	[hbm4b:s9+s3] =	stream.linear.scatter [tilespmem:s10], [sflag:$0x4], $0x200, $0x38;
	[tilespmem:$0x1E000] =	vst v63  }
0x231: {  	s11 =	sadd.s32 $0x80, s17;
	s12 =	simm.s32 $0x14A00  }
0x232: {  	[hbm4b:s11+s3] =	stream.linear.scatter [tilespmem:s12], [sflag:$0x4], $0x200, $0x38;
	[tilespmem:$0x1E000] =	vst v63  }
0x233: {  	s13 =	sadd.s32 $0xC0, s17;
	s21 =	simm.s32 $0x14E00  }
0x234: {  	[hbm4b:s13+s3] =	stream.linear.scatter [tilespmem:s21], [sflag:$0x4], $0x200, $0x38;
	[tilespmem:$0x1E000] =	vst v63  }
0x235: {  	s23 =	sadd.s32 $0x100, s17;
	s24 =	simm.s32 $0x15200  }
0x236: {  	[hbm4b:s23+s3] =	stream.linear.scatter [tilespmem:s24], [sflag:$0x4], $0x200, $0x38;
	[tilespmem:$0x1E000] =	vst v63  }
0x237: {  	s25 =	sadd.s32 $0x140, s17;
	s30 =	simm.s32 $0x15600  }
0x238: {  	[hbm4b:s25+s3] =	stream.linear.scatter [tilespmem:s30], [sflag:$0x4], $0x200, $0x38;
	[tilespmem:$0x1E000] =	vst v63  }
0x239: {  	s1 =	sadd.s32 $0x180, s17;
	s6 =	simm.s32 $0x15A00  }
0x23a: {  	[hbm4b:s1+s3] =	stream.linear.scatter [tilespmem:s6], [sflag:$0x4], $0x200, $0x38;
	[tilespmem:$0x1E000] =	vst v63  }
0x23b: {  	s9 =	sadd.s32 $0x1C0, s17;
	s10 =	simm.s32 $0x15E00;
	s11 =	sld [smem:$0x7DB]  }
0x23c: {  	[hbm4b:s9+s3] =	stream.linear.scatter [tilespmem:s10], [sflag:$0x4], $0x200, $0x38;
	[tilespmem:$0x1E000] =	vst v63  }
0x23d: {  	s22 =	simm.s32 $0x16000  }
0x23e: {  	[hbm4b:s11+s3] =	stream.linear.scatter [tilespmem:s22], [sflag:$0x4], $0x200, $0x38;
	[tilespmem:$0x1E000] =	vst v63  }
0x23f: {  	s13 =	simm.s32 $0x16400;
	s12 =	sadd.s32 $0x40, s11  }
0x240: {  	[hbm4b:s12+s3] =	stream.linear.scatter [tilespmem:s13], [sflag:$0x4], $0x200, $0x38;
	[tilespmem:$0x1E000] =	vst v63  }
0x241: {  	s31 =	simm.s32 $0x16800;
	s21 =	sadd.s32 $0x80, s11  }
0x242: {  	[hbm4b:s21+s3] =	stream.linear.scatter [tilespmem:s31], [sflag:$0x4], $0x200, $0x38;
	[tilespmem:$0x1E000] =	vst v63  }
0x243: {  	s23 =	simm.s32 $0x16C00;
	s22 =	sadd.s32 $0xC0, s11  }
0x244: {  	[hbm4b:s22+s3] =	stream.linear.scatter [tilespmem:s23], [sflag:$0x4], $0x200, $0x38;
	[tilespmem:$0x1E000] =	vst v63  }
0x245: {  	s0 =	simm.s32 $0x17000;
	s24 =	sadd.s32 $0x100, s11  }
0x246: {  	[hbm4b:s24+s3] =	stream.linear.scatter [tilespmem:s0], [sflag:$0x4], $0x200, $0x38;
	[tilespmem:$0x1E000] =	vst v63  }
0x247: {  	s25 =	sadd.s32 $0x140, s11;
	s30 =	simm.s32 $0x17400  }
0x248: {  	[hbm4b:s25+s3] =	stream.linear.scatter [tilespmem:s30], [sflag:$0x4], $0x200, $0x38;
	[tilespmem:$0x1E000] =	vst v63  }
0x249: {  	s2 =	simm.s32 $0x17800;
	s31 =	sadd.s32 $0x180, s11  }
0x24a: {  	[hbm4b:s31+s3] =	stream.linear.scatter [tilespmem:s2], [sflag:$0x4], $0x200, $0x38;
	[tilespmem:$0x1E000] =	vst v63  }
0x24b: {  	s1 =	simm.s32 $0x17C00;
	s0 =	sadd.s32 $0x1C0, s11;
	s2 =	sld [smem:$0x7DC]  }
0x24c: {  	[hbm4b:s0+s3] =	stream.linear.scatter [tilespmem:s1], [sflag:$0x4], $0x200, $0x38;
	[tilespmem:$0x1E000] =	vst v63  }
0x24d: {  	s6 =	simm.s32 $0x16200  }
0x24e: {  	[hbm4b:s2+s3] =	stream.linear.scatter [tilespmem:s6], [sflag:$0x4], $0x200, $0x38;
	[tilespmem:$0x1E000] =	vst v63  }
0x24f: {  	s10 =	simm.s32 $0x16600;
	s9 =	sadd.s32 $0x40, s2  }
0x250: {  	[hbm4b:s9+s3] =	stream.linear.scatter [tilespmem:s10], [sflag:$0x4], $0x200, $0x38;
	[tilespmem:$0x1E000] =	vst v63  }
0x251: {  	s12 =	simm.s32 $0x16A00;
	s11 =	sadd.s32 $0x80, s2  }
0x252: {  	[hbm4b:s11+s3] =	stream.linear.scatter [tilespmem:s12], [sflag:$0x4], $0x200, $0x38;
	[tilespmem:$0x1E000] =	vst v63  }
0x253: {  	s21 =	simm.s32 $0x16E00;
	s13 =	sadd.s32 $0xC0, s2  }
0x254: {  	[hbm4b:s13+s3] =	stream.linear.scatter [tilespmem:s21], [sflag:$0x4], $0x200, $0x38;
	[tilespmem:$0x1E000] =	vst v63  }
0x255: {  	s23 =	simm.s32 $0x17200;
	s22 =	sadd.s32 $0x100, s2  }
0x256: {  	[hbm4b:s22+s3] =	stream.linear.scatter [tilespmem:s23], [sflag:$0x4], $0x200, $0x38;
	[tilespmem:$0x1E000] =	vst v63  }
0x257: {  	s25 =	simm.s32 $0x17600;
	s24 =	sadd.s32 $0x140, s2  }
0x258: {  	[hbm4b:s24+s3] =	stream.linear.scatter [tilespmem:s25], [sflag:$0x4], $0x200, $0x38;
	[tilespmem:$0x1E000] =	vst v63  }
0x259: {  	s31 =	simm.s32 $0x17A00;
	s30 =	sadd.s32 $0x180, s2  }
0x25a: {  	[hbm4b:s30+s3] =	stream.linear.scatter [tilespmem:s31], [sflag:$0x4], $0x200, $0x38;
	[tilespmem:$0x1E000] =	vst v63  }
0x25b: {  	s1 =	simm.s32 $0x17E00;
	s0 =	sadd.s32 $0x1C0, s2;
	s2 =	sld [smem:$0x7DD]  }
0x25c: {  	[hbm4b:s0+s3] =	stream.linear.scatter [tilespmem:s1], [sflag:$0x4], $0x200, $0x38;
	[tilespmem:$0x1E000] =	vst v63  }
0x25d: {  	s18 =	simm.s32 $0x18000  }
0x25e: {  	[hbm4b:s2+s3] =	stream.linear.scatter [tilespmem:s18], [sflag:$0x4], $0x200, $0x38;
	[tilespmem:$0x1E000] =	vst v63  }
0x25f: {  	s9 =	simm.s32 $0x18400;
	s6 =	sadd.s32 $0x40, s2  }
0x260: {  	[hbm4b:s6+s3] =	stream.linear.scatter [tilespmem:s9], [sflag:$0x4], $0x200, $0x38;
	[tilespmem:$0x1E000] =	vst v63  }
0x261: {  	s19 =	simm.s32 $0x18800;
	s10 =	sadd.s32 $0x80, s2  }
0x262: {  	[hbm4b:s10+s3] =	stream.linear.scatter [tilespmem:s19], [sflag:$0x4], $0x200, $0x38;
	[tilespmem:$0x1E000] =	vst v63  }
0x263: {  	s11 =	sadd.s32 $0xC0, s2;
	s12 =	simm.s32 $0x18C00  }
0x264: {  	[hbm4b:s11+s3] =	stream.linear.scatter [tilespmem:s12], [sflag:$0x4], $0x200, $0x38;
	[tilespmem:$0x1E000] =	vst v63  }
0x265: {  	s29 =	simm.s32 $0x19000;
	s13 =	sadd.s32 $0x100, s2  }
0x266: {  	[hbm4b:s13+s3] =	stream.linear.scatter [tilespmem:s29], [sflag:$0x4], $0x200, $0x38;
	[tilespmem:$0x1E000] =	vst v63  }
0x267: {  	s18 =	sadd.s32 $0x140, s2;
	s19 =	simm.s32 $0x19400  }
0x268: {  	[hbm4b:s18+s3] =	stream.linear.scatter [tilespmem:s19], [sflag:$0x4], $0x200, $0x38;
	[tilespmem:$0x1E000] =	vst v63  }
0x269: {  	s28 =	simm.s32 $0x19800;
	s21 =	sadd.s32 $0x180, s2  }
0x26a: {  	[hbm4b:s21+s3] =	stream.linear.scatter [tilespmem:s28], [sflag:$0x4], $0x200, $0x38;
	[tilespmem:$0x1E000] =	vst v63  }
0x26b: {  	s22 =	sadd.s32 $0x1C0, s2;
	s23 =	simm.s32 $0x19C00;
	s24 =	sld [smem:$0x7DE]  }
0x26c: {  	[hbm4b:s22+s3] =	stream.linear.scatter [tilespmem:s23], [sflag:$0x4], $0x200, $0x38;
	[tilespmem:$0x1E000] =	vst v63  }
0x26d: {  	s25 =	simm.s32 $0x18200  }
0x26e: {  	[hbm4b:s24+s3] =	stream.linear.scatter [tilespmem:s25], [sflag:$0x4], $0x200, $0x38;
	[tilespmem:$0x1E000] =	vst v63  }
0x26f: {  	s29 =	simm.s32 $0x18600;
	s28 =	sadd.s32 $0x40, s24  }
0x270: {  	[hbm4b:s28+s3] =	stream.linear.scatter [tilespmem:s29], [sflag:$0x4], $0x200, $0x38;
	[tilespmem:$0x1E000] =	vst v63  }
0x271: {  	s31 =	simm.s32 $0x18A00;
	s30 =	sadd.s32 $0x80, s24  }
0x272: {  	[hbm4b:s30+s3] =	stream.linear.scatter [tilespmem:s31], [sflag:$0x4], $0x200, $0x38;
	[tilespmem:$0x1E000] =	vst v63  }
0x273: {  	s2 =	simm.s32 $0x18E00;
	s1 =	sadd.s32 $0xC0, s24  }
0x274: {  	[hbm4b:s1+s3] =	stream.linear.scatter [tilespmem:s2], [sflag:$0x4], $0x200, $0x38;
	[tilespmem:$0x1E000] =	vst v63  }
0x275: {  	s9 =	simm.s32 $0x19200;
	s6 =	sadd.s32 $0x100, s24  }
0x276: {  	[hbm4b:s6+s3] =	stream.linear.scatter [tilespmem:s9], [sflag:$0x4], $0x200, $0x38;
	[tilespmem:$0x1E000] =	vst v63  }
0x277: {  	s10 =	sadd.s32 $0x140, s24;
	s11 =	simm.s32 $0x19600  }
0x278: {  	[hbm4b:s10+s3] =	stream.linear.scatter [tilespmem:s11], [sflag:$0x4], $0x200, $0x38;
	[tilespmem:$0x1E000] =	vst v63  }
0x279: {  	s12 =	sadd.s32 $0x180, s24;
	s13 =	simm.s32 $0x19A00  }
0x27a: {  	[hbm4b:s12+s3] =	stream.linear.scatter [tilespmem:s13], [sflag:$0x4], $0x200, $0x38;
	[tilespmem:$0x1E000] =	vst v63  }
0x27b: {  	s17 =	sadd.s32 $0x1C0, s24;
	s18 =	simm.s32 $0x19E00;
	s19 =	sld [smem:$0x7DF]  }
0x27c: {  	[hbm4b:s17+s3] =	stream.linear.scatter [tilespmem:s18], [sflag:$0x4], $0x200, $0x38;
	[tilespmem:$0x1E000] =	vst v63  }
0x27d: {  	s20 =	simm.s32 $0x1A000  }
0x27e: {  	[hbm4b:s19+s3] =	stream.linear.scatter [tilespmem:s20], [sflag:$0x4], $0x200, $0x38;
	[tilespmem:$0x1E000] =	vst v63  }
0x27f: {  	s21 =	simm.s32 $0x1A400;
	s20 =	sadd.s32 $0x40, s19  }
0x280: {  	[hbm4b:s20+s3] =	stream.linear.scatter [tilespmem:s21], [sflag:$0x4], $0x200, $0x38;
	[tilespmem:$0x1E000] =	vst v63  }
0x281: {  	s22 =	sadd.s32 $0x80, s19;
	s23 =	simm.s32 $0x1A800  }
0x282: {  	[hbm4b:s22+s3] =	stream.linear.scatter [tilespmem:s23], [sflag:$0x4], $0x200, $0x38;
	[tilespmem:$0x1E000] =	vst v63  }
0x283: {  	s24 =	sadd.s32 $0xC0, s19;
	s25 =	simm.s32 $0x1AC00  }
0x284: {  	[hbm4b:s24+s3] =	stream.linear.scatter [tilespmem:s25], [sflag:$0x4], $0x200, $0x38;
	[tilespmem:$0x1E000] =	vst v63  }
0x285: {  	s28 =	sadd.s32 $0x100, s19;
	s29 =	simm.s32 $0x1B000  }
0x286: {  	[hbm4b:s28+s3] =	stream.linear.scatter [tilespmem:s29], [sflag:$0x4], $0x200, $0x38;
	[tilespmem:$0x1E000] =	vst v63  }
0x287: {  	s30 =	sadd.s32 $0x140, s19;
	s31 =	simm.s32 $0x1B400  }
0x288: {  	[hbm4b:s30+s3] =	stream.linear.scatter [tilespmem:s31], [sflag:$0x4], $0x200, $0x38;
	[tilespmem:$0x1E000] =	vst v63  }
0x289: {  	s1 =	sadd.s32 $0x180, s19;
	s2 =	simm.s32 $0x1B800  }
0x28a: {  	[hbm4b:s1+s3] =	stream.linear.scatter [tilespmem:s2], [sflag:$0x4], $0x200, $0x38;
	[tilespmem:$0x1E000] =	vst v63  }
0x28b: {  	s6 =	sadd.s32 $0x1C0, s19;
	s9 =	simm.s32 $0x1BC00;
	s10 =	sld [smem:$0x7E0]  }
0x28c: {  	[hbm4b:s6+s3] =	stream.linear.scatter [tilespmem:s9], [sflag:$0x4], $0x200, $0x38;
	[tilespmem:$0x1E000] =	vst v63  }
0x28d: {  	s11 =	simm.s32 $0x1A200  }
0x28e: {  	[hbm4b:s10+s3] =	stream.linear.scatter [tilespmem:s11], [sflag:$0x4], $0x200, $0x38;
	[tilespmem:$0x1E000] =	vst v63  }
0x28f: {  	s13 =	simm.s32 $0x1A600;
	s12 =	sadd.s32 $0x40, s10  }
0x290: {  	[hbm4b:s12+s3] =	stream.linear.scatter [tilespmem:s13], [sflag:$0x4], $0x200, $0x38;
	[tilespmem:$0x1E000] =	vst v63  }
0x291: {  	s18 =	sadd.s32 $0x80, s10;
	s19 =	simm.s32 $0x1AA00  }
0x292: {  	[hbm4b:s18+s3] =	stream.linear.scatter [tilespmem:s19], [sflag:$0x4], $0x200, $0x38;
	[tilespmem:$0x1E000] =	vst v63  }
0x293: {  	s20 =	sadd.s32 $0xC0, s10;
	s21 =	simm.s32 $0x1AE00  }
0x294: {  	[hbm4b:s20+s3] =	stream.linear.scatter [tilespmem:s21], [sflag:$0x4], $0x200, $0x38;
	[tilespmem:$0x1E000] =	vst v63  }
0x295: {  	s22 =	sadd.s32 $0x100, s10;
	s23 =	simm.s32 $0x1B200  }
0x296: {  	[hbm4b:s22+s3] =	stream.linear.scatter [tilespmem:s23], [sflag:$0x4], $0x200, $0x38;
	[tilespmem:$0x1E000] =	vst v63  }
0x297: {  	s24 =	sadd.s32 $0x140, s10;
	s25 =	simm.s32 $0x1B600  }
0x298: {  	[hbm4b:s24+s3] =	stream.linear.scatter [tilespmem:s25], [sflag:$0x4], $0x200, $0x38;
	[tilespmem:$0x1E000] =	vst v63  }
0x299: {  	s28 =	sadd.s32 $0x180, s10;
	s29 =	simm.s32 $0x1BA00  }
0x29a: {  	[hbm4b:s28+s3] =	stream.linear.scatter [tilespmem:s29], [sflag:$0x4], $0x200, $0x38;
	[tilespmem:$0x1E000] =	vst v63  }
0x29b: {  	s30 =	sadd.s32 $0x1C0, s10;
	s31 =	simm.s32 $0x1BE00;
	s18 =	sld [smem:$0x7E1]  }
0x29c: {  	[hbm4b:s30+s3] =	stream.linear.scatter [tilespmem:s31], [sflag:$0x4], $0x200, $0x38;
	[tilespmem:$0x1E000] =	vst v63  }
0x29d: {  	s26 =	simm.s32 $0x1C000  }
0x29e: {  	[hbm4b:s18+s3] =	stream.linear.scatter [tilespmem:s26], [sflag:$0x4], $0x200, $0x38;
	[tilespmem:$0x1E000] =	vst v63  }
0x29f: {  	s0 =	rddreg [dreg:$0x5];
	s1 =	sadd.s32 $0x40, s18  }
0x2a0: {  	[hbm4b:s1+s3] =	stream.linear.scatter [tilespmem:s0], [sflag:$0x4], $0x200, $0x38;
	[tilespmem:$0x1E000] =	vst v63  }
0x2a1: {  	s9 =	simm.s32 $0x1C800;
	s2 =	sadd.s32 $0x80, s18  }
0x2a2: {  	[hbm4b:s2+s3] =	stream.linear.scatter [tilespmem:s9], [sflag:$0x4], $0x200, $0x38;
	[tilespmem:$0x1E000] =	vst v63  }
0x2a3: {  	s6 =	rddreg [dreg:$0x6];
	s10 =	sadd.s32 $0xC0, s18  }
0x2a4: {  	[hbm4b:s10+s3] =	stream.linear.scatter [tilespmem:s6], [sflag:$0x4], $0x200, $0x38;
	[tilespmem:$0x1E000] =	vst v63  }
0x2a5: {  	s13 =	simm.s32 $0x1D000;
	s11 =	sadd.s32 $0x100, s18  }
0x2a6: {  	[hbm4b:s11+s3] =	stream.linear.scatter [tilespmem:s13], [sflag:$0x4], $0x200, $0x38;
	[tilespmem:$0x1E000] =	vst v63  }
0x2a7: {  	s12 =	rddreg [dreg:$0x7];
	s19 =	sadd.s32 $0x140, s18  }
0x2a8: {  	[hbm4b:s19+s3] =	stream.linear.scatter [tilespmem:s12], [sflag:$0x4], $0x200, $0x38;
	[tilespmem:$0x1E000] =	vst v63  }
0x2a9: {  	s21 =	rddreg [dreg:$0x8];
	s20 =	sadd.s32 $0x180, s18;
	s22 =	simm.s32 $0x1D800  }
0x2aa: {  	[hbm4b:s20+s3] =	stream.linear.scatter [tilespmem:s22], [sflag:$0x4], $0x200, $0x38;
	[tilespmem:$0x1E000] =	vst v63  }
0x2ab: {  	s23 =	sadd.s32 $0x1C0, s18;
	s26 =	sld [smem:$0x7E2]  }
0x2ac: {  	[hbm4b:s23+s3] =	stream.linear.scatter [tilespmem:s21], [sflag:$0x4], $0x200, $0x38;
	[tilespmem:$0x1E000] =	vst v63  }
0x2ad: {  	s24 =	rddreg [dreg:$0x9]  }
0x2ae: {  	[hbm4b:s26+s3] =	stream.linear.scatter [tilespmem:s24], [sflag:$0x4], $0x200, $0x38;
	[tilespmem:$0x1E000] =	vst v63  }
0x2af: {  	s25 =	rddreg [dreg:$0xa];
	s28 =	sadd.s32 $0x40, s26  }
0x2b0: {  	[hbm4b:s28+s3] =	stream.linear.scatter [tilespmem:s25], [sflag:$0x4], $0x200, $0x38;
	[tilespmem:$0x1E000] =	vst v63  }
0x2b1: {  	s29 =	rddreg [dreg:$0xb];
	s30 =	sadd.s32 $0x80, s26  }
0x2b2: {  	[hbm4b:s30+s3] =	stream.linear.scatter [tilespmem:s29], [sflag:$0x4], $0x200, $0x38;
	[tilespmem:$0x1E000] =	vst v63  }
0x2b3: {  	s31 =	rddreg [dreg:$0xc];
	s0 =	sadd.s32 $0xC0, s26  }
0x2b4: {  	[hbm4b:s0+s3] =	stream.linear.scatter [tilespmem:s31], [sflag:$0x4], $0x200, $0x38;
	[tilespmem:$0x1E000] =	vst v63  }
0x2b5: {  	s1 =	rddreg [dreg:$0xd];
	s2 =	sadd.s32 $0x100, s26  }
0x2b6: {  	[hbm4b:s2+s3] =	stream.linear.scatter [tilespmem:s1], [sflag:$0x4], $0x200, $0x38;
	[tilespmem:$0x1E000] =	vst v63  }
0x2b7: {  	s9 =	sadd.s32 $0x140, s26;
	s6 =	rddreg [dreg:$0xe]  }
0x2b8: {  	[hbm4b:s9+s3] =	stream.linear.scatter [tilespmem:s6], [sflag:$0x4], $0x200, $0x38;
	[tilespmem:$0x1E000] =	vst v63  }
0x2b9: {  	s10 =	rddreg [dreg:$0xf];
	s11 =	sadd.s32 $0x180, s26  }
0x2ba: {  	[hbm4b:s11+s3] =	stream.linear.scatter [tilespmem:s10], [sflag:$0x4], $0x200, $0x38;
	[tilespmem:$0x1E000] =	vst v63  }
0x2bb: {  	s13 =	sadd.s32 $0x1C0, s26;
	s12 =	rddreg [dreg:$0x10]  }
0x2bc: {  	[hbm4b:s13+s3] =	stream.linear.scatter [tilespmem:s12], [sflag:$0x4], $0x200, $0x38;
	[tilespmem:$0x1E000] =	vst v63  }
0x2bd: {  	_ =	swait.ge [sflag:s14], $0x1000  }
0x2be: {  	[sflag:s14] =	ssyncset.done $0x0  }
0x2bf: {  	[sflag:s14] =	ssyncadd.s32 $0xFFFFF000  }
0x2c0: {  	_ =	swait.ge [sflag:s14], $0x1000  }
0x2c1: {  	[sflag:s14] =	ssyncset.done $0x0  }
0x2c2: {  	[sflag:s14] =	ssyncadd.s32 $0xFFFFF000  }
0x2c3: {  	_ =	swait.ge [sflag:s14], $0x1000  }
0x2c4: {  	[sflag:s14] =	ssyncset.done $0x0  }
0x2c5: {  	[sflag:s14] =	ssyncadd.s32 $0xFFFFF000  }
0x2c6: {  	_ =	swait.ge [sflag:s14], $0x1000  }
0x2c7: {  	[sflag:s14] =	ssyncset.done $0x0  }
0x2c8: {  	[sflag:s14] =	ssyncadd.s32 $0xFFFFF000  }
0x2c9: {  	_ =	swait.ge [sflag:s14], $0x1000  }
0x2ca: {  	[sflag:s14] =	ssyncset.done $0x0  }
0x2cb: {  	[sflag:s14] =	ssyncadd.s32 $0xFFFFF000  }
0x2cc: {  	_ =	swait.ge [sflag:s14], $0x1000  }
0x2cd: {  	[sflag:s14] =	ssyncset.done $0x0  }
0x2ce: {  	[sflag:s14] =	ssyncadd.s32 $0xFFFFF000  }
0x2cf: {  	_ =	swait.ge [sflag:s14], $0x1000  }
0x2d0: {  	[sflag:s14] =	ssyncset.done $0x0  }
0x2d1: {  	[sflag:s14] =	ssyncadd.s32 $0xFFFFF000  }
0x2d2: {  	_ =	swait.ge [sflag:s14], $0x1000  }
0x2d3: {  	[sflag:s14] =	ssyncset.done $0x0  }
0x2d4: {  	[sflag:s14] =	ssyncadd.s32 $0xFFFFF000  }
0x2d5: {  	_ =	swait.ge [sflag:s14], $0x1000  }
0x2d6: {  	[sflag:s14] =	ssyncset.done $0x0  }
0x2d7: {  	[sflag:s14] =	ssyncadd.s32 $0xFFFFF000  }
0x2d8: {  	_ =	swait.ge [sflag:s14], $0x1000  }
0x2d9: {  	[sflag:s14] =	ssyncset.done $0x0  }
0x2da: {  	[sflag:s14] =	ssyncadd.s32 $0xFFFFF000  }
0x2db: {  	_ =	swait.ge [sflag:s14], $0x1000  }
0x2dc: {  	[sflag:s14] =	ssyncset.done $0x0  }
0x2dd: {  	[sflag:s14] =	ssyncadd.s32 $0xFFFFF000  }
0x2de: {  	_ =	swait.ge [sflag:s14], $0x1000  }
0x2df: {  	[sflag:s14] =	ssyncset.done $0x0  }
0x2e0: {  	[sflag:s14] =	ssyncadd.s32 $0xFFFFF000  }
0x2e1: {  	_ =	swait.ge [sflag:s14], $0x1000  }
0x2e2: {  	[sflag:s14] =	ssyncset.done $0x0  }
0x2e3: {  	[sflag:s14] =	ssyncadd.s32 $0xFFFFF000  }
0x2e4: {  	_ =	swait.ge [sflag:s14], $0x1000  }
0x2e5: {  	s16 =	sld [smem:$0x7D1]  }
0x2e6: {  	[sflag:s14] =	ssyncset.done $0x0  }
0x2e7: {  	[sflag:s14] =	ssyncadd.s32 $0xFFFFF000  }
0x2e8: {  	v3 =	vld [tilespmem:s16+$0x0];
	_ =	sdelay $0x4  }
0x2e9: {  	v56 =	vshll.u32 v3, $0x3  }
0x2ea: {  	v3 =	vand.u32 $0x7, v3;
	v4 =	vand.u32 $0xFFFFFFC0, v56  }
0x2eb: {  	v3 =	vor.u32 v3, v4  }
0x2ec: {  	v4 =	vperm.xlane v3, v0;
	_ =	sdelay $0x1  }
0x2ed: {  	v4 =	vadd.s32 v1, v4;
	_ =	sdelay $0x3  }
0x2ee: {  	s12 =	simm.s32 $0x2000  }
0x2ef: {  	[tilespmem:s12], [sflag:$0x1] =	stream.indirect_vreg.gather [hbm4b:s4+s3], $0x80, v4, vm0, $0xb8;
	[tilespmem:$0x1E000] =	vst v63  }
0x2f0: {  	s11 =	simm.s32 $0x2800;
	v3 =	vperm.xlane v3, v2  }
0x2f1: {  	[tilespmem:s11], [sflag:$0x1] =	stream.indirect_vreg.gather [hbm4b:s5+s3], $0x80, v4, vm0, $0xb8;
	[tilespmem:$0x1E000] =	vst v63  }
0x2f2: {  	s10 =	simm.s32 $0x3000;
	v3 =	vadd.s32 v1, v3  }
0x2f3: {  	[tilespmem:s10], [sflag:$0x1] =	stream.indirect_vreg.gather [hbm4b:s7+s3], $0x80, v4, vm0, $0xb8;
	[tilespmem:$0x1E000] =	vst v63  }
0x2f4: {  	s9 =	simm.s32 $0x3800  }
0x2f5: {  	[tilespmem:s9], [sflag:$0x1] =	stream.indirect_vreg.gather [hbm4b:s8+s3], $0x80, v4, vm0, $0xb8;
	[tilespmem:$0x1E000] =	vst v63  }
0x2f6: {  	s6 =	simm.s32 $0x4000  }
0x2f7: {  	[tilespmem:s6], [sflag:$0x1] =	stream.indirect_vreg.gather [hbm4b:s4+s3], $0x80, v3, vm0, $0xb8;
	[tilespmem:$0x1E000] =	vst v63  }
0x2f8: {  	s2 =	simm.s32 $0x4800  }
0x2f9: {  	[tilespmem:s2], [sflag:$0x1] =	stream.indirect_vreg.gather [hbm4b:s5+s3], $0x80, v3, vm0, $0xb8;
	[tilespmem:$0x1E000] =	vst v63  }
0x2fa: {  	s1 =	simm.s32 $0x5000  }
0x2fb: {  	[tilespmem:s1], [sflag:$0x1] =	stream.indirect_vreg.gather [hbm4b:s7+s3], $0x80, v3, vm0, $0xb8;
	[tilespmem:$0x1E000] =	vst v63  }
0x2fc: {  	s0 =	simm.s32 $0x5800  }
0x2fd: {  	[tilespmem:s0], [sflag:$0x1] =	stream.indirect_vreg.gather [hbm4b:s8+s3], $0x80, v3, vm0, $0xb8;
	[tilespmem:$0x1E000] =	vst v63  }
0x2fe: {  	v3 =	vld [tilespmem:s16+$0x10];
	_ =	sdelay $0x4  }
0x2ff: {  	v57 =	vshll.u32 v3, $0x3  }
0x300: {  	v3 =	vand.u32 $0x7, v3;
	v4 =	vand.u32 $0xFFFFFFC0, v57  }
0x301: {  	v3 =	vor.u32 v3, v4  }
0x302: {  	v4 =	vperm.xlane v3, v0;
	_ =	sdelay $0x1  }
0x303: {  	v4 =	vadd.s32 v1, v4;
	_ =	sdelay $0x3  }
0x304: {  	s13 =	simm.s32 $0x6000  }
0x305: {  	[tilespmem:s13], [sflag:$0x1] =	stream.indirect_vreg.gather [hbm4b:s4+s3], $0x80, v4, vm0, $0xb8;
	[tilespmem:$0x1E000] =	vst v63  }
0x306: {  	s18 =	simm.s32 $0x6800;
	v3 =	vperm.xlane v3, v2  }
0x307: {  	[tilespmem:s18], [sflag:$0x1] =	stream.indirect_vreg.gather [hbm4b:s5+s3], $0x80, v4, vm0, $0xb8;
	[tilespmem:$0x1E000] =	vst v63  }
0x308: {  	s19 =	simm.s32 $0x7000;
	v3 =	vadd.s32 v1, v3  }
0x309: {  	[tilespmem:s19], [sflag:$0x1] =	stream.indirect_vreg.gather [hbm4b:s7+s3], $0x80, v4, vm0, $0xb8;
	[tilespmem:$0x1E000] =	vst v63  }
0x30a: {  	s21 =	simm.s32 $0x7800  }
0x30b: {  	[tilespmem:s21], [sflag:$0x1] =	stream.indirect_vreg.gather [hbm4b:s8+s3], $0x80, v4, vm0, $0xb8;
	[tilespmem:$0x1E000] =	vst v63  }
0x30c: {  	s20 =	simm.s32 $0x8000  }
0x30d: {  	[tilespmem:s20], [sflag:$0x1] =	stream.indirect_vreg.gather [hbm4b:s4+s3], $0x80, v3, vm0, $0xb8;
	[tilespmem:$0x1E000] =	vst v63  }
0x30e: {  	s22 =	simm.s32 $0x8800  }
0x30f: {  	[tilespmem:s22], [sflag:$0x1] =	stream.indirect_vreg.gather [hbm4b:s5+s3], $0x80, v3, vm0, $0xb8;
	[tilespmem:$0x1E000] =	vst v63  }
0x310: {  	s23 =	simm.s32 $0x9000  }
0x311: {  	[tilespmem:s23], [sflag:$0x1] =	stream.indirect_vreg.gather [hbm4b:s7+s3], $0x80, v3, vm0, $0xb8;
	[tilespmem:$0x1E000] =	vst v63  }
0x312: {  	s24 =	simm.s32 $0x9800  }
0x313: {  	[tilespmem:s24], [sflag:$0x1] =	stream.indirect_vreg.gather [hbm4b:s8+s3], $0x80, v3, vm0, $0xb8;
	[tilespmem:$0x1E000] =	vst v63  }
0x314: {  	v3 =	vld [tilespmem:s16+$0x20];
	_ =	sdelay $0x4  }
0x315: {  	v58 =	vshll.u32 v3, $0x3  }
0x316: {  	v3 =	vand.u32 $0x7, v3;
	v4 =	vand.u32 $0xFFFFFFC0, v58  }
0x317: {  	v3 =	vor.u32 v3, v4  }
0x318: {  	v4 =	vperm.xlane v3, v0;
	_ =	sdelay $0x1  }
0x319: {  	v4 =	vadd.s32 v1, v4;
	_ =	sdelay $0x3  }
0x31a: {  	s31 =	simm.s32 $0xA000  }
0x31b: {  	[tilespmem:s31], [sflag:$0x1] =	stream.indirect_vreg.gather [hbm4b:s4+s3], $0x80, v4, vm0, $0xb8;
	[tilespmem:$0x1E000] =	vst v63  }
0x31c: {  	s30 =	simm.s32 $0xA800;
	v3 =	vperm.xlane v3, v2  }
0x31d: {  	[tilespmem:s30], [sflag:$0x1] =	stream.indirect_vreg.gather [hbm4b:s5+s3], $0x80, v4, vm0, $0xb8;
	[tilespmem:$0x1E000] =	vst v63  }
0x31e: {  	s29 =	simm.s32 $0xB000;
	v3 =	vadd.s32 v1, v3  }
0x31f: {  	[tilespmem:s29], [sflag:$0x1] =	stream.indirect_vreg.gather [hbm4b:s7+s3], $0x80, v4, vm0, $0xb8;
	[tilespmem:$0x1E000] =	vst v63  }
0x320: {  	s25 =	simm.s32 $0xB800  }
0x321: {  	[tilespmem:s25], [sflag:$0x1] =	stream.indirect_vreg.gather [hbm4b:s8+s3], $0x80, v4, vm0, $0xb8;
	[tilespmem:$0x1E000] =	vst v63  }
0x322: {  	s28 =	simm.s32 $0xC000  }
0x323: {  	[tilespmem:s28], [sflag:$0x1] =	stream.indirect_vreg.gather [hbm4b:s4+s3], $0x80, v3, vm0, $0xb8;
	[tilespmem:$0x1E000] =	vst v63  }
0x324: {  	s26 =	simm.s32 $0xC800  }
0x325: {  	[tilespmem:s26], [sflag:$0x1] =	stream.indirect_vreg.gather [hbm4b:s5+s3], $0x80, v3, vm0, $0xb8;
	[tilespmem:$0x1E000] =	vst v63  }
0x326: {  	s17 =	simm.s32 $0xD000  }
0x327: {  	[tilespmem:s17], [sflag:$0x1] =	stream.indirect_vreg.gather [hbm4b:s7+s3], $0x80, v3, vm0, $0xb8;
	[tilespmem:$0x1E000] =	vst v63  }
0x328: {  	s17 =	simm.s32 $0xD800  }
0x329: {  	[tilespmem:s17], [sflag:$0x1] =	stream.indirect_vreg.gather [hbm4b:s8+s3], $0x80, v3, vm0, $0xb8;
	[tilespmem:$0x1E000] =	vst v63  }
0x32a: {  	v3 =	vld.msk [tilespmem:s16+$0x30], $0xff;
	_ =	sdelay $0x4  }
0x32b: {  	v59 =	vshll.u32 v3, $0x3  }
0x32c: {  	v3 =	vand.u32 $0x7, v3;
	v4 =	vand.u32 $0xFFFFFFC0, v59  }
0x32d: {  	v3 =	vor.u32 v3, v4  }
0x32e: {  	v3 =	vperm.xlane v3, v0;
	_ =	sdelay $0x1  }
0x32f: {  	v3 =	vadd.s32 v1, v3;
	_ =	sdelay $0x3  }
0x330: {  	s17 =	simm.s32 $0xE000  }
0x331: {  	[tilespmem:s17], [sflag:$0x1] =	stream.indirect_vreg.gather [hbm4b:s4+s3], $0x80, v3, vm0, $0xb8;
	[tilespmem:$0x1E000] =	vst v63  }
0x332: {  	s17 =	simm.s32 $0xE800  }
0x333: {  	[tilespmem:s17], [sflag:$0x1] =	stream.indirect_vreg.gather [hbm4b:s5+s3], $0x80, v3, vm0, $0xb8;
	[tilespmem:$0x1E000] =	vst v63  }
0x334: {  	s17 =	simm.s32 $0xF000  }
0x335: {  	[tilespmem:s17], [sflag:$0x1] =	stream.indirect_vreg.gather [hbm4b:s7+s3], $0x80, v3, vm0, $0xb8;
	[tilespmem:$0x1E000] =	vst v63  }
0x336: {  	s17 =	simm.s32 $0xF800  }
0x337: {  	[tilespmem:s17], [sflag:$0x1] =	stream.indirect_vreg.gather [hbm4b:s8+s3], $0x80, v3, vm0, $0xb8;
	[tilespmem:$0x1E000] =	vst v63  }
0x338: {  	s17 =	simm.s32 $0x1  }
0x339: {  	_ =	swait.ge [sflag:s17], $0xE000  }
0x33a: {  	[sflag:s17] =	ssyncset.done $0x0  }
0x33b: {  	[sflag:s17] =	ssyncadd.s32 $0xFFFF2000;
	s17 =	rddreg [dreg:$0x1a]  }
0x33c: {  	[hbm4b:s17+s3] =	stream.linear.scatter [tilespmem:s12], [sflag:$0x3], $0x200, $0x38;
	[tilespmem:$0x1E000] =	vst v63  }
0x33d: {  	s16 =	sadd.s32 $0x40, s17;
	s12 =	simm.s32 $0x2400  }
0x33e: {  	[hbm4b:s16+s3] =	stream.linear.scatter [tilespmem:s12], [sflag:$0x3], $0x200, $0x38;
	[tilespmem:$0x1E000] =	vst v63  }
0x33f: {  	s12 =	sadd.s32 $0x80, s17  }
0x340: {  	[hbm4b:s12+s3] =	stream.linear.scatter [tilespmem:s11], [sflag:$0x3], $0x200, $0x38;
	[tilespmem:$0x1E000] =	vst v63  }
0x341: {  	s11 =	sadd.s32 $0xC0, s17;
	s12 =	simm.s32 $0x2C00  }
0x342: {  	[hbm4b:s11+s3] =	stream.linear.scatter [tilespmem:s12], [sflag:$0x3], $0x200, $0x38;
	[tilespmem:$0x1E000] =	vst v63  }
0x343: {  	s12 =	sadd.s32 $0x100, s17  }
0x344: {  	[hbm4b:s12+s3] =	stream.linear.scatter [tilespmem:s10], [sflag:$0x3], $0x200, $0x38;
	[tilespmem:$0x1E000] =	vst v63  }
0x345: {  	s11 =	sadd.s32 $0x140, s17;
	s12 =	simm.s32 $0x3400  }
0x346: {  	[hbm4b:s11+s3] =	stream.linear.scatter [tilespmem:s12], [sflag:$0x3], $0x200, $0x38;
	[tilespmem:$0x1E000] =	vst v63  }
0x347: {  	s11 =	sadd.s32 $0x180, s17  }
0x348: {  	[hbm4b:s11+s3] =	stream.linear.scatter [tilespmem:s9], [sflag:$0x3], $0x200, $0x38;
	[tilespmem:$0x1E000] =	vst v63  }
0x349: {  	s12 =	sadd.s32 $0x1C0, s17;
	s17 =	simm.s32 $0x3C00  }
0x34a: {  	[hbm4b:s12+s3] =	stream.linear.scatter [tilespmem:s17], [sflag:$0x3], $0x200, $0x38;
	[tilespmem:$0x1E000] =	vst v63  }
0x34b: {  	s17 =	sld [smem:$0x7E3];
	_ =	sdelay $0x1  }
0x34c: {  	s10 =	simm.s32 $0x2200  }
0x34d: {  	[hbm4b:s17+s3] =	stream.linear.scatter [tilespmem:s10], [sflag:$0x3], $0x200, $0x38;
	[tilespmem:$0x1E000] =	vst v63  }
0x34e: {  	s12 =	simm.s32 $0x2600;
	s11 =	sadd.s32 $0x40, s17  }
0x34f: {  	[hbm4b:s11+s3] =	stream.linear.scatter [tilespmem:s12], [sflag:$0x3], $0x200, $0x38;
	[tilespmem:$0x1E000] =	vst v63  }
0x350: {  	s9 =	sadd.s32 $0x80, s17;
	s10 =	simm.s32 $0x2A00  }
0x351: {  	[hbm4b:s9+s3] =	stream.linear.scatter [tilespmem:s10], [sflag:$0x3], $0x200, $0x38;
	[tilespmem:$0x1E000] =	vst v63  }
0x352: {  	s11 =	sadd.s32 $0xC0, s17;
	s12 =	simm.s32 $0x2E00  }
0x353: {  	[hbm4b:s11+s3] =	stream.linear.scatter [tilespmem:s12], [sflag:$0x3], $0x200, $0x38;
	[tilespmem:$0x1E000] =	vst v63  }
0x354: {  	s9 =	sadd.s32 $0x100, s17;
	s10 =	simm.s32 $0x3200  }
0x355: {  	[hbm4b:s9+s3] =	stream.linear.scatter [tilespmem:s10], [sflag:$0x3], $0x200, $0x38;
	[tilespmem:$0x1E000] =	vst v63  }
0x356: {  	s11 =	sadd.s32 $0x140, s17;
	s12 =	simm.s32 $0x3600  }
0x357: {  	[hbm4b:s11+s3] =	stream.linear.scatter [tilespmem:s12], [sflag:$0x3], $0x200, $0x38;
	[tilespmem:$0x1E000] =	vst v63  }
0x358: {  	s10 =	sadd.s32 $0x180, s17;
	s11 =	simm.s32 $0x3A00  }
0x359: {  	[hbm4b:s10+s3] =	stream.linear.scatter [tilespmem:s11], [sflag:$0x3], $0x200, $0x38;
	[tilespmem:$0x1E000] =	vst v63  }
0x35a: {  	s12 =	sadd.s32 $0x1C0, s17;
	s17 =	simm.s32 $0x3E00  }
0x35b: {  	[hbm4b:s12+s3] =	stream.linear.scatter [tilespmem:s17], [sflag:$0x3], $0x200, $0x38;
	[tilespmem:$0x1E000] =	vst v63  }
0x35c: {  	s17 =	sld [smem:$0x7E4];
	_ =	sdelay $0x2  }
0x35d: {  	[hbm4b:s17+s3] =	stream.linear.scatter [tilespmem:s6], [sflag:$0x3], $0x200, $0x38;
	[tilespmem:$0x1E000] =	vst v63  }
0x35e: {  	s11 =	simm.s32 $0x4400;
	s10 =	sadd.s32 $0x40, s17  }
0x35f: {  	[hbm4b:s10+s3] =	stream.linear.scatter [tilespmem:s11], [sflag:$0x3], $0x200, $0x38;
	[tilespmem:$0x1E000] =	vst v63  }
0x360: {  	s12 =	sadd.s32 $0x80, s17  }
0x361: {  	[hbm4b:s12+s3] =	stream.linear.scatter [tilespmem:s2], [sflag:$0x3], $0x200, $0x38;
	[tilespmem:$0x1E000] =	vst v63  }
0x362: {  	s6 =	simm.s32 $0x4C00;
	s2 =	sadd.s32 $0xC0, s17  }
0x363: {  	[hbm4b:s2+s3] =	stream.linear.scatter [tilespmem:s6], [sflag:$0x3], $0x200, $0x38;
	[tilespmem:$0x1E000] =	vst v63  }
0x364: {  	s9 =	sadd.s32 $0x100, s17  }
0x365: {  	[hbm4b:s9+s3] =	stream.linear.scatter [tilespmem:s1], [sflag:$0x3], $0x200, $0x38;
	[tilespmem:$0x1E000] =	vst v63  }
0x366: {  	s10 =	sadd.s32 $0x140, s17;
	s11 =	simm.s32 $0x5400  }
0x367: {  	[hbm4b:s10+s3] =	stream.linear.scatter [tilespmem:s11], [sflag:$0x3], $0x200, $0x38;
	[tilespmem:$0x1E000] =	vst v63  }
0x368: {  	s12 =	sadd.s32 $0x180, s17  }
0x369: {  	[hbm4b:s12+s3] =	stream.linear.scatter [tilespmem:s0], [sflag:$0x3], $0x200, $0x38;
	[tilespmem:$0x1E000] =	vst v63  }
0x36a: {  	s2 =	simm.s32 $0x5C00;
	s1 =	sadd.s32 $0x1C0, s17;
	s17 =	sld [smem:$0x7E5]  }
0x36b: {  	[hbm4b:s1+s3] =	stream.linear.scatter [tilespmem:s2], [sflag:$0x3], $0x200, $0x38;
	[tilespmem:$0x1E000] =	vst v63  }
0x36c: {  	s6 =	simm.s32 $0x4200  }
0x36d: {  	[hbm4b:s17+s3] =	stream.linear.scatter [tilespmem:s6], [sflag:$0x3], $0x200, $0x38;
	[tilespmem:$0x1E000] =	vst v63  }
0x36e: {  	s10 =	simm.s32 $0x4600;
	s9 =	sadd.s32 $0x40, s17  }
0x36f: {  	[hbm4b:s9+s3] =	stream.linear.scatter [tilespmem:s10], [sflag:$0x3], $0x200, $0x38;
	[tilespmem:$0x1E000] =	vst v63  }
0x370: {  	s11 =	sadd.s32 $0x80, s17;
	s12 =	simm.s32 $0x4A00  }
0x371: {  	[hbm4b:s11+s3] =	stream.linear.scatter [tilespmem:s12], [sflag:$0x3], $0x200, $0x38;
	[tilespmem:$0x1E000] =	vst v63  }
0x372: {  	s0 =	sadd.s32 $0xC0, s17;
	s1 =	simm.s32 $0x4E00  }
0x373: {  	[hbm4b:s0+s3] =	stream.linear.scatter [tilespmem:s1], [sflag:$0x3], $0x200, $0x38;
	[tilespmem:$0x1E000] =	vst v63  }
0x374: {  	s2 =	sadd.s32 $0x100, s17;
	s6 =	simm.s32 $0x5200  }
0x375: {  	[hbm4b:s2+s3] =	stream.linear.scatter [tilespmem:s6], [sflag:$0x3], $0x200, $0x38;
	[tilespmem:$0x1E000] =	vst v63  }
0x376: {  	s9 =	sadd.s32 $0x140, s17;
	s10 =	simm.s32 $0x5600  }
0x377: {  	[hbm4b:s9+s3] =	stream.linear.scatter [tilespmem:s10], [sflag:$0x3], $0x200, $0x38;
	[tilespmem:$0x1E000] =	vst v63  }
0x378: {  	s11 =	sadd.s32 $0x180, s17;
	s12 =	simm.s32 $0x5A00  }
0x379: {  	[hbm4b:s11+s3] =	stream.linear.scatter [tilespmem:s12], [sflag:$0x3], $0x200, $0x38;
	[tilespmem:$0x1E000] =	vst v63  }
0x37a: {  	s0 =	sadd.s32 $0x1C0, s17;
	s1 =	simm.s32 $0x5E00;
	s2 =	sld [smem:$0x7E6]  }
0x37b: {  	[hbm4b:s0+s3] =	stream.linear.scatter [tilespmem:s1], [sflag:$0x3], $0x200, $0x38;
	[tilespmem:$0x1E000] =	vst v63  }
0x37c: {  	_ = 	snop  }
0x37d: {  	[hbm4b:s2+s3] =	stream.linear.scatter [tilespmem:s13], [sflag:$0x3], $0x200, $0x38;
	[tilespmem:$0x1E000] =	vst v63  }
0x37e: {  	s9 =	simm.s32 $0x6400;
	s6 =	sadd.s32 $0x40, s2  }
0x37f: {  	[hbm4b:s6+s3] =	stream.linear.scatter [tilespmem:s9], [sflag:$0x3], $0x200, $0x38;
	[tilespmem:$0x1E000] =	vst v63  }
0x380: {  	s10 =	sadd.s32 $0x80, s2  }
0x381: {  	[hbm4b:s10+s3] =	stream.linear.scatter [tilespmem:s18], [sflag:$0x3], $0x200, $0x38;
	[tilespmem:$0x1E000] =	vst v63  }
0x382: {  	s11 =	sadd.s32 $0xC0, s2;
	s12 =	simm.s32 $0x6C00  }
0x383: {  	[hbm4b:s11+s3] =	stream.linear.scatter [tilespmem:s12], [sflag:$0x3], $0x200, $0x38;
	[tilespmem:$0x1E000] =	vst v63  }
0x384: {  	s13 =	sadd.s32 $0x100, s2  }
0x385: {  	[hbm4b:s13+s3] =	stream.linear.scatter [tilespmem:s19], [sflag:$0x3], $0x200, $0x38;
	[tilespmem:$0x1E000] =	vst v63  }
0x386: {  	s18 =	sadd.s32 $0x140, s2;
	s19 =	simm.s32 $0x7400  }
0x387: {  	[hbm4b:s18+s3] =	stream.linear.scatter [tilespmem:s19], [sflag:$0x3], $0x200, $0x38;
	[tilespmem:$0x1E000] =	vst v63  }
0x388: {  	s0 =	sadd.s32 $0x180, s2  }
0x389: {  	[hbm4b:s0+s3] =	stream.linear.scatter [tilespmem:s21], [sflag:$0x3], $0x200, $0x38;
	[tilespmem:$0x1E000] =	vst v63  }
0x38a: {  	s17 =	sld [smem:$0x7E7];
	s1 =	sadd.s32 $0x1C0, s2;
	s2 =	simm.s32 $0x7C00  }
0x38b: {  	[hbm4b:s1+s3] =	stream.linear.scatter [tilespmem:s2], [sflag:$0x3], $0x200, $0x38;
	[tilespmem:$0x1E000] =	vst v63  }
0x38c: {  	s6 =	simm.s32 $0x6200  }
0x38d: {  	[hbm4b:s17+s3] =	stream.linear.scatter [tilespmem:s6], [sflag:$0x3], $0x200, $0x38;
	[tilespmem:$0x1E000] =	vst v63  }
0x38e: {  	s9 =	sadd.s32 $0x40, s17;
	s10 =	simm.s32 $0x6600  }
0x38f: {  	[hbm4b:s9+s3] =	stream.linear.scatter [tilespmem:s10], [sflag:$0x3], $0x200, $0x38;
	[tilespmem:$0x1E000] =	vst v63  }
0x390: {  	s11 =	sadd.s32 $0x80, s17;
	s12 =	simm.s32 $0x6A00  }
0x391: {  	[hbm4b:s11+s3] =	stream.linear.scatter [tilespmem:s12], [sflag:$0x3], $0x200, $0x38;
	[tilespmem:$0x1E000] =	vst v63  }
0x392: {  	s13 =	sadd.s32 $0xC0, s17;
	s18 =	simm.s32 $0x6E00  }
0x393: {  	[hbm4b:s13+s3] =	stream.linear.scatter [tilespmem:s18], [sflag:$0x3], $0x200, $0x38;
	[tilespmem:$0x1E000] =	vst v63  }
0x394: {  	s19 =	sadd.s32 $0x100, s17;
	s21 =	simm.s32 $0x7200  }
0x395: {  	[hbm4b:s19+s3] =	stream.linear.scatter [tilespmem:s21], [sflag:$0x3], $0x200, $0x38;
	[tilespmem:$0x1E000] =	vst v63  }
0x396: {  	s0 =	sadd.s32 $0x140, s17;
	s1 =	simm.s32 $0x7600  }
0x397: {  	[hbm4b:s0+s3] =	stream.linear.scatter [tilespmem:s1], [sflag:$0x3], $0x200, $0x38;
	[tilespmem:$0x1E000] =	vst v63  }
0x398: {  	s2 =	sadd.s32 $0x180, s17;
	s6 =	simm.s32 $0x7A00  }
0x399: {  	[hbm4b:s2+s3] =	stream.linear.scatter [tilespmem:s6], [sflag:$0x3], $0x200, $0x38;
	[tilespmem:$0x1E000] =	vst v63  }
0x39a: {  	s9 =	sadd.s32 $0x1C0, s17;
	s10 =	simm.s32 $0x7E00;
	s11 =	sld [smem:$0x7E8]  }
0x39b: {  	[hbm4b:s9+s3] =	stream.linear.scatter [tilespmem:s10], [sflag:$0x3], $0x200, $0x38;
	[tilespmem:$0x1E000] =	vst v63  }
0x39c: {  	_ = 	snop  }
0x39d: {  	[hbm4b:s11+s3] =	stream.linear.scatter [tilespmem:s20], [sflag:$0x3], $0x200, $0x38;
	[tilespmem:$0x1E000] =	vst v63  }
0x39e: {  	s13 =	simm.s32 $0x8400;
	s12 =	sadd.s32 $0x40, s11  }
0x39f: {  	[hbm4b:s12+s3] =	stream.linear.scatter [tilespmem:s13], [sflag:$0x3], $0x200, $0x38;
	[tilespmem:$0x1E000] =	vst v63  }
0x3a0: {  	s18 =	sadd.s32 $0x80, s11  }
0x3a1: {  	[hbm4b:s18+s3] =	stream.linear.scatter [tilespmem:s22], [sflag:$0x3], $0x200, $0x38;
	[tilespmem:$0x1E000] =	vst v63  }
0x3a2: {  	s19 =	sadd.s32 $0xC0, s11;
	s20 =	simm.s32 $0x8C00  }
0x3a3: {  	[hbm4b:s19+s3] =	stream.linear.scatter [tilespmem:s20], [sflag:$0x3], $0x200, $0x38;
	[tilespmem:$0x1E000] =	vst v63  }
0x3a4: {  	s21 =	sadd.s32 $0x100, s11  }
0x3a5: {  	[hbm4b:s21+s3] =	stream.linear.scatter [tilespmem:s23], [sflag:$0x3], $0x200, $0x38;
	[tilespmem:$0x1E000] =	vst v63  }
0x3a6: {  	s22 =	sadd.s32 $0x140, s11;
	s23 =	simm.s32 $0x9400  }
0x3a7: {  	[hbm4b:s22+s3] =	stream.linear.scatter [tilespmem:s23], [sflag:$0x3], $0x200, $0x38;
	[tilespmem:$0x1E000] =	vst v63  }
0x3a8: {  	s1 =	sadd.s32 $0x180, s11  }
0x3a9: {  	[hbm4b:s1+s3] =	stream.linear.scatter [tilespmem:s24], [sflag:$0x3], $0x200, $0x38;
	[tilespmem:$0x1E000] =	vst v63  }
0x3aa: {  	s2 =	sadd.s32 $0x1C0, s11;
	s6 =	simm.s32 $0x9C00;
	s9 =	sld [smem:$0x7E9]  }
0x3ab: {  	[hbm4b:s2+s3] =	stream.linear.scatter [tilespmem:s6], [sflag:$0x3], $0x200, $0x38;
	[tilespmem:$0x1E000] =	vst v63  }
0x3ac: {  	s10 =	simm.s32 $0x8200  }
0x3ad: {  	[hbm4b:s9+s3] =	stream.linear.scatter [tilespmem:s10], [sflag:$0x3], $0x200, $0x38;
	[tilespmem:$0x1E000] =	vst v63  }
0x3ae: {  	s12 =	simm.s32 $0x8600;
	s11 =	sadd.s32 $0x40, s9  }
0x3af: {  	[hbm4b:s11+s3] =	stream.linear.scatter [tilespmem:s12], [sflag:$0x3], $0x200, $0x38;
	[tilespmem:$0x1E000] =	vst v63  }
0x3b0: {  	s13 =	sadd.s32 $0x80, s9;
	s18 =	simm.s32 $0x8A00  }
0x3b1: {  	[hbm4b:s13+s3] =	stream.linear.scatter [tilespmem:s18], [sflag:$0x3], $0x200, $0x38;
	[tilespmem:$0x1E000] =	vst v63  }
0x3b2: {  	s19 =	sadd.s32 $0xC0, s9;
	s20 =	simm.s32 $0x8E00  }
0x3b3: {  	[hbm4b:s19+s3] =	stream.linear.scatter [tilespmem:s20], [sflag:$0x3], $0x200, $0x38;
	[tilespmem:$0x1E000] =	vst v63  }
0x3b4: {  	s21 =	sadd.s32 $0x100, s9;
	s22 =	simm.s32 $0x9200  }
0x3b5: {  	[hbm4b:s21+s3] =	stream.linear.scatter [tilespmem:s22], [sflag:$0x3], $0x200, $0x38;
	[tilespmem:$0x1E000] =	vst v63  }
0x3b6: {  	s23 =	sadd.s32 $0x140, s9;
	s24 =	simm.s32 $0x9600  }
0x3b7: {  	[hbm4b:s23+s3] =	stream.linear.scatter [tilespmem:s24], [sflag:$0x3], $0x200, $0x38;
	[tilespmem:$0x1E000] =	vst v63  }
0x3b8: {  	s0 =	sadd.s32 $0x180, s9;
	s1 =	simm.s32 $0x9A00  }
0x3b9: {  	[hbm4b:s0+s3] =	stream.linear.scatter [tilespmem:s1], [sflag:$0x3], $0x200, $0x38;
	[tilespmem:$0x1E000] =	vst v63  }
0x3ba: {  	s2 =	sadd.s32 $0x1C0, s9;
	s6 =	simm.s32 $0x9E00;
	s9 =	sld [smem:$0x7EA]  }
0x3bb: {  	[hbm4b:s2+s3] =	stream.linear.scatter [tilespmem:s6], [sflag:$0x3], $0x200, $0x38;
	[tilespmem:$0x1E000] =	vst v63  }
0x3bc: {  	_ = 	snop  }
0x3bd: {  	[hbm4b:s9+s3] =	stream.linear.scatter [tilespmem:s31], [sflag:$0x3], $0x200, $0x38;
	[tilespmem:$0x1E000] =	vst v63  }
0x3be: {  	s11 =	simm.s32 $0xA400;
	s10 =	sadd.s32 $0x40, s9  }
0x3bf: {  	[hbm4b:s10+s3] =	stream.linear.scatter [tilespmem:s11], [sflag:$0x3], $0x200, $0x38;
	[tilespmem:$0x1E000] =	vst v63  }
0x3c0: {  	s12 =	sadd.s32 $0x80, s9  }
0x3c1: {  	[hbm4b:s12+s3] =	stream.linear.scatter [tilespmem:s30], [sflag:$0x3], $0x200, $0x38;
	[tilespmem:$0x1E000] =	vst v63  }
0x3c2: {  	s13 =	sadd.s32 $0xC0, s9;
	s18 =	simm.s32 $0xAC00  }
0x3c3: {  	[hbm4b:s13+s3] =	stream.linear.scatter [tilespmem:s18], [sflag:$0x3], $0x200, $0x38;
	[tilespmem:$0x1E000] =	vst v63  }
0x3c4: {  	s19 =	sadd.s32 $0x100, s9  }
0x3c5: {  	[hbm4b:s19+s3] =	stream.linear.scatter [tilespmem:s29], [sflag:$0x3], $0x200, $0x38;
	[tilespmem:$0x1E000] =	vst v63  }
0x3c6: {  	s20 =	sadd.s32 $0x140, s9;
	s21 =	simm.s32 $0xB400  }
0x3c7: {  	[hbm4b:s20+s3] =	stream.linear.scatter [tilespmem:s21], [sflag:$0x3], $0x200, $0x38;
	[tilespmem:$0x1E000] =	vst v63  }
0x3c8: {  	s22 =	sadd.s32 $0x180, s9  }
0x3c9: {  	[hbm4b:s22+s3] =	stream.linear.scatter [tilespmem:s25], [sflag:$0x3], $0x200, $0x38;
	[tilespmem:$0x1E000] =	vst v63  }
0x3ca: {  	s23 =	sadd.s32 $0x1C0, s9;
	s24 =	simm.s32 $0xBC00;
	s25 =	sld [smem:$0x7EB]  }
0x3cb: {  	[hbm4b:s23+s3] =	stream.linear.scatter [tilespmem:s24], [sflag:$0x3], $0x200, $0x38;
	[tilespmem:$0x1E000] =	vst v63  }
0x3cc: {  	s29 =	simm.s32 $0xA200  }
0x3cd: {  	[hbm4b:s25+s3] =	stream.linear.scatter [tilespmem:s29], [sflag:$0x3], $0x200, $0x38;
	[tilespmem:$0x1E000] =	vst v63  }
0x3ce: {  	s31 =	simm.s32 $0xA600;
	s30 =	sadd.s32 $0x40, s25  }
0x3cf: {  	[hbm4b:s30+s3] =	stream.linear.scatter [tilespmem:s31], [sflag:$0x3], $0x200, $0x38;
	[tilespmem:$0x1E000] =	vst v63  }
0x3d0: {  	s1 =	simm.s32 $0xAA00;
	s0 =	sadd.s32 $0x80, s25  }
0x3d1: {  	[hbm4b:s0+s3] =	stream.linear.scatter [tilespmem:s1], [sflag:$0x3], $0x200, $0x38;
	[tilespmem:$0x1E000] =	vst v63  }
0x3d2: {  	s6 =	simm.s32 $0xAE00;
	s2 =	sadd.s32 $0xC0, s25  }
0x3d3: {  	[hbm4b:s2+s3] =	stream.linear.scatter [tilespmem:s6], [sflag:$0x3], $0x200, $0x38;
	[tilespmem:$0x1E000] =	vst v63  }
0x3d4: {  	s10 =	simm.s32 $0xB200;
	s9 =	sadd.s32 $0x100, s25  }
0x3d5: {  	[hbm4b:s9+s3] =	stream.linear.scatter [tilespmem:s10], [sflag:$0x3], $0x200, $0x38;
	[tilespmem:$0x1E000] =	vst v63  }
0x3d6: {  	s12 =	simm.s32 $0xB600;
	s11 =	sadd.s32 $0x140, s25  }
0x3d7: {  	[hbm4b:s11+s3] =	stream.linear.scatter [tilespmem:s12], [sflag:$0x3], $0x200, $0x38;
	[tilespmem:$0x1E000] =	vst v63  }
0x3d8: {  	s18 =	simm.s32 $0xBA00;
	s13 =	sadd.s32 $0x180, s25  }
0x3d9: {  	[hbm4b:s13+s3] =	stream.linear.scatter [tilespmem:s18], [sflag:$0x3], $0x200, $0x38;
	[tilespmem:$0x1E000] =	vst v63  }
0x3da: {  	s20 =	simm.s32 $0xBE00;
	s21 =	sld [smem:$0x7EC];
	s19 =	sadd.s32 $0x1C0, s25  }
0x3db: {  	[hbm4b:s19+s3] =	stream.linear.scatter [tilespmem:s20], [sflag:$0x3], $0x200, $0x38;
	[tilespmem:$0x1E000] =	vst v63  }
0x3dc: {  	_ = 	snop  }
0x3dd: {  	[hbm4b:s21+s3] =	stream.linear.scatter [tilespmem:s28], [sflag:$0x3], $0x200, $0x38;
	[tilespmem:$0x1E000] =	vst v63  }
0x3de: {  	s22 =	sadd.s32 $0x40, s21;
	s23 =	simm.s32 $0xC400  }
0x3df: {  	[hbm4b:s22+s3] =	stream.linear.scatter [tilespmem:s23], [sflag:$0x3], $0x200, $0x38;
	[tilespmem:$0x1E000] =	vst v63  }
0x3e0: {  	s24 =	sadd.s32 $0x80, s21  }
0x3e1: {  	[hbm4b:s24+s3] =	stream.linear.scatter [tilespmem:s26], [sflag:$0x3], $0x200, $0x38;
	[tilespmem:$0x1E000] =	vst v63  }
0x3e2: {  	s25 =	sadd.s32 $0xC0, s21;
	s26 =	simm.s32 $0xCC00  }
0x3e3: {  	[hbm4b:s25+s3] =	stream.linear.scatter [tilespmem:s26], [sflag:$0x3], $0x200, $0x38;
	[tilespmem:$0x1E000] =	vst v63  }
0x3e4: {  	s29 =	simm.s32 $0xD000;
	s28 =	sadd.s32 $0x100, s21  }
0x3e5: {  	[hbm4b:s28+s3] =	stream.linear.scatter [tilespmem:s29], [sflag:$0x3], $0x200, $0x38;
	[tilespmem:$0x1E000] =	vst v63  }
0x3e6: {  	s30 =	sadd.s32 $0x140, s21;
	s31 =	simm.s32 $0xD400  }
0x3e7: {  	[hbm4b:s30+s3] =	stream.linear.scatter [tilespmem:s31], [sflag:$0x3], $0x200, $0x38;
	[tilespmem:$0x1E000] =	vst v63  }
0x3e8: {  	s0 =	sadd.s32 $0x180, s21;
	s1 =	simm.s32 $0xD800  }
0x3e9: {  	[hbm4b:s0+s3] =	stream.linear.scatter [tilespmem:s1], [sflag:$0x3], $0x200, $0x38;
	[tilespmem:$0x1E000] =	vst v63  }
0x3ea: {  	s2 =	sadd.s32 $0x1C0, s21;
	s6 =	simm.s32 $0xDC00;
	s9 =	sld [smem:$0x7ED]  }
0x3eb: {  	[hbm4b:s2+s3] =	stream.linear.scatter [tilespmem:s6], [sflag:$0x3], $0x200, $0x38;
	[tilespmem:$0x1E000] =	vst v63  }
0x3ec: {  	s10 =	simm.s32 $0xC200  }
0x3ed: {  	[hbm4b:s9+s3] =	stream.linear.scatter [tilespmem:s10], [sflag:$0x3], $0x200, $0x38;
	[tilespmem:$0x1E000] =	vst v63  }
0x3ee: {  	s12 =	simm.s32 $0xC600;
	s11 =	sadd.s32 $0x40, s9  }
0x3ef: {  	[hbm4b:s11+s3] =	stream.linear.scatter [tilespmem:s12], [sflag:$0x3], $0x200, $0x38;
	[tilespmem:$0x1E000] =	vst v63  }
0x3f0: {  	s13 =	sadd.s32 $0x80, s9;
	s18 =	simm.s32 $0xCA00  }
0x3f1: {  	[hbm4b:s13+s3] =	stream.linear.scatter [tilespmem:s18], [sflag:$0x3], $0x200, $0x38;
	[tilespmem:$0x1E000] =	vst v63  }
0x3f2: {  	s19 =	sadd.s32 $0xC0, s9;
	s20 =	simm.s32 $0xCE00  }
0x3f3: {  	[hbm4b:s19+s3] =	stream.linear.scatter [tilespmem:s20], [sflag:$0x3], $0x200, $0x38;
	[tilespmem:$0x1E000] =	vst v63  }
0x3f4: {  	s21 =	sadd.s32 $0x100, s9;
	s22 =	simm.s32 $0xD200  }
0x3f5: {  	[hbm4b:s21+s3] =	stream.linear.scatter [tilespmem:s22], [sflag:$0x3], $0x200, $0x38;
	[tilespmem:$0x1E000] =	vst v63  }
0x3f6: {  	s23 =	sadd.s32 $0x140, s9;
	s24 =	simm.s32 $0xD600  }
0x3f7: {  	[hbm4b:s23+s3] =	stream.linear.scatter [tilespmem:s24], [sflag:$0x3], $0x200, $0x38;
	[tilespmem:$0x1E000] =	vst v63  }
0x3f8: {  	s25 =	sadd.s32 $0x180, s9;
	s26 =	simm.s32 $0xDA00  }
0x3f9: {  	[hbm4b:s25+s3] =	stream.linear.scatter [tilespmem:s26], [sflag:$0x3], $0x200, $0x38;
	[tilespmem:$0x1E000] =	vst v63  }
0x3fa: {  	s28 =	sadd.s32 $0x1C0, s9;
	s29 =	simm.s32 $0xDE00;
	s30 =	sld [smem:$0x7EE]  }
0x3fb: {  	[hbm4b:s28+s3] =	stream.linear.scatter [tilespmem:s29], [sflag:$0x3], $0x200, $0x38;
	[tilespmem:$0x1E000] =	vst v63  }
0x3fc: {  	s31 =	simm.s32 $0xE000  }
0x3fd: {  	[hbm4b:s30+s3] =	stream.linear.scatter [tilespmem:s31], [sflag:$0x3], $0x200, $0x38;
	[tilespmem:$0x1E000] =	vst v63  }
0x3fe: {  	s1 =	simm.s32 $0xE400;
	s0 =	sadd.s32 $0x40, s30  }
0x3ff: {  	[hbm4b:s0+s3] =	stream.linear.scatter [tilespmem:s1], [sflag:$0x3], $0x200, $0x38;
	[tilespmem:$0x1E000] =	vst v63  }
0x400: {  	s2 =	sadd.s32 $0x80, s30;
	s6 =	simm.s32 $0xE800  }
0x401: {  	[hbm4b:s2+s3] =	stream.linear.scatter [tilespmem:s6], [sflag:$0x3], $0x200, $0x38;
	[tilespmem:$0x1E000] =	vst v63  }
0x402: {  	s9 =	sadd.s32 $0xC0, s30;
	s10 =	simm.s32 $0xEC00  }
0x403: {  	[hbm4b:s9+s3] =	stream.linear.scatter [tilespmem:s10], [sflag:$0x3], $0x200, $0x38;
	[tilespmem:$0x1E000] =	vst v63  }
0x404: {  	s11 =	sadd.s32 $0x100, s30;
	s12 =	simm.s32 $0xF000  }
0x405: {  	[hbm4b:s11+s3] =	stream.linear.scatter [tilespmem:s12], [sflag:$0x3], $0x200, $0x38;
	[tilespmem:$0x1E000] =	vst v63  }
0x406: {  	s13 =	sadd.s32 $0x140, s30;
	s18 =	simm.s32 $0xF400  }
0x407: {  	[hbm4b:s13+s3] =	stream.linear.scatter [tilespmem:s18], [sflag:$0x3], $0x200, $0x38;
	[tilespmem:$0x1E000] =	vst v63  }
0x408: {  	s19 =	sadd.s32 $0x180, s30;
	s20 =	simm.s32 $0xF800  }
0x409: {  	[hbm4b:s19+s3] =	stream.linear.scatter [tilespmem:s20], [sflag:$0x3], $0x200, $0x38;
	[tilespmem:$0x1E000] =	vst v63  }
0x40a: {  	s21 =	sadd.s32 $0x1C0, s30;
	s22 =	simm.s32 $0xFC00;
	s23 =	sld [smem:$0x7EF]  }
0x40b: {  	[hbm4b:s21+s3] =	stream.linear.scatter [tilespmem:s22], [sflag:$0x3], $0x200, $0x38;
	[tilespmem:$0x1E000] =	vst v63  }
0x40c: {  	s24 =	simm.s32 $0xE200  }
0x40d: {  	[hbm4b:s23+s3] =	stream.linear.scatter [tilespmem:s24], [sflag:$0x3], $0x200, $0x38;
	[tilespmem:$0x1E000] =	vst v63  }
0x40e: {  	s26 =	simm.s32 $0xE600;
	s25 =	sadd.s32 $0x40, s23  }
0x40f: {  	[hbm4b:s25+s3] =	stream.linear.scatter [tilespmem:s26], [sflag:$0x3], $0x200, $0x38;
	[tilespmem:$0x1E000] =	vst v63  }
0x410: {  	s28 =	sadd.s32 $0x80, s23;
	s29 =	simm.s32 $0xEA00  }
0x411: {  	[hbm4b:s28+s3] =	stream.linear.scatter [tilespmem:s29], [sflag:$0x3], $0x200, $0x38;
	[tilespmem:$0x1E000] =	vst v63  }
0x412: {  	s30 =	sadd.s32 $0xC0, s23;
	s31 =	simm.s32 $0xEE00  }
0x413: {  	[hbm4b:s30+s3] =	stream.linear.scatter [tilespmem:s31], [sflag:$0x3], $0x200, $0x38;
	[tilespmem:$0x1E000] =	vst v63  }
0x414: {  	s1 =	sadd.s32 $0x100, s23;
	s2 =	simm.s32 $0xF200  }
0x415: {  	[hbm4b:s1+s3] =	stream.linear.scatter [tilespmem:s2], [sflag:$0x3], $0x200, $0x38;
	[tilespmem:$0x1E000] =	vst v63  }
0x416: {  	s6 =	sadd.s32 $0x140, s23;
	s9 =	simm.s32 $0xF600  }
0x417: {  	[hbm4b:s6+s3] =	stream.linear.scatter [tilespmem:s9], [sflag:$0x3], $0x200, $0x38;
	[tilespmem:$0x1E000] =	vst v63  }
0x418: {  	s10 =	sadd.s32 $0x180, s23;
	s11 =	simm.s32 $0xFA00  }
0x419: {  	[hbm4b:s10+s3] =	stream.linear.scatter [tilespmem:s11], [sflag:$0x3], $0x200, $0x38;
	[tilespmem:$0x1E000] =	vst v63  }
0x41a: {  	s12 =	sadd.s32 $0x1C0, s23;
	s13 =	simm.s32 $0xFE00  }
0x41b: {  	[hbm4b:s12+s3] =	stream.linear.scatter [tilespmem:s13], [sflag:$0x3], $0x200, $0x38;
	[tilespmem:$0x1E000] =	vst v63  }
0x41c: {  	_ =	swait.ge [sflag:s15], $0x1000  }
0x41d: {  	[sflag:s15] =	ssyncset.done $0x0  }
0x41e: {  	[sflag:s15] =	ssyncadd.s32 $0xFFFFF000  }
0x41f: {  	_ =	swait.ge [sflag:s15], $0x1000  }
0x420: {  	[sflag:s15] =	ssyncset.done $0x0  }
0x421: {  	[sflag:s15] =	ssyncadd.s32 $0xFFFFF000  }
0x422: {  	_ =	swait.ge [sflag:s15], $0x1000  }
0x423: {  	[sflag:s15] =	ssyncset.done $0x0  }
0x424: {  	[sflag:s15] =	ssyncadd.s32 $0xFFFFF000  }
0x425: {  	_ =	swait.ge [sflag:s15], $0x1000  }
0x426: {  	[sflag:s15] =	ssyncset.done $0x0  }
0x427: {  	[sflag:s15] =	ssyncadd.s32 $0xFFFFF000  }
0x428: {  	_ =	swait.ge [sflag:s15], $0x1000  }
0x429: {  	[sflag:s15] =	ssyncset.done $0x0  }
0x42a: {  	[sflag:s15] =	ssyncadd.s32 $0xFFFFF000  }
0x42b: {  	_ =	swait.ge [sflag:s15], $0x1000  }
0x42c: {  	[sflag:s15] =	ssyncset.done $0x0  }
0x42d: {  	[sflag:s15] =	ssyncadd.s32 $0xFFFFF000  }
0x42e: {  	_ =	swait.ge [sflag:s15], $0x1000  }
0x42f: {  	[sflag:s15] =	ssyncset.done $0x0  }
0x430: {  	[sflag:s15] =	ssyncadd.s32 $0xFFFFF000  }
0x431: {  	_ =	swait.ge [sflag:s15], $0x1000  }
0x432: {  	[sflag:s15] =	ssyncset.done $0x0  }
0x433: {  	[sflag:s15] =	ssyncadd.s32 $0xFFFFF000  }
0x434: {  	_ =	swait.ge [sflag:s15], $0x1000  }
0x435: {  	[sflag:s15] =	ssyncset.done $0x0  }
0x436: {  	[sflag:s15] =	ssyncadd.s32 $0xFFFFF000  }
0x437: {  	_ =	swait.ge [sflag:s15], $0x1000  }
0x438: {  	[sflag:s15] =	ssyncset.done $0x0  }
0x439: {  	[sflag:s15] =	ssyncadd.s32 $0xFFFFF000  }
0x43a: {  	_ =	swait.ge [sflag:s15], $0x1000  }
0x43b: {  	[sflag:s15] =	ssyncset.done $0x0  }
0x43c: {  	[sflag:s15] =	ssyncadd.s32 $0xFFFFF000  }
0x43d: {  	_ =	swait.ge [sflag:s15], $0x1000  }
0x43e: {  	[sflag:s15] =	ssyncset.done $0x0  }
0x43f: {  	[sflag:s15] =	ssyncadd.s32 $0xFFFFF000  }
0x440: {  	_ =	swait.ge [sflag:s15], $0x1000  }
0x441: {  	[sflag:s15] =	ssyncset.done $0x0  }
0x442: {  	[sflag:s15] =	ssyncadd.s32 $0xFFFFF000  }
0x443: {  	_ =	swait.ge [sflag:s15], $0x1000  }
0x444: {  	s16 =	sld [smem:$0x7D2]  }
0x445: {  	[sflag:s15] =	ssyncset.done $0x0  }
0x446: {  	[sflag:s15] =	ssyncadd.s32 $0xFFFFF000  }
0x447: {  	v3 =	vld [tilespmem:s16+$0x0];
	_ =	sdelay $0x4  }
0x448: {  	v60 =	vshll.u32 v3, $0x3  }
0x449: {  	v3 =	vand.u32 $0x7, v3;
	v4 =	vand.u32 $0xFFFFFFC0, v60  }
0x44a: {  	v3 =	vor.u32 v3, v4  }
0x44b: {  	v4 =	vperm.xlane v3, v0;
	_ =	sdelay $0x1  }
0x44c: {  	v4 =	vadd.s32 v1, v4;
	_ =	sdelay $0x3  }
0x44d: {  	s12 =	simm.s32 $0x10000  }
0x44e: {  	[tilespmem:s12], [sflag:$0x2] =	stream.indirect_vreg.gather [hbm4b:s4+s3], $0x80, v4, vm0, $0xb8;
	[tilespmem:$0x1E000] =	vst v63  }
0x44f: {  	s1 =	simm.s32 $0x10800;
	v3 =	vperm.xlane v3, v2  }
0x450: {  	[tilespmem:s1], [sflag:$0x2] =	stream.indirect_vreg.gather [hbm4b:s5+s3], $0x80, v4, vm0, $0xb8;
	[tilespmem:$0x1E000] =	vst v63  }
0x451: {  	s6 =	simm.s32 $0x11000;
	v3 =	vadd.s32 v1, v3  }
0x452: {  	[tilespmem:s6], [sflag:$0x2] =	stream.indirect_vreg.gather [hbm4b:s7+s3], $0x80, v4, vm0, $0xb8;
	[tilespmem:$0x1E000] =	vst v63  }
0x453: {  	s2 =	simm.s32 $0x11800  }
0x454: {  	[tilespmem:s2], [sflag:$0x2] =	stream.indirect_vreg.gather [hbm4b:s8+s3], $0x80, v4, vm0, $0xb8;
	[tilespmem:$0x1E000] =	vst v63  }
0x455: {  	s11 =	simm.s32 $0x12000  }
0x456: {  	[tilespmem:s11], [sflag:$0x2] =	stream.indirect_vreg.gather [hbm4b:s4+s3], $0x80, v3, vm0, $0xb8;
	[tilespmem:$0x1E000] =	vst v63  }
0x457: {  	s10 =	simm.s32 $0x12800  }
0x458: {  	[tilespmem:s10], [sflag:$0x2] =	stream.indirect_vreg.gather [hbm4b:s5+s3], $0x80, v3, vm0, $0xb8;
	[tilespmem:$0x1E000] =	vst v63  }
0x459: {  	s9 =	simm.s32 $0x13000  }
0x45a: {  	[tilespmem:s9], [sflag:$0x2] =	stream.indirect_vreg.gather [hbm4b:s7+s3], $0x80, v3, vm0, $0xb8;
	[tilespmem:$0x1E000] =	vst v63  }
0x45b: {  	s0 =	simm.s32 $0x13800  }
0x45c: {  	[tilespmem:s0], [sflag:$0x2] =	stream.indirect_vreg.gather [hbm4b:s8+s3], $0x80, v3, vm0, $0xb8;
	[tilespmem:$0x1E000] =	vst v63  }
0x45d: {  	v3 =	vld [tilespmem:s16+$0x10];
	_ =	sdelay $0x4  }
0x45e: {  	v61 =	vshll.u32 v3, $0x3  }
0x45f: {  	v3 =	vand.u32 $0x7, v3;
	v4 =	vand.u32 $0xFFFFFFC0, v61  }
0x460: {  	v3 =	vor.u32 v3, v4  }
0x461: {  	v4 =	vperm.xlane v3, v0;
	_ =	sdelay $0x1  }
0x462: {  	v4 =	vadd.s32 v1, v4;
	_ =	sdelay $0x3  }
0x463: {  	s25 =	simm.s32 $0x14000  }
0x464: {  	[tilespmem:s25], [sflag:$0x2] =	stream.indirect_vreg.gather [hbm4b:s4+s3], $0x80, v4, vm0, $0xb8;
	[tilespmem:$0x1E000] =	vst v63  }
0x465: {  	s24 =	simm.s32 $0x14800;
	v3 =	vperm.xlane v3, v2  }
0x466: {  	[tilespmem:s24], [sflag:$0x2] =	stream.indirect_vreg.gather [hbm4b:s5+s3], $0x80, v4, vm0, $0xb8;
	[tilespmem:$0x1E000] =	vst v63  }
0x467: {  	s23 =	simm.s32 $0x15000;
	v3 =	vadd.s32 v1, v3  }
0x468: {  	[tilespmem:s23], [sflag:$0x2] =	stream.indirect_vreg.gather [hbm4b:s7+s3], $0x80, v4, vm0, $0xb8;
	[tilespmem:$0x1E000] =	vst v63  }
0x469: {  	s22 =	simm.s32 $0x15800  }
0x46a: {  	[tilespmem:s22], [sflag:$0x2] =	stream.indirect_vreg.gather [hbm4b:s8+s3], $0x80, v4, vm0, $0xb8;
	[tilespmem:$0x1E000] =	vst v63  }
0x46b: {  	s13 =	simm.s32 $0x16000  }
0x46c: {  	[tilespmem:s13], [sflag:$0x2] =	stream.indirect_vreg.gather [hbm4b:s4+s3], $0x80, v3, vm0, $0xb8;
	[tilespmem:$0x1E000] =	vst v63  }
0x46d: {  	s29 =	simm.s32 $0x16800  }
0x46e: {  	[tilespmem:s29], [sflag:$0x2] =	stream.indirect_vreg.gather [hbm4b:s5+s3], $0x80, v3, vm0, $0xb8;
	[tilespmem:$0x1E000] =	vst v63  }
0x46f: {  	s28 =	simm.s32 $0x17000  }
0x470: {  	[tilespmem:s28], [sflag:$0x2] =	stream.indirect_vreg.gather [hbm4b:s7+s3], $0x80, v3, vm0, $0xb8;
	[tilespmem:$0x1E000] =	vst v63  }
0x471: {  	s26 =	simm.s32 $0x17800  }
0x472: {  	[tilespmem:s26], [sflag:$0x2] =	stream.indirect_vreg.gather [hbm4b:s8+s3], $0x80, v3, vm0, $0xb8;
	[tilespmem:$0x1E000] =	vst v63  }
0x473: {  	v3 =	vld [tilespmem:s16+$0x20];
	_ =	sdelay $0x4  }
0x474: {  	v62 =	vshll.u32 v3, $0x3  }
0x475: {  	v3 =	vand.u32 $0x7, v3;
	v4 =	vand.u32 $0xFFFFFFC0, v62  }
0x476: {  	v3 =	vor.u32 v3, v4  }
0x477: {  	v4 =	vperm.xlane v3, v0;
	_ =	sdelay $0x1  }
0x478: {  	v4 =	vadd.s32 v1, v4;
	_ =	sdelay $0x3  }
0x479: {  	s20 =	simm.s32 $0x18000  }
0x47a: {  	[tilespmem:s20], [sflag:$0x2] =	stream.indirect_vreg.gather [hbm4b:s4+s3], $0x80, v4, vm0, $0xb8;
	[tilespmem:$0x1E000] =	vst v63  }
0x47b: {  	s18 =	simm.s32 $0x18800;
	v3 =	vperm.xlane v3, v2  }
0x47c: {  	[tilespmem:s18], [sflag:$0x2] =	stream.indirect_vreg.gather [hbm4b:s5+s3], $0x80, v4, vm0, $0xb8;
	[tilespmem:$0x1E000] =	vst v63  }
0x47d: {  	s19 =	simm.s32 $0x19000;
	v3 =	vadd.s32 v1, v3  }
0x47e: {  	[tilespmem:s19], [sflag:$0x2] =	stream.indirect_vreg.gather [hbm4b:s7+s3], $0x80, v4, vm0, $0xb8;
	[tilespmem:$0x1E000] =	vst v63  }
0x47f: {  	s21 =	simm.s32 $0x19800  }
0x480: {  	[tilespmem:s21], [sflag:$0x2] =	stream.indirect_vreg.gather [hbm4b:s8+s3], $0x80, v4, vm0, $0xb8;
	[tilespmem:$0x1E000] =	vst v63  }
0x481: {  	s30 =	simm.s32 $0x1A000  }
0x482: {  	[tilespmem:s30], [sflag:$0x2] =	stream.indirect_vreg.gather [hbm4b:s4+s3], $0x80, v3, vm0, $0xb8;
	[tilespmem:$0x1E000] =	vst v63  }
0x483: {  	s31 =	simm.s32 $0x1A800  }
0x484: {  	[tilespmem:s31], [sflag:$0x2] =	stream.indirect_vreg.gather [hbm4b:s5+s3], $0x80, v3, vm0, $0xb8;
	[tilespmem:$0x1E000] =	vst v63  }
0x485: {  	s17 =	simm.s32 $0x1B000  }
0x486: {  	[tilespmem:s17], [sflag:$0x2] =	stream.indirect_vreg.gather [hbm4b:s7+s3], $0x80, v3, vm0, $0xb8;
	[tilespmem:$0x1E000] =	vst v63  }
0x487: {  	s17 =	simm.s32 $0x1B800  }
0x488: {  	[tilespmem:s17], [sflag:$0x2] =	stream.indirect_vreg.gather [hbm4b:s8+s3], $0x80, v3, vm0, $0xb8;
	[tilespmem:$0x1E000] =	vst v63  }
0x489: {  	v3 =	vld.msk [tilespmem:s16+$0x30], $0xff;
	_ =	sdelay $0x4  }
0x48a: {  	v63 =	vshll.u32 v3, $0x3  }
0x48b: {  	v3 =	vand.u32 $0x7, v3;
	v4 =	vand.u32 $0xFFFFFFC0, v63  }
0x48c: {  	v3 =	vor.u32 v3, v4  }
0x48d: {  	v3 =	vperm.xlane v3, v0;
	_ =	sdelay $0x1  }
0x48e: {  	v3 =	vadd.s32 v1, v3;
	_ =	sdelay $0x3  }
0x48f: {  	s17 =	simm.s32 $0x1C000  }
0x490: {  	[tilespmem:s17], [sflag:$0x2] =	stream.indirect_vreg.gather [hbm4b:s4+s3], $0x80, v3, vm0, $0xb8;
	[tilespmem:$0x1E000] =	vst v63  }
0x491: {  	s16 =	simm.s32 $0x1C800  }
0x492: {  	[tilespmem:s16], [sflag:$0x2] =	stream.indirect_vreg.gather [hbm4b:s5+s3], $0x80, v3, vm0, $0xb8;
	[tilespmem:$0x1E000] =	vst v63  }
0x493: {  	s17 =	simm.s32 $0x1D000  }
0x494: {  	[tilespmem:s17], [sflag:$0x2] =	stream.indirect_vreg.gather [hbm4b:s7+s3], $0x80, v3, vm0, $0xb8;
	[tilespmem:$0x1E000] =	vst v63  }
0x495: {  	s16 =	simm.s32 $0x1D800;
	s17 =	simm.s32 $0x2  }
0x496: {  	[tilespmem:s16], [sflag:$0x2] =	stream.indirect_vreg.gather [hbm4b:s8+s3], $0x80, v3, vm0, $0xb8;
	[tilespmem:$0x1E000] =	vst v63  }
0x497: {  	_ =	swait.ge [sflag:s17], $0xE000  }
0x498: {  	[sflag:s17] =	ssyncset.done $0x0  }
0x499: {  	[sflag:s17] =	ssyncadd.s32 $0xFFFF2000;
	s17 =	rddreg [dreg:$0x1b]  }
0x49a: {  	[hbm4b:s17+s3] =	stream.linear.scatter [tilespmem:s12], [sflag:$0x4], $0x200, $0x38;
	[tilespmem:$0x1E000] =	vst v63  }
0x49b: {  	s4 =	sadd.s32 $0x40, s17;
	s12 =	simm.s32 $0x10400  }
0x49c: {  	[hbm4b:s4+s3] =	stream.linear.scatter [tilespmem:s12], [sflag:$0x4], $0x200, $0x38;
	[tilespmem:$0x1E000] =	vst v63  }
0x49d: {  	s12 =	sadd.s32 $0x80, s17  }
0x49e: {  	[hbm4b:s12+s3] =	stream.linear.scatter [tilespmem:s1], [sflag:$0x4], $0x200, $0x38;
	[tilespmem:$0x1E000] =	vst v63  }
0x49f: {  	s4 =	sadd.s32 $0xC0, s17;
	s12 =	simm.s32 $0x10C00  }
0x4a0: {  	[hbm4b:s4+s3] =	stream.linear.scatter [tilespmem:s12], [sflag:$0x4], $0x200, $0x38;
	[tilespmem:$0x1E000] =	vst v63  }
0x4a1: {  	s1 =	sadd.s32 $0x100, s17  }
0x4a2: {  	[hbm4b:s1+s3] =	stream.linear.scatter [tilespmem:s6], [sflag:$0x4], $0x200, $0x38;
	[tilespmem:$0x1E000] =	vst v63  }
0x4a3: {  	s4 =	sadd.s32 $0x140, s17;
	s6 =	simm.s32 $0x11400  }
0x4a4: {  	[hbm4b:s4+s3] =	stream.linear.scatter [tilespmem:s6], [sflag:$0x4], $0x200, $0x38;
	[tilespmem:$0x1E000] =	vst v63  }
0x4a5: {  	s12 =	sadd.s32 $0x180, s17  }
0x4a6: {  	[hbm4b:s12+s3] =	stream.linear.scatter [tilespmem:s2], [sflag:$0x4], $0x200, $0x38;
	[tilespmem:$0x1E000] =	vst v63  }
0x4a7: {  	s1 =	sadd.s32 $0x1C0, s17;
	s17 =	sld [smem:$0x7F0];
	s2 =	simm.s32 $0x11C00  }
0x4a8: {  	[hbm4b:s1+s3] =	stream.linear.scatter [tilespmem:s2], [sflag:$0x4], $0x200, $0x38;
	[tilespmem:$0x1E000] =	vst v63  }
0x4a9: {  	s4 =	simm.s32 $0x10200  }
0x4aa: {  	[hbm4b:s17+s3] =	stream.linear.scatter [tilespmem:s4], [sflag:$0x4], $0x200, $0x38;
	[tilespmem:$0x1E000] =	vst v63  }
0x4ab: {  	s6 =	sadd.s32 $0x40, s17;
	s12 =	simm.s32 $0x10600  }
0x4ac: {  	[hbm4b:s6+s3] =	stream.linear.scatter [tilespmem:s12], [sflag:$0x4], $0x200, $0x38;
	[tilespmem:$0x1E000] =	vst v63  }
0x4ad: {  	s2 =	sadd.s32 $0x80, s17;
	s4 =	simm.s32 $0x10A00  }
0x4ae: {  	[hbm4b:s2+s3] =	stream.linear.scatter [tilespmem:s4], [sflag:$0x4], $0x200, $0x38;
	[tilespmem:$0x1E000] =	vst v63  }
0x4af: {  	s6 =	sadd.s32 $0xC0, s17;
	s12 =	simm.s32 $0x10E00  }
0x4b0: {  	[hbm4b:s6+s3] =	stream.linear.scatter [tilespmem:s12], [sflag:$0x4], $0x200, $0x38;
	[tilespmem:$0x1E000] =	vst v63  }
0x4b1: {  	s2 =	sadd.s32 $0x100, s17;
	s4 =	simm.s32 $0x11200  }
0x4b2: {  	[hbm4b:s2+s3] =	stream.linear.scatter [tilespmem:s4], [sflag:$0x4], $0x200, $0x38;
	[tilespmem:$0x1E000] =	vst v63  }
0x4b3: {  	s6 =	sadd.s32 $0x140, s17;
	s12 =	simm.s32 $0x11600  }
0x4b4: {  	[hbm4b:s6+s3] =	stream.linear.scatter [tilespmem:s12], [sflag:$0x4], $0x200, $0x38;
	[tilespmem:$0x1E000] =	vst v63  }
0x4b5: {  	s1 =	sadd.s32 $0x180, s17;
	s2 =	simm.s32 $0x11A00  }
0x4b6: {  	[hbm4b:s1+s3] =	stream.linear.scatter [tilespmem:s2], [sflag:$0x4], $0x200, $0x38;
	[tilespmem:$0x1E000] =	vst v63  }
0x4b7: {  	s4 =	sadd.s32 $0x1C0, s17;
	s6 =	simm.s32 $0x11E00;
	s2 =	sld [smem:$0x7F1]  }
0x4b8: {  	[hbm4b:s4+s3] =	stream.linear.scatter [tilespmem:s6], [sflag:$0x4], $0x200, $0x38;
	[tilespmem:$0x1E000] =	vst v63  }
0x4b9: {  	_ = 	snop  }
0x4ba: {  	[hbm4b:s2+s3] =	stream.linear.scatter [tilespmem:s11], [sflag:$0x4], $0x200, $0x38;
	[tilespmem:$0x1E000] =	vst v63  }
0x4bb: {  	s17 =	simm.s32 $0x12400;
	s12 =	sadd.s32 $0x40, s2  }
0x4bc: {  	[hbm4b:s12+s3] =	stream.linear.scatter [tilespmem:s17], [sflag:$0x4], $0x200, $0x38;
	[tilespmem:$0x1E000] =	vst v63  }
0x4bd: {  	s4 =	sadd.s32 $0x80, s2  }
0x4be: {  	[hbm4b:s4+s3] =	stream.linear.scatter [tilespmem:s10], [sflag:$0x4], $0x200, $0x38;
	[tilespmem:$0x1E000] =	vst v63  }
0x4bf: {  	s6 =	sadd.s32 $0xC0, s2;
	s10 =	simm.s32 $0x12C00  }
0x4c0: {  	[hbm4b:s6+s3] =	stream.linear.scatter [tilespmem:s10], [sflag:$0x4], $0x200, $0x38;
	[tilespmem:$0x1E000] =	vst v63  }
0x4c1: {  	s11 =	sadd.s32 $0x100, s2  }
0x4c2: {  	[hbm4b:s11+s3] =	stream.linear.scatter [tilespmem:s9], [sflag:$0x4], $0x200, $0x38;
	[tilespmem:$0x1E000] =	vst v63  }
0x4c3: {  	s12 =	sadd.s32 $0x140, s2;
	s17 =	simm.s32 $0x13400  }
0x4c4: {  	[hbm4b:s12+s3] =	stream.linear.scatter [tilespmem:s17], [sflag:$0x4], $0x200, $0x38;
	[tilespmem:$0x1E000] =	vst v63  }
0x4c5: {  	s1 =	sadd.s32 $0x180, s2  }
0x4c6: {  	[hbm4b:s1+s3] =	stream.linear.scatter [tilespmem:s0], [sflag:$0x4], $0x200, $0x38;
	[tilespmem:$0x1E000] =	vst v63  }
0x4c7: {  	s4 =	sadd.s32 $0x1C0, s2;
	s6 =	simm.s32 $0x13C00;
	s0 =	sld [smem:$0x7F2]  }
0x4c8: {  	[hbm4b:s4+s3] =	stream.linear.scatter [tilespmem:s6], [sflag:$0x4], $0x200, $0x38;
	[tilespmem:$0x1E000] =	vst v63  }
0x4c9: {  	s9 =	simm.s32 $0x12200  }
0x4ca: {  	[hbm4b:s0+s3] =	stream.linear.scatter [tilespmem:s9], [sflag:$0x4], $0x200, $0x38;
	[tilespmem:$0x1E000] =	vst v63  }
0x4cb: {  	s11 =	simm.s32 $0x12600;
	s10 =	sadd.s32 $0x40, s0  }
0x4cc: {  	[hbm4b:s10+s3] =	stream.linear.scatter [tilespmem:s11], [sflag:$0x4], $0x200, $0x38;
	[tilespmem:$0x1E000] =	vst v63  }
0x4cd: {  	s17 =	simm.s32 $0x12A00;
	s12 =	sadd.s32 $0x80, s0  }
0x4ce: {  	[hbm4b:s12+s3] =	stream.linear.scatter [tilespmem:s17], [sflag:$0x4], $0x200, $0x38;
	[tilespmem:$0x1E000] =	vst v63  }
0x4cf: {  	s4 =	simm.s32 $0x12E00;
	s2 =	sadd.s32 $0xC0, s0  }
0x4d0: {  	[hbm4b:s2+s3] =	stream.linear.scatter [tilespmem:s4], [sflag:$0x4], $0x200, $0x38;
	[tilespmem:$0x1E000] =	vst v63  }
0x4d1: {  	s6 =	sadd.s32 $0x100, s0;
	s9 =	simm.s32 $0x13200  }
0x4d2: {  	[hbm4b:s6+s3] =	stream.linear.scatter [tilespmem:s9], [sflag:$0x4], $0x200, $0x38;
	[tilespmem:$0x1E000] =	vst v63  }
0x4d3: {  	s10 =	sadd.s32 $0x140, s0;
	s11 =	simm.s32 $0x13600  }
0x4d4: {  	[hbm4b:s10+s3] =	stream.linear.scatter [tilespmem:s11], [sflag:$0x4], $0x200, $0x38;
	[tilespmem:$0x1E000] =	vst v63  }
0x4d5: {  	s12 =	sadd.s32 $0x180, s0;
	s17 =	simm.s32 $0x13A00  }
0x4d6: {  	[hbm4b:s12+s3] =	stream.linear.scatter [tilespmem:s17], [sflag:$0x4], $0x200, $0x38;
	[tilespmem:$0x1E000] =	vst v63  }
0x4d7: {  	s1 =	sadd.s32 $0x1C0, s0;
	s2 =	simm.s32 $0x13E00;
	s4 =	sld [smem:$0x7F3]  }
0x4d8: {  	[hbm4b:s1+s3] =	stream.linear.scatter [tilespmem:s2], [sflag:$0x4], $0x200, $0x38;
	[tilespmem:$0x1E000] =	vst v63  }
0x4d9: {  	_ = 	snop  }
0x4da: {  	[hbm4b:s4+s3] =	stream.linear.scatter [tilespmem:s25], [sflag:$0x4], $0x200, $0x38;
	[tilespmem:$0x1E000] =	vst v63  }
0x4db: {  	s9 =	simm.s32 $0x14400;
	s6 =	sadd.s32 $0x40, s4  }
0x4dc: {  	[hbm4b:s6+s3] =	stream.linear.scatter [tilespmem:s9], [sflag:$0x4], $0x200, $0x38;
	[tilespmem:$0x1E000] =	vst v63  }
0x4dd: {  	s10 =	sadd.s32 $0x80, s4  }
0x4de: {  	[hbm4b:s10+s3] =	stream.linear.scatter [tilespmem:s24], [sflag:$0x4], $0x200, $0x38;
	[tilespmem:$0x1E000] =	vst v63  }
0x4df: {  	s11 =	sadd.s32 $0xC0, s4;
	s12 =	simm.s32 $0x14C00  }
0x4e0: {  	[hbm4b:s11+s3] =	stream.linear.scatter [tilespmem:s12], [sflag:$0x4], $0x200, $0x38;
	[tilespmem:$0x1E000] =	vst v63  }
0x4e1: {  	s17 =	sadd.s32 $0x100, s4  }
0x4e2: {  	[hbm4b:s17+s3] =	stream.linear.scatter [tilespmem:s23], [sflag:$0x4], $0x200, $0x38;
	[tilespmem:$0x1E000] =	vst v63  }
0x4e3: {  	s25 =	simm.s32 $0x15400;
	s24 =	sadd.s32 $0x140, s4  }
0x4e4: {  	[hbm4b:s24+s3] =	stream.linear.scatter [tilespmem:s25], [sflag:$0x4], $0x200, $0x38;
	[tilespmem:$0x1E000] =	vst v63  }
0x4e5: {  	s2 =	sadd.s32 $0x180, s4  }
0x4e6: {  	[hbm4b:s2+s3] =	stream.linear.scatter [tilespmem:s22], [sflag:$0x4], $0x200, $0x38;
	[tilespmem:$0x1E000] =	vst v63  }
0x4e7: {  	s0 =	sld [smem:$0x7F4];
	s6 =	simm.s32 $0x15C00;
	s4 =	sadd.s32 $0x1C0, s4  }
0x4e8: {  	[hbm4b:s4+s3] =	stream.linear.scatter [tilespmem:s6], [sflag:$0x4], $0x200, $0x38;
	[tilespmem:$0x1E000] =	vst v63  }
0x4e9: {  	s9 =	simm.s32 $0x14200  }
0x4ea: {  	[hbm4b:s0+s3] =	stream.linear.scatter [tilespmem:s9], [sflag:$0x4], $0x200, $0x38;
	[tilespmem:$0x1E000] =	vst v63  }
0x4eb: {  	s10 =	sadd.s32 $0x40, s0;
	s11 =	simm.s32 $0x14600  }
0x4ec: {  	[hbm4b:s10+s3] =	stream.linear.scatter [tilespmem:s11], [sflag:$0x4], $0x200, $0x38;
	[tilespmem:$0x1E000] =	vst v63  }
0x4ed: {  	s12 =	sadd.s32 $0x80, s0;
	s17 =	simm.s32 $0x14A00  }
0x4ee: {  	[hbm4b:s12+s3] =	stream.linear.scatter [tilespmem:s17], [sflag:$0x4], $0x200, $0x38;
	[tilespmem:$0x1E000] =	vst v63  }
0x4ef: {  	s23 =	simm.s32 $0x14E00;
	s22 =	sadd.s32 $0xC0, s0  }
0x4f0: {  	[hbm4b:s22+s3] =	stream.linear.scatter [tilespmem:s23], [sflag:$0x4], $0x200, $0x38;
	[tilespmem:$0x1E000] =	vst v63  }
0x4f1: {  	s24 =	sadd.s32 $0x100, s0;
	s25 =	simm.s32 $0x15200  }
0x4f2: {  	[hbm4b:s24+s3] =	stream.linear.scatter [tilespmem:s25], [sflag:$0x4], $0x200, $0x38;
	[tilespmem:$0x1E000] =	vst v63  }
0x4f3: {  	s2 =	sadd.s32 $0x140, s0;
	s4 =	simm.s32 $0x15600  }
0x4f4: {  	[hbm4b:s2+s3] =	stream.linear.scatter [tilespmem:s4], [sflag:$0x4], $0x200, $0x38;
	[tilespmem:$0x1E000] =	vst v63  }
0x4f5: {  	s6 =	sadd.s32 $0x180, s0;
	s9 =	simm.s32 $0x15A00  }
0x4f6: {  	[hbm4b:s6+s3] =	stream.linear.scatter [tilespmem:s9], [sflag:$0x4], $0x200, $0x38;
	[tilespmem:$0x1E000] =	vst v63  }
0x4f7: {  	s10 =	sadd.s32 $0x1C0, s0;
	s11 =	simm.s32 $0x15E00;
	s12 =	sld [smem:$0x7F5]  }
0x4f8: {  	[hbm4b:s10+s3] =	stream.linear.scatter [tilespmem:s11], [sflag:$0x4], $0x200, $0x38;
	[tilespmem:$0x1E000] =	vst v63  }
0x4f9: {  	_ = 	snop  }
0x4fa: {  	[hbm4b:s12+s3] =	stream.linear.scatter [tilespmem:s13], [sflag:$0x4], $0x200, $0x38;
	[tilespmem:$0x1E000] =	vst v63  }
0x4fb: {  	s22 =	simm.s32 $0x16400;
	s17 =	sadd.s32 $0x40, s12  }
0x4fc: {  	[hbm4b:s17+s3] =	stream.linear.scatter [tilespmem:s22], [sflag:$0x4], $0x200, $0x38;
	[tilespmem:$0x1E000] =	vst v63  }
0x4fd: {  	s23 =	sadd.s32 $0x80, s12  }
0x4fe: {  	[hbm4b:s23+s3] =	stream.linear.scatter [tilespmem:s29], [sflag:$0x4], $0x200, $0x38;
	[tilespmem:$0x1E000] =	vst v63  }
0x4ff: {  	s24 =	sadd.s32 $0xC0, s12;
	s25 =	simm.s32 $0x16C00  }
0x500: {  	[hbm4b:s24+s3] =	stream.linear.scatter [tilespmem:s25], [sflag:$0x4], $0x200, $0x38;
	[tilespmem:$0x1E000] =	vst v63  }
0x501: {  	s29 =	sadd.s32 $0x100, s12  }
0x502: {  	[hbm4b:s29+s3] =	stream.linear.scatter [tilespmem:s28], [sflag:$0x4], $0x200, $0x38;
	[tilespmem:$0x1E000] =	vst v63  }
0x503: {  	s1 =	sadd.s32 $0x140, s12;
	s2 =	simm.s32 $0x17400  }
0x504: {  	[hbm4b:s1+s3] =	stream.linear.scatter [tilespmem:s2], [sflag:$0x4], $0x200, $0x38;
	[tilespmem:$0x1E000] =	vst v63  }
0x505: {  	s4 =	sadd.s32 $0x180, s12  }
0x506: {  	[hbm4b:s4+s3] =	stream.linear.scatter [tilespmem:s26], [sflag:$0x4], $0x200, $0x38;
	[tilespmem:$0x1E000] =	vst v63  }
0x507: {  	s6 =	sadd.s32 $0x1C0, s12;
	s9 =	simm.s32 $0x17C00;
	s10 =	sld [smem:$0x7F6]  }
0x508: {  	[hbm4b:s6+s3] =	stream.linear.scatter [tilespmem:s9], [sflag:$0x4], $0x200, $0x38;
	[tilespmem:$0x1E000] =	vst v63  }
0x509: {  	s11 =	simm.s32 $0x16200  }
0x50a: {  	[hbm4b:s10+s3] =	stream.linear.scatter [tilespmem:s11], [sflag:$0x4], $0x200, $0x38;
	[tilespmem:$0x1E000] =	vst v63  }
0x50b: {  	s13 =	simm.s32 $0x16600;
	s12 =	sadd.s32 $0x40, s10  }
0x50c: {  	[hbm4b:s12+s3] =	stream.linear.scatter [tilespmem:s13], [sflag:$0x4], $0x200, $0x38;
	[tilespmem:$0x1E000] =	vst v63  }
0x50d: {  	s17 =	sadd.s32 $0x80, s10;
	s22 =	simm.s32 $0x16A00  }
0x50e: {  	[hbm4b:s17+s3] =	stream.linear.scatter [tilespmem:s22], [sflag:$0x4], $0x200, $0x38;
	[tilespmem:$0x1E000] =	vst v63  }
0x50f: {  	s23 =	sadd.s32 $0xC0, s10;
	s24 =	simm.s32 $0x16E00  }
0x510: {  	[hbm4b:s23+s3] =	stream.linear.scatter [tilespmem:s24], [sflag:$0x4], $0x200, $0x38;
	[tilespmem:$0x1E000] =	vst v63  }
0x511: {  	s25 =	sadd.s32 $0x100, s10;
	s26 =	simm.s32 $0x17200  }
0x512: {  	[hbm4b:s25+s3] =	stream.linear.scatter [tilespmem:s26], [sflag:$0x4], $0x200, $0x38;
	[tilespmem:$0x1E000] =	vst v63  }
0x513: {  	s28 =	sadd.s32 $0x140, s10;
	s29 =	simm.s32 $0x17600  }
0x514: {  	[hbm4b:s28+s3] =	stream.linear.scatter [tilespmem:s29], [sflag:$0x4], $0x200, $0x38;
	[tilespmem:$0x1E000] =	vst v63  }
0x515: {  	s2 =	sadd.s32 $0x180, s10;
	s4 =	simm.s32 $0x17A00  }
0x516: {  	[hbm4b:s2+s3] =	stream.linear.scatter [tilespmem:s4], [sflag:$0x4], $0x200, $0x38;
	[tilespmem:$0x1E000] =	vst v63  }
0x517: {  	s6 =	sadd.s32 $0x1C0, s10;
	s9 =	simm.s32 $0x17E00;
	s10 =	sld [smem:$0x7F7]  }
0x518: {  	[hbm4b:s6+s3] =	stream.linear.scatter [tilespmem:s9], [sflag:$0x4], $0x200, $0x38;
	[tilespmem:$0x1E000] =	vst v63  }
0x519: {  	_ = 	snop  }
0x51a: {  	[hbm4b:s10+s3] =	stream.linear.scatter [tilespmem:s20], [sflag:$0x4], $0x200, $0x38;
	[tilespmem:$0x1E000] =	vst v63  }
0x51b: {  	s12 =	simm.s32 $0x18400;
	s11 =	sadd.s32 $0x40, s10  }
0x51c: {  	[hbm4b:s11+s3] =	stream.linear.scatter [tilespmem:s12], [sflag:$0x4], $0x200, $0x38;
	[tilespmem:$0x1E000] =	vst v63  }
0x51d: {  	s13 =	sadd.s32 $0x80, s10  }
0x51e: {  	[hbm4b:s13+s3] =	stream.linear.scatter [tilespmem:s18], [sflag:$0x4], $0x200, $0x38;
	[tilespmem:$0x1E000] =	vst v63  }
0x51f: {  	s17 =	sadd.s32 $0xC0, s10;
	s18 =	simm.s32 $0x18C00  }
0x520: {  	[hbm4b:s17+s3] =	stream.linear.scatter [tilespmem:s18], [sflag:$0x4], $0x200, $0x38;
	[tilespmem:$0x1E000] =	vst v63  }
0x521: {  	s20 =	sadd.s32 $0x100, s10  }
0x522: {  	[hbm4b:s20+s3] =	stream.linear.scatter [tilespmem:s19], [sflag:$0x4], $0x200, $0x38;
	[tilespmem:$0x1E000] =	vst v63  }
0x523: {  	s22 =	sadd.s32 $0x140, s10;
	s23 =	simm.s32 $0x19400  }
0x524: {  	[hbm4b:s22+s3] =	stream.linear.scatter [tilespmem:s23], [sflag:$0x4], $0x200, $0x38;
	[tilespmem:$0x1E000] =	vst v63  }
0x525: {  	s24 =	sadd.s32 $0x180, s10  }
0x526: {  	[hbm4b:s24+s3] =	stream.linear.scatter [tilespmem:s21], [sflag:$0x4], $0x200, $0x38;
	[tilespmem:$0x1E000] =	vst v63  }
0x527: {  	s25 =	sadd.s32 $0x1C0, s10;
	s26 =	simm.s32 $0x19C00;
	s28 =	sld [smem:$0x7F8]  }
0x528: {  	[hbm4b:s25+s3] =	stream.linear.scatter [tilespmem:s26], [sflag:$0x4], $0x200, $0x38;
	[tilespmem:$0x1E000] =	vst v63  }
0x529: {  	s29 =	simm.s32 $0x18200  }
0x52a: {  	[hbm4b:s28+s3] =	stream.linear.scatter [tilespmem:s29], [sflag:$0x4], $0x200, $0x38;
	[tilespmem:$0x1E000] =	vst v63  }
0x52b: {  	s4 =	simm.s32 $0x18600;
	s2 =	sadd.s32 $0x40, s28  }
0x52c: {  	[hbm4b:s2+s3] =	stream.linear.scatter [tilespmem:s4], [sflag:$0x4], $0x200, $0x38;
	[tilespmem:$0x1E000] =	vst v63  }
0x52d: {  	s6 =	sadd.s32 $0x80, s28;
	s9 =	simm.s32 $0x18A00  }
0x52e: {  	[hbm4b:s6+s3] =	stream.linear.scatter [tilespmem:s9], [sflag:$0x4], $0x200, $0x38;
	[tilespmem:$0x1E000] =	vst v63  }
0x52f: {  	s10 =	sadd.s32 $0xC0, s28;
	s11 =	simm.s32 $0x18E00  }
0x530: {  	[hbm4b:s10+s3] =	stream.linear.scatter [tilespmem:s11], [sflag:$0x4], $0x200, $0x38;
	[tilespmem:$0x1E000] =	vst v63  }
0x531: {  	s12 =	sadd.s32 $0x100, s28;
	s13 =	simm.s32 $0x19200  }
0x532: {  	[hbm4b:s12+s3] =	stream.linear.scatter [tilespmem:s13], [sflag:$0x4], $0x200, $0x38;
	[tilespmem:$0x1E000] =	vst v63  }
0x533: {  	s17 =	sadd.s32 $0x140, s28;
	s18 =	simm.s32 $0x19600  }
0x534: {  	[hbm4b:s17+s3] =	stream.linear.scatter [tilespmem:s18], [sflag:$0x4], $0x200, $0x38;
	[tilespmem:$0x1E000] =	vst v63  }
0x535: {  	s19 =	sadd.s32 $0x180, s28;
	s20 =	simm.s32 $0x19A00  }
0x536: {  	[hbm4b:s19+s3] =	stream.linear.scatter [tilespmem:s20], [sflag:$0x4], $0x200, $0x38;
	[tilespmem:$0x1E000] =	vst v63  }
0x537: {  	s22 =	simm.s32 $0x19E00;
	s23 =	sld [smem:$0x7F9];
	s21 =	sadd.s32 $0x1C0, s28  }
0x538: {  	[hbm4b:s21+s3] =	stream.linear.scatter [tilespmem:s22], [sflag:$0x4], $0x200, $0x38;
	[tilespmem:$0x1E000] =	vst v63  }
0x539: {  	_ = 	snop  }
0x53a: {  	[hbm4b:s23+s3] =	stream.linear.scatter [tilespmem:s30], [sflag:$0x4], $0x200, $0x38;
	[tilespmem:$0x1E000] =	vst v63  }
0x53b: {  	s24 =	sadd.s32 $0x40, s23;
	s25 =	simm.s32 $0x1A400  }
0x53c: {  	[hbm4b:s24+s3] =	stream.linear.scatter [tilespmem:s25], [sflag:$0x4], $0x200, $0x38;
	[tilespmem:$0x1E000] =	vst v63  }
0x53d: {  	s26 =	sadd.s32 $0x80, s23  }
0x53e: {  	[hbm4b:s26+s3] =	stream.linear.scatter [tilespmem:s31], [sflag:$0x4], $0x200, $0x38;
	[tilespmem:$0x1E000] =	vst v63  }
0x53f: {  	s28 =	sadd.s32 $0xC0, s23;
	s29 =	simm.s32 $0x1AC00  }
0x540: {  	[hbm4b:s28+s3] =	stream.linear.scatter [tilespmem:s29], [sflag:$0x4], $0x200, $0x38;
	[tilespmem:$0x1E000] =	vst v63  }
0x541: {  	s30 =	sadd.s32 $0x100, s23;
	s31 =	simm.s32 $0x1B000  }
0x542: {  	[hbm4b:s30+s3] =	stream.linear.scatter [tilespmem:s31], [sflag:$0x4], $0x200, $0x38;
	[tilespmem:$0x1E000] =	vst v63  }
0x543: {  	s1 =	sadd.s32 $0x140, s23;
	s2 =	simm.s32 $0x1B400  }
0x544: {  	[hbm4b:s1+s3] =	stream.linear.scatter [tilespmem:s2], [sflag:$0x4], $0x200, $0x38;
	[tilespmem:$0x1E000] =	vst v63  }
0x545: {  	s4 =	sadd.s32 $0x180, s23;
	s6 =	simm.s32 $0x1B800  }
0x546: {  	[hbm4b:s4+s3] =	stream.linear.scatter [tilespmem:s6], [sflag:$0x4], $0x200, $0x38;
	[tilespmem:$0x1E000] =	vst v63  }
0x547: {  	s9 =	sadd.s32 $0x1C0, s23;
	s10 =	simm.s32 $0x1BC00;
	s11 =	sld [smem:$0x7FA]  }
0x548: {  	[hbm4b:s9+s3] =	stream.linear.scatter [tilespmem:s10], [sflag:$0x4], $0x200, $0x38;
	[tilespmem:$0x1E000] =	vst v63  }
0x549: {  	s12 =	simm.s32 $0x1A200  }
0x54a: {  	[hbm4b:s11+s3] =	stream.linear.scatter [tilespmem:s12], [sflag:$0x4], $0x200, $0x38;
	[tilespmem:$0x1E000] =	vst v63  }
0x54b: {  	s13 =	sadd.s32 $0x40, s11;
	s17 =	simm.s32 $0x1A600  }
0x54c: {  	[hbm4b:s13+s3] =	stream.linear.scatter [tilespmem:s17], [sflag:$0x4], $0x200, $0x38;
	[tilespmem:$0x1E000] =	vst v63  }
0x54d: {  	s18 =	sadd.s32 $0x80, s11;
	s19 =	simm.s32 $0x1AA00  }
0x54e: {  	[hbm4b:s18+s3] =	stream.linear.scatter [tilespmem:s19], [sflag:$0x4], $0x200, $0x38;
	[tilespmem:$0x1E000] =	vst v63  }
0x54f: {  	s20 =	sadd.s32 $0xC0, s11;
	s21 =	simm.s32 $0x1AE00  }
0x550: {  	[hbm4b:s20+s3] =	stream.linear.scatter [tilespmem:s21], [sflag:$0x4], $0x200, $0x38;
	[tilespmem:$0x1E000] =	vst v63  }
0x551: {  	s22 =	sadd.s32 $0x100, s11;
	s23 =	simm.s32 $0x1B200  }
0x552: {  	[hbm4b:s22+s3] =	stream.linear.scatter [tilespmem:s23], [sflag:$0x4], $0x200, $0x38;
	[tilespmem:$0x1E000] =	vst v63  }
0x553: {  	s24 =	sadd.s32 $0x140, s11;
	s25 =	simm.s32 $0x1B600  }
0x554: {  	[hbm4b:s24+s3] =	stream.linear.scatter [tilespmem:s25], [sflag:$0x4], $0x200, $0x38;
	[tilespmem:$0x1E000] =	vst v63  }
0x555: {  	s26 =	sadd.s32 $0x180, s11;
	s28 =	simm.s32 $0x1BA00  }
0x556: {  	[hbm4b:s26+s3] =	stream.linear.scatter [tilespmem:s28], [sflag:$0x4], $0x200, $0x38;
	[tilespmem:$0x1E000] =	vst v63  }
0x557: {  	s0 =	sld [smem:$0x7FB];
	s29 =	sadd.s32 $0x1C0, s11;
	s30 =	simm.s32 $0x1BE00  }
0x558: {  	[hbm4b:s29+s3] =	stream.linear.scatter [tilespmem:s30], [sflag:$0x4], $0x200, $0x38;
	[tilespmem:$0x1E000] =	vst v63  }
0x559: {  	s16 =	simm.s32 @!p0 $0x0;
	s17 =	simm.s32 @!p0 $0x1C000  }
0x55a: {  	[hbm4b:s0+s16] =	stream.linear.scatter @!p0 [tilespmem:s17], [sflag:$0x4], $0x200, $0x38;
	[tilespmem:$0x1E000] =	vst v63  }
0x55b: {  	s18 =	simm.s32 @!p0 $0x1C400;
	s17 =	sadd.s32 @!p0 $0x40, s0  }
0x55c: {  	[hbm4b:s17+s16] =	stream.linear.scatter @!p0 [tilespmem:s18], [sflag:$0x4], $0x200, $0x38;
	[tilespmem:$0x1E000] =	vst v63  }
0x55d: {  	s17 =	sadd.s32 @!p0 $0x80, s0;
	s18 =	simm.s32 @!p0 $0x1C800  }
0x55e: {  	[hbm4b:s17+s16] =	stream.linear.scatter @!p0 [tilespmem:s18], [sflag:$0x4], $0x200, $0x38;
	[tilespmem:$0x1E000] =	vst v63  }
0x55f: {  	s17 =	sadd.s32 @!p0 $0xC0, s0;
	s18 =	simm.s32 @!p0 $0x1CC00  }
0x560: {  	[hbm4b:s17+s16] =	stream.linear.scatter @!p0 [tilespmem:s18], [sflag:$0x4], $0x200, $0x38;
	[tilespmem:$0x1E000] =	vst v63  }
0x561: {  	s17 =	sadd.s32 @!p0 $0x100, s0;
	s18 =	simm.s32 @!p0 $0x1D000  }
0x562: {  	[hbm4b:s17+s16] =	stream.linear.scatter @!p0 [tilespmem:s18], [sflag:$0x4], $0x200, $0x38;
	[tilespmem:$0x1E000] =	vst v63  }
0x563: {  	s17 =	sadd.s32 @!p0 $0x140, s0;
	s18 =	simm.s32 @!p0 $0x1D400  }
0x564: {  	[hbm4b:s17+s16] =	stream.linear.scatter @!p0 [tilespmem:s18], [sflag:$0x4], $0x200, $0x38;
	[tilespmem:$0x1E000] =	vst v63  }
0x565: {  	s17 =	sadd.s32 @!p0 $0x180, s0;
	s18 =	simm.s32 @!p0 $0x1D800  }
0x566: {  	[hbm4b:s17+s16] =	stream.linear.scatter @!p0 [tilespmem:s18], [sflag:$0x4], $0x200, $0x38;
	[tilespmem:$0x1E000] =	vst v63  }
0x567: {  	s17 =	sadd.s32 @!p0 $0x1C0, s0;
	s18 =	simm.s32 @!p0 $0x1DC00;
	s0 =	sld [smem:$0x7FD]  }
0x568: {  	[hbm4b:s17+s16] =	stream.linear.scatter @!p0 [tilespmem:s18], [sflag:$0x4], $0x200, $0x38;
	[tilespmem:$0x1E000] =	vst v63  }
0x569: {  	s17 =	simm.s32 @!p0 $0x1C200  }
0x56a: {  	[hbm4b:s0+s16] =	stream.linear.scatter @!p0 [tilespmem:s17], [sflag:$0x4], $0x200, $0x38;
	[tilespmem:$0x1E000] =	vst v63  }
0x56b: {  	s18 =	simm.s32 @!p0 $0x1C600;
	s17 =	sadd.s32 @!p0 $0x40, s0  }
0x56c: {  	[hbm4b:s17+s16] =	stream.linear.scatter @!p0 [tilespmem:s18], [sflag:$0x4], $0x200, $0x38;
	[tilespmem:$0x1E000] =	vst v63  }
0x56d: {  	s17 =	sadd.s32 @!p0 $0x80, s0;
	s18 =	simm.s32 @!p0 $0x1CA00  }
0x56e: {  	[hbm4b:s17+s16] =	stream.linear.scatter @!p0 [tilespmem:s18], [sflag:$0x4], $0x200, $0x38;
	[tilespmem:$0x1E000] =	vst v63  }
0x56f: {  	s17 =	sadd.s32 @!p0 $0xC0, s0;
	s18 =	simm.s32 @!p0 $0x1CE00  }
0x570: {  	[hbm4b:s17+s16] =	stream.linear.scatter @!p0 [tilespmem:s18], [sflag:$0x4], $0x200, $0x38;
	[tilespmem:$0x1E000] =	vst v63  }
0x571: {  	s17 =	sadd.s32 @!p0 $0x100, s0;
	s18 =	simm.s32 @!p0 $0x1D200  }
0x572: {  	[hbm4b:s17+s16] =	stream.linear.scatter @!p0 [tilespmem:s18], [sflag:$0x4], $0x200, $0x38;
	[tilespmem:$0x1E000] =	vst v63  }
0x573: {  	s17 =	sadd.s32 @!p0 $0x140, s0;
	s18 =	simm.s32 @!p0 $0x1D600  }
0x574: {  	[hbm4b:s17+s16] =	stream.linear.scatter @!p0 [tilespmem:s18], [sflag:$0x4], $0x200, $0x38;
	[tilespmem:$0x1E000] =	vst v63  }
0x575: {  	s17 =	sadd.s32 @!p0 $0x180, s0;
	s18 =	simm.s32 @!p0 $0x1DA00  }
0x576: {  	[hbm4b:s17+s16] =	stream.linear.scatter @!p0 [tilespmem:s18], [sflag:$0x4], $0x200, $0x38;
	[tilespmem:$0x1E000] =	vst v63  }
0x577: {  	s17 =	sadd.s32 @!p0 $0x1C0, s0;
	s18 =	simm.s32 @!p0 $0x1DE00  }
0x578: {  	[hbm4b:s17+s16] =	stream.linear.scatter @!p0 [tilespmem:s18], [sflag:$0x4], $0x200, $0x38;
	[tilespmem:$0x1E000] =	vst v63  }
0x579: {  	s31 =	sld [smem:$0x7D0];
	_ =	swait.ge [sflag:s14], $0x1000  }
0x57a: {  	[sflag:s14] =	ssyncset.done $0x0  }
0x57b: {  	[sflag:s14] =	ssyncadd.s32 $0xFFFFF000  }
0x57c: {  	_ =	swait.ge [sflag:s14], $0x1000  }
0x57d: {  	[sflag:s14] =	ssyncset.done $0x0  }
0x57e: {  	[sflag:s14] =	ssyncadd.s32 $0xFFFFF000  }
0x57f: {  	_ =	swait.ge [sflag:s14], $0x1000  }
0x580: {  	[sflag:s14] =	ssyncset.done $0x0  }
0x581: {  	[sflag:s14] =	ssyncadd.s32 $0xFFFFF000  }
0x582: {  	_ =	swait.ge [sflag:s14], $0x1000  }
0x583: {  	[sflag:s14] =	ssyncset.done $0x0  }
0x584: {  	[sflag:s14] =	ssyncadd.s32 $0xFFFFF000  }
0x585: {  	_ =	swait.ge [sflag:s14], $0x1000  }
0x586: {  	[sflag:s14] =	ssyncset.done $0x0  }
0x587: {  	[sflag:s14] =	ssyncadd.s32 $0xFFFFF000  }
0x588: {  	_ =	swait.ge [sflag:s14], $0x1000  }
0x589: {  	[sflag:s14] =	ssyncset.done $0x0  }
0x58a: {  	[sflag:s14] =	ssyncadd.s32 $0xFFFFF000  }
0x58b: {  	_ =	swait.ge [sflag:s14], $0x1000  }
0x58c: {  	[sflag:s14] =	ssyncset.done $0x0  }
0x58d: {  	[sflag:s14] =	ssyncadd.s32 $0xFFFFF000  }
0x58e: {  	_ =	swait.ge [sflag:s14], $0x1000  }
0x58f: {  	[sflag:s14] =	ssyncset.done $0x0  }
0x590: {  	[sflag:s14] =	ssyncadd.s32 $0xFFFFF000  }
0x591: {  	_ =	swait.ge [sflag:s14], $0x1000  }
0x592: {  	[sflag:s14] =	ssyncset.done $0x0  }
0x593: {  	[sflag:s14] =	ssyncadd.s32 $0xFFFFF000  }
0x594: {  	_ =	swait.ge [sflag:s14], $0x1000  }
0x595: {  	[sflag:s14] =	ssyncset.done $0x0  }
0x596: {  	[sflag:s14] =	ssyncadd.s32 $0xFFFFF000  }
0x597: {  	_ =	swait.ge [sflag:s14], $0x1000  }
0x598: {  	[sflag:s14] =	ssyncset.done $0x0  }
0x599: {  	[sflag:s14] =	ssyncadd.s32 $0xFFFFF000  }
0x59a: {  	_ =	swait.ge [sflag:s14], $0x1000  }
0x59b: {  	[sflag:s14] =	ssyncset.done $0x0  }
0x59c: {  	[sflag:s14] =	ssyncadd.s32 $0xFFFFF000  }
0x59d: {  	_ =	swait.ge [sflag:s14], $0x1000  }
0x59e: {  	[sflag:s14] =	ssyncset.done $0x0  }
0x59f: {  	[sflag:s14] =	ssyncadd.s32 $0xFFFFF000  }
0x5a0: {  	_ =	swait.ge [sflag:s14], $0x1000  }
0x5a1: {  	[sflag:s14] =	ssyncset.done $0x0  }
0x5a2: {  	[sflag:s14] =	ssyncadd.s32 $0xFFFFF000  }
0x5a3: {  	_ =	swait.ge [sflag:s15], $0x1000  }
0x5a4: {  	[sflag:s15] =	ssyncset.done $0x0  }
0x5a5: {  	[sflag:s15] =	ssyncadd.s32 $0xFFFFF000  }
0x5a6: {  	_ =	swait.ge [sflag:s15], $0x1000  }
0x5a7: {  	[sflag:s15] =	ssyncset.done $0x0  }
0x5a8: {  	[sflag:s15] =	ssyncadd.s32 $0xFFFFF000  }
0x5a9: {  	_ =	swait.ge [sflag:s15], $0x1000  }
0x5aa: {  	[sflag:s15] =	ssyncset.done $0x0  }
0x5ab: {  	[sflag:s15] =	ssyncadd.s32 $0xFFFFF000  }
0x5ac: {  	_ =	swait.ge [sflag:s15], $0x1000  }
0x5ad: {  	[sflag:s15] =	ssyncset.done $0x0  }
0x5ae: {  	[sflag:s15] =	ssyncadd.s32 $0xFFFFF000  }
0x5af: {  	_ =	swait.ge [sflag:s15], $0x1000  }
0x5b0: {  	[sflag:s15] =	ssyncset.done $0x0  }
0x5b1: {  	[sflag:s15] =	ssyncadd.s32 $0xFFFFF000  }
0x5b2: {  	_ =	swait.ge [sflag:s15], $0x1000  }
0x5b3: {  	[sflag:s15] =	ssyncset.done $0x0  }
0x5b4: {  	[sflag:s15] =	ssyncadd.s32 $0xFFFFF000  }
0x5b5: {  	_ =	swait.ge [sflag:s15], $0x1000  }
0x5b6: {  	[sflag:s15] =	ssyncset.done $0x0  }
0x5b7: {  	[sflag:s15] =	ssyncadd.s32 $0xFFFFF000  }
0x5b8: {  	_ =	swait.ge [sflag:s15], $0x1000  }
0x5b9: {  	[sflag:s15] =	ssyncset.done $0x0  }
0x5ba: {  	[sflag:s15] =	ssyncadd.s32 $0xFFFFF000  }
0x5bb: {  	_ =	swait.ge [sflag:s15], $0x1000  }
0x5bc: {  	[sflag:s15] =	ssyncset.done $0x0  }
0x5bd: {  	[sflag:s15] =	ssyncadd.s32 $0xFFFFF000  }
0x5be: {  	_ =	swait.ge [sflag:s15], $0x1000  }
0x5bf: {  	[sflag:s15] =	ssyncset.done $0x0  }
0x5c0: {  	[sflag:s15] =	ssyncadd.s32 $0xFFFFF000  }
0x5c1: {  	_ =	swait.ge [sflag:s15], $0x1000  }
0x5c2: {  	[sflag:s15] =	ssyncset.done $0x0  }
0x5c3: {  	[sflag:s15] =	ssyncadd.s32 $0xFFFFF000  }
0x5c4: {  	_ =	swait.ge [sflag:s15], $0x1000  }
0x5c5: {  	[sflag:s15] =	ssyncset.done $0x0  }
0x5c6: {  	s16 =	simm.s32 @!p0 $0x4;
	s17 =	sadd.s32 $0xFFFFFFFF, s31;
	[sflag:s15] =	ssyncadd.s32 $0xFFFFF000  }
0x5c7: {  	p1 =	sne.s32 s17, $0x0;
	_ =	swait.ge @!p0 [sflag:s16], $0x1000  }
.Ltmp0:
0x5c8: {  	[sflag:s16] =	ssyncset.done @!p0 $0x0;
	(pc) =	sbr.rel @p1 .LBB2_1-.Ltmp0, $4  }
0x5c9: {  	[sflag:s16] =	ssyncadd.s32 @!p0 $0xFFFFF000  }
0x5ca: {  	_ =	swait.ge @!p0 [sflag:s16], $0x1000  }
0x5cb: {  	[sflag:s16] =	ssyncset.done @!p0 $0x0  }
0x5cc: {  	[sflag:s16] =	ssyncadd.s32 @!p0 $0xFFFFF000  }
0x5cd: {  	_ =	sfence.sel $0x180000  }
0x5ce: {  	[bflag:$0x0] =	sbarrier.arrive $0xFFFF  }
0x5cf: {  	_ =	strace $0x90000047  }
0x5d0: {  	s0 =	stileid.u32;
	[bflag:$0x2] =	sbarrier.arrive $0xFFFF  }
0x5d1: {  	p0 =	sne.s32 s0, $0x0;
	s0 =	rddreg [dreg:$0x3]  }
0x5d2: {  	s0 =	sadd.s32 @!p0 $0x100000, s0  }
0x5d3: {  	[sflag:s0] =	ssyncadd.tile.s32 @!p0 $0x1;
	_ =	shalt  }
.Lfunc_end2:
_tile_overlayer_lowered:
.L_overlay_start_2:
0x5d4: {  	(tag) =	ssettag $0x2  }
0x5d5: {  	s0 =	rddreg [dreg:$0x0];
	s2 =	stileid.u32  }
0x5d6: {  	s1 =	rddreg [dreg:$0x1];
	p0 =	sne.s32 s2, $0x0  }
0x5d7: {  	s3 =	rddreg [dreg:$0x2];
	[bflag:$0x3] =	sbarrier.arrive $0xFFFF;
	s2 =	simm.s32 @!p0 $0x1C05  }
0x5d8: {  	[timem:s3], [sflag:s2] =	dma.local @!p0 [hbm:s0], s1  }
0x5d9: {  	s0 =	simm.s32 @!p0 $0x5  }
0x5da: {  	_ =	swait.ge @!p0 [sflag:s0], s1  }
0x5db: {  	s1 =	ssub.s32 @!p0 $0x0, s1;
	[sflag:s0] =	ssyncset.done @!p0 $0x0  }
0x5dc: {  	[sflag:s0] =	ssyncadd.s32 @!p0 s1  }
0x5dd: {  	[bflag:$0x3] =	sbarrier.arrive $0xFFFF  }
0x5de: {  	_ =	shalt  }

</sc_bundles>
